<compile_context>
chip_gen: v7x
topology: tpu7x:2x2x1
jax: 0.10.2.dev20260603
libtpu: 0.0.44.dev20260713+nightly
codegen_flags: <defaults>
</compile_context>

<pallas_src>
import functools

import jax
import jax.numpy as jnp
from jax import lax
from jax.experimental import pallas as pl
from jax.experimental.pallas import tpu as pltpu
from jax.experimental.pallas import tpu_sc as plsc

_N = 10000
_E = 320000
_IN = 128
_HID = 32
_REL = 5
_NPAIR = 1024

_NC = 2
_NS = 16
_NW = _NC * _NS
_EPW = _E // _NW
_CH = 125
_NCH = _EPW // _CH
_NBUF = 8

_NP = 10240
_BN = 10240
_NB = _NP // _BN
_BV = _BN * _HID // 128
_NV = _NP * _HID // 128


def _bf16(v):
    return v.astype(jnp.bfloat16).astype(jnp.float32)


def _blkdiag4(w):
    z = jnp.zeros_like(w)
    rows = [jnp.concatenate([w if j == k else z for j in range(4)], axis=1)
            for k in range(4)]
    return jnp.concatenate(rows, axis=0)


def _proj_body(coeff_ref, h_ref, b4_ref, t_ref):
    h = h_ref[...]
    b4 = b4_ref[...]
    xb0 = _bf16(jnp.dot(h, b4[0], preferred_element_type=jnp.float32))
    xb1 = _bf16(jnp.dot(h, b4[1], preferred_element_type=jnp.float32))
    for r in range(_REL):
        t_ref[r] = (_bf16(coeff_ref[r, 0]) * xb0
                    + _bf16(coeff_ref[r, 1]) * xb1)


@functools.cache
def _proj_kernel(in_feats):
    return pl.pallas_call(
        _proj_body,
        grid=(_NB,),
        in_specs=[
            pl.BlockSpec(memory_space=pltpu.SMEM),
            pl.BlockSpec((_BV, 4 * in_feats), lambda i: (i, 0)),
            pl.BlockSpec((2, 4 * in_feats, 128), lambda i: (0, 0, 0)),
        ],
        out_specs=pl.BlockSpec((_REL, _BV, 128), lambda i: (0, i, 0)),
        out_shape=jax.ShapeDtypeStruct((_REL, _NV, 128), jnp.float32),
    )


def _combine_proj_body(coeff_ref, agg_ref, h_ref, selfw4_ref, bias_ref,
                       b4_ref, hn_ref, t_ref):
    a = agg_ref[0] + agg_ref[1]
    h = h_ref[...]
    hn = jnp.tanh(a + jnp.dot(h, selfw4_ref[...],
                              preferred_element_type=jnp.float32)
                  + bias_ref[...])
    hn_ref[...] = hn
    b4 = b4_ref[...]
    xb0 = _bf16(jnp.dot(hn, b4[0], preferred_element_type=jnp.float32))
    xb1 = _bf16(jnp.dot(hn, b4[1], preferred_element_type=jnp.float32))
    for r in range(_REL):
        t_ref[r] = (_bf16(coeff_ref[r, 0]) * xb0
                    + _bf16(coeff_ref[r, 1]) * xb1)


@functools.cache
def _combine_proj_kernel(in_feats):
    return pl.pallas_call(
        _combine_proj_body,
        grid=(_NB,),
        in_specs=[
            pl.BlockSpec(memory_space=pltpu.SMEM),
            pl.BlockSpec((_NC, _BV, 128), lambda i: (0, i, 0)),
            pl.BlockSpec((_BV, 4 * in_feats), lambda i: (i, 0)),
            pl.BlockSpec((4 * in_feats, 128), lambda i: (0, 0)),
            pl.BlockSpec((1, 128), lambda i: (0, 0)),
            pl.BlockSpec((2, 4 * _HID, 128), lambda i: (0, 0, 0)),
        ],
        out_specs=[
            pl.BlockSpec((_BV, 128), lambda i: (i, 0)),
            pl.BlockSpec((_REL, _BV, 128), lambda i: (0, i, 0)),
        ],
        out_shape=[
            jax.ShapeDtypeStruct((_NV, 128), jnp.float32),
            jax.ShapeDtypeStruct((_REL, _NV, 128), jnp.float32),
        ],
    )


def _final_body(agg_ref, h1_ref, h2_ref, selfw4_ref, bias_ref,
                l1w4_ref, l1b_ref, l2w4_ref, l2b_ref, out_ref):
    pq = _NPAIR // 4
    a = agg_ref[0] + agg_ref[1]
    h2 = h2_ref[...]
    h3 = jnp.tanh(a + jnp.dot(h2, selfw4_ref[...],
                              preferred_element_type=jnp.float32)
                  + bias_ref[...])
    h1 = h1_ref[...]
    pieces = []
    for k in range(4):
        for arr in (h1, h2, h3):
            pieces.append(arr[:pq, 32 * k:32 * k + 32])
        for arr in (h1, h2, h3):
            pieces.append(arr[pq:, 32 * k:32 * k + 32])
    feat = jnp.concatenate(pieces, axis=1)
    hmid = jnp.maximum(
        jnp.dot(feat, l1w4_ref[...], preferred_element_type=jnp.float32)
        + l1b_ref[...], 0.0)
    out_ref[...] = (jnp.dot(hmid, l2w4_ref[...],
                            preferred_element_type=jnp.float32)
                    + l2b_ref[...])


@functools.cache
def _final_kernel():
    pv = 2 * _NPAIR * _HID // 128
    return pl.pallas_call(
        _final_body,
        grid=(1,),
        in_specs=[
            pl.BlockSpec((_NC, pv, 128), lambda i: (0, 0, 0)),
            pl.BlockSpec((pv, 128), lambda i: (0, 0)),
            pl.BlockSpec((pv, 128), lambda i: (0, 0)),
            pl.BlockSpec((4 * _HID, 128), lambda i: (0, 0)),
            pl.BlockSpec((1, 128), lambda i: (0, 0)),
            pl.BlockSpec((4 * 6 * _HID, 512), lambda i: (0, 0)),
            pl.BlockSpec((1, 512), lambda i: (0, 0)),
            pl.BlockSpec((512, 4), lambda i: (0, 0)),
            pl.BlockSpec((1, 4), lambda i: (0, 0)),
        ],
        out_specs=pl.BlockSpec((_NPAIR // 4, 4), lambda i: (0, 0)),
        out_shape=jax.ShapeDtypeStruct((_NPAIR // 4, 4), jnp.float32),
    )


def _edge_agg_body(tbl_hbm, gidx_hbm, didx_hbm, zeros_hbm, out_hbm,
                   gidx_v, didx_v, rows_v, acc_sh, *sems):
    c = lax.axis_index("c")
    s = lax.axis_index("s")
    w = s * _NC + c
    rps = _NP // _NS
    pltpu.sync_copy(zeros_hbm.at[pl.ds(s * rps, rps)],
                    acc_sh.at[pl.ds(s * rps, rps)])
    pltpu.sync_copy(gidx_hbm.at[w], gidx_v)
    pltpu.sync_copy(didx_hbm.at[w], didx_v)
    plsc.subcore_barrier()

    for b in range(_NBUF):
        pltpu.async_copy(tbl_hbm.at[gidx_v.at[b]], rows_v.at[b], sems[b])

    def body(g, carry):
        for b in range(_NBUF):
            j = g * _NBUF + b
            pltpu.make_async_copy(tbl_hbm.at[gidx_v.at[j]],
                                  rows_v.at[b], sems[b]).wait()
            pltpu.sync_copy(rows_v.at[b], acc_sh.at[didx_v.at[j]], add=True)
            pltpu.async_copy(tbl_hbm.at[gidx_v.at[j + _NBUF]],
                             rows_v.at[b], sems[b])
        return carry

    lax.fori_loop(0, _NCH // _NBUF - 1, body, 0)
    for b in range(_NBUF):
        j = _NCH - _NBUF + b
        pltpu.make_async_copy(tbl_hbm.at[gidx_v.at[j]],
                              rows_v.at[b], sems[b]).wait()
        pltpu.sync_copy(rows_v.at[b], acc_sh.at[didx_v.at[j]], add=True)
    plsc.subcore_barrier()
    pltpu.sync_copy(acc_sh.at[pl.ds(s * rps, rps)],
                    out_hbm.at[c, pl.ds(s * rps, rps)])


@functools.cache
def _edge_agg_kernel():
    mesh = plsc.VectorSubcoreMesh(core_axis_name="c", subcore_axis_name="s",
                                  num_cores=_NC, num_subcores=_NS)
    return pl.kernel(
        _edge_agg_body,
        out_type=jax.ShapeDtypeStruct((_NC, _NP, _HID), jnp.float32),
        mesh=mesh,
        compiler_params=pltpu.CompilerParams(use_tc_tiling_on_sc=False),
        scratch_types=[
            pltpu.VMEM((_NCH, _CH), jnp.int32),
            pltpu.VMEM((_NCH, _CH), jnp.int32),
            pltpu.VMEM((_NBUF, _CH, _HID), jnp.float32),
            pltpu.VMEM_SHARED((_NP, _HID), jnp.float32),
        ] + [pltpu.SemaphoreType.DMA] * _NBUF,
    )


def kernel(x, edge_index, etype, edge_mask, nlabel,
           coeff0, bases0, self0, bias0,
           coeff1, bases1, self1, bias1,
           coeff2, bases2, self2, bias2,
           lin1_w, lin1_b, lin2_w, lin2_b):
    del edge_mask, nlabel
    src = edge_index[0]
    dst = edge_index[1]
    gidx = (etype * _NP + src).reshape(_NW, _NCH, _CH)
    didx = dst.reshape(_NW, _NCH, _CH)
    zeros = jnp.zeros((_NP, _HID), jnp.float32)
    x4 = jnp.pad(x, ((0, _NP - _N), (0, 0))).reshape(_NV, 4 * _IN)

    b4_0 = jnp.stack([_blkdiag4(bases0[0]), _blkdiag4(bases0[1])])
    b4_1 = jnp.stack([_blkdiag4(bases1[0]), _blkdiag4(bases1[1])])
    b4_2 = jnp.stack([_blkdiag4(bases2[0]), _blkdiag4(bases2[1])])
    s4_0 = _blkdiag4(self0)
    s4_1 = _blkdiag4(self1)
    s4_2 = _blkdiag4(self2)
    bias4_0 = jnp.tile(bias0, 4).reshape(1, 128)
    bias4_1 = jnp.tile(bias1, 4).reshape(1, 128)
    bias4_2 = jnp.tile(bias2, 4).reshape(1, 128)
    l1w4 = _blkdiag4(lin1_w)
    l1b4 = jnp.tile(lin1_b, 4).reshape(1, 512)
    l2w4 = _blkdiag4(lin2_w)
    l2b4 = jnp.tile(lin2_b, 4).reshape(1, 4)

    agg = _edge_agg_kernel()
    tshape = (_REL * _NP, _HID)
    vshape = (_NC, _NV, 128)

    t0 = _proj_kernel(_IN)(coeff0, x4, b4_0)
    a0 = agg(t0.reshape(tshape), gidx, didx, zeros)
    h1, t1 = _combine_proj_kernel(_IN)(coeff1, a0.reshape(vshape), x4,
                                       s4_0, bias4_0, b4_1)
    a1 = agg(t1.reshape(tshape), gidx, didx, zeros)
    h2, t2 = _combine_proj_kernel(_HID)(coeff2, a1.reshape(vshape), h1,
                                        s4_1, bias4_1, b4_2)
    a2 = agg(t2.reshape(tshape), gidx, didx, zeros)
    out = _final_kernel()(a2.reshape(vshape), h1, h2,
                          s4_2, bias4_2, l1w4, l1b4, l2w4, l2b4)
    return out.reshape(_NPAIR)

# --- scband reference (transcript-rebuilt; emitter-appended) ---
"""Pipeline reference for scband-kgmc-17789754540837 (READ-ONLY COPY).

The authoritative reference and input builder live on the scoring server;
editing this copy changes nothing except your own understanding.
"""

import jax
import jax.numpy as jnp
import numpy as np

N = 10000
E = 320000
IN_FEATS = 128
HID = 32
NUM_REL = 5
NUM_BASES = 2
NPAIR = 1024
LIN1_IN = 2 * (3 * HID)


def _glorot(k, shape):
    if len(shape) >= 2:
        fan = shape[-2] + shape[-1]
    else:
        fan = 2 * shape[0]
    return jax.random.normal(k, shape, dtype=jnp.float32) * (2.0 / fan) ** 0.5


def setup_inputs(seed: int = 0):
    key = jax.random.key(seed)
    ks = jax.random.split(key, 24)
    x = jax.random.normal(ks[0], (N, IN_FEATS), dtype=jnp.float32)
    edge_index = jax.random.randint(ks[1], (2, E), 0, N, dtype=jnp.int32)
    etype = jax.random.randint(ks[2], (E,), 0, NUM_REL, dtype=jnp.int32)
    edge_mask = jnp.ones((E,), dtype=jnp.float32)
    nlabel = jnp.zeros((N, 2), dtype=jnp.int32)
    nlabel = nlabel.at[:NPAIR, 0].set(1)
    nlabel = nlabel.at[NPAIR:2 * NPAIR, 1].set(1)
    inp = {
        'x': x,
        'edge_index': edge_index,
        'etype': etype,
        'edge_mask': edge_mask,
        'nlabel': nlabel,
        'coeff0': _glorot(ks[3], (NUM_REL, NUM_BASES)),
        'bases0': _glorot(ks[4], (NUM_BASES, IN_FEATS, HID)),
        'self0': _glorot(ks[5], (IN_FEATS, HID)),
        'bias0': jnp.zeros((HID,), dtype=jnp.float32),
        'coeff1': _glorot(ks[6], (NUM_REL, NUM_BASES)),
        'bases1': _glorot(ks[7], (NUM_BASES, HID, HID)),
        'self1': _glorot(ks[8], (HID, HID)),
        'bias1': jnp.zeros((HID,), dtype=jnp.float32),
        'coeff2': _glorot(ks[9], (NUM_REL, NUM_BASES)),
        'bases2': _glorot(ks[10], (NUM_BASES, HID, HID)),
        'self2': _glorot(ks[11], (HID, HID)),
        'bias2': jnp.zeros((HID,), dtype=jnp.float32),
        'lin1_w': _glorot(ks[12], (LIN1_IN, 128)),
        'lin1_b': jnp.zeros((128,), dtype=jnp.float32),
        'lin2_w': _glorot(ks[13], (128, 1)),
        'lin2_b': jnp.zeros((1,), dtype=jnp.float32),
    }
    return inp


def reference(x, edge_index, etype, edge_mask, nlabel, coeff0, bases0, self0, bias0, coeff1, bases1, self1, bias1, coeff2, bases2, self2, bias2, lin1_w, lin1_b, lin2_w, lin2_b):
    # KGMC forward (eval mode: no edge dropout, no feature dropout, no keyword EGAT path).
    src = edge_index[0]
    dst = edge_index[1]
    norm = edge_mask[:, None]

    def rgcn(h, coeff, bases, w_self, bias):
        # RelGraphConv with basis decomposition: W_r = sum_b coeff[r, b] * V_b
        xs = h[src]                                   # gather [E, in]
        mb = jnp.einsum('ei,bio->ebo', xs, bases)      # per-basis messages [E, B, out]
        m = jnp.einsum('ebo,eb->eo', mb, coeff[etype]) # relation-mixed messages [E, out]
        m = m * norm                                   # edge_mask norm
        agg = jax.ops.segment_sum(m, dst, num_segments=N)  # scatter-add to dst
        return jnp.tanh(agg + h @ w_self + bias)       # self-loop + bias, tanh outside conv

    h1 = rgcn(x, coeff0, bases0, self0, bias0)
    h2 = rgcn(h1, coeff1, bases1, self1, bias1)
    h3 = rgcn(h2, coeff2, bases2, self2, bias2)
    concat = jnp.concatenate([h1, h2, h3], axis=1)     # [N, 96]
    user_idx = jnp.nonzero(nlabel[:, 0] == 1, size=NPAIR)[0]
    item_idx = jnp.nonzero(nlabel[:, 1] == 1, size=NPAIR)[0]
    feat = jnp.concatenate([concat[user_idx], concat[item_idx]], axis=1)  # [NPAIR, 192]
    hmid = jax.nn.relu(feat @ lin1_w + lin1_b)
    # F.dropout with training=False is identity
    out = hmid @ lin2_w + lin2_b
    return out[:, 0] * 1.0  # multiply_by = 1

if __name__ == "__main__":
    import jax
    _d = setup_inputs()
    print(jax.jit(kernel)(*tuple(_d.values())))

</pallas_src>

<mosaic_0001>
#map = affine_map<(d0, d1) -> (0, 0)>
#map1 = affine_map<(d0, d1) -> (0, 0, 0)>
module attributes {stable_mosaic.version = 14 : i64} {
  func.func @_edge_agg_body(%arg0: i32, %arg1: i32, %arg2: memref<51200x32xf32, #tpu.memory_space<hbm>>, %arg3: memref<32x80x125xi32, #tpu.memory_space<hbm>>, %arg4: memref<32x80x125xi32, #tpu.memory_space<hbm>>, %arg5: memref<10240x32xf32, #tpu.memory_space<hbm>>, %arg6: memref<2x10240x32xf32, #tpu.memory_space<hbm>>, %arg7: memref<80x125xi32, #tpu.memory_space<vmem>>, %arg8: memref<80x125xi32, #tpu.memory_space<vmem>>, %arg9: memref<8x125x32xf32, #tpu.memory_space<vmem>>, %arg10: memref<10240x32xf32, #tpu.memory_space<vmem_shared>>, %arg11: memref<!tpu.dma_semaphore, #tpu.memory_space<semaphore_mem>>, %arg12: memref<!tpu.dma_semaphore, #tpu.memory_space<semaphore_mem>>, %arg13: memref<!tpu.dma_semaphore, #tpu.memory_space<semaphore_mem>>, %arg14: memref<!tpu.dma_semaphore, #tpu.memory_space<semaphore_mem>>, %arg15: memref<!tpu.dma_semaphore, #tpu.memory_space<semaphore_mem>>, %arg16: memref<!tpu.dma_semaphore, #tpu.memory_space<semaphore_mem>>, %arg17: memref<!tpu.dma_semaphore, #tpu.memory_space<semaphore_mem>>, %arg18: memref<!tpu.dma_semaphore, #tpu.memory_space<semaphore_mem>>) attributes {dimension_semantics = [#tpu.dimension_semantics<core_parallel>, #tpu.dimension_semantics<subcore_parallel>], iteration_bounds = array<i64: 2, 16>, scalar_prefetch = 0 : i64, scratch_operands = 12 : i64, tpu.core_type = #tpu.core_type<sc_vector_subcore>, window_params = [{transform_indices = #map}, {transform_indices = #map1}, {transform_indices = #map1}, {transform_indices = #map}, {transform_indices = #map1}]} {
    %mul3A = arith.constant 2 : i32
    %mul3A_0 = arith.muli %arg1, %mul3A : i32
    %add3A = arith.addi %mul3A_0, %arg0 : i32
    %mul3A_1 = arith.constant 640 : i32
    %mul3A_2 = arith.muli %arg1, %mul3A_1 : i32
    %mul3A_3 = arith.constant 640 : i32
    %mul3A_4 = arith.muli %arg1, %mul3A_3 : i32
    "tpu.region"() ({
      %run_scoped3A_220 = tpu.sem_alloc : memref<!tpu.dma_semaphore, #tpu.memory_space<semaphore_mem>>
      %dma_start3A_221 = arith.constant 0 : i32
      %dma_start3A_222 = tpu.memref_slice %arg10[%mul3A_4, %dma_start3A_221] : memref<10240x32xf32, #tpu.memory_space<vmem_shared>> -> memref<640x32xf32, #tpu.memory_space<vmem_shared>>
      %dma_start3A_223 = arith.constant 0 : i32
      %dma_start3A_224 = tpu.memref_slice %arg5[%mul3A_2, %dma_start3A_223] : memref<10240x32xf32, #tpu.memory_space<hbm>> -> memref<640x32xf32, #tpu.memory_space<hbm>>
      tpu.enqueue_dma source(%dma_start3A_224 : memref<640x32xf32, #tpu.memory_space<hbm>>) target(%dma_start3A_222 : memref<640x32xf32, #tpu.memory_space<vmem_shared>>) target_semaphore(%run_scoped3A_220 : memref<!tpu.dma_semaphore, #tpu.memory_space<semaphore_mem>>)
      %dma_wait3A_225 = arith.constant 0 : i32
      %dma_wait3A_226 = tpu.memref_slice %arg10[%mul3A_4, %dma_wait3A_225] : memref<10240x32xf32, #tpu.memory_space<vmem_shared>> -> memref<640x32xf32, #tpu.memory_space<vmem_shared>>
      %dma_wait3A_227 = arith.constant 0 : i32
      %dma_wait3A_228 = tpu.memref_slice %arg5[%mul3A_2, %dma_wait3A_227] : memref<10240x32xf32, #tpu.memory_space<hbm>> -> memref<640x32xf32, #tpu.memory_space<hbm>>
      tpu.wait_dma2 semaphore(%run_scoped3A_220 : memref<!tpu.dma_semaphore, #tpu.memory_space<semaphore_mem>>) src(%dma_wait3A_228 : memref<640x32xf32, #tpu.memory_space<hbm>>) dst(%dma_wait3A_226 : memref<640x32xf32, #tpu.memory_space<vmem_shared>>)
      tpu.yield
    }) : () -> ()
    "tpu.region"() ({
      %run_scoped3A_220 = tpu.sem_alloc : memref<!tpu.dma_semaphore, #tpu.memory_space<semaphore_mem>>
      %dma_start3A_221 = arith.constant 0 : i32
      %dma_start3A_222 = arith.constant 0 : i32
      %dma_start3A_223 = tpu.memref_slice %arg3[%add3A, %dma_start3A_221, %dma_start3A_222] : memref<32x80x125xi32, #tpu.memory_space<hbm>> -> memref<1x80x125xi32, #tpu.memory_space<hbm>>
      %dma_start3A_224 = tpu.memref_squeeze %dma_start3A_223 : memref<1x80x125xi32, #tpu.memory_space<hbm>> -> memref<80x125xi32, #tpu.memory_space<hbm>>
      %dma_start3A_225 = arith.constant 0 : i32
      %dma_start3A_226 = arith.constant 0 : i32
      %dma_start3A_227 = tpu.memref_slice %arg3[%add3A, %dma_start3A_225, %dma_start3A_226] : memref<32x80x125xi32, #tpu.memory_space<hbm>> -> memref<1x80x125xi32, #tpu.memory_space<hbm>>
      %dma_start3A_228 = tpu.memref_squeeze %dma_start3A_227 : memref<1x80x125xi32, #tpu.memory_space<hbm>> -> memref<80x125xi32, #tpu.memory_space<hbm>>
      tpu.enqueue_dma source(%dma_start3A_228 : memref<80x125xi32, #tpu.memory_space<hbm>>) target(%arg7 : memref<80x125xi32, #tpu.memory_space<vmem>>) target_semaphore(%run_scoped3A_220 : memref<!tpu.dma_semaphore, #tpu.memory_space<semaphore_mem>>)
      %dma_wait3A_229 = arith.constant 0 : i32
      %dma_wait3A_230 = arith.constant 0 : i32
      %dma_wait3A_231 = tpu.memref_slice %arg3[%add3A, %dma_wait3A_229, %dma_wait3A_230] : memref<32x80x125xi32, #tpu.memory_space<hbm>> -> memref<1x80x125xi32, #tpu.memory_space<hbm>>
      %dma_wait3A_232 = tpu.memref_squeeze %dma_wait3A_231 : memref<1x80x125xi32, #tpu.memory_space<hbm>> -> memref<80x125xi32, #tpu.memory_space<hbm>>
      %dma_wait3A_233 = arith.constant 0 : i32
      %dma_wait3A_234 = arith.constant 0 : i32
      %dma_wait3A_235 = tpu.memref_slice %arg3[%add3A, %dma_wait3A_233, %dma_wait3A_234] : memref<32x80x125xi32, #tpu.memory_space<hbm>> -> memref<1x80x125xi32, #tpu.memory_space<hbm>>
      %dma_wait3A_236 = tpu.memref_squeeze %dma_wait3A_235 : memref<1x80x125xi32, #tpu.memory_space<hbm>> -> memref<80x125xi32, #tpu.memory_space<hbm>>
      tpu.wait_dma2 semaphore(%run_scoped3A_220 : memref<!tpu.dma_semaphore, #tpu.memory_space<semaphore_mem>>) src(%dma_wait3A_236 : memref<80x125xi32, #tpu.memory_space<hbm>>) dst(%arg7 : memref<80x125xi32, #tpu.memory_space<vmem>>)
      tpu.yield
    }) : () -> ()
    "tpu.region"() ({
      %run_scoped3A_220 = tpu.sem_alloc : memref<!tpu.dma_semaphore, #tpu.memory_space<semaphore_mem>>
      %dma_start3A_221 = arith.constant 0 : i32
      %dma_start3A_222 = arith.constant 0 : i32
      %dma_start3A_223 = tpu.memref_slice %arg4[%add3A, %dma_start3A_221, %dma_start3A_222] : memref<32x80x125xi32, #tpu.memory_space<hbm>> -> memref<1x80x125xi32, #tpu.memory_space<hbm>>
      %dma_start3A_224 = tpu.memref_squeeze %dma_start3A_223 : memref<1x80x125xi32, #tpu.memory_space<hbm>> -> memref<80x125xi32, #tpu.memory_space<hbm>>
      %dma_start3A_225 = arith.constant 0 : i32
      %dma_start3A_226 = arith.constant 0 : i32
      %dma_start3A_227 = tpu.memref_slice %arg4[%add3A, %dma_start3A_225, %dma_start3A_226] : memref<32x80x125xi32, #tpu.memory_space<hbm>> -> memref<1x80x125xi32, #tpu.memory_space<hbm>>
      %dma_start3A_228 = tpu.memref_squeeze %dma_start3A_227 : memref<1x80x125xi32, #tpu.memory_space<hbm>> -> memref<80x125xi32, #tpu.memory_space<hbm>>
      tpu.enqueue_dma source(%dma_start3A_228 : memref<80x125xi32, #tpu.memory_space<hbm>>) target(%arg8 : memref<80x125xi32, #tpu.memory_space<vmem>>) target_semaphore(%run_scoped3A_220 : memref<!tpu.dma_semaphore, #tpu.memory_space<semaphore_mem>>)
      %dma_wait3A_229 = arith.constant 0 : i32
      %dma_wait3A_230 = arith.constant 0 : i32
      %dma_wait3A_231 = tpu.memref_slice %arg4[%add3A, %dma_wait3A_229, %dma_wait3A_230] : memref<32x80x125xi32, #tpu.memory_space<hbm>> -> memref<1x80x125xi32, #tpu.memory_space<hbm>>
      %dma_wait3A_232 = tpu.memref_squeeze %dma_wait3A_231 : memref<1x80x125xi32, #tpu.memory_space<hbm>> -> memref<80x125xi32, #tpu.memory_space<hbm>>
      %dma_wait3A_233 = arith.constant 0 : i32
      %dma_wait3A_234 = arith.constant 0 : i32
      %dma_wait3A_235 = tpu.memref_slice %arg4[%add3A, %dma_wait3A_233, %dma_wait3A_234] : memref<32x80x125xi32, #tpu.memory_space<hbm>> -> memref<1x80x125xi32, #tpu.memory_space<hbm>>
      %dma_wait3A_236 = tpu.memref_squeeze %dma_wait3A_235 : memref<1x80x125xi32, #tpu.memory_space<hbm>> -> memref<80x125xi32, #tpu.memory_space<hbm>>
      tpu.wait_dma2 semaphore(%run_scoped3A_220 : memref<!tpu.dma_semaphore, #tpu.memory_space<semaphore_mem>>) src(%dma_wait3A_236 : memref<80x125xi32, #tpu.memory_space<hbm>>) dst(%arg8 : memref<80x125xi32, #tpu.memory_space<vmem>>)
      tpu.yield
    }) : () -> ()
    %barrier3A = arith.constant 0 : index
    tpu.barrier barrier_id(%barrier3A)
    %dma_start3A = arith.constant 0 : i32
    %dma_start3A_5 = arith.constant 0 : i32
    %dma_start3A_6 = arith.constant 0 : i32
    %dma_start3A_7 = arith.constant 0 : i32
    %dma_start3A_8 = tpu.memref_slice %arg9[%dma_start3A_5, %dma_start3A_6, %dma_start3A_7] : memref<8x125x32xf32, #tpu.memory_space<vmem>> -> memref<1x125x32xf32, #tpu.memory_space<vmem>>
    %dma_start3A_9 = tpu.memref_squeeze %dma_start3A_8 : memref<1x125x32xf32, #tpu.memory_space<vmem>> -> memref<125x32xf32, #tpu.memory_space<vmem>>
    %dma_start3A_10 = arith.constant 0 : i32
    %dma_start3A_11 = tpu.memref_slice %arg7[%dma_start3A, %dma_start3A_10] : memref<80x125xi32, #tpu.memory_space<vmem>> -> memref<1x125xi32, #tpu.memory_space<vmem>>
    %dma_start3A_12 = tpu.memref_squeeze %dma_start3A_11 : memref<1x125xi32, #tpu.memory_space<vmem>> -> memref<125xi32, #tpu.memory_space<vmem>>
    %dma_start3A_13 = arith.constant 0 : i32
    %dma_start3A_14 = arith.constant 0 : i32
    %dma_start3A_15 = tpu.memref_slice %arg2[%dma_start3A_13, %dma_start3A_14] : memref<51200x32xf32, #tpu.memory_space<hbm>> -> memref<51200x32xf32, #tpu.memory_space<hbm>>
    tpu.enqueue_indirect_dma source(%dma_start3A_15 : memref<51200x32xf32, #tpu.memory_space<hbm>>) target(%dma_start3A_9 : memref<125x32xf32, #tpu.memory_space<vmem>>) offsets(%dma_start3A_12 : memref<125xi32, #tpu.memory_space<vmem>>) semaphore(%arg11 : memref<!tpu.dma_semaphore, #tpu.memory_space<semaphore_mem>>)
    %dma_start3A_16 = arith.constant 1 : i32
    %dma_start3A_17 = arith.constant 1 : i32
    %dma_start3A_18 = arith.constant 0 : i32
    %dma_start3A_19 = arith.constant 0 : i32
    %dma_start3A_20 = tpu.memref_slice %arg9[%dma_start3A_17, %dma_start3A_18, %dma_start3A_19] : memref<8x125x32xf32, #tpu.memory_space<vmem>> -> memref<1x125x32xf32, #tpu.memory_space<vmem>>
    %dma_start3A_21 = tpu.memref_squeeze %dma_start3A_20 : memref<1x125x32xf32, #tpu.memory_space<vmem>> -> memref<125x32xf32, #tpu.memory_space<vmem>>
    %dma_start3A_22 = arith.constant 0 : i32
    %dma_start3A_23 = tpu.memref_slice %arg7[%dma_start3A_16, %dma_start3A_22] : memref<80x125xi32, #tpu.memory_space<vmem>> -> memref<1x125xi32, #tpu.memory_space<vmem>>
    %dma_start3A_24 = tpu.memref_squeeze %dma_start3A_23 : memref<1x125xi32, #tpu.memory_space<vmem>> -> memref<125xi32, #tpu.memory_space<vmem>>
    %dma_start3A_25 = arith.constant 0 : i32
    %dma_start3A_26 = arith.constant 0 : i32
    %dma_start3A_27 = tpu.memref_slice %arg2[%dma_start3A_25, %dma_start3A_26] : memref<51200x32xf32, #tpu.memory_space<hbm>> -> memref<51200x32xf32, #tpu.memory_space<hbm>>
    tpu.enqueue_indirect_dma source(%dma_start3A_27 : memref<51200x32xf32, #tpu.memory_space<hbm>>) target(%dma_start3A_21 : memref<125x32xf32, #tpu.memory_space<vmem>>) offsets(%dma_start3A_24 : memref<125xi32, #tpu.memory_space<vmem>>) semaphore(%arg12 : memref<!tpu.dma_semaphore, #tpu.memory_space<semaphore_mem>>)
    %dma_start3A_28 = arith.constant 2 : i32
    %dma_start3A_29 = arith.constant 2 : i32
    %dma_start3A_30 = arith.constant 0 : i32
    %dma_start3A_31 = arith.constant 0 : i32
    %dma_start3A_32 = tpu.memref_slice %arg9[%dma_start3A_29, %dma_start3A_30, %dma_start3A_31] : memref<8x125x32xf32, #tpu.memory_space<vmem>> -> memref<1x125x32xf32, #tpu.memory_space<vmem>>
    %dma_start3A_33 = tpu.memref_squeeze %dma_start3A_32 : memref<1x125x32xf32, #tpu.memory_space<vmem>> -> memref<125x32xf32, #tpu.memory_space<vmem>>
    %dma_start3A_34 = arith.constant 0 : i32
    %dma_start3A_35 = tpu.memref_slice %arg7[%dma_start3A_28, %dma_start3A_34] : memref<80x125xi32, #tpu.memory_space<vmem>> -> memref<1x125xi32, #tpu.memory_space<vmem>>
    %dma_start3A_36 = tpu.memref_squeeze %dma_start3A_35 : memref<1x125xi32, #tpu.memory_space<vmem>> -> memref<125xi32, #tpu.memory_space<vmem>>
    %dma_start3A_37 = arith.constant 0 : i32
    %dma_start3A_38 = arith.constant 0 : i32
    %dma_start3A_39 = tpu.memref_slice %arg2[%dma_start3A_37, %dma_start3A_38] : memref<51200x32xf32, #tpu.memory_space<hbm>> -> memref<51200x32xf32, #tpu.memory_space<hbm>>
    tpu.enqueue_indirect_dma source(%dma_start3A_39 : memref<51200x32xf32, #tpu.memory_space<hbm>>) target(%dma_start3A_33 : memref<125x32xf32, #tpu.memory_space<vmem>>) offsets(%dma_start3A_36 : memref<125xi32, #tpu.memory_space<vmem>>) semaphore(%arg13 : memref<!tpu.dma_semaphore, #tpu.memory_space<semaphore_mem>>)
    %dma_start3A_40 = arith.constant 3 : i32
    %dma_start3A_41 = arith.constant 3 : i32
    %dma_start3A_42 = arith.constant 0 : i32
    %dma_start3A_43 = arith.constant 0 : i32
    %dma_start3A_44 = tpu.memref_slice %arg9[%dma_start3A_41, %dma_start3A_42, %dma_start3A_43] : memref<8x125x32xf32, #tpu.memory_space<vmem>> -> memref<1x125x32xf32, #tpu.memory_space<vmem>>
    %dma_start3A_45 = tpu.memref_squeeze %dma_start3A_44 : memref<1x125x32xf32, #tpu.memory_space<vmem>> -> memref<125x32xf32, #tpu.memory_space<vmem>>
    %dma_start3A_46 = arith.constant 0 : i32
    %dma_start3A_47 = tpu.memref_slice %arg7[%dma_start3A_40, %dma_start3A_46] : memref<80x125xi32, #tpu.memory_space<vmem>> -> memref<1x125xi32, #tpu.memory_space<vmem>>
    %dma_start3A_48 = tpu.memref_squeeze %dma_start3A_47 : memref<1x125xi32, #tpu.memory_space<vmem>> -> memref<125xi32, #tpu.memory_space<vmem>>
    %dma_start3A_49 = arith.constant 0 : i32
    %dma_start3A_50 = arith.constant 0 : i32
    %dma_start3A_51 = tpu.memref_slice %arg2[%dma_start3A_49, %dma_start3A_50] : memref<51200x32xf32, #tpu.memory_space<hbm>> -> memref<51200x32xf32, #tpu.memory_space<hbm>>
    tpu.enqueue_indirect_dma source(%dma_start3A_51 : memref<51200x32xf32, #tpu.memory_space<hbm>>) target(%dma_start3A_45 : memref<125x32xf32, #tpu.memory_space<vmem>>) offsets(%dma_start3A_48 : memref<125xi32, #tpu.memory_space<vmem>>) semaphore(%arg14 : memref<!tpu.dma_semaphore, #tpu.memory_space<semaphore_mem>>)
    %dma_start3A_52 = arith.constant 4 : i32
    %dma_start3A_53 = arith.constant 4 : i32
    %dma_start3A_54 = arith.constant 0 : i32
    %dma_start3A_55 = arith.constant 0 : i32
    %dma_start3A_56 = tpu.memref_slice %arg9[%dma_start3A_53, %dma_start3A_54, %dma_start3A_55] : memref<8x125x32xf32, #tpu.memory_space<vmem>> -> memref<1x125x32xf32, #tpu.memory_space<vmem>>
    %dma_start3A_57 = tpu.memref_squeeze %dma_start3A_56 : memref<1x125x32xf32, #tpu.memory_space<vmem>> -> memref<125x32xf32, #tpu.memory_space<vmem>>
    %dma_start3A_58 = arith.constant 0 : i32
    %dma_start3A_59 = tpu.memref_slice %arg7[%dma_start3A_52, %dma_start3A_58] : memref<80x125xi32, #tpu.memory_space<vmem>> -> memref<1x125xi32, #tpu.memory_space<vmem>>
    %dma_start3A_60 = tpu.memref_squeeze %dma_start3A_59 : memref<1x125xi32, #tpu.memory_space<vmem>> -> memref<125xi32, #tpu.memory_space<vmem>>
    %dma_start3A_61 = arith.constant 0 : i32
    %dma_start3A_62 = arith.constant 0 : i32
    %dma_start3A_63 = tpu.memref_slice %arg2[%dma_start3A_61, %dma_start3A_62] : memref<51200x32xf32, #tpu.memory_space<hbm>> -> memref<51200x32xf32, #tpu.memory_space<hbm>>
    tpu.enqueue_indirect_dma source(%dma_start3A_63 : memref<51200x32xf32, #tpu.memory_space<hbm>>) target(%dma_start3A_57 : memref<125x32xf32, #tpu.memory_space<vmem>>) offsets(%dma_start3A_60 : memref<125xi32, #tpu.memory_space<vmem>>) semaphore(%arg15 : memref<!tpu.dma_semaphore, #tpu.memory_space<semaphore_mem>>)
    %dma_start3A_64 = arith.constant 5 : i32
    %dma_start3A_65 = arith.constant 5 : i32
    %dma_start3A_66 = arith.constant 0 : i32
    %dma_start3A_67 = arith.constant 0 : i32
    %dma_start3A_68 = tpu.memref_slice %arg9[%dma_start3A_65, %dma_start3A_66, %dma_start3A_67] : memref<8x125x32xf32, #tpu.memory_space<vmem>> -> memref<1x125x32xf32, #tpu.memory_space<vmem>>
    %dma_start3A_69 = tpu.memref_squeeze %dma_start3A_68 : memref<1x125x32xf32, #tpu.memory_space<vmem>> -> memref<125x32xf32, #tpu.memory_space<vmem>>
    %dma_start3A_70 = arith.constant 0 : i32
    %dma_start3A_71 = tpu.memref_slice %arg7[%dma_start3A_64, %dma_start3A_70] : memref<80x125xi32, #tpu.memory_space<vmem>> -> memref<1x125xi32, #tpu.memory_space<vmem>>
    %dma_start3A_72 = tpu.memref_squeeze %dma_start3A_71 : memref<1x125xi32, #tpu.memory_space<vmem>> -> memref<125xi32, #tpu.memory_space<vmem>>
    %dma_start3A_73 = arith.constant 0 : i32
    %dma_start3A_74 = arith.constant 0 : i32
    %dma_start3A_75 = tpu.memref_slice %arg2[%dma_start3A_73, %dma_start3A_74] : memref<51200x32xf32, #tpu.memory_space<hbm>> -> memref<51200x32xf32, #tpu.memory_space<hbm>>
    tpu.enqueue_indirect_dma source(%dma_start3A_75 : memref<51200x32xf32, #tpu.memory_space<hbm>>) target(%dma_start3A_69 : memref<125x32xf32, #tpu.memory_space<vmem>>) offsets(%dma_start3A_72 : memref<125xi32, #tpu.memory_space<vmem>>) semaphore(%arg16 : memref<!tpu.dma_semaphore, #tpu.memory_space<semaphore_mem>>)
    %dma_start3A_76 = arith.constant 6 : i32
    %dma_start3A_77 = arith.constant 6 : i32
    %dma_start3A_78 = arith.constant 0 : i32
    %dma_start3A_79 = arith.constant 0 : i32
    %dma_start3A_80 = tpu.memref_slice %arg9[%dma_start3A_77, %dma_start3A_78, %dma_start3A_79] : memref<8x125x32xf32, #tpu.memory_space<vmem>> -> memref<1x125x32xf32, #tpu.memory_space<vmem>>
    %dma_start3A_81 = tpu.memref_squeeze %dma_start3A_80 : memref<1x125x32xf32, #tpu.memory_space<vmem>> -> memref<125x32xf32, #tpu.memory_space<vmem>>
    %dma_start3A_82 = arith.constant 0 : i32
    %dma_start3A_83 = tpu.memref_slice %arg7[%dma_start3A_76, %dma_start3A_82] : memref<80x125xi32, #tpu.memory_space<vmem>> -> memref<1x125xi32, #tpu.memory_space<vmem>>
    %dma_start3A_84 = tpu.memref_squeeze %dma_start3A_83 : memref<1x125xi32, #tpu.memory_space<vmem>> -> memref<125xi32, #tpu.memory_space<vmem>>
    %dma_start3A_85 = arith.constant 0 : i32
    %dma_start3A_86 = arith.constant 0 : i32
    %dma_start3A_87 = tpu.memref_slice %arg2[%dma_start3A_85, %dma_start3A_86] : memref<51200x32xf32, #tpu.memory_space<hbm>> -> memref<51200x32xf32, #tpu.memory_space<hbm>>
    tpu.enqueue_indirect_dma source(%dma_start3A_87 : memref<51200x32xf32, #tpu.memory_space<hbm>>) target(%dma_start3A_81 : memref<125x32xf32, #tpu.memory_space<vmem>>) offsets(%dma_start3A_84 : memref<125xi32, #tpu.memory_space<vmem>>) semaphore(%arg17 : memref<!tpu.dma_semaphore, #tpu.memory_space<semaphore_mem>>)
    %dma_start3A_88 = arith.constant 7 : i32
    %dma_start3A_89 = arith.constant 7 : i32
    %dma_start3A_90 = arith.constant 0 : i32
    %dma_start3A_91 = arith.constant 0 : i32
    %dma_start3A_92 = tpu.memref_slice %arg9[%dma_start3A_89, %dma_start3A_90, %dma_start3A_91] : memref<8x125x32xf32, #tpu.memory_space<vmem>> -> memref<1x125x32xf32, #tpu.memory_space<vmem>>
    %dma_start3A_93 = tpu.memref_squeeze %dma_start3A_92 : memref<1x125x32xf32, #tpu.memory_space<vmem>> -> memref<125x32xf32, #tpu.memory_space<vmem>>
    %dma_start3A_94 = arith.constant 0 : i32
    %dma_start3A_95 = tpu.memref_slice %arg7[%dma_start3A_88, %dma_start3A_94] : memref<80x125xi32, #tpu.memory_space<vmem>> -> memref<1x125xi32, #tpu.memory_space<vmem>>
    %dma_start3A_96 = tpu.memref_squeeze %dma_start3A_95 : memref<1x125xi32, #tpu.memory_space<vmem>> -> memref<125xi32, #tpu.memory_space<vmem>>
    %dma_start3A_97 = arith.constant 0 : i32
    %dma_start3A_98 = arith.constant 0 : i32
    %dma_start3A_99 = tpu.memref_slice %arg2[%dma_start3A_97, %dma_start3A_98] : memref<51200x32xf32, #tpu.memory_space<hbm>> -> memref<51200x32xf32, #tpu.memory_space<hbm>>
    tpu.enqueue_indirect_dma source(%dma_start3A_99 : memref<51200x32xf32, #tpu.memory_space<hbm>>) target(%dma_start3A_93 : memref<125x32xf32, #tpu.memory_space<vmem>>) offsets(%dma_start3A_96 : memref<125xi32, #tpu.memory_space<vmem>>) semaphore(%arg18 : memref<!tpu.dma_semaphore, #tpu.memory_space<semaphore_mem>>)
    %scan3A = arith.constant 0 : i32
    %scan3A_100 = arith.constant 0 : i32
    %scan3A_101 = arith.constant 9 : i32
    %scan3A_102 = arith.addi %scan3A_100, %scan3A_101 : i32
    %scan3A_103 = arith.constant 1 : i32
    scf.for %scan3A_220 = %scan3A_100 to %scan3A_102 step %scan3A_103  : i32 {
      %mul3A_221 = arith.constant 8 : i32
      %mul3A_222 = arith.muli %scan3A_220, %mul3A_221 : i32
      %add3A_223 = arith.constant 0 : i32
      %add3A_224 = arith.addi %mul3A_222, %add3A_223 : i32
      %dma_wait3A_225 = arith.constant 0 : i32
      %dma_wait3A_226 = arith.constant 0 : i32
      %dma_wait3A_227 = arith.constant 0 : i32
      %dma_wait3A_228 = tpu.memref_slice %arg9[%dma_wait3A_225, %dma_wait3A_226, %dma_wait3A_227] : memref<8x125x32xf32, #tpu.memory_space<vmem>> -> memref<1x125x32xf32, #tpu.memory_space<vmem>>
      %dma_wait3A_229 = tpu.memref_squeeze %dma_wait3A_228 : memref<1x125x32xf32, #tpu.memory_space<vmem>> -> memref<125x32xf32, #tpu.memory_space<vmem>>
      %dma_wait3A_230 = arith.constant 0 : i32
      %dma_wait3A_231 = tpu.memref_slice %arg7[%add3A_224, %dma_wait3A_230] : memref<80x125xi32, #tpu.memory_space<vmem>> -> memref<1x125xi32, #tpu.memory_space<vmem>>
      %dma_wait3A_232 = tpu.memref_squeeze %dma_wait3A_231 : memref<1x125xi32, #tpu.memory_space<vmem>> -> memref<125xi32, #tpu.memory_space<vmem>>
      %dma_wait3A_233 = arith.constant 0 : i32
      %dma_wait3A_234 = arith.constant 0 : i32
      %dma_wait3A_235 = tpu.memref_slice %arg2[%dma_wait3A_233, %dma_wait3A_234] : memref<51200x32xf32, #tpu.memory_space<hbm>> -> memref<51200x32xf32, #tpu.memory_space<hbm>>
      tpu.wait_indirect_dma semaphore(%arg11 : memref<!tpu.dma_semaphore, #tpu.memory_space<semaphore_mem>>) src(%dma_wait3A_235 : memref<51200x32xf32, #tpu.memory_space<hbm>>) dst(%dma_wait3A_229 : memref<125x32xf32, #tpu.memory_space<vmem>>)
      %run_scoped3A_236 = arith.constant 0 : i32
      "tpu.region"() ({
        %run_scoped3A_453 = tpu.sem_alloc : memref<!tpu.dma_semaphore, #tpu.memory_space<semaphore_mem>>
        %dma_start3A_454 = arith.constant 0 : i32
        %dma_start3A_455 = arith.constant 0 : i32
        %dma_start3A_456 = tpu.memref_slice %arg9[%run_scoped3A_236, %dma_start3A_454, %dma_start3A_455] : memref<8x125x32xf32, #tpu.memory_space<vmem>> -> memref<1x125x32xf32, #tpu.memory_space<vmem>>
        %dma_start3A_457 = tpu.memref_squeeze %dma_start3A_456 : memref<1x125x32xf32, #tpu.memory_space<vmem>> -> memref<125x32xf32, #tpu.memory_space<vmem>>
        %dma_start3A_458 = arith.constant 0 : i32
        %dma_start3A_459 = tpu.memref_slice %arg8[%add3A_224, %dma_start3A_458] : memref<80x125xi32, #tpu.memory_space<vmem>> -> memref<1x125xi32, #tpu.memory_space<vmem>>
        %dma_start3A_460 = tpu.memref_squeeze %dma_start3A_459 : memref<1x125xi32, #tpu.memory_space<vmem>> -> memref<125xi32, #tpu.memory_space<vmem>>
        %dma_start3A_461 = arith.constant 0 : i32
        %dma_start3A_462 = arith.constant 0 : i32
        %dma_start3A_463 = tpu.memref_slice %arg10[%dma_start3A_461, %dma_start3A_462] : memref<10240x32xf32, #tpu.memory_space<vmem_shared>> -> memref<10240x32xf32, #tpu.memory_space<vmem_shared>>
        tpu.enqueue_indirect_dma source(%dma_start3A_457 : memref<125x32xf32, #tpu.memory_space<vmem>>) target(%dma_start3A_463 : memref<10240x32xf32, #tpu.memory_space<vmem_shared>>) offsets(%dma_start3A_460 : memref<125xi32, #tpu.memory_space<vmem>>) semaphore(%run_scoped3A_453 : memref<!tpu.dma_semaphore, #tpu.memory_space<semaphore_mem>>) {add = true}
        %dma_wait3A_464 = arith.constant 0 : i32
        %dma_wait3A_465 = arith.constant 0 : i32
        %dma_wait3A_466 = tpu.memref_slice %arg9[%run_scoped3A_236, %dma_wait3A_464, %dma_wait3A_465] : memref<8x125x32xf32, #tpu.memory_space<vmem>> -> memref<1x125x32xf32, #tpu.memory_space<vmem>>
        %dma_wait3A_467 = tpu.memref_squeeze %dma_wait3A_466 : memref<1x125x32xf32, #tpu.memory_space<vmem>> -> memref<125x32xf32, #tpu.memory_space<vmem>>
        %dma_wait3A_468 = arith.constant 0 : i32
        %dma_wait3A_469 = tpu.memref_slice %arg8[%add3A_224, %dma_wait3A_468] : memref<80x125xi32, #tpu.memory_space<vmem>> -> memref<1x125xi32, #tpu.memory_space<vmem>>
        %dma_wait3A_470 = tpu.memref_squeeze %dma_wait3A_469 : memref<1x125xi32, #tpu.memory_space<vmem>> -> memref<125xi32, #tpu.memory_space<vmem>>
        %dma_wait3A_471 = arith.constant 0 : i32
        %dma_wait3A_472 = arith.constant 0 : i32
        %dma_wait3A_473 = tpu.memref_slice %arg10[%dma_wait3A_471, %dma_wait3A_472] : memref<10240x32xf32, #tpu.memory_space<vmem_shared>> -> memref<10240x32xf32, #tpu.memory_space<vmem_shared>>
        tpu.wait_indirect_dma semaphore(%run_scoped3A_453 : memref<!tpu.dma_semaphore, #tpu.memory_space<semaphore_mem>>) src(%dma_wait3A_467 : memref<125x32xf32, #tpu.memory_space<vmem>>) dst(%dma_wait3A_473 : memref<10240x32xf32, #tpu.memory_space<vmem_shared>>)
        tpu.yield
      }) : () -> ()
      %add3A_237 = arith.constant 8 : i32
      %add3A_238 = arith.addi %add3A_224, %add3A_237 : i32
      %dma_start3A_239 = arith.constant 0 : i32
      %dma_start3A_240 = arith.constant 0 : i32
      %dma_start3A_241 = arith.constant 0 : i32
      %dma_start3A_242 = tpu.memref_slice %arg9[%dma_start3A_239, %dma_start3A_240, %dma_start3A_241] : memref<8x125x32xf32, #tpu.memory_space<vmem>> -> memref<1x125x32xf32, #tpu.memory_space<vmem>>
      %dma_start3A_243 = tpu.memref_squeeze %dma_start3A_242 : memref<1x125x32xf32, #tpu.memory_space<vmem>> -> memref<125x32xf32, #tpu.memory_space<vmem>>
      %dma_start3A_244 = arith.constant 0 : i32
      %dma_start3A_245 = tpu.memref_slice %arg7[%add3A_238, %dma_start3A_244] : memref<80x125xi32, #tpu.memory_space<vmem>> -> memref<1x125xi32, #tpu.memory_space<vmem>>
      %dma_start3A_246 = tpu.memref_squeeze %dma_start3A_245 : memref<1x125xi32, #tpu.memory_space<vmem>> -> memref<125xi32, #tpu.memory_space<vmem>>
      %dma_start3A_247 = arith.constant 0 : i32
      %dma_start3A_248 = arith.constant 0 : i32
      %dma_start3A_249 = tpu.memref_slice %arg2[%dma_start3A_247, %dma_start3A_248] : memref<51200x32xf32, #tpu.memory_space<hbm>> -> memref<51200x32xf32, #tpu.memory_space<hbm>>
      tpu.enqueue_indirect_dma source(%dma_start3A_249 : memref<51200x32xf32, #tpu.memory_space<hbm>>) target(%dma_start3A_243 : memref<125x32xf32, #tpu.memory_space<vmem>>) offsets(%dma_start3A_246 : memref<125xi32, #tpu.memory_space<vmem>>) semaphore(%arg11 : memref<!tpu.dma_semaphore, #tpu.memory_space<semaphore_mem>>)
      %mul3A_250 = arith.constant 8 : i32
      %mul3A_251 = arith.muli %scan3A_220, %mul3A_250 : i32
      %add3A_252 = arith.constant 1 : i32
      %add3A_253 = arith.addi %mul3A_251, %add3A_252 : i32
      %dma_wait3A_254 = arith.constant 1 : i32
      %dma_wait3A_255 = arith.constant 0 : i32
      %dma_wait3A_256 = arith.constant 0 : i32
      %dma_wait3A_257 = tpu.memref_slice %arg9[%dma_wait3A_254, %dma_wait3A_255, %dma_wait3A_256] : memref<8x125x32xf32, #tpu.memory_space<vmem>> -> memref<1x125x32xf32, #tpu.memory_space<vmem>>
      %dma_wait3A_258 = tpu.memref_squeeze %dma_wait3A_257 : memref<1x125x32xf32, #tpu.memory_space<vmem>> -> memref<125x32xf32, #tpu.memory_space<vmem>>
      %dma_wait3A_259 = arith.constant 0 : i32
      %dma_wait3A_260 = tpu.memref_slice %arg7[%add3A_253, %dma_wait3A_259] : memref<80x125xi32, #tpu.memory_space<vmem>> -> memref<1x125xi32, #tpu.memory_space<vmem>>
      %dma_wait3A_261 = tpu.memref_squeeze %dma_wait3A_260 : memref<1x125xi32, #tpu.memory_space<vmem>> -> memref<125xi32, #tpu.memory_space<vmem>>
      %dma_wait3A_262 = arith.constant 0 : i32
      %dma_wait3A_263 = arith.constant 0 : i32
      %dma_wait3A_264 = tpu.memref_slice %arg2[%dma_wait3A_262, %dma_wait3A_263] : memref<51200x32xf32, #tpu.memory_space<hbm>> -> memref<51200x32xf32, #tpu.memory_space<hbm>>
      tpu.wait_indirect_dma semaphore(%arg12 : memref<!tpu.dma_semaphore, #tpu.memory_space<semaphore_mem>>) src(%dma_wait3A_264 : memref<51200x32xf32, #tpu.memory_space<hbm>>) dst(%dma_wait3A_258 : memref<125x32xf32, #tpu.memory_space<vmem>>)
      %run_scoped3A_265 = arith.constant 1 : i32
      "tpu.region"() ({
        %run_scoped3A_453 = tpu.sem_alloc : memref<!tpu.dma_semaphore, #tpu.memory_space<semaphore_mem>>
        %dma_start3A_454 = arith.constant 0 : i32
        %dma_start3A_455 = arith.constant 0 : i32
        %dma_start3A_456 = tpu.memref_slice %arg9[%run_scoped3A_265, %dma_start3A_454, %dma_start3A_455] : memref<8x125x32xf32, #tpu.memory_space<vmem>> -> memref<1x125x32xf32, #tpu.memory_space<vmem>>
        %dma_start3A_457 = tpu.memref_squeeze %dma_start3A_456 : memref<1x125x32xf32, #tpu.memory_space<vmem>> -> memref<125x32xf32, #tpu.memory_space<vmem>>
        %dma_start3A_458 = arith.constant 0 : i32
        %dma_start3A_459 = tpu.memref_slice %arg8[%add3A_253, %dma_start3A_458] : memref<80x125xi32, #tpu.memory_space<vmem>> -> memref<1x125xi32, #tpu.memory_space<vmem>>
        %dma_start3A_460 = tpu.memref_squeeze %dma_start3A_459 : memref<1x125xi32, #tpu.memory_space<vmem>> -> memref<125xi32, #tpu.memory_space<vmem>>
        %dma_start3A_461 = arith.constant 0 : i32
        %dma_start3A_462 = arith.constant 0 : i32
        %dma_start3A_463 = tpu.memref_slice %arg10[%dma_start3A_461, %dma_start3A_462] : memref<10240x32xf32, #tpu.memory_space<vmem_shared>> -> memref<10240x32xf32, #tpu.memory_space<vmem_shared>>
        tpu.enqueue_indirect_dma source(%dma_start3A_457 : memref<125x32xf32, #tpu.memory_space<vmem>>) target(%dma_start3A_463 : memref<10240x32xf32, #tpu.memory_space<vmem_shared>>) offsets(%dma_start3A_460 : memref<125xi32, #tpu.memory_space<vmem>>) semaphore(%run_scoped3A_453 : memref<!tpu.dma_semaphore, #tpu.memory_space<semaphore_mem>>) {add = true}
        %dma_wait3A_464 = arith.constant 0 : i32
        %dma_wait3A_465 = arith.constant 0 : i32
        %dma_wait3A_466 = tpu.memref_slice %arg9[%run_scoped3A_265, %dma_wait3A_464, %dma_wait3A_465] : memref<8x125x32xf32, #tpu.memory_space<vmem>> -> memref<1x125x32xf32, #tpu.memory_space<vmem>>
        %dma_wait3A_467 = tpu.memref_squeeze %dma_wait3A_466 : memref<1x125x32xf32, #tpu.memory_space<vmem>> -> memref<125x32xf32, #tpu.memory_space<vmem>>
        %dma_wait3A_468 = arith.constant 0 : i32
        %dma_wait3A_469 = tpu.memref_slice %arg8[%add3A_253, %dma_wait3A_468] : memref<80x125xi32, #tpu.memory_space<vmem>> -> memref<1x125xi32, #tpu.memory_space<vmem>>
        %dma_wait3A_470 = tpu.memref_squeeze %dma_wait3A_469 : memref<1x125xi32, #tpu.memory_space<vmem>> -> memref<125xi32, #tpu.memory_space<vmem>>
        %dma_wait3A_471 = arith.constant 0 : i32
        %dma_wait3A_472 = arith.constant 0 : i32
        %dma_wait3A_473 = tpu.memref_slice %arg10[%dma_wait3A_471, %dma_wait3A_472] : memref<10240x32xf32, #tpu.memory_space<vmem_shared>> -> memref<10240x32xf32, #tpu.memory_space<vmem_shared>>
        tpu.wait_indirect_dma semaphore(%run_scoped3A_453 : memref<!tpu.dma_semaphore, #tpu.memory_space<semaphore_mem>>) src(%dma_wait3A_467 : memref<125x32xf32, #tpu.memory_space<vmem>>) dst(%dma_wait3A_473 : memref<10240x32xf32, #tpu.memory_space<vmem_shared>>)
        tpu.yield
      }) : () -> ()
      %add3A_266 = arith.constant 8 : i32
      %add3A_267 = arith.addi %add3A_253, %add3A_266 : i32
      %dma_start3A_268 = arith.constant 1 : i32
      %dma_start3A_269 = arith.constant 0 : i32
      %dma_start3A_270 = arith.constant 0 : i32
      %dma_start3A_271 = tpu.memref_slice %arg9[%dma_start3A_268, %dma_start3A_269, %dma_start3A_270] : memref<8x125x32xf32, #tpu.memory_space<vmem>> -> memref<1x125x32xf32, #tpu.memory_space<vmem>>
      %dma_start3A_272 = tpu.memref_squeeze %dma_start3A_271 : memref<1x125x32xf32, #tpu.memory_space<vmem>> -> memref<125x32xf32, #tpu.memory_space<vmem>>
      %dma_start3A_273 = arith.constant 0 : i32
      %dma_start3A_274 = tpu.memref_slice %arg7[%add3A_267, %dma_start3A_273] : memref<80x125xi32, #tpu.memory_space<vmem>> -> memref<1x125xi32, #tpu.memory_space<vmem>>
      %dma_start3A_275 = tpu.memref_squeeze %dma_start3A_274 : memref<1x125xi32, #tpu.memory_space<vmem>> -> memref<125xi32, #tpu.memory_space<vmem>>
      %dma_start3A_276 = arith.constant 0 : i32
      %dma_start3A_277 = arith.constant 0 : i32
      %dma_start3A_278 = tpu.memref_slice %arg2[%dma_start3A_276, %dma_start3A_277] : memref<51200x32xf32, #tpu.memory_space<hbm>> -> memref<51200x32xf32, #tpu.memory_space<hbm>>
      tpu.enqueue_indirect_dma source(%dma_start3A_278 : memref<51200x32xf32, #tpu.memory_space<hbm>>) target(%dma_start3A_272 : memref<125x32xf32, #tpu.memory_space<vmem>>) offsets(%dma_start3A_275 : memref<125xi32, #tpu.memory_space<vmem>>) semaphore(%arg12 : memref<!tpu.dma_semaphore, #tpu.memory_space<semaphore_mem>>)
      %mul3A_279 = arith.constant 8 : i32
      %mul3A_280 = arith.muli %scan3A_220, %mul3A_279 : i32
      %add3A_281 = arith.constant 2 : i32
      %add3A_282 = arith.addi %mul3A_280, %add3A_281 : i32
      %dma_wait3A_283 = arith.constant 2 : i32
      %dma_wait3A_284 = arith.constant 0 : i32
      %dma_wait3A_285 = arith.constant 0 : i32
      %dma_wait3A_286 = tpu.memref_slice %arg9[%dma_wait3A_283, %dma_wait3A_284, %dma_wait3A_285] : memref<8x125x32xf32, #tpu.memory_space<vmem>> -> memref<1x125x32xf32, #tpu.memory_space<vmem>>
      %dma_wait3A_287 = tpu.memref_squeeze %dma_wait3A_286 : memref<1x125x32xf32, #tpu.memory_space<vmem>> -> memref<125x32xf32, #tpu.memory_space<vmem>>
      %dma_wait3A_288 = arith.constant 0 : i32
      %dma_wait3A_289 = tpu.memref_slice %arg7[%add3A_282, %dma_wait3A_288] : memref<80x125xi32, #tpu.memory_space<vmem>> -> memref<1x125xi32, #tpu.memory_space<vmem>>
      %dma_wait3A_290 = tpu.memref_squeeze %dma_wait3A_289 : memref<1x125xi32, #tpu.memory_space<vmem>> -> memref<125xi32, #tpu.memory_space<vmem>>
      %dma_wait3A_291 = arith.constant 0 : i32
      %dma_wait3A_292 = arith.constant 0 : i32
      %dma_wait3A_293 = tpu.memref_slice %arg2[%dma_wait3A_291, %dma_wait3A_292] : memref<51200x32xf32, #tpu.memory_space<hbm>> -> memref<51200x32xf32, #tpu.memory_space<hbm>>
      tpu.wait_indirect_dma semaphore(%arg13 : memref<!tpu.dma_semaphore, #tpu.memory_space<semaphore_mem>>) src(%dma_wait3A_293 : memref<51200x32xf32, #tpu.memory_space<hbm>>) dst(%dma_wait3A_287 : memref<125x32xf32, #tpu.memory_space<vmem>>)
      %run_scoped3A_294 = arith.constant 2 : i32
      "tpu.region"() ({
        %run_scoped3A_453 = tpu.sem_alloc : memref<!tpu.dma_semaphore, #tpu.memory_space<semaphore_mem>>
        %dma_start3A_454 = arith.constant 0 : i32
        %dma_start3A_455 = arith.constant 0 : i32
        %dma_start3A_456 = tpu.memref_slice %arg9[%run_scoped3A_294, %dma_start3A_454, %dma_start3A_455] : memref<8x125x32xf32, #tpu.memory_space<vmem>> -> memref<1x125x32xf32, #tpu.memory_space<vmem>>
        %dma_start3A_457 = tpu.memref_squeeze %dma_start3A_456 : memref<1x125x32xf32, #tpu.memory_space<vmem>> -> memref<125x32xf32, #tpu.memory_space<vmem>>
        %dma_start3A_458 = arith.constant 0 : i32
        %dma_start3A_459 = tpu.memref_slice %arg8[%add3A_282, %dma_start3A_458] : memref<80x125xi32, #tpu.memory_space<vmem>> -> memref<1x125xi32, #tpu.memory_space<vmem>>
        %dma_start3A_460 = tpu.memref_squeeze %dma_start3A_459 : memref<1x125xi32, #tpu.memory_space<vmem>> -> memref<125xi32, #tpu.memory_space<vmem>>
        %dma_start3A_461 = arith.constant 0 : i32
        %dma_start3A_462 = arith.constant 0 : i32
        %dma_start3A_463 = tpu.memref_slice %arg10[%dma_start3A_461, %dma_start3A_462] : memref<10240x32xf32, #tpu.memory_space<vmem_shared>> -> memref<10240x32xf32, #tpu.memory_space<vmem_shared>>
        tpu.enqueue_indirect_dma source(%dma_start3A_457 : memref<125x32xf32, #tpu.memory_space<vmem>>) target(%dma_start3A_463 : memref<10240x32xf32, #tpu.memory_space<vmem_shared>>) offsets(%dma_start3A_460 : memref<125xi32, #tpu.memory_space<vmem>>) semaphore(%run_scoped3A_453 : memref<!tpu.dma_semaphore, #tpu.memory_space<semaphore_mem>>) {add = true}
        %dma_wait3A_464 = arith.constant 0 : i32
        %dma_wait3A_465 = arith.constant 0 : i32
        %dma_wait3A_466 = tpu.memref_slice %arg9[%run_scoped3A_294, %dma_wait3A_464, %dma_wait3A_465] : memref<8x125x32xf32, #tpu.memory_space<vmem>> -> memref<1x125x32xf32, #tpu.memory_space<vmem>>
        %dma_wait3A_467 = tpu.memref_squeeze %dma_wait3A_466 : memref<1x125x32xf32, #tpu.memory_space<vmem>> -> memref<125x32xf32, #tpu.memory_space<vmem>>
        %dma_wait3A_468 = arith.constant 0 : i32
        %dma_wait3A_469 = tpu.memref_slice %arg8[%add3A_282, %dma_wait3A_468] : memref<80x125xi32, #tpu.memory_space<vmem>> -> memref<1x125xi32, #tpu.memory_space<vmem>>
        %dma_wait3A_470 = tpu.memref_squeeze %dma_wait3A_469 : memref<1x125xi32, #tpu.memory_space<vmem>> -> memref<125xi32, #tpu.memory_space<vmem>>
        %dma_wait3A_471 = arith.constant 0 : i32
        %dma_wait3A_472 = arith.constant 0 : i32
        %dma_wait3A_473 = tpu.memref_slice %arg10[%dma_wait3A_471, %dma_wait3A_472] : memref<10240x32xf32, #tpu.memory_space<vmem_shared>> -> memref<10240x32xf32, #tpu.memory_space<vmem_shared>>
        tpu.wait_indirect_dma semaphore(%run_scoped3A_453 : memref<!tpu.dma_semaphore, #tpu.memory_space<semaphore_mem>>) src(%dma_wait3A_467 : memref<125x32xf32, #tpu.memory_space<vmem>>) dst(%dma_wait3A_473 : memref<10240x32xf32, #tpu.memory_space<vmem_shared>>)
        tpu.yield
      }) : () -> ()
      %add3A_295 = arith.constant 8 : i32
      %add3A_296 = arith.addi %add3A_282, %add3A_295 : i32
      %dma_start3A_297 = arith.constant 2 : i32
      %dma_start3A_298 = arith.constant 0 : i32
      %dma_start3A_299 = arith.constant 0 : i32
      %dma_start3A_300 = tpu.memref_slice %arg9[%dma_start3A_297, %dma_start3A_298, %dma_start3A_299] : memref<8x125x32xf32, #tpu.memory_space<vmem>> -> memref<1x125x32xf32, #tpu.memory_space<vmem>>
      %dma_start3A_301 = tpu.memref_squeeze %dma_start3A_300 : memref<1x125x32xf32, #tpu.memory_space<vmem>> -> memref<125x32xf32, #tpu.memory_space<vmem>>
      %dma_start3A_302 = arith.constant 0 : i32
      %dma_start3A_303 = tpu.memref_slice %arg7[%add3A_296, %dma_start3A_302] : memref<80x125xi32, #tpu.memory_space<vmem>> -> memref<1x125xi32, #tpu.memory_space<vmem>>
      %dma_start3A_304 = tpu.memref_squeeze %dma_start3A_303 : memref<1x125xi32, #tpu.memory_space<vmem>> -> memref<125xi32, #tpu.memory_space<vmem>>
      %dma_start3A_305 = arith.constant 0 : i32
      %dma_start3A_306 = arith.constant 0 : i32
      %dma_start3A_307 = tpu.memref_slice %arg2[%dma_start3A_305, %dma_start3A_306] : memref<51200x32xf32, #tpu.memory_space<hbm>> -> memref<51200x32xf32, #tpu.memory_space<hbm>>
      tpu.enqueue_indirect_dma source(%dma_start3A_307 : memref<51200x32xf32, #tpu.memory_space<hbm>>) target(%dma_start3A_301 : memref<125x32xf32, #tpu.memory_space<vmem>>) offsets(%dma_start3A_304 : memref<125xi32, #tpu.memory_space<vmem>>) semaphore(%arg13 : memref<!tpu.dma_semaphore, #tpu.memory_space<semaphore_mem>>)
      %mul3A_308 = arith.constant 8 : i32
      %mul3A_309 = arith.muli %scan3A_220, %mul3A_308 : i32
      %add3A_310 = arith.constant 3 : i32
      %add3A_311 = arith.addi %mul3A_309, %add3A_310 : i32
      %dma_wait3A_312 = arith.constant 3 : i32
      %dma_wait3A_313 = arith.constant 0 : i32
      %dma_wait3A_314 = arith.constant 0 : i32
      %dma_wait3A_315 = tpu.memref_slice %arg9[%dma_wait3A_312, %dma_wait3A_313, %dma_wait3A_314] : memref<8x125x32xf32, #tpu.memory_space<vmem>> -> memref<1x125x32xf32, #tpu.memory_space<vmem>>
      %dma_wait3A_316 = tpu.memref_squeeze %dma_wait3A_315 : memref<1x125x32xf32, #tpu.memory_space<vmem>> -> memref<125x32xf32, #tpu.memory_space<vmem>>
      %dma_wait3A_317 = arith.constant 0 : i32
      %dma_wait3A_318 = tpu.memref_slice %arg7[%add3A_311, %dma_wait3A_317] : memref<80x125xi32, #tpu.memory_space<vmem>> -> memref<1x125xi32, #tpu.memory_space<vmem>>
      %dma_wait3A_319 = tpu.memref_squeeze %dma_wait3A_318 : memref<1x125xi32, #tpu.memory_space<vmem>> -> memref<125xi32, #tpu.memory_space<vmem>>
      %dma_wait3A_320 = arith.constant 0 : i32
      %dma_wait3A_321 = arith.constant 0 : i32
      %dma_wait3A_322 = tpu.memref_slice %arg2[%dma_wait3A_320, %dma_wait3A_321] : memref<51200x32xf32, #tpu.memory_space<hbm>> -> memref<51200x32xf32, #tpu.memory_space<hbm>>
      tpu.wait_indirect_dma semaphore(%arg14 : memref<!tpu.dma_semaphore, #tpu.memory_space<semaphore_mem>>) src(%dma_wait3A_322 : memref<51200x32xf32, #tpu.memory_space<hbm>>) dst(%dma_wait3A_316 : memref<125x32xf32, #tpu.memory_space<vmem>>)
      %run_scoped3A_323 = arith.constant 3 : i32
      "tpu.region"() ({
        %run_scoped3A_453 = tpu.sem_alloc : memref<!tpu.dma_semaphore, #tpu.memory_space<semaphore_mem>>
        %dma_start3A_454 = arith.constant 0 : i32
        %dma_start3A_455 = arith.constant 0 : i32
        %dma_start3A_456 = tpu.memref_slice %arg9[%run_scoped3A_323, %dma_start3A_454, %dma_start3A_455] : memref<8x125x32xf32, #tpu.memory_space<vmem>> -> memref<1x125x32xf32, #tpu.memory_space<vmem>>
        %dma_start3A_457 = tpu.memref_squeeze %dma_start3A_456 : memref<1x125x32xf32, #tpu.memory_space<vmem>> -> memref<125x32xf32, #tpu.memory_space<vmem>>
        %dma_start3A_458 = arith.constant 0 : i32
        %dma_start3A_459 = tpu.memref_slice %arg8[%add3A_311, %dma_start3A_458] : memref<80x125xi32, #tpu.memory_space<vmem>> -> memref<1x125xi32, #tpu.memory_space<vmem>>
        %dma_start3A_460 = tpu.memref_squeeze %dma_start3A_459 : memref<1x125xi32, #tpu.memory_space<vmem>> -> memref<125xi32, #tpu.memory_space<vmem>>
        %dma_start3A_461 = arith.constant 0 : i32
        %dma_start3A_462 = arith.constant 0 : i32
        %dma_start3A_463 = tpu.memref_slice %arg10[%dma_start3A_461, %dma_start3A_462] : memref<10240x32xf32, #tpu.memory_space<vmem_shared>> -> memref<10240x32xf32, #tpu.memory_space<vmem_shared>>
        tpu.enqueue_indirect_dma source(%dma_start3A_457 : memref<125x32xf32, #tpu.memory_space<vmem>>) target(%dma_start3A_463 : memref<10240x32xf32, #tpu.memory_space<vmem_shared>>) offsets(%dma_start3A_460 : memref<125xi32, #tpu.memory_space<vmem>>) semaphore(%run_scoped3A_453 : memref<!tpu.dma_semaphore, #tpu.memory_space<semaphore_mem>>) {add = true}
        %dma_wait3A_464 = arith.constant 0 : i32
        %dma_wait3A_465 = arith.constant 0 : i32
        %dma_wait3A_466 = tpu.memref_slice %arg9[%run_scoped3A_323, %dma_wait3A_464, %dma_wait3A_465] : memref<8x125x32xf32, #tpu.memory_space<vmem>> -> memref<1x125x32xf32, #tpu.memory_space<vmem>>
        %dma_wait3A_467 = tpu.memref_squeeze %dma_wait3A_466 : memref<1x125x32xf32, #tpu.memory_space<vmem>> -> memref<125x32xf32, #tpu.memory_space<vmem>>
        %dma_wait3A_468 = arith.constant 0 : i32
        %dma_wait3A_469 = tpu.memref_slice %arg8[%add3A_311, %dma_wait3A_468] : memref<80x125xi32, #tpu.memory_space<vmem>> -> memref<1x125xi32, #tpu.memory_space<vmem>>
        %dma_wait3A_470 = tpu.memref_squeeze %dma_wait3A_469 : memref<1x125xi32, #tpu.memory_space<vmem>> -> memref<125xi32, #tpu.memory_space<vmem>>
        %dma_wait3A_471 = arith.constant 0 : i32
        %dma_wait3A_472 = arith.constant 0 : i32
        %dma_wait3A_473 = tpu.memref_slice %arg10[%dma_wait3A_471, %dma_wait3A_472] : memref<10240x32xf32, #tpu.memory_space<vmem_shared>> -> memref<10240x32xf32, #tpu.memory_space<vmem_shared>>
        tpu.wait_indirect_dma semaphore(%run_scoped3A_453 : memref<!tpu.dma_semaphore, #tpu.memory_space<semaphore_mem>>) src(%dma_wait3A_467 : memref<125x32xf32, #tpu.memory_space<vmem>>) dst(%dma_wait3A_473 : memref<10240x32xf32, #tpu.memory_space<vmem_shared>>)
        tpu.yield
      }) : () -> ()
      %add3A_324 = arith.constant 8 : i32
      %add3A_325 = arith.addi %add3A_311, %add3A_324 : i32
      %dma_start3A_326 = arith.constant 3 : i32
      %dma_start3A_327 = arith.constant 0 : i32
      %dma_start3A_328 = arith.constant 0 : i32
      %dma_start3A_329 = tpu.memref_slice %arg9[%dma_start3A_326, %dma_start3A_327, %dma_start3A_328] : memref<8x125x32xf32, #tpu.memory_space<vmem>> -> memref<1x125x32xf32, #tpu.memory_space<vmem>>
      %dma_start3A_330 = tpu.memref_squeeze %dma_start3A_329 : memref<1x125x32xf32, #tpu.memory_space<vmem>> -> memref<125x32xf32, #tpu.memory_space<vmem>>
      %dma_start3A_331 = arith.constant 0 : i32
      %dma_start3A_332 = tpu.memref_slice %arg7[%add3A_325, %dma_start3A_331] : memref<80x125xi32, #tpu.memory_space<vmem>> -> memref<1x125xi32, #tpu.memory_space<vmem>>
      %dma_start3A_333 = tpu.memref_squeeze %dma_start3A_332 : memref<1x125xi32, #tpu.memory_space<vmem>> -> memref<125xi32, #tpu.memory_space<vmem>>
      %dma_start3A_334 = arith.constant 0 : i32
      %dma_start3A_335 = arith.constant 0 : i32
      %dma_start3A_336 = tpu.memref_slice %arg2[%dma_start3A_334, %dma_start3A_335] : memref<51200x32xf32, #tpu.memory_space<hbm>> -> memref<51200x32xf32, #tpu.memory_space<hbm>>
      tpu.enqueue_indirect_dma source(%dma_start3A_336 : memref<51200x32xf32, #tpu.memory_space<hbm>>) target(%dma_start3A_330 : memref<125x32xf32, #tpu.memory_space<vmem>>) offsets(%dma_start3A_333 : memref<125xi32, #tpu.memory_space<vmem>>) semaphore(%arg14 : memref<!tpu.dma_semaphore, #tpu.memory_space<semaphore_mem>>)
      %mul3A_337 = arith.constant 8 : i32
      %mul3A_338 = arith.muli %scan3A_220, %mul3A_337 : i32
      %add3A_339 = arith.constant 4 : i32
      %add3A_340 = arith.addi %mul3A_338, %add3A_339 : i32
      %dma_wait3A_341 = arith.constant 4 : i32
      %dma_wait3A_342 = arith.constant 0 : i32
      %dma_wait3A_343 = arith.constant 0 : i32
      %dma_wait3A_344 = tpu.memref_slice %arg9[%dma_wait3A_341, %dma_wait3A_342, %dma_wait3A_343] : memref<8x125x32xf32, #tpu.memory_space<vmem>> -> memref<1x125x32xf32, #tpu.memory_space<vmem>>
      %dma_wait3A_345 = tpu.memref_squeeze %dma_wait3A_344 : memref<1x125x32xf32, #tpu.memory_space<vmem>> -> memref<125x32xf32, #tpu.memory_space<vmem>>
      %dma_wait3A_346 = arith.constant 0 : i32
      %dma_wait3A_347 = tpu.memref_slice %arg7[%add3A_340, %dma_wait3A_346] : memref<80x125xi32, #tpu.memory_space<vmem>> -> memref<1x125xi32, #tpu.memory_space<vmem>>
      %dma_wait3A_348 = tpu.memref_squeeze %dma_wait3A_347 : memref<1x125xi32, #tpu.memory_space<vmem>> -> memref<125xi32, #tpu.memory_space<vmem>>
      %dma_wait3A_349 = arith.constant 0 : i32
      %dma_wait3A_350 = arith.constant 0 : i32
      %dma_wait3A_351 = tpu.memref_slice %arg2[%dma_wait3A_349, %dma_wait3A_350] : memref<51200x32xf32, #tpu.memory_space<hbm>> -> memref<51200x32xf32, #tpu.memory_space<hbm>>
      tpu.wait_indirect_dma semaphore(%arg15 : memref<!tpu.dma_semaphore, #tpu.memory_space<semaphore_mem>>) src(%dma_wait3A_351 : memref<51200x32xf32, #tpu.memory_space<hbm>>) dst(%dma_wait3A_345 : memref<125x32xf32, #tpu.memory_space<vmem>>)
      %run_scoped3A_352 = arith.constant 4 : i32
      "tpu.region"() ({
        %run_scoped3A_453 = tpu.sem_alloc : memref<!tpu.dma_semaphore, #tpu.memory_space<semaphore_mem>>
        %dma_start3A_454 = arith.constant 0 : i32
        %dma_start3A_455 = arith.constant 0 : i32
        %dma_start3A_456 = tpu.memref_slice %arg9[%run_scoped3A_352, %dma_start3A_454, %dma_start3A_455] : memref<8x125x32xf32, #tpu.memory_space<vmem>> -> memref<1x125x32xf32, #tpu.memory_space<vmem>>
        %dma_start3A_457 = tpu.memref_squeeze %dma_start3A_456 : memref<1x125x32xf32, #tpu.memory_space<vmem>> -> memref<125x32xf32, #tpu.memory_space<vmem>>
        %dma_start3A_458 = arith.constant 0 : i32
        %dma_start3A_459 = tpu.memref_slice %arg8[%add3A_340, %dma_start3A_458] : memref<80x125xi32, #tpu.memory_space<vmem>> -> memref<1x125xi32, #tpu.memory_space<vmem>>
        %dma_start3A_460 = tpu.memref_squeeze %dma_start3A_459 : memref<1x125xi32, #tpu.memory_space<vmem>> -> memref<125xi32, #tpu.memory_space<vmem>>
        %dma_start3A_461 = arith.constant 0 : i32
        %dma_start3A_462 = arith.constant 0 : i32
        %dma_start3A_463 = tpu.memref_slice %arg10[%dma_start3A_461, %dma_start3A_462] : memref<10240x32xf32, #tpu.memory_space<vmem_shared>> -> memref<10240x32xf32, #tpu.memory_space<vmem_shared>>
        tpu.enqueue_indirect_dma source(%dma_start3A_457 : memref<125x32xf32, #tpu.memory_space<vmem>>) target(%dma_start3A_463 : memref<10240x32xf32, #tpu.memory_space<vmem_shared>>) offsets(%dma_start3A_460 : memref<125xi32, #tpu.memory_space<vmem>>) semaphore(%run_scoped3A_453 : memref<!tpu.dma_semaphore, #tpu.memory_space<semaphore_mem>>) {add = true}
        %dma_wait3A_464 = arith.constant 0 : i32
        %dma_wait3A_465 = arith.constant 0 : i32
        %dma_wait3A_466 = tpu.memref_slice %arg9[%run_scoped3A_352, %dma_wait3A_464, %dma_wait3A_465] : memref<8x125x32xf32, #tpu.memory_space<vmem>> -> memref<1x125x32xf32, #tpu.memory_space<vmem>>
        %dma_wait3A_467 = tpu.memref_squeeze %dma_wait3A_466 : memref<1x125x32xf32, #tpu.memory_space<vmem>> -> memref<125x32xf32, #tpu.memory_space<vmem>>
        %dma_wait3A_468 = arith.constant 0 : i32
        %dma_wait3A_469 = tpu.memref_slice %arg8[%add3A_340, %dma_wait3A_468] : memref<80x125xi32, #tpu.memory_space<vmem>> -> memref<1x125xi32, #tpu.memory_space<vmem>>
        %dma_wait3A_470 = tpu.memref_squeeze %dma_wait3A_469 : memref<1x125xi32, #tpu.memory_space<vmem>> -> memref<125xi32, #tpu.memory_space<vmem>>
        %dma_wait3A_471 = arith.constant 0 : i32
        %dma_wait3A_472 = arith.constant 0 : i32
        %dma_wait3A_473 = tpu.memref_slice %arg10[%dma_wait3A_471, %dma_wait3A_472] : memref<10240x32xf32, #tpu.memory_space<vmem_shared>> -> memref<10240x32xf32, #tpu.memory_space<vmem_shared>>
        tpu.wait_indirect_dma semaphore(%run_scoped3A_453 : memref<!tpu.dma_semaphore, #tpu.memory_space<semaphore_mem>>) src(%dma_wait3A_467 : memref<125x32xf32, #tpu.memory_space<vmem>>) dst(%dma_wait3A_473 : memref<10240x32xf32, #tpu.memory_space<vmem_shared>>)
        tpu.yield
      }) : () -> ()
      %add3A_353 = arith.constant 8 : i32
      %add3A_354 = arith.addi %add3A_340, %add3A_353 : i32
      %dma_start3A_355 = arith.constant 4 : i32
      %dma_start3A_356 = arith.constant 0 : i32
      %dma_start3A_357 = arith.constant 0 : i32
      %dma_start3A_358 = tpu.memref_slice %arg9[%dma_start3A_355, %dma_start3A_356, %dma_start3A_357] : memref<8x125x32xf32, #tpu.memory_space<vmem>> -> memref<1x125x32xf32, #tpu.memory_space<vmem>>
      %dma_start3A_359 = tpu.memref_squeeze %dma_start3A_358 : memref<1x125x32xf32, #tpu.memory_space<vmem>> -> memref<125x32xf32, #tpu.memory_space<vmem>>
      %dma_start3A_360 = arith.constant 0 : i32
      %dma_start3A_361 = tpu.memref_slice %arg7[%add3A_354, %dma_start3A_360] : memref<80x125xi32, #tpu.memory_space<vmem>> -> memref<1x125xi32, #tpu.memory_space<vmem>>
      %dma_start3A_362 = tpu.memref_squeeze %dma_start3A_361 : memref<1x125xi32, #tpu.memory_space<vmem>> -> memref<125xi32, #tpu.memory_space<vmem>>
      %dma_start3A_363 = arith.constant 0 : i32
      %dma_start3A_364 = arith.constant 0 : i32
      %dma_start3A_365 = tpu.memref_slice %arg2[%dma_start3A_363, %dma_start3A_364] : memref<51200x32xf32, #tpu.memory_space<hbm>> -> memref<51200x32xf32, #tpu.memory_space<hbm>>
      tpu.enqueue_indirect_dma source(%dma_start3A_365 : memref<51200x32xf32, #tpu.memory_space<hbm>>) target(%dma_start3A_359 : memref<125x32xf32, #tpu.memory_space<vmem>>) offsets(%dma_start3A_362 : memref<125xi32, #tpu.memory_space<vmem>>) semaphore(%arg15 : memref<!tpu.dma_semaphore, #tpu.memory_space<semaphore_mem>>)
      %mul3A_366 = arith.constant 8 : i32
      %mul3A_367 = arith.muli %scan3A_220, %mul3A_366 : i32
      %add3A_368 = arith.constant 5 : i32
      %add3A_369 = arith.addi %mul3A_367, %add3A_368 : i32
      %dma_wait3A_370 = arith.constant 5 : i32
      %dma_wait3A_371 = arith.constant 0 : i32
      %dma_wait3A_372 = arith.constant 0 : i32
      %dma_wait3A_373 = tpu.memref_slice %arg9[%dma_wait3A_370, %dma_wait3A_371, %dma_wait3A_372] : memref<8x125x32xf32, #tpu.memory_space<vmem>> -> memref<1x125x32xf32, #tpu.memory_space<vmem>>
      %dma_wait3A_374 = tpu.memref_squeeze %dma_wait3A_373 : memref<1x125x32xf32, #tpu.memory_space<vmem>> -> memref<125x32xf32, #tpu.memory_space<vmem>>
      %dma_wait3A_375 = arith.constant 0 : i32
      %dma_wait3A_376 = tpu.memref_slice %arg7[%add3A_369, %dma_wait3A_375] : memref<80x125xi32, #tpu.memory_space<vmem>> -> memref<1x125xi32, #tpu.memory_space<vmem>>
      %dma_wait3A_377 = tpu.memref_squeeze %dma_wait3A_376 : memref<1x125xi32, #tpu.memory_space<vmem>> -> memref<125xi32, #tpu.memory_space<vmem>>
      %dma_wait3A_378 = arith.constant 0 : i32
      %dma_wait3A_379 = arith.constant 0 : i32
      %dma_wait3A_380 = tpu.memref_slice %arg2[%dma_wait3A_378, %dma_wait3A_379] : memref<51200x32xf32, #tpu.memory_space<hbm>> -> memref<51200x32xf32, #tpu.memory_space<hbm>>
      tpu.wait_indirect_dma semaphore(%arg16 : memref<!tpu.dma_semaphore, #tpu.memory_space<semaphore_mem>>) src(%dma_wait3A_380 : memref<51200x32xf32, #tpu.memory_space<hbm>>) dst(%dma_wait3A_374 : memref<125x32xf32, #tpu.memory_space<vmem>>)
      %run_scoped3A_381 = arith.constant 5 : i32
      "tpu.region"() ({
        %run_scoped3A_453 = tpu.sem_alloc : memref<!tpu.dma_semaphore, #tpu.memory_space<semaphore_mem>>
        %dma_start3A_454 = arith.constant 0 : i32
        %dma_start3A_455 = arith.constant 0 : i32
        %dma_start3A_456 = tpu.memref_slice %arg9[%run_scoped3A_381, %dma_start3A_454, %dma_start3A_455] : memref<8x125x32xf32, #tpu.memory_space<vmem>> -> memref<1x125x32xf32, #tpu.memory_space<vmem>>
        %dma_start3A_457 = tpu.memref_squeeze %dma_start3A_456 : memref<1x125x32xf32, #tpu.memory_space<vmem>> -> memref<125x32xf32, #tpu.memory_space<vmem>>
        %dma_start3A_458 = arith.constant 0 : i32
        %dma_start3A_459 = tpu.memref_slice %arg8[%add3A_369, %dma_start3A_458] : memref<80x125xi32, #tpu.memory_space<vmem>> -> memref<1x125xi32, #tpu.memory_space<vmem>>
        %dma_start3A_460 = tpu.memref_squeeze %dma_start3A_459 : memref<1x125xi32, #tpu.memory_space<vmem>> -> memref<125xi32, #tpu.memory_space<vmem>>
        %dma_start3A_461 = arith.constant 0 : i32
        %dma_start3A_462 = arith.constant 0 : i32
        %dma_start3A_463 = tpu.memref_slice %arg10[%dma_start3A_461, %dma_start3A_462] : memref<10240x32xf32, #tpu.memory_space<vmem_shared>> -> memref<10240x32xf32, #tpu.memory_space<vmem_shared>>
        tpu.enqueue_indirect_dma source(%dma_start3A_457 : memref<125x32xf32, #tpu.memory_space<vmem>>) target(%dma_start3A_463 : memref<10240x32xf32, #tpu.memory_space<vmem_shared>>) offsets(%dma_start3A_460 : memref<125xi32, #tpu.memory_space<vmem>>) semaphore(%run_scoped3A_453 : memref<!tpu.dma_semaphore, #tpu.memory_space<semaphore_mem>>) {add = true}
        %dma_wait3A_464 = arith.constant 0 : i32
        %dma_wait3A_465 = arith.constant 0 : i32
        %dma_wait3A_466 = tpu.memref_slice %arg9[%run_scoped3A_381, %dma_wait3A_464, %dma_wait3A_465] : memref<8x125x32xf32, #tpu.memory_space<vmem>> -> memref<1x125x32xf32, #tpu.memory_space<vmem>>
        %dma_wait3A_467 = tpu.memref_squeeze %dma_wait3A_466 : memref<1x125x32xf32, #tpu.memory_space<vmem>> -> memref<125x32xf32, #tpu.memory_space<vmem>>
        %dma_wait3A_468 = arith.constant 0 : i32
        %dma_wait3A_469 = tpu.memref_slice %arg8[%add3A_369, %dma_wait3A_468] : memref<80x125xi32, #tpu.memory_space<vmem>> -> memref<1x125xi32, #tpu.memory_space<vmem>>
        %dma_wait3A_470 = tpu.memref_squeeze %dma_wait3A_469 : memref<1x125xi32, #tpu.memory_space<vmem>> -> memref<125xi32, #tpu.memory_space<vmem>>
        %dma_wait3A_471 = arith.constant 0 : i32
        %dma_wait3A_472 = arith.constant 0 : i32
        %dma_wait3A_473 = tpu.memref_slice %arg10[%dma_wait3A_471, %dma_wait3A_472] : memref<10240x32xf32, #tpu.memory_space<vmem_shared>> -> memref<10240x32xf32, #tpu.memory_space<vmem_shared>>
        tpu.wait_indirect_dma semaphore(%run_scoped3A_453 : memref<!tpu.dma_semaphore, #tpu.memory_space<semaphore_mem>>) src(%dma_wait3A_467 : memref<125x32xf32, #tpu.memory_space<vmem>>) dst(%dma_wait3A_473 : memref<10240x32xf32, #tpu.memory_space<vmem_shared>>)
        tpu.yield
      }) : () -> ()
      %add3A_382 = arith.constant 8 : i32
      %add3A_383 = arith.addi %add3A_369, %add3A_382 : i32
      %dma_start3A_384 = arith.constant 5 : i32
      %dma_start3A_385 = arith.constant 0 : i32
      %dma_start3A_386 = arith.constant 0 : i32
      %dma_start3A_387 = tpu.memref_slice %arg9[%dma_start3A_384, %dma_start3A_385, %dma_start3A_386] : memref<8x125x32xf32, #tpu.memory_space<vmem>> -> memref<1x125x32xf32, #tpu.memory_space<vmem>>
      %dma_start3A_388 = tpu.memref_squeeze %dma_start3A_387 : memref<1x125x32xf32, #tpu.memory_space<vmem>> -> memref<125x32xf32, #tpu.memory_space<vmem>>
      %dma_start3A_389 = arith.constant 0 : i32
      %dma_start3A_390 = tpu.memref_slice %arg7[%add3A_383, %dma_start3A_389] : memref<80x125xi32, #tpu.memory_space<vmem>> -> memref<1x125xi32, #tpu.memory_space<vmem>>
      %dma_start3A_391 = tpu.memref_squeeze %dma_start3A_390 : memref<1x125xi32, #tpu.memory_space<vmem>> -> memref<125xi32, #tpu.memory_space<vmem>>
      %dma_start3A_392 = arith.constant 0 : i32
      %dma_start3A_393 = arith.constant 0 : i32
      %dma_start3A_394 = tpu.memref_slice %arg2[%dma_start3A_392, %dma_start3A_393] : memref<51200x32xf32, #tpu.memory_space<hbm>> -> memref<51200x32xf32, #tpu.memory_space<hbm>>
      tpu.enqueue_indirect_dma source(%dma_start3A_394 : memref<51200x32xf32, #tpu.memory_space<hbm>>) target(%dma_start3A_388 : memref<125x32xf32, #tpu.memory_space<vmem>>) offsets(%dma_start3A_391 : memref<125xi32, #tpu.memory_space<vmem>>) semaphore(%arg16 : memref<!tpu.dma_semaphore, #tpu.memory_space<semaphore_mem>>)
      %mul3A_395 = arith.constant 8 : i32
      %mul3A_396 = arith.muli %scan3A_220, %mul3A_395 : i32
      %add3A_397 = arith.constant 6 : i32
      %add3A_398 = arith.addi %mul3A_396, %add3A_397 : i32
      %dma_wait3A_399 = arith.constant 6 : i32
      %dma_wait3A_400 = arith.constant 0 : i32
      %dma_wait3A_401 = arith.constant 0 : i32
      %dma_wait3A_402 = tpu.memref_slice %arg9[%dma_wait3A_399, %dma_wait3A_400, %dma_wait3A_401] : memref<8x125x32xf32, #tpu.memory_space<vmem>> -> memref<1x125x32xf32, #tpu.memory_space<vmem>>
      %dma_wait3A_403 = tpu.memref_squeeze %dma_wait3A_402 : memref<1x125x32xf32, #tpu.memory_space<vmem>> -> memref<125x32xf32, #tpu.memory_space<vmem>>
      %dma_wait3A_404 = arith.constant 0 : i32
      %dma_wait3A_405 = tpu.memref_slice %arg7[%add3A_398, %dma_wait3A_404] : memref<80x125xi32, #tpu.memory_space<vmem>> -> memref<1x125xi32, #tpu.memory_space<vmem>>
      %dma_wait3A_406 = tpu.memref_squeeze %dma_wait3A_405 : memref<1x125xi32, #tpu.memory_space<vmem>> -> memref<125xi32, #tpu.memory_space<vmem>>
      %dma_wait3A_407 = arith.constant 0 : i32
      %dma_wait3A_408 = arith.constant 0 : i32
      %dma_wait3A_409 = tpu.memref_slice %arg2[%dma_wait3A_407, %dma_wait3A_408] : memref<51200x32xf32, #tpu.memory_space<hbm>> -> memref<51200x32xf32, #tpu.memory_space<hbm>>
      tpu.wait_indirect_dma semaphore(%arg17 : memref<!tpu.dma_semaphore, #tpu.memory_space<semaphore_mem>>) src(%dma_wait3A_409 : memref<51200x32xf32, #tpu.memory_space<hbm>>) dst(%dma_wait3A_403 : memref<125x32xf32, #tpu.memory_space<vmem>>)
      %run_scoped3A_410 = arith.constant 6 : i32
      "tpu.region"() ({
        %run_scoped3A_453 = tpu.sem_alloc : memref<!tpu.dma_semaphore, #tpu.memory_space<semaphore_mem>>
        %dma_start3A_454 = arith.constant 0 : i32
        %dma_start3A_455 = arith.constant 0 : i32
        %dma_start3A_456 = tpu.memref_slice %arg9[%run_scoped3A_410, %dma_start3A_454, %dma_start3A_455] : memref<8x125x32xf32, #tpu.memory_space<vmem>> -> memref<1x125x32xf32, #tpu.memory_space<vmem>>
        %dma_start3A_457 = tpu.memref_squeeze %dma_start3A_456 : memref<1x125x32xf32, #tpu.memory_space<vmem>> -> memref<125x32xf32, #tpu.memory_space<vmem>>
        %dma_start3A_458 = arith.constant 0 : i32
        %dma_start3A_459 = tpu.memref_slice %arg8[%add3A_398, %dma_start3A_458] : memref<80x125xi32, #tpu.memory_space<vmem>> -> memref<1x125xi32, #tpu.memory_space<vmem>>
        %dma_start3A_460 = tpu.memref_squeeze %dma_start3A_459 : memref<1x125xi32, #tpu.memory_space<vmem>> -> memref<125xi32, #tpu.memory_space<vmem>>
        %dma_start3A_461 = arith.constant 0 : i32
        %dma_start3A_462 = arith.constant 0 : i32
        %dma_start3A_463 = tpu.memref_slice %arg10[%dma_start3A_461, %dma_start3A_462] : memref<10240x32xf32, #tpu.memory_space<vmem_shared>> -> memref<10240x32xf32, #tpu.memory_space<vmem_shared>>
        tpu.enqueue_indirect_dma source(%dma_start3A_457 : memref<125x32xf32, #tpu.memory_space<vmem>>) target(%dma_start3A_463 : memref<10240x32xf32, #tpu.memory_space<vmem_shared>>) offsets(%dma_start3A_460 : memref<125xi32, #tpu.memory_space<vmem>>) semaphore(%run_scoped3A_453 : memref<!tpu.dma_semaphore, #tpu.memory_space<semaphore_mem>>) {add = true}
        %dma_wait3A_464 = arith.constant 0 : i32
        %dma_wait3A_465 = arith.constant 0 : i32
        %dma_wait3A_466 = tpu.memref_slice %arg9[%run_scoped3A_410, %dma_wait3A_464, %dma_wait3A_465] : memref<8x125x32xf32, #tpu.memory_space<vmem>> -> memref<1x125x32xf32, #tpu.memory_space<vmem>>
        %dma_wait3A_467 = tpu.memref_squeeze %dma_wait3A_466 : memref<1x125x32xf32, #tpu.memory_space<vmem>> -> memref<125x32xf32, #tpu.memory_space<vmem>>
        %dma_wait3A_468 = arith.constant 0 : i32
        %dma_wait3A_469 = tpu.memref_slice %arg8[%add3A_398, %dma_wait3A_468] : memref<80x125xi32, #tpu.memory_space<vmem>> -> memref<1x125xi32, #tpu.memory_space<vmem>>
        %dma_wait3A_470 = tpu.memref_squeeze %dma_wait3A_469 : memref<1x125xi32, #tpu.memory_space<vmem>> -> memref<125xi32, #tpu.memory_space<vmem>>
        %dma_wait3A_471 = arith.constant 0 : i32
        %dma_wait3A_472 = arith.constant 0 : i32
        %dma_wait3A_473 = tpu.memref_slice %arg10[%dma_wait3A_471, %dma_wait3A_472] : memref<10240x32xf32, #tpu.memory_space<vmem_shared>> -> memref<10240x32xf32, #tpu.memory_space<vmem_shared>>
        tpu.wait_indirect_dma semaphore(%run_scoped3A_453 : memref<!tpu.dma_semaphore, #tpu.memory_space<semaphore_mem>>) src(%dma_wait3A_467 : memref<125x32xf32, #tpu.memory_space<vmem>>) dst(%dma_wait3A_473 : memref<10240x32xf32, #tpu.memory_space<vmem_shared>>)
        tpu.yield
      }) : () -> ()
      %add3A_411 = arith.constant 8 : i32
      %add3A_412 = arith.addi %add3A_398, %add3A_411 : i32
      %dma_start3A_413 = arith.constant 6 : i32
      %dma_start3A_414 = arith.constant 0 : i32
      %dma_start3A_415 = arith.constant 0 : i32
      %dma_start3A_416 = tpu.memref_slice %arg9[%dma_start3A_413, %dma_start3A_414, %dma_start3A_415] : memref<8x125x32xf32, #tpu.memory_space<vmem>> -> memref<1x125x32xf32, #tpu.memory_space<vmem>>
      %dma_start3A_417 = tpu.memref_squeeze %dma_start3A_416 : memref<1x125x32xf32, #tpu.memory_space<vmem>> -> memref<125x32xf32, #tpu.memory_space<vmem>>
      %dma_start3A_418 = arith.constant 0 : i32
      %dma_start3A_419 = tpu.memref_slice %arg7[%add3A_412, %dma_start3A_418] : memref<80x125xi32, #tpu.memory_space<vmem>> -> memref<1x125xi32, #tpu.memory_space<vmem>>
      %dma_start3A_420 = tpu.memref_squeeze %dma_start3A_419 : memref<1x125xi32, #tpu.memory_space<vmem>> -> memref<125xi32, #tpu.memory_space<vmem>>
      %dma_start3A_421 = arith.constant 0 : i32
      %dma_start3A_422 = arith.constant 0 : i32
      %dma_start3A_423 = tpu.memref_slice %arg2[%dma_start3A_421, %dma_start3A_422] : memref<51200x32xf32, #tpu.memory_space<hbm>> -> memref<51200x32xf32, #tpu.memory_space<hbm>>
      tpu.enqueue_indirect_dma source(%dma_start3A_423 : memref<51200x32xf32, #tpu.memory_space<hbm>>) target(%dma_start3A_417 : memref<125x32xf32, #tpu.memory_space<vmem>>) offsets(%dma_start3A_420 : memref<125xi32, #tpu.memory_space<vmem>>) semaphore(%arg17 : memref<!tpu.dma_semaphore, #tpu.memory_space<semaphore_mem>>)
      %mul3A_424 = arith.constant 8 : i32
      %mul3A_425 = arith.muli %scan3A_220, %mul3A_424 : i32
      %add3A_426 = arith.constant 7 : i32
      %add3A_427 = arith.addi %mul3A_425, %add3A_426 : i32
      %dma_wait3A_428 = arith.constant 7 : i32
      %dma_wait3A_429 = arith.constant 0 : i32
      %dma_wait3A_430 = arith.constant 0 : i32
      %dma_wait3A_431 = tpu.memref_slice %arg9[%dma_wait3A_428, %dma_wait3A_429, %dma_wait3A_430] : memref<8x125x32xf32, #tpu.memory_space<vmem>> -> memref<1x125x32xf32, #tpu.memory_space<vmem>>
      %dma_wait3A_432 = tpu.memref_squeeze %dma_wait3A_431 : memref<1x125x32xf32, #tpu.memory_space<vmem>> -> memref<125x32xf32, #tpu.memory_space<vmem>>
      %dma_wait3A_433 = arith.constant 0 : i32
      %dma_wait3A_434 = tpu.memref_slice %arg7[%add3A_427, %dma_wait3A_433] : memref<80x125xi32, #tpu.memory_space<vmem>> -> memref<1x125xi32, #tpu.memory_space<vmem>>
      %dma_wait3A_435 = tpu.memref_squeeze %dma_wait3A_434 : memref<1x125xi32, #tpu.memory_space<vmem>> -> memref<125xi32, #tpu.memory_space<vmem>>
      %dma_wait3A_436 = arith.constant 0 : i32
      %dma_wait3A_437 = arith.constant 0 : i32
      %dma_wait3A_438 = tpu.memref_slice %arg2[%dma_wait3A_436, %dma_wait3A_437] : memref<51200x32xf32, #tpu.memory_space<hbm>> -> memref<51200x32xf32, #tpu.memory_space<hbm>>
      tpu.wait_indirect_dma semaphore(%arg18 : memref<!tpu.dma_semaphore, #tpu.memory_space<semaphore_mem>>) src(%dma_wait3A_438 : memref<51200x32xf32, #tpu.memory_space<hbm>>) dst(%dma_wait3A_432 : memref<125x32xf32, #tpu.memory_space<vmem>>)
      %run_scoped3A_439 = arith.constant 7 : i32
      "tpu.region"() ({
        %run_scoped3A_453 = tpu.sem_alloc : memref<!tpu.dma_semaphore, #tpu.memory_space<semaphore_mem>>
        %dma_start3A_454 = arith.constant 0 : i32
        %dma_start3A_455 = arith.constant 0 : i32
        %dma_start3A_456 = tpu.memref_slice %arg9[%run_scoped3A_439, %dma_start3A_454, %dma_start3A_455] : memref<8x125x32xf32, #tpu.memory_space<vmem>> -> memref<1x125x32xf32, #tpu.memory_space<vmem>>
        %dma_start3A_457 = tpu.memref_squeeze %dma_start3A_456 : memref<1x125x32xf32, #tpu.memory_space<vmem>> -> memref<125x32xf32, #tpu.memory_space<vmem>>
        %dma_start3A_458 = arith.constant 0 : i32
        %dma_start3A_459 = tpu.memref_slice %arg8[%add3A_427, %dma_start3A_458] : memref<80x125xi32, #tpu.memory_space<vmem>> -> memref<1x125xi32, #tpu.memory_space<vmem>>
        %dma_start3A_460 = tpu.memref_squeeze %dma_start3A_459 : memref<1x125xi32, #tpu.memory_space<vmem>> -> memref<125xi32, #tpu.memory_space<vmem>>
        %dma_start3A_461 = arith.constant 0 : i32
        %dma_start3A_462 = arith.constant 0 : i32
        %dma_start3A_463 = tpu.memref_slice %arg10[%dma_start3A_461, %dma_start3A_462] : memref<10240x32xf32, #tpu.memory_space<vmem_shared>> -> memref<10240x32xf32, #tpu.memory_space<vmem_shared>>
        tpu.enqueue_indirect_dma source(%dma_start3A_457 : memref<125x32xf32, #tpu.memory_space<vmem>>) target(%dma_start3A_463 : memref<10240x32xf32, #tpu.memory_space<vmem_shared>>) offsets(%dma_start3A_460 : memref<125xi32, #tpu.memory_space<vmem>>) semaphore(%run_scoped3A_453 : memref<!tpu.dma_semaphore, #tpu.memory_space<semaphore_mem>>) {add = true}
        %dma_wait3A_464 = arith.constant 0 : i32
        %dma_wait3A_465 = arith.constant 0 : i32
        %dma_wait3A_466 = tpu.memref_slice %arg9[%run_scoped3A_439, %dma_wait3A_464, %dma_wait3A_465] : memref<8x125x32xf32, #tpu.memory_space<vmem>> -> memref<1x125x32xf32, #tpu.memory_space<vmem>>
        %dma_wait3A_467 = tpu.memref_squeeze %dma_wait3A_466 : memref<1x125x32xf32, #tpu.memory_space<vmem>> -> memref<125x32xf32, #tpu.memory_space<vmem>>
        %dma_wait3A_468 = arith.constant 0 : i32
        %dma_wait3A_469 = tpu.memref_slice %arg8[%add3A_427, %dma_wait3A_468] : memref<80x125xi32, #tpu.memory_space<vmem>> -> memref<1x125xi32, #tpu.memory_space<vmem>>
        %dma_wait3A_470 = tpu.memref_squeeze %dma_wait3A_469 : memref<1x125xi32, #tpu.memory_space<vmem>> -> memref<125xi32, #tpu.memory_space<vmem>>
        %dma_wait3A_471 = arith.constant 0 : i32
        %dma_wait3A_472 = arith.constant 0 : i32
        %dma_wait3A_473 = tpu.memref_slice %arg10[%dma_wait3A_471, %dma_wait3A_472] : memref<10240x32xf32, #tpu.memory_space<vmem_shared>> -> memref<10240x32xf32, #tpu.memory_space<vmem_shared>>
        tpu.wait_indirect_dma semaphore(%run_scoped3A_453 : memref<!tpu.dma_semaphore, #tpu.memory_space<semaphore_mem>>) src(%dma_wait3A_467 : memref<125x32xf32, #tpu.memory_space<vmem>>) dst(%dma_wait3A_473 : memref<10240x32xf32, #tpu.memory_space<vmem_shared>>)
        tpu.yield
      }) : () -> ()
      %add3A_440 = arith.constant 8 : i32
      %add3A_441 = arith.addi %add3A_427, %add3A_440 : i32
      %dma_start3A_442 = arith.constant 7 : i32
      %dma_start3A_443 = arith.constant 0 : i32
      %dma_start3A_444 = arith.constant 0 : i32
      %dma_start3A_445 = tpu.memref_slice %arg9[%dma_start3A_442, %dma_start3A_443, %dma_start3A_444] : memref<8x125x32xf32, #tpu.memory_space<vmem>> -> memref<1x125x32xf32, #tpu.memory_space<vmem>>
      %dma_start3A_446 = tpu.memref_squeeze %dma_start3A_445 : memref<1x125x32xf32, #tpu.memory_space<vmem>> -> memref<125x32xf32, #tpu.memory_space<vmem>>
      %dma_start3A_447 = arith.constant 0 : i32
      %dma_start3A_448 = tpu.memref_slice %arg7[%add3A_441, %dma_start3A_447] : memref<80x125xi32, #tpu.memory_space<vmem>> -> memref<1x125xi32, #tpu.memory_space<vmem>>
      %dma_start3A_449 = tpu.memref_squeeze %dma_start3A_448 : memref<1x125xi32, #tpu.memory_space<vmem>> -> memref<125xi32, #tpu.memory_space<vmem>>
      %dma_start3A_450 = arith.constant 0 : i32
      %dma_start3A_451 = arith.constant 0 : i32
      %dma_start3A_452 = tpu.memref_slice %arg2[%dma_start3A_450, %dma_start3A_451] : memref<51200x32xf32, #tpu.memory_space<hbm>> -> memref<51200x32xf32, #tpu.memory_space<hbm>>
      tpu.enqueue_indirect_dma source(%dma_start3A_452 : memref<51200x32xf32, #tpu.memory_space<hbm>>) target(%dma_start3A_446 : memref<125x32xf32, #tpu.memory_space<vmem>>) offsets(%dma_start3A_449 : memref<125xi32, #tpu.memory_space<vmem>>) semaphore(%arg18 : memref<!tpu.dma_semaphore, #tpu.memory_space<semaphore_mem>>)
    }
    %scan3A_104 = arith.constant 9 : i32
    %dma_wait3A = arith.constant 72 : i32
    %dma_wait3A_105 = arith.constant 0 : i32
    %dma_wait3A_106 = arith.constant 0 : i32
    %dma_wait3A_107 = arith.constant 0 : i32
    %dma_wait3A_108 = tpu.memref_slice %arg9[%dma_wait3A_105, %dma_wait3A_106, %dma_wait3A_107] : memref<8x125x32xf32, #tpu.memory_space<vmem>> -> memref<1x125x32xf32, #tpu.memory_space<vmem>>
    %dma_wait3A_109 = tpu.memref_squeeze %dma_wait3A_108 : memref<1x125x32xf32, #tpu.memory_space<vmem>> -> memref<125x32xf32, #tpu.memory_space<vmem>>
    %dma_wait3A_110 = arith.constant 0 : i32
    %dma_wait3A_111 = tpu.memref_slice %arg7[%dma_wait3A, %dma_wait3A_110] : memref<80x125xi32, #tpu.memory_space<vmem>> -> memref<1x125xi32, #tpu.memory_space<vmem>>
    %dma_wait3A_112 = tpu.memref_squeeze %dma_wait3A_111 : memref<1x125xi32, #tpu.memory_space<vmem>> -> memref<125xi32, #tpu.memory_space<vmem>>
    %dma_wait3A_113 = arith.constant 0 : i32
    %dma_wait3A_114 = arith.constant 0 : i32
    %dma_wait3A_115 = tpu.memref_slice %arg2[%dma_wait3A_113, %dma_wait3A_114] : memref<51200x32xf32, #tpu.memory_space<hbm>> -> memref<51200x32xf32, #tpu.memory_space<hbm>>
    tpu.wait_indirect_dma semaphore(%arg11 : memref<!tpu.dma_semaphore, #tpu.memory_space<semaphore_mem>>) src(%dma_wait3A_115 : memref<51200x32xf32, #tpu.memory_space<hbm>>) dst(%dma_wait3A_109 : memref<125x32xf32, #tpu.memory_space<vmem>>)
    %run_scoped3A = arith.constant 0 : i32
    %run_scoped3A_116 = arith.constant 72 : i32
    "tpu.region"() ({
      %run_scoped3A_220 = tpu.sem_alloc : memref<!tpu.dma_semaphore, #tpu.memory_space<semaphore_mem>>
      %dma_start3A_221 = arith.constant 0 : i32
      %dma_start3A_222 = arith.constant 0 : i32
      %dma_start3A_223 = tpu.memref_slice %arg9[%run_scoped3A, %dma_start3A_221, %dma_start3A_222] : memref<8x125x32xf32, #tpu.memory_space<vmem>> -> memref<1x125x32xf32, #tpu.memory_space<vmem>>
      %dma_start3A_224 = tpu.memref_squeeze %dma_start3A_223 : memref<1x125x32xf32, #tpu.memory_space<vmem>> -> memref<125x32xf32, #tpu.memory_space<vmem>>
      %dma_start3A_225 = arith.constant 0 : i32
      %dma_start3A_226 = tpu.memref_slice %arg8[%run_scoped3A_116, %dma_start3A_225] : memref<80x125xi32, #tpu.memory_space<vmem>> -> memref<1x125xi32, #tpu.memory_space<vmem>>
      %dma_start3A_227 = tpu.memref_squeeze %dma_start3A_226 : memref<1x125xi32, #tpu.memory_space<vmem>> -> memref<125xi32, #tpu.memory_space<vmem>>
      %dma_start3A_228 = arith.constant 0 : i32
      %dma_start3A_229 = arith.constant 0 : i32
      %dma_start3A_230 = tpu.memref_slice %arg10[%dma_start3A_228, %dma_start3A_229] : memref<10240x32xf32, #tpu.memory_space<vmem_shared>> -> memref<10240x32xf32, #tpu.memory_space<vmem_shared>>
      tpu.enqueue_indirect_dma source(%dma_start3A_224 : memref<125x32xf32, #tpu.memory_space<vmem>>) target(%dma_start3A_230 : memref<10240x32xf32, #tpu.memory_space<vmem_shared>>) offsets(%dma_start3A_227 : memref<125xi32, #tpu.memory_space<vmem>>) semaphore(%run_scoped3A_220 : memref<!tpu.dma_semaphore, #tpu.memory_space<semaphore_mem>>) {add = true}
      %dma_wait3A_231 = arith.constant 0 : i32
      %dma_wait3A_232 = arith.constant 0 : i32
      %dma_wait3A_233 = tpu.memref_slice %arg9[%run_scoped3A, %dma_wait3A_231, %dma_wait3A_232] : memref<8x125x32xf32, #tpu.memory_space<vmem>> -> memref<1x125x32xf32, #tpu.memory_space<vmem>>
      %dma_wait3A_234 = tpu.memref_squeeze %dma_wait3A_233 : memref<1x125x32xf32, #tpu.memory_space<vmem>> -> memref<125x32xf32, #tpu.memory_space<vmem>>
      %dma_wait3A_235 = arith.constant 0 : i32
      %dma_wait3A_236 = tpu.memref_slice %arg8[%run_scoped3A_116, %dma_wait3A_235] : memref<80x125xi32, #tpu.memory_space<vmem>> -> memref<1x125xi32, #tpu.memory_space<vmem>>
      %dma_wait3A_237 = tpu.memref_squeeze %dma_wait3A_236 : memref<1x125xi32, #tpu.memory_space<vmem>> -> memref<125xi32, #tpu.memory_space<vmem>>
      %dma_wait3A_238 = arith.constant 0 : i32
      %dma_wait3A_239 = arith.constant 0 : i32
      %dma_wait3A_240 = tpu.memref_slice %arg10[%dma_wait3A_238, %dma_wait3A_239] : memref<10240x32xf32, #tpu.memory_space<vmem_shared>> -> memref<10240x32xf32, #tpu.memory_space<vmem_shared>>
      tpu.wait_indirect_dma semaphore(%run_scoped3A_220 : memref<!tpu.dma_semaphore, #tpu.memory_space<semaphore_mem>>) src(%dma_wait3A_234 : memref<125x32xf32, #tpu.memory_space<vmem>>) dst(%dma_wait3A_240 : memref<10240x32xf32, #tpu.memory_space<vmem_shared>>)
      tpu.yield
    }) : () -> ()
    %dma_wait3A_117 = arith.constant 73 : i32
    %dma_wait3A_118 = arith.constant 1 : i32
    %dma_wait3A_119 = arith.constant 0 : i32
    %dma_wait3A_120 = arith.constant 0 : i32
    %dma_wait3A_121 = tpu.memref_slice %arg9[%dma_wait3A_118, %dma_wait3A_119, %dma_wait3A_120] : memref<8x125x32xf32, #tpu.memory_space<vmem>> -> memref<1x125x32xf32, #tpu.memory_space<vmem>>
    %dma_wait3A_122 = tpu.memref_squeeze %dma_wait3A_121 : memref<1x125x32xf32, #tpu.memory_space<vmem>> -> memref<125x32xf32, #tpu.memory_space<vmem>>
    %dma_wait3A_123 = arith.constant 0 : i32
    %dma_wait3A_124 = tpu.memref_slice %arg7[%dma_wait3A_117, %dma_wait3A_123] : memref<80x125xi32, #tpu.memory_space<vmem>> -> memref<1x125xi32, #tpu.memory_space<vmem>>
    %dma_wait3A_125 = tpu.memref_squeeze %dma_wait3A_124 : memref<1x125xi32, #tpu.memory_space<vmem>> -> memref<125xi32, #tpu.memory_space<vmem>>
    %dma_wait3A_126 = arith.constant 0 : i32
    %dma_wait3A_127 = arith.constant 0 : i32
    %dma_wait3A_128 = tpu.memref_slice %arg2[%dma_wait3A_126, %dma_wait3A_127] : memref<51200x32xf32, #tpu.memory_space<hbm>> -> memref<51200x32xf32, #tpu.memory_space<hbm>>
    tpu.wait_indirect_dma semaphore(%arg12 : memref<!tpu.dma_semaphore, #tpu.memory_space<semaphore_mem>>) src(%dma_wait3A_128 : memref<51200x32xf32, #tpu.memory_space<hbm>>) dst(%dma_wait3A_122 : memref<125x32xf32, #tpu.memory_space<vmem>>)
    %run_scoped3A_129 = arith.constant 1 : i32
    %run_scoped3A_130 = arith.constant 73 : i32
    "tpu.region"() ({
      %run_scoped3A_220 = tpu.sem_alloc : memref<!tpu.dma_semaphore, #tpu.memory_space<semaphore_mem>>
      %dma_start3A_221 = arith.constant 0 : i32
      %dma_start3A_222 = arith.constant 0 : i32
      %dma_start3A_223 = tpu.memref_slice %arg9[%run_scoped3A_129, %dma_start3A_221, %dma_start3A_222] : memref<8x125x32xf32, #tpu.memory_space<vmem>> -> memref<1x125x32xf32, #tpu.memory_space<vmem>>
      %dma_start3A_224 = tpu.memref_squeeze %dma_start3A_223 : memref<1x125x32xf32, #tpu.memory_space<vmem>> -> memref<125x32xf32, #tpu.memory_space<vmem>>
      %dma_start3A_225 = arith.constant 0 : i32
      %dma_start3A_226 = tpu.memref_slice %arg8[%run_scoped3A_130, %dma_start3A_225] : memref<80x125xi32, #tpu.memory_space<vmem>> -> memref<1x125xi32, #tpu.memory_space<vmem>>
      %dma_start3A_227 = tpu.memref_squeeze %dma_start3A_226 : memref<1x125xi32, #tpu.memory_space<vmem>> -> memref<125xi32, #tpu.memory_space<vmem>>
      %dma_start3A_228 = arith.constant 0 : i32
      %dma_start3A_229 = arith.constant 0 : i32
      %dma_start3A_230 = tpu.memref_slice %arg10[%dma_start3A_228, %dma_start3A_229] : memref<10240x32xf32, #tpu.memory_space<vmem_shared>> -> memref<10240x32xf32, #tpu.memory_space<vmem_shared>>
      tpu.enqueue_indirect_dma source(%dma_start3A_224 : memref<125x32xf32, #tpu.memory_space<vmem>>) target(%dma_start3A_230 : memref<10240x32xf32, #tpu.memory_space<vmem_shared>>) offsets(%dma_start3A_227 : memref<125xi32, #tpu.memory_space<vmem>>) semaphore(%run_scoped3A_220 : memref<!tpu.dma_semaphore, #tpu.memory_space<semaphore_mem>>) {add = true}
      %dma_wait3A_231 = arith.constant 0 : i32
      %dma_wait3A_232 = arith.constant 0 : i32
      %dma_wait3A_233 = tpu.memref_slice %arg9[%run_scoped3A_129, %dma_wait3A_231, %dma_wait3A_232] : memref<8x125x32xf32, #tpu.memory_space<vmem>> -> memref<1x125x32xf32, #tpu.memory_space<vmem>>
      %dma_wait3A_234 = tpu.memref_squeeze %dma_wait3A_233 : memref<1x125x32xf32, #tpu.memory_space<vmem>> -> memref<125x32xf32, #tpu.memory_space<vmem>>
      %dma_wait3A_235 = arith.constant 0 : i32
      %dma_wait3A_236 = tpu.memref_slice %arg8[%run_scoped3A_130, %dma_wait3A_235] : memref<80x125xi32, #tpu.memory_space<vmem>> -> memref<1x125xi32, #tpu.memory_space<vmem>>
      %dma_wait3A_237 = tpu.memref_squeeze %dma_wait3A_236 : memref<1x125xi32, #tpu.memory_space<vmem>> -> memref<125xi32, #tpu.memory_space<vmem>>
      %dma_wait3A_238 = arith.constant 0 : i32
      %dma_wait3A_239 = arith.constant 0 : i32
      %dma_wait3A_240 = tpu.memref_slice %arg10[%dma_wait3A_238, %dma_wait3A_239] : memref<10240x32xf32, #tpu.memory_space<vmem_shared>> -> memref<10240x32xf32, #tpu.memory_space<vmem_shared>>
      tpu.wait_indirect_dma semaphore(%run_scoped3A_220 : memref<!tpu.dma_semaphore, #tpu.memory_space<semaphore_mem>>) src(%dma_wait3A_234 : memref<125x32xf32, #tpu.memory_space<vmem>>) dst(%dma_wait3A_240 : memref<10240x32xf32, #tpu.memory_space<vmem_shared>>)
      tpu.yield
    }) : () -> ()
    %dma_wait3A_131 = arith.constant 74 : i32
    %dma_wait3A_132 = arith.constant 2 : i32
    %dma_wait3A_133 = arith.constant 0 : i32
    %dma_wait3A_134 = arith.constant 0 : i32
    %dma_wait3A_135 = tpu.memref_slice %arg9[%dma_wait3A_132, %dma_wait3A_133, %dma_wait3A_134] : memref<8x125x32xf32, #tpu.memory_space<vmem>> -> memref<1x125x32xf32, #tpu.memory_space<vmem>>
    %dma_wait3A_136 = tpu.memref_squeeze %dma_wait3A_135 : memref<1x125x32xf32, #tpu.memory_space<vmem>> -> memref<125x32xf32, #tpu.memory_space<vmem>>
    %dma_wait3A_137 = arith.constant 0 : i32
    %dma_wait3A_138 = tpu.memref_slice %arg7[%dma_wait3A_131, %dma_wait3A_137] : memref<80x125xi32, #tpu.memory_space<vmem>> -> memref<1x125xi32, #tpu.memory_space<vmem>>
    %dma_wait3A_139 = tpu.memref_squeeze %dma_wait3A_138 : memref<1x125xi32, #tpu.memory_space<vmem>> -> memref<125xi32, #tpu.memory_space<vmem>>
    %dma_wait3A_140 = arith.constant 0 : i32
    %dma_wait3A_141 = arith.constant 0 : i32
    %dma_wait3A_142 = tpu.memref_slice %arg2[%dma_wait3A_140, %dma_wait3A_141] : memref<51200x32xf32, #tpu.memory_space<hbm>> -> memref<51200x32xf32, #tpu.memory_space<hbm>>
    tpu.wait_indirect_dma semaphore(%arg13 : memref<!tpu.dma_semaphore, #tpu.memory_space<semaphore_mem>>) src(%dma_wait3A_142 : memref<51200x32xf32, #tpu.memory_space<hbm>>) dst(%dma_wait3A_136 : memref<125x32xf32, #tpu.memory_space<vmem>>)
    %run_scoped3A_143 = arith.constant 2 : i32
    %run_scoped3A_144 = arith.constant 74 : i32
    "tpu.region"() ({
      %run_scoped3A_220 = tpu.sem_alloc : memref<!tpu.dma_semaphore, #tpu.memory_space<semaphore_mem>>
      %dma_start3A_221 = arith.constant 0 : i32
      %dma_start3A_222 = arith.constant 0 : i32
      %dma_start3A_223 = tpu.memref_slice %arg9[%run_scoped3A_143, %dma_start3A_221, %dma_start3A_222] : memref<8x125x32xf32, #tpu.memory_space<vmem>> -> memref<1x125x32xf32, #tpu.memory_space<vmem>>
      %dma_start3A_224 = tpu.memref_squeeze %dma_start3A_223 : memref<1x125x32xf32, #tpu.memory_space<vmem>> -> memref<125x32xf32, #tpu.memory_space<vmem>>
      %dma_start3A_225 = arith.constant 0 : i32
      %dma_start3A_226 = tpu.memref_slice %arg8[%run_scoped3A_144, %dma_start3A_225] : memref<80x125xi32, #tpu.memory_space<vmem>> -> memref<1x125xi32, #tpu.memory_space<vmem>>
      %dma_start3A_227 = tpu.memref_squeeze %dma_start3A_226 : memref<1x125xi32, #tpu.memory_space<vmem>> -> memref<125xi32, #tpu.memory_space<vmem>>
      %dma_start3A_228 = arith.constant 0 : i32
      %dma_start3A_229 = arith.constant 0 : i32
      %dma_start3A_230 = tpu.memref_slice %arg10[%dma_start3A_228, %dma_start3A_229] : memref<10240x32xf32, #tpu.memory_space<vmem_shared>> -> memref<10240x32xf32, #tpu.memory_space<vmem_shared>>
      tpu.enqueue_indirect_dma source(%dma_start3A_224 : memref<125x32xf32, #tpu.memory_space<vmem>>) target(%dma_start3A_230 : memref<10240x32xf32, #tpu.memory_space<vmem_shared>>) offsets(%dma_start3A_227 : memref<125xi32, #tpu.memory_space<vmem>>) semaphore(%run_scoped3A_220 : memref<!tpu.dma_semaphore, #tpu.memory_space<semaphore_mem>>) {add = true}
      %dma_wait3A_231 = arith.constant 0 : i32
      %dma_wait3A_232 = arith.constant 0 : i32
      %dma_wait3A_233 = tpu.memref_slice %arg9[%run_scoped3A_143, %dma_wait3A_231, %dma_wait3A_232] : memref<8x125x32xf32, #tpu.memory_space<vmem>> -> memref<1x125x32xf32, #tpu.memory_space<vmem>>
      %dma_wait3A_234 = tpu.memref_squeeze %dma_wait3A_233 : memref<1x125x32xf32, #tpu.memory_space<vmem>> -> memref<125x32xf32, #tpu.memory_space<vmem>>
      %dma_wait3A_235 = arith.constant 0 : i32
      %dma_wait3A_236 = tpu.memref_slice %arg8[%run_scoped3A_144, %dma_wait3A_235] : memref<80x125xi32, #tpu.memory_space<vmem>> -> memref<1x125xi32, #tpu.memory_space<vmem>>
      %dma_wait3A_237 = tpu.memref_squeeze %dma_wait3A_236 : memref<1x125xi32, #tpu.memory_space<vmem>> -> memref<125xi32, #tpu.memory_space<vmem>>
      %dma_wait3A_238 = arith.constant 0 : i32
      %dma_wait3A_239 = arith.constant 0 : i32
      %dma_wait3A_240 = tpu.memref_slice %arg10[%dma_wait3A_238, %dma_wait3A_239] : memref<10240x32xf32, #tpu.memory_space<vmem_shared>> -> memref<10240x32xf32, #tpu.memory_space<vmem_shared>>
      tpu.wait_indirect_dma semaphore(%run_scoped3A_220 : memref<!tpu.dma_semaphore, #tpu.memory_space<semaphore_mem>>) src(%dma_wait3A_234 : memref<125x32xf32, #tpu.memory_space<vmem>>) dst(%dma_wait3A_240 : memref<10240x32xf32, #tpu.memory_space<vmem_shared>>)
      tpu.yield
    }) : () -> ()
    %dma_wait3A_145 = arith.constant 75 : i32
    %dma_wait3A_146 = arith.constant 3 : i32
    %dma_wait3A_147 = arith.constant 0 : i32
    %dma_wait3A_148 = arith.constant 0 : i32
    %dma_wait3A_149 = tpu.memref_slice %arg9[%dma_wait3A_146, %dma_wait3A_147, %dma_wait3A_148] : memref<8x125x32xf32, #tpu.memory_space<vmem>> -> memref<1x125x32xf32, #tpu.memory_space<vmem>>
    %dma_wait3A_150 = tpu.memref_squeeze %dma_wait3A_149 : memref<1x125x32xf32, #tpu.memory_space<vmem>> -> memref<125x32xf32, #tpu.memory_space<vmem>>
    %dma_wait3A_151 = arith.constant 0 : i32
    %dma_wait3A_152 = tpu.memref_slice %arg7[%dma_wait3A_145, %dma_wait3A_151] : memref<80x125xi32, #tpu.memory_space<vmem>> -> memref<1x125xi32, #tpu.memory_space<vmem>>
    %dma_wait3A_153 = tpu.memref_squeeze %dma_wait3A_152 : memref<1x125xi32, #tpu.memory_space<vmem>> -> memref<125xi32, #tpu.memory_space<vmem>>
    %dma_wait3A_154 = arith.constant 0 : i32
    %dma_wait3A_155 = arith.constant 0 : i32
    %dma_wait3A_156 = tpu.memref_slice %arg2[%dma_wait3A_154, %dma_wait3A_155] : memref<51200x32xf32, #tpu.memory_space<hbm>> -> memref<51200x32xf32, #tpu.memory_space<hbm>>
    tpu.wait_indirect_dma semaphore(%arg14 : memref<!tpu.dma_semaphore, #tpu.memory_space<semaphore_mem>>) src(%dma_wait3A_156 : memref<51200x32xf32, #tpu.memory_space<hbm>>) dst(%dma_wait3A_150 : memref<125x32xf32, #tpu.memory_space<vmem>>)
    %run_scoped3A_157 = arith.constant 3 : i32
    %run_scoped3A_158 = arith.constant 75 : i32
    "tpu.region"() ({
      %run_scoped3A_220 = tpu.sem_alloc : memref<!tpu.dma_semaphore, #tpu.memory_space<semaphore_mem>>
      %dma_start3A_221 = arith.constant 0 : i32
      %dma_start3A_222 = arith.constant 0 : i32
      %dma_start3A_223 = tpu.memref_slice %arg9[%run_scoped3A_157, %dma_start3A_221, %dma_start3A_222] : memref<8x125x32xf32, #tpu.memory_space<vmem>> -> memref<1x125x32xf32, #tpu.memory_space<vmem>>
      %dma_start3A_224 = tpu.memref_squeeze %dma_start3A_223 : memref<1x125x32xf32, #tpu.memory_space<vmem>> -> memref<125x32xf32, #tpu.memory_space<vmem>>
      %dma_start3A_225 = arith.constant 0 : i32
      %dma_start3A_226 = tpu.memref_slice %arg8[%run_scoped3A_158, %dma_start3A_225] : memref<80x125xi32, #tpu.memory_space<vmem>> -> memref<1x125xi32, #tpu.memory_space<vmem>>
      %dma_start3A_227 = tpu.memref_squeeze %dma_start3A_226 : memref<1x125xi32, #tpu.memory_space<vmem>> -> memref<125xi32, #tpu.memory_space<vmem>>
      %dma_start3A_228 = arith.constant 0 : i32
      %dma_start3A_229 = arith.constant 0 : i32
      %dma_start3A_230 = tpu.memref_slice %arg10[%dma_start3A_228, %dma_start3A_229] : memref<10240x32xf32, #tpu.memory_space<vmem_shared>> -> memref<10240x32xf32, #tpu.memory_space<vmem_shared>>
      tpu.enqueue_indirect_dma source(%dma_start3A_224 : memref<125x32xf32, #tpu.memory_space<vmem>>) target(%dma_start3A_230 : memref<10240x32xf32, #tpu.memory_space<vmem_shared>>) offsets(%dma_start3A_227 : memref<125xi32, #tpu.memory_space<vmem>>) semaphore(%run_scoped3A_220 : memref<!tpu.dma_semaphore, #tpu.memory_space<semaphore_mem>>) {add = true}
      %dma_wait3A_231 = arith.constant 0 : i32
      %dma_wait3A_232 = arith.constant 0 : i32
      %dma_wait3A_233 = tpu.memref_slice %arg9[%run_scoped3A_157, %dma_wait3A_231, %dma_wait3A_232] : memref<8x125x32xf32, #tpu.memory_space<vmem>> -> memref<1x125x32xf32, #tpu.memory_space<vmem>>
      %dma_wait3A_234 = tpu.memref_squeeze %dma_wait3A_233 : memref<1x125x32xf32, #tpu.memory_space<vmem>> -> memref<125x32xf32, #tpu.memory_space<vmem>>
      %dma_wait3A_235 = arith.constant 0 : i32
      %dma_wait3A_236 = tpu.memref_slice %arg8[%run_scoped3A_158, %dma_wait3A_235] : memref<80x125xi32, #tpu.memory_space<vmem>> -> memref<1x125xi32, #tpu.memory_space<vmem>>
      %dma_wait3A_237 = tpu.memref_squeeze %dma_wait3A_236 : memref<1x125xi32, #tpu.memory_space<vmem>> -> memref<125xi32, #tpu.memory_space<vmem>>
      %dma_wait3A_238 = arith.constant 0 : i32
      %dma_wait3A_239 = arith.constant 0 : i32
      %dma_wait3A_240 = tpu.memref_slice %arg10[%dma_wait3A_238, %dma_wait3A_239] : memref<10240x32xf32, #tpu.memory_space<vmem_shared>> -> memref<10240x32xf32, #tpu.memory_space<vmem_shared>>
      tpu.wait_indirect_dma semaphore(%run_scoped3A_220 : memref<!tpu.dma_semaphore, #tpu.memory_space<semaphore_mem>>) src(%dma_wait3A_234 : memref<125x32xf32, #tpu.memory_space<vmem>>) dst(%dma_wait3A_240 : memref<10240x32xf32, #tpu.memory_space<vmem_shared>>)
      tpu.yield
    }) : () -> ()
    %dma_wait3A_159 = arith.constant 76 : i32
    %dma_wait3A_160 = arith.constant 4 : i32
    %dma_wait3A_161 = arith.constant 0 : i32
    %dma_wait3A_162 = arith.constant 0 : i32
    %dma_wait3A_163 = tpu.memref_slice %arg9[%dma_wait3A_160, %dma_wait3A_161, %dma_wait3A_162] : memref<8x125x32xf32, #tpu.memory_space<vmem>> -> memref<1x125x32xf32, #tpu.memory_space<vmem>>
    %dma_wait3A_164 = tpu.memref_squeeze %dma_wait3A_163 : memref<1x125x32xf32, #tpu.memory_space<vmem>> -> memref<125x32xf32, #tpu.memory_space<vmem>>
    %dma_wait3A_165 = arith.constant 0 : i32
    %dma_wait3A_166 = tpu.memref_slice %arg7[%dma_wait3A_159, %dma_wait3A_165] : memref<80x125xi32, #tpu.memory_space<vmem>> -> memref<1x125xi32, #tpu.memory_space<vmem>>
    %dma_wait3A_167 = tpu.memref_squeeze %dma_wait3A_166 : memref<1x125xi32, #tpu.memory_space<vmem>> -> memref<125xi32, #tpu.memory_space<vmem>>
    %dma_wait3A_168 = arith.constant 0 : i32
    %dma_wait3A_169 = arith.constant 0 : i32
    %dma_wait3A_170 = tpu.memref_slice %arg2[%dma_wait3A_168, %dma_wait3A_169] : memref<51200x32xf32, #tpu.memory_space<hbm>> -> memref<51200x32xf32, #tpu.memory_space<hbm>>
    tpu.wait_indirect_dma semaphore(%arg15 : memref<!tpu.dma_semaphore, #tpu.memory_space<semaphore_mem>>) src(%dma_wait3A_170 : memref<51200x32xf32, #tpu.memory_space<hbm>>) dst(%dma_wait3A_164 : memref<125x32xf32, #tpu.memory_space<vmem>>)
    %run_scoped3A_171 = arith.constant 4 : i32
    %run_scoped3A_172 = arith.constant 76 : i32
    "tpu.region"() ({
      %run_scoped3A_220 = tpu.sem_alloc : memref<!tpu.dma_semaphore, #tpu.memory_space<semaphore_mem>>
      %dma_start3A_221 = arith.constant 0 : i32
      %dma_start3A_222 = arith.constant 0 : i32
      %dma_start3A_223 = tpu.memref_slice %arg9[%run_scoped3A_171, %dma_start3A_221, %dma_start3A_222] : memref<8x125x32xf32, #tpu.memory_space<vmem>> -> memref<1x125x32xf32, #tpu.memory_space<vmem>>
      %dma_start3A_224 = tpu.memref_squeeze %dma_start3A_223 : memref<1x125x32xf32, #tpu.memory_space<vmem>> -> memref<125x32xf32, #tpu.memory_space<vmem>>
      %dma_start3A_225 = arith.constant 0 : i32
      %dma_start3A_226 = tpu.memref_slice %arg8[%run_scoped3A_172, %dma_start3A_225] : memref<80x125xi32, #tpu.memory_space<vmem>> -> memref<1x125xi32, #tpu.memory_space<vmem>>
      %dma_start3A_227 = tpu.memref_squeeze %dma_start3A_226 : memref<1x125xi32, #tpu.memory_space<vmem>> -> memref<125xi32, #tpu.memory_space<vmem>>
      %dma_start3A_228 = arith.constant 0 : i32
      %dma_start3A_229 = arith.constant 0 : i32
      %dma_start3A_230 = tpu.memref_slice %arg10[%dma_start3A_228, %dma_start3A_229] : memref<10240x32xf32, #tpu.memory_space<vmem_shared>> -> memref<10240x32xf32, #tpu.memory_space<vmem_shared>>
      tpu.enqueue_indirect_dma source(%dma_start3A_224 : memref<125x32xf32, #tpu.memory_space<vmem>>) target(%dma_start3A_230 : memref<10240x32xf32, #tpu.memory_space<vmem_shared>>) offsets(%dma_start3A_227 : memref<125xi32, #tpu.memory_space<vmem>>) semaphore(%run_scoped3A_220 : memref<!tpu.dma_semaphore, #tpu.memory_space<semaphore_mem>>) {add = true}
      %dma_wait3A_231 = arith.constant 0 : i32
      %dma_wait3A_232 = arith.constant 0 : i32
      %dma_wait3A_233 = tpu.memref_slice %arg9[%run_scoped3A_171, %dma_wait3A_231, %dma_wait3A_232] : memref<8x125x32xf32, #tpu.memory_space<vmem>> -> memref<1x125x32xf32, #tpu.memory_space<vmem>>
      %dma_wait3A_234 = tpu.memref_squeeze %dma_wait3A_233 : memref<1x125x32xf32, #tpu.memory_space<vmem>> -> memref<125x32xf32, #tpu.memory_space<vmem>>
      %dma_wait3A_235 = arith.constant 0 : i32
      %dma_wait3A_236 = tpu.memref_slice %arg8[%run_scoped3A_172, %dma_wait3A_235] : memref<80x125xi32, #tpu.memory_space<vmem>> -> memref<1x125xi32, #tpu.memory_space<vmem>>
      %dma_wait3A_237 = tpu.memref_squeeze %dma_wait3A_236 : memref<1x125xi32, #tpu.memory_space<vmem>> -> memref<125xi32, #tpu.memory_space<vmem>>
      %dma_wait3A_238 = arith.constant 0 : i32
      %dma_wait3A_239 = arith.constant 0 : i32
      %dma_wait3A_240 = tpu.memref_slice %arg10[%dma_wait3A_238, %dma_wait3A_239] : memref<10240x32xf32, #tpu.memory_space<vmem_shared>> -> memref<10240x32xf32, #tpu.memory_space<vmem_shared>>
      tpu.wait_indirect_dma semaphore(%run_scoped3A_220 : memref<!tpu.dma_semaphore, #tpu.memory_space<semaphore_mem>>) src(%dma_wait3A_234 : memref<125x32xf32, #tpu.memory_space<vmem>>) dst(%dma_wait3A_240 : memref<10240x32xf32, #tpu.memory_space<vmem_shared>>)
      tpu.yield
    }) : () -> ()
    %dma_wait3A_173 = arith.constant 77 : i32
    %dma_wait3A_174 = arith.constant 5 : i32
    %dma_wait3A_175 = arith.constant 0 : i32
    %dma_wait3A_176 = arith.constant 0 : i32
    %dma_wait3A_177 = tpu.memref_slice %arg9[%dma_wait3A_174, %dma_wait3A_175, %dma_wait3A_176] : memref<8x125x32xf32, #tpu.memory_space<vmem>> -> memref<1x125x32xf32, #tpu.memory_space<vmem>>
    %dma_wait3A_178 = tpu.memref_squeeze %dma_wait3A_177 : memref<1x125x32xf32, #tpu.memory_space<vmem>> -> memref<125x32xf32, #tpu.memory_space<vmem>>
    %dma_wait3A_179 = arith.constant 0 : i32
    %dma_wait3A_180 = tpu.memref_slice %arg7[%dma_wait3A_173, %dma_wait3A_179] : memref<80x125xi32, #tpu.memory_space<vmem>> -> memref<1x125xi32, #tpu.memory_space<vmem>>
    %dma_wait3A_181 = tpu.memref_squeeze %dma_wait3A_180 : memref<1x125xi32, #tpu.memory_space<vmem>> -> memref<125xi32, #tpu.memory_space<vmem>>
    %dma_wait3A_182 = arith.constant 0 : i32
    %dma_wait3A_183 = arith.constant 0 : i32
    %dma_wait3A_184 = tpu.memref_slice %arg2[%dma_wait3A_182, %dma_wait3A_183] : memref<51200x32xf32, #tpu.memory_space<hbm>> -> memref<51200x32xf32, #tpu.memory_space<hbm>>
    tpu.wait_indirect_dma semaphore(%arg16 : memref<!tpu.dma_semaphore, #tpu.memory_space<semaphore_mem>>) src(%dma_wait3A_184 : memref<51200x32xf32, #tpu.memory_space<hbm>>) dst(%dma_wait3A_178 : memref<125x32xf32, #tpu.memory_space<vmem>>)
    %run_scoped3A_185 = arith.constant 5 : i32
    %run_scoped3A_186 = arith.constant 77 : i32
    "tpu.region"() ({
      %run_scoped3A_220 = tpu.sem_alloc : memref<!tpu.dma_semaphore, #tpu.memory_space<semaphore_mem>>
      %dma_start3A_221 = arith.constant 0 : i32
      %dma_start3A_222 = arith.constant 0 : i32
      %dma_start3A_223 = tpu.memref_slice %arg9[%run_scoped3A_185, %dma_start3A_221, %dma_start3A_222] : memref<8x125x32xf32, #tpu.memory_space<vmem>> -> memref<1x125x32xf32, #tpu.memory_space<vmem>>
      %dma_start3A_224 = tpu.memref_squeeze %dma_start3A_223 : memref<1x125x32xf32, #tpu.memory_space<vmem>> -> memref<125x32xf32, #tpu.memory_space<vmem>>
      %dma_start3A_225 = arith.constant 0 : i32
      %dma_start3A_226 = tpu.memref_slice %arg8[%run_scoped3A_186, %dma_start3A_225] : memref<80x125xi32, #tpu.memory_space<vmem>> -> memref<1x125xi32, #tpu.memory_space<vmem>>
      %dma_start3A_227 = tpu.memref_squeeze %dma_start3A_226 : memref<1x125xi32, #tpu.memory_space<vmem>> -> memref<125xi32, #tpu.memory_space<vmem>>
      %dma_start3A_228 = arith.constant 0 : i32
      %dma_start3A_229 = arith.constant 0 : i32
      %dma_start3A_230 = tpu.memref_slice %arg10[%dma_start3A_228, %dma_start3A_229] : memref<10240x32xf32, #tpu.memory_space<vmem_shared>> -> memref<10240x32xf32, #tpu.memory_space<vmem_shared>>
      tpu.enqueue_indirect_dma source(%dma_start3A_224 : memref<125x32xf32, #tpu.memory_space<vmem>>) target(%dma_start3A_230 : memref<10240x32xf32, #tpu.memory_space<vmem_shared>>) offsets(%dma_start3A_227 : memref<125xi32, #tpu.memory_space<vmem>>) semaphore(%run_scoped3A_220 : memref<!tpu.dma_semaphore, #tpu.memory_space<semaphore_mem>>) {add = true}
      %dma_wait3A_231 = arith.constant 0 : i32
      %dma_wait3A_232 = arith.constant 0 : i32
      %dma_wait3A_233 = tpu.memref_slice %arg9[%run_scoped3A_185, %dma_wait3A_231, %dma_wait3A_232] : memref<8x125x32xf32, #tpu.memory_space<vmem>> -> memref<1x125x32xf32, #tpu.memory_space<vmem>>
      %dma_wait3A_234 = tpu.memref_squeeze %dma_wait3A_233 : memref<1x125x32xf32, #tpu.memory_space<vmem>> -> memref<125x32xf32, #tpu.memory_space<vmem>>
      %dma_wait3A_235 = arith.constant 0 : i32
      %dma_wait3A_236 = tpu.memref_slice %arg8[%run_scoped3A_186, %dma_wait3A_235] : memref<80x125xi32, #tpu.memory_space<vmem>> -> memref<1x125xi32, #tpu.memory_space<vmem>>
      %dma_wait3A_237 = tpu.memref_squeeze %dma_wait3A_236 : memref<1x125xi32, #tpu.memory_space<vmem>> -> memref<125xi32, #tpu.memory_space<vmem>>
      %dma_wait3A_238 = arith.constant 0 : i32
      %dma_wait3A_239 = arith.constant 0 : i32
      %dma_wait3A_240 = tpu.memref_slice %arg10[%dma_wait3A_238, %dma_wait3A_239] : memref<10240x32xf32, #tpu.memory_space<vmem_shared>> -> memref<10240x32xf32, #tpu.memory_space<vmem_shared>>
      tpu.wait_indirect_dma semaphore(%run_scoped3A_220 : memref<!tpu.dma_semaphore, #tpu.memory_space<semaphore_mem>>) src(%dma_wait3A_234 : memref<125x32xf32, #tpu.memory_space<vmem>>) dst(%dma_wait3A_240 : memref<10240x32xf32, #tpu.memory_space<vmem_shared>>)
      tpu.yield
    }) : () -> ()
    %dma_wait3A_187 = arith.constant 78 : i32
    %dma_wait3A_188 = arith.constant 6 : i32
    %dma_wait3A_189 = arith.constant 0 : i32
    %dma_wait3A_190 = arith.constant 0 : i32
    %dma_wait3A_191 = tpu.memref_slice %arg9[%dma_wait3A_188, %dma_wait3A_189, %dma_wait3A_190] : memref<8x125x32xf32, #tpu.memory_space<vmem>> -> memref<1x125x32xf32, #tpu.memory_space<vmem>>
    %dma_wait3A_192 = tpu.memref_squeeze %dma_wait3A_191 : memref<1x125x32xf32, #tpu.memory_space<vmem>> -> memref<125x32xf32, #tpu.memory_space<vmem>>
    %dma_wait3A_193 = arith.constant 0 : i32
    %dma_wait3A_194 = tpu.memref_slice %arg7[%dma_wait3A_187, %dma_wait3A_193] : memref<80x125xi32, #tpu.memory_space<vmem>> -> memref<1x125xi32, #tpu.memory_space<vmem>>
    %dma_wait3A_195 = tpu.memref_squeeze %dma_wait3A_194 : memref<1x125xi32, #tpu.memory_space<vmem>> -> memref<125xi32, #tpu.memory_space<vmem>>
    %dma_wait3A_196 = arith.constant 0 : i32
    %dma_wait3A_197 = arith.constant 0 : i32
    %dma_wait3A_198 = tpu.memref_slice %arg2[%dma_wait3A_196, %dma_wait3A_197] : memref<51200x32xf32, #tpu.memory_space<hbm>> -> memref<51200x32xf32, #tpu.memory_space<hbm>>
    tpu.wait_indirect_dma semaphore(%arg17 : memref<!tpu.dma_semaphore, #tpu.memory_space<semaphore_mem>>) src(%dma_wait3A_198 : memref<51200x32xf32, #tpu.memory_space<hbm>>) dst(%dma_wait3A_192 : memref<125x32xf32, #tpu.memory_space<vmem>>)
    %run_scoped3A_199 = arith.constant 6 : i32
    %run_scoped3A_200 = arith.constant 78 : i32
    "tpu.region"() ({
      %run_scoped3A_220 = tpu.sem_alloc : memref<!tpu.dma_semaphore, #tpu.memory_space<semaphore_mem>>
      %dma_start3A_221 = arith.constant 0 : i32
      %dma_start3A_222 = arith.constant 0 : i32
      %dma_start3A_223 = tpu.memref_slice %arg9[%run_scoped3A_199, %dma_start3A_221, %dma_start3A_222] : memref<8x125x32xf32, #tpu.memory_space<vmem>> -> memref<1x125x32xf32, #tpu.memory_space<vmem>>
      %dma_start3A_224 = tpu.memref_squeeze %dma_start3A_223 : memref<1x125x32xf32, #tpu.memory_space<vmem>> -> memref<125x32xf32, #tpu.memory_space<vmem>>
      %dma_start3A_225 = arith.constant 0 : i32
      %dma_start3A_226 = tpu.memref_slice %arg8[%run_scoped3A_200, %dma_start3A_225] : memref<80x125xi32, #tpu.memory_space<vmem>> -> memref<1x125xi32, #tpu.memory_space<vmem>>
      %dma_start3A_227 = tpu.memref_squeeze %dma_start3A_226 : memref<1x125xi32, #tpu.memory_space<vmem>> -> memref<125xi32, #tpu.memory_space<vmem>>
      %dma_start3A_228 = arith.constant 0 : i32
      %dma_start3A_229 = arith.constant 0 : i32
      %dma_start3A_230 = tpu.memref_slice %arg10[%dma_start3A_228, %dma_start3A_229] : memref<10240x32xf32, #tpu.memory_space<vmem_shared>> -> memref<10240x32xf32, #tpu.memory_space<vmem_shared>>
      tpu.enqueue_indirect_dma source(%dma_start3A_224 : memref<125x32xf32, #tpu.memory_space<vmem>>) target(%dma_start3A_230 : memref<10240x32xf32, #tpu.memory_space<vmem_shared>>) offsets(%dma_start3A_227 : memref<125xi32, #tpu.memory_space<vmem>>) semaphore(%run_scoped3A_220 : memref<!tpu.dma_semaphore, #tpu.memory_space<semaphore_mem>>) {add = true}
      %dma_wait3A_231 = arith.constant 0 : i32
      %dma_wait3A_232 = arith.constant 0 : i32
      %dma_wait3A_233 = tpu.memref_slice %arg9[%run_scoped3A_199, %dma_wait3A_231, %dma_wait3A_232] : memref<8x125x32xf32, #tpu.memory_space<vmem>> -> memref<1x125x32xf32, #tpu.memory_space<vmem>>
      %dma_wait3A_234 = tpu.memref_squeeze %dma_wait3A_233 : memref<1x125x32xf32, #tpu.memory_space<vmem>> -> memref<125x32xf32, #tpu.memory_space<vmem>>
      %dma_wait3A_235 = arith.constant 0 : i32
      %dma_wait3A_236 = tpu.memref_slice %arg8[%run_scoped3A_200, %dma_wait3A_235] : memref<80x125xi32, #tpu.memory_space<vmem>> -> memref<1x125xi32, #tpu.memory_space<vmem>>
      %dma_wait3A_237 = tpu.memref_squeeze %dma_wait3A_236 : memref<1x125xi32, #tpu.memory_space<vmem>> -> memref<125xi32, #tpu.memory_space<vmem>>
      %dma_wait3A_238 = arith.constant 0 : i32
      %dma_wait3A_239 = arith.constant 0 : i32
      %dma_wait3A_240 = tpu.memref_slice %arg10[%dma_wait3A_238, %dma_wait3A_239] : memref<10240x32xf32, #tpu.memory_space<vmem_shared>> -> memref<10240x32xf32, #tpu.memory_space<vmem_shared>>
      tpu.wait_indirect_dma semaphore(%run_scoped3A_220 : memref<!tpu.dma_semaphore, #tpu.memory_space<semaphore_mem>>) src(%dma_wait3A_234 : memref<125x32xf32, #tpu.memory_space<vmem>>) dst(%dma_wait3A_240 : memref<10240x32xf32, #tpu.memory_space<vmem_shared>>)
      tpu.yield
    }) : () -> ()
    %dma_wait3A_201 = arith.constant 79 : i32
    %dma_wait3A_202 = arith.constant 7 : i32
    %dma_wait3A_203 = arith.constant 0 : i32
    %dma_wait3A_204 = arith.constant 0 : i32
    %dma_wait3A_205 = tpu.memref_slice %arg9[%dma_wait3A_202, %dma_wait3A_203, %dma_wait3A_204] : memref<8x125x32xf32, #tpu.memory_space<vmem>> -> memref<1x125x32xf32, #tpu.memory_space<vmem>>
    %dma_wait3A_206 = tpu.memref_squeeze %dma_wait3A_205 : memref<1x125x32xf32, #tpu.memory_space<vmem>> -> memref<125x32xf32, #tpu.memory_space<vmem>>
    %dma_wait3A_207 = arith.constant 0 : i32
    %dma_wait3A_208 = tpu.memref_slice %arg7[%dma_wait3A_201, %dma_wait3A_207] : memref<80x125xi32, #tpu.memory_space<vmem>> -> memref<1x125xi32, #tpu.memory_space<vmem>>
    %dma_wait3A_209 = tpu.memref_squeeze %dma_wait3A_208 : memref<1x125xi32, #tpu.memory_space<vmem>> -> memref<125xi32, #tpu.memory_space<vmem>>
    %dma_wait3A_210 = arith.constant 0 : i32
    %dma_wait3A_211 = arith.constant 0 : i32
    %dma_wait3A_212 = tpu.memref_slice %arg2[%dma_wait3A_210, %dma_wait3A_211] : memref<51200x32xf32, #tpu.memory_space<hbm>> -> memref<51200x32xf32, #tpu.memory_space<hbm>>
    tpu.wait_indirect_dma semaphore(%arg18 : memref<!tpu.dma_semaphore, #tpu.memory_space<semaphore_mem>>) src(%dma_wait3A_212 : memref<51200x32xf32, #tpu.memory_space<hbm>>) dst(%dma_wait3A_206 : memref<125x32xf32, #tpu.memory_space<vmem>>)
    %run_scoped3A_213 = arith.constant 7 : i32
    %run_scoped3A_214 = arith.constant 79 : i32
    "tpu.region"() ({
      %run_scoped3A_220 = tpu.sem_alloc : memref<!tpu.dma_semaphore, #tpu.memory_space<semaphore_mem>>
      %dma_start3A_221 = arith.constant 0 : i32
      %dma_start3A_222 = arith.constant 0 : i32
      %dma_start3A_223 = tpu.memref_slice %arg9[%run_scoped3A_213, %dma_start3A_221, %dma_start3A_222] : memref<8x125x32xf32, #tpu.memory_space<vmem>> -> memref<1x125x32xf32, #tpu.memory_space<vmem>>
      %dma_start3A_224 = tpu.memref_squeeze %dma_start3A_223 : memref<1x125x32xf32, #tpu.memory_space<vmem>> -> memref<125x32xf32, #tpu.memory_space<vmem>>
      %dma_start3A_225 = arith.constant 0 : i32
      %dma_start3A_226 = tpu.memref_slice %arg8[%run_scoped3A_214, %dma_start3A_225] : memref<80x125xi32, #tpu.memory_space<vmem>> -> memref<1x125xi32, #tpu.memory_space<vmem>>
      %dma_start3A_227 = tpu.memref_squeeze %dma_start3A_226 : memref<1x125xi32, #tpu.memory_space<vmem>> -> memref<125xi32, #tpu.memory_space<vmem>>
      %dma_start3A_228 = arith.constant 0 : i32
      %dma_start3A_229 = arith.constant 0 : i32
      %dma_start3A_230 = tpu.memref_slice %arg10[%dma_start3A_228, %dma_start3A_229] : memref<10240x32xf32, #tpu.memory_space<vmem_shared>> -> memref<10240x32xf32, #tpu.memory_space<vmem_shared>>
      tpu.enqueue_indirect_dma source(%dma_start3A_224 : memref<125x32xf32, #tpu.memory_space<vmem>>) target(%dma_start3A_230 : memref<10240x32xf32, #tpu.memory_space<vmem_shared>>) offsets(%dma_start3A_227 : memref<125xi32, #tpu.memory_space<vmem>>) semaphore(%run_scoped3A_220 : memref<!tpu.dma_semaphore, #tpu.memory_space<semaphore_mem>>) {add = true}
      %dma_wait3A_231 = arith.constant 0 : i32
      %dma_wait3A_232 = arith.constant 0 : i32
      %dma_wait3A_233 = tpu.memref_slice %arg9[%run_scoped3A_213, %dma_wait3A_231, %dma_wait3A_232] : memref<8x125x32xf32, #tpu.memory_space<vmem>> -> memref<1x125x32xf32, #tpu.memory_space<vmem>>
      %dma_wait3A_234 = tpu.memref_squeeze %dma_wait3A_233 : memref<1x125x32xf32, #tpu.memory_space<vmem>> -> memref<125x32xf32, #tpu.memory_space<vmem>>
      %dma_wait3A_235 = arith.constant 0 : i32
      %dma_wait3A_236 = tpu.memref_slice %arg8[%run_scoped3A_214, %dma_wait3A_235] : memref<80x125xi32, #tpu.memory_space<vmem>> -> memref<1x125xi32, #tpu.memory_space<vmem>>
      %dma_wait3A_237 = tpu.memref_squeeze %dma_wait3A_236 : memref<1x125xi32, #tpu.memory_space<vmem>> -> memref<125xi32, #tpu.memory_space<vmem>>
      %dma_wait3A_238 = arith.constant 0 : i32
      %dma_wait3A_239 = arith.constant 0 : i32
      %dma_wait3A_240 = tpu.memref_slice %arg10[%dma_wait3A_238, %dma_wait3A_239] : memref<10240x32xf32, #tpu.memory_space<vmem_shared>> -> memref<10240x32xf32, #tpu.memory_space<vmem_shared>>
      tpu.wait_indirect_dma semaphore(%run_scoped3A_220 : memref<!tpu.dma_semaphore, #tpu.memory_space<semaphore_mem>>) src(%dma_wait3A_234 : memref<125x32xf32, #tpu.memory_space<vmem>>) dst(%dma_wait3A_240 : memref<10240x32xf32, #tpu.memory_space<vmem_shared>>)
      tpu.yield
    }) : () -> ()
    %barrier3A_215 = arith.constant 0 : index
    tpu.barrier barrier_id(%barrier3A_215)
    %mul3A_216 = arith.constant 640 : i32
    %mul3A_217 = arith.muli %arg1, %mul3A_216 : i32
    %mul3A_218 = arith.constant 640 : i32
    %mul3A_219 = arith.muli %arg1, %mul3A_218 : i32
    "tpu.region"() ({
      %run_scoped3A_220 = tpu.sem_alloc : memref<!tpu.dma_semaphore, #tpu.memory_space<semaphore_mem>>
      %dma_start3A_221 = arith.constant 0 : i32
      %dma_start3A_222 = tpu.memref_slice %arg6[%arg0, %mul3A_219, %dma_start3A_221] : memref<2x10240x32xf32, #tpu.memory_space<hbm>> -> memref<1x640x32xf32, #tpu.memory_space<hbm>>
      %dma_start3A_223 = tpu.memref_squeeze %dma_start3A_222 : memref<1x640x32xf32, #tpu.memory_space<hbm>> -> memref<640x32xf32, #tpu.memory_space<hbm>>
      %dma_start3A_224 = arith.constant 0 : i32
      %dma_start3A_225 = tpu.memref_slice %arg10[%mul3A_217, %dma_start3A_224] : memref<10240x32xf32, #tpu.memory_space<vmem_shared>> -> memref<640x32xf32, #tpu.memory_space<vmem_shared>>
      tpu.enqueue_dma source(%dma_start3A_225 : memref<640x32xf32, #tpu.memory_space<vmem_shared>>) target(%dma_start3A_223 : memref<640x32xf32, #tpu.memory_space<hbm>>) target_semaphore(%run_scoped3A_220 : memref<!tpu.dma_semaphore, #tpu.memory_space<semaphore_mem>>)
      %dma_wait3A_226 = arith.constant 0 : i32
      %dma_wait3A_227 = tpu.memref_slice %arg6[%arg0, %mul3A_219, %dma_wait3A_226] : memref<2x10240x32xf32, #tpu.memory_space<hbm>> -> memref<1x640x32xf32, #tpu.memory_space<hbm>>
      %dma_wait3A_228 = tpu.memref_squeeze %dma_wait3A_227 : memref<1x640x32xf32, #tpu.memory_space<hbm>> -> memref<640x32xf32, #tpu.memory_space<hbm>>
      %dma_wait3A_229 = arith.constant 0 : i32
      %dma_wait3A_230 = tpu.memref_slice %arg10[%mul3A_217, %dma_wait3A_229] : memref<10240x32xf32, #tpu.memory_space<vmem_shared>> -> memref<640x32xf32, #tpu.memory_space<vmem_shared>>
      tpu.wait_dma2 semaphore(%run_scoped3A_220 : memref<!tpu.dma_semaphore, #tpu.memory_space<semaphore_mem>>) src(%dma_wait3A_230 : memref<640x32xf32, #tpu.memory_space<vmem_shared>>) dst(%dma_wait3A_228 : memref<640x32xf32, #tpu.memory_space<hbm>>)
      tpu.yield
    }) : () -> ()
    return
  }
}

#map = affine_map<(d0, d1) -> (0, 0)>
#map1 = affine_map<(d0, d1) -> (0, 0, 0)>
module attributes {stable_mosaic.version = 14 : i64} {
  func.func @_edge_agg_body(%arg0: i32, %arg1: i32, %arg2: memref<51200x32xf32, #tpu.memory_space<hbm>>, %arg3: memref<32x80x125xi32, #tpu.memory_space<hbm>>, %arg4: memref<32x80x125xi32, #tpu.memory_space<hbm>>, %arg5: memref<10240x32xf32, #tpu.memory_space<hbm>>, %arg6: memref<2x10240x32xf32, #tpu.memory_space<hbm>>, %arg7: memref<80x125xi32, #tpu.memory_space<vmem>>, %arg8: memref<80x125xi32, #tpu.memory_space<vmem>>, %arg9: memref<8x125x32xf32, #tpu.memory_space<vmem>>, %arg10: memref<10240x32xf32, #tpu.memory_space<vmem_shared>>, %arg11: memref<!tpu.dma_semaphore, #tpu.memory_space<semaphore_mem>>, %arg12: memref<!tpu.dma_semaphore, #tpu.memory_space<semaphore_mem>>, %arg13: memref<!tpu.dma_semaphore, #tpu.memory_space<semaphore_mem>>, %arg14: memref<!tpu.dma_semaphore, #tpu.memory_space<semaphore_mem>>, %arg15: memref<!tpu.dma_semaphore, #tpu.memory_space<semaphore_mem>>, %arg16: memref<!tpu.dma_semaphore, #tpu.memory_space<semaphore_mem>>, %arg17: memref<!tpu.dma_semaphore, #tpu.memory_space<semaphore_mem>>, %arg18: memref<!tpu.dma_semaphore, #tpu.memory_space<semaphore_mem>>) attributes {dimension_semantics = [#tpu.dimension_semantics<core_parallel>, #tpu.dimension_semantics<subcore_parallel>], iteration_bounds = array<i64: 2, 16>, scalar_prefetch = 0 : i64, scratch_operands = 12 : i64, tpu.core_type = #tpu.core_type<sc_vector_subcore>, window_params = [{transform_indices = #map}, {transform_indices = #map1}, {transform_indices = #map1}, {transform_indices = #map}, {transform_indices = #map1}]} {
    %mul3A = arith.constant 2 : i32
    %mul3A_0 = arith.muli %arg1, %mul3A : i32
    %add3A = arith.addi %mul3A_0, %arg0 : i32
    %mul3A_1 = arith.constant 640 : i32
    %mul3A_2 = arith.muli %arg1, %mul3A_1 : i32
    %mul3A_3 = arith.constant 640 : i32
    %mul3A_4 = arith.muli %arg1, %mul3A_3 : i32
    "tpu.region"() ({
      %run_scoped3A_220 = tpu.sem_alloc : memref<!tpu.dma_semaphore, #tpu.memory_space<semaphore_mem>>
      %dma_start3A_221 = arith.constant 0 : i32
      %dma_start3A_222 = tpu.memref_slice %arg10[%mul3A_4, %dma_start3A_221] : memref<10240x32xf32, #tpu.memory_space<vmem_shared>> -> memref<640x32xf32, #tpu.memory_space<vmem_shared>>
      %dma_start3A_223 = arith.constant 0 : i32
      %dma_start3A_224 = tpu.memref_slice %arg5[%mul3A_2, %dma_start3A_223] : memref<10240x32xf32, #tpu.memory_space<hbm>> -> memref<640x32xf32, #tpu.memory_space<hbm>>
      tpu.enqueue_dma source(%dma_start3A_224 : memref<640x32xf32, #tpu.memory_space<hbm>>) target(%dma_start3A_222 : memref<640x32xf32, #tpu.memory_space<vmem_shared>>) target_semaphore(%run_scoped3A_220 : memref<!tpu.dma_semaphore, #tpu.memory_space<semaphore_mem>>)
      %dma_wait3A_225 = arith.constant 0 : i32
      %dma_wait3A_226 = tpu.memref_slice %arg10[%mul3A_4, %dma_wait3A_225] : memref<10240x32xf32, #tpu.memory_space<vmem_shared>> -> memref<640x32xf32, #tpu.memory_space<vmem_shared>>
      %dma_wait3A_227 = arith.constant 0 : i32
      %dma_wait3A_228 = tpu.memref_slice %arg5[%mul3A_2, %dma_wait3A_227] : memref<10240x32xf32, #tpu.memory_space<hbm>> -> memref<640x32xf32, #tpu.memory_space<hbm>>
      tpu.wait_dma2 semaphore(%run_scoped3A_220 : memref<!tpu.dma_semaphore, #tpu.memory_space<semaphore_mem>>) src(%dma_wait3A_228 : memref<640x32xf32, #tpu.memory_space<hbm>>) dst(%dma_wait3A_226 : memref<640x32xf32, #tpu.memory_space<vmem_shared>>)
      tpu.yield
    }) : () -> ()
    "tpu.region"() ({
      %run_scoped3A_220 = tpu.sem_alloc : memref<!tpu.dma_semaphore, #tpu.memory_space<semaphore_mem>>
      %dma_start3A_221 = arith.constant 0 : i32
      %dma_start3A_222 = arith.constant 0 : i32
      %dma_start3A_223 = tpu.memref_slice %arg3[%add3A, %dma_start3A_221, %dma_start3A_222] : memref<32x80x125xi32, #tpu.memory_space<hbm>> -> memref<1x80x125xi32, #tpu.memory_space<hbm>>
      %dma_start3A_224 = tpu.memref_squeeze %dma_start3A_223 : memref<1x80x125xi32, #tpu.memory_space<hbm>> -> memref<80x125xi32, #tpu.memory_space<hbm>>
      %dma_start3A_225 = arith.constant 0 : i32
      %dma_start3A_226 = arith.constant 0 : i32
      %dma_start3A_227 = tpu.memref_slice %arg3[%add3A, %dma_start3A_225, %dma_start3A_226] : memref<32x80x125xi32, #tpu.memory_space<hbm>> -> memref<1x80x125xi32, #tpu.memory_space<hbm>>
      %dma_start3A_228 = tpu.memref_squeeze %dma_start3A_227 : memref<1x80x125xi32, #tpu.memory_space<hbm>> -> memref<80x125xi32, #tpu.memory_space<hbm>>
      tpu.enqueue_dma source(%dma_start3A_228 : memref<80x125xi32, #tpu.memory_space<hbm>>) target(%arg7 : memref<80x125xi32, #tpu.memory_space<vmem>>) target_semaphore(%run_scoped3A_220 : memref<!tpu.dma_semaphore, #tpu.memory_space<semaphore_mem>>)
      %dma_wait3A_229 = arith.constant 0 : i32
      %dma_wait3A_230 = arith.constant 0 : i32
      %dma_wait3A_231 = tpu.memref_slice %arg3[%add3A, %dma_wait3A_229, %dma_wait3A_230] : memref<32x80x125xi32, #tpu.memory_space<hbm>> -> memref<1x80x125xi32, #tpu.memory_space<hbm>>
      %dma_wait3A_232 = tpu.memref_squeeze %dma_wait3A_231 : memref<1x80x125xi32, #tpu.memory_space<hbm>> -> memref<80x125xi32, #tpu.memory_space<hbm>>
      %dma_wait3A_233 = arith.constant 0 : i32
      %dma_wait3A_234 = arith.constant 0 : i32
      %dma_wait3A_235 = tpu.memref_slice %arg3[%add3A, %dma_wait3A_233, %dma_wait3A_234] : memref<32x80x125xi32, #tpu.memory_space<hbm>> -> memref<1x80x125xi32, #tpu.memory_space<hbm>>
      %dma_wait3A_236 = tpu.memref_squeeze %dma_wait3A_235 : memref<1x80x125xi32, #tpu.memory_space<hbm>> -> memref<80x125xi32, #tpu.memory_space<hbm>>
      tpu.wait_dma2 semaphore(%run_scoped3A_220 : memref<!tpu.dma_semaphore, #tpu.memory_space<semaphore_mem>>) src(%dma_wait3A_236 : memref<80x125xi32, #tpu.memory_space<hbm>>) dst(%arg7 : memref<80x125xi32, #tpu.memory_space<vmem>>)
      tpu.yield
    }) : () -> ()
    "tpu.region"() ({
      %run_scoped3A_220 = tpu.sem_alloc : memref<!tpu.dma_semaphore, #tpu.memory_space<semaphore_mem>>
      %dma_start3A_221 = arith.constant 0 : i32
      %dma_start3A_222 = arith.constant 0 : i32
      %dma_start3A_223 = tpu.memref_slice %arg4[%add3A, %dma_start3A_221, %dma_start3A_222] : memref<32x80x125xi32, #tpu.memory_space<hbm>> -> memref<1x80x125xi32, #tpu.memory_space<hbm>>
      %dma_start3A_224 = tpu.memref_squeeze %dma_start3A_223 : memref<1x80x125xi32, #tpu.memory_space<hbm>> -> memref<80x125xi32, #tpu.memory_space<hbm>>
      %dma_start3A_225 = arith.constant 0 : i32
      %dma_start3A_226 = arith.constant 0 : i32
      %dma_start3A_227 = tpu.memref_slice %arg4[%add3A, %dma_start3A_225, %dma_start3A_226] : memref<32x80x125xi32, #tpu.memory_space<hbm>> -> memref<1x80x125xi32, #tpu.memory_space<hbm>>
      %dma_start3A_228 = tpu.memref_squeeze %dma_start3A_227 : memref<1x80x125xi32, #tpu.memory_space<hbm>> -> memref<80x125xi32, #tpu.memory_space<hbm>>
      tpu.enqueue_dma source(%dma_start3A_228 : memref<80x125xi32, #tpu.memory_space<hbm>>) target(%arg8 : memref<80x125xi32, #tpu.memory_space<vmem>>) target_semaphore(%run_scoped3A_220 : memref<!tpu.dma_semaphore, #tpu.memory_space<semaphore_mem>>)
      %dma_wait3A_229 = arith.constant 0 : i32
      %dma_wait3A_230 = arith.constant 0 : i32
      %dma_wait3A_231 = tpu.memref_slice %arg4[%add3A, %dma_wait3A_229, %dma_wait3A_230] : memref<32x80x125xi32, #tpu.memory_space<hbm>> -> memref<1x80x125xi32, #tpu.memory_space<hbm>>
      %dma_wait3A_232 = tpu.memref_squeeze %dma_wait3A_231 : memref<1x80x125xi32, #tpu.memory_space<hbm>> -> memref<80x125xi32, #tpu.memory_space<hbm>>
      %dma_wait3A_233 = arith.constant 0 : i32
      %dma_wait3A_234 = arith.constant 0 : i32
      %dma_wait3A_235 = tpu.memref_slice %arg4[%add3A, %dma_wait3A_233, %dma_wait3A_234] : memref<32x80x125xi32, #tpu.memory_space<hbm>> -> memref<1x80x125xi32, #tpu.memory_space<hbm>>
      %dma_wait3A_236 = tpu.memref_squeeze %dma_wait3A_235 : memref<1x80x125xi32, #tpu.memory_space<hbm>> -> memref<80x125xi32, #tpu.memory_space<hbm>>
      tpu.wait_dma2 semaphore(%run_scoped3A_220 : memref<!tpu.dma_semaphore, #tpu.memory_space<semaphore_mem>>) src(%dma_wait3A_236 : memref<80x125xi32, #tpu.memory_space<hbm>>) dst(%arg8 : memref<80x125xi32, #tpu.memory_space<vmem>>)
      tpu.yield
    }) : () -> ()
    %barrier3A = arith.constant 0 : index
    tpu.barrier barrier_id(%barrier3A)
    %dma_start3A = arith.constant 0 : i32
    %dma_start3A_5 = arith.constant 0 : i32
    %dma_start3A_6 = arith.constant 0 : i32
    %dma_start3A_7 = arith.constant 0 : i32
    %dma_start3A_8 = tpu.memref_slice %arg9[%dma_start3A_5, %dma_start3A_6, %dma_start3A_7] : memref<8x125x32xf32, #tpu.memory_space<vmem>> -> memref<1x125x32xf32, #tpu.memory_space<vmem>>
    %dma_start3A_9 = tpu.memref_squeeze %dma_start3A_8 : memref<1x125x32xf32, #tpu.memory_space<vmem>> -> memref<125x32xf32, #tpu.memory_space<vmem>>
    %dma_start3A_10 = arith.constant 0 : i32
    %dma_start3A_11 = tpu.memref_slice %arg7[%dma_start3A, %dma_start3A_10] : memref<80x125xi32, #tpu.memory_space<vmem>> -> memref<1x125xi32, #tpu.memory_space<vmem>>
    %dma_start3A_12 = tpu.memref_squeeze %dma_start3A_11 : memref<1x125xi32, #tpu.memory_space<vmem>> -> memref<125xi32, #tpu.memory_space<vmem>>
    %dma_start3A_13 = arith.constant 0 : i32
    %dma_start3A_14 = arith.constant 0 : i32
    %dma_start3A_15 = tpu.memref_slice %arg2[%dma_start3A_13, %dma_start3A_14] : memref<51200x32xf32, #tpu.memory_space<hbm>> -> memref<51200x32xf32, #tpu.memory_space<hbm>>
    tpu.enqueue_indirect_dma source(%dma_start3A_15 : memref<51200x32xf32, #tpu.memory_space<hbm>>) target(%dma_start3A_9 : memref<125x32xf32, #tpu.memory_space<vmem>>) offsets(%dma_start3A_12 : memref<125xi32, #tpu.memory_space<vmem>>) semaphore(%arg11 : memref<!tpu.dma_semaphore, #tpu.memory_space<semaphore_mem>>)
    %dma_start3A_16 = arith.constant 1 : i32
    %dma_start3A_17 = arith.constant 1 : i32
    %dma_start3A_18 = arith.constant 0 : i32
    %dma_start3A_19 = arith.constant 0 : i32
    %dma_start3A_20 = tpu.memref_slice %arg9[%dma_start3A_17, %dma_start3A_18, %dma_start3A_19] : memref<8x125x32xf32, #tpu.memory_space<vmem>> -> memref<1x125x32xf32, #tpu.memory_space<vmem>>
    %dma_start3A_21 = tpu.memref_squeeze %dma_start3A_20 : memref<1x125x32xf32, #tpu.memory_space<vmem>> -> memref<125x32xf32, #tpu.memory_space<vmem>>
    %dma_start3A_22 = arith.constant 0 : i32
    %dma_start3A_23 = tpu.memref_slice %arg7[%dma_start3A_16, %dma_start3A_22] : memref<80x125xi32, #tpu.memory_space<vmem>> -> memref<1x125xi32, #tpu.memory_space<vmem>>
    %dma_start3A_24 = tpu.memref_squeeze %dma_start3A_23 : memref<1x125xi32, #tpu.memory_space<vmem>> -> memref<125xi32, #tpu.memory_space<vmem>>
    %dma_start3A_25 = arith.constant 0 : i32
    %dma_start3A_26 = arith.constant 0 : i32
    %dma_start3A_27 = tpu.memref_slice %arg2[%dma_start3A_25, %dma_start3A_26] : memref<51200x32xf32, #tpu.memory_space<hbm>> -> memref<51200x32xf32, #tpu.memory_space<hbm>>
    tpu.enqueue_indirect_dma source(%dma_start3A_27 : memref<51200x32xf32, #tpu.memory_space<hbm>>) target(%dma_start3A_21 : memref<125x32xf32, #tpu.memory_space<vmem>>) offsets(%dma_start3A_24 : memref<125xi32, #tpu.memory_space<vmem>>) semaphore(%arg12 : memref<!tpu.dma_semaphore, #tpu.memory_space<semaphore_mem>>)
    %dma_start3A_28 = arith.constant 2 : i32
    %dma_start3A_29 = arith.constant 2 : i32
    %dma_start3A_30 = arith.constant 0 : i32
    %dma_start3A_31 = arith.constant 0 : i32
    %dma_start3A_32 = tpu.memref_slice %arg9[%dma_start3A_29, %dma_start3A_30, %dma_start3A_31] : memref<8x125x32xf32, #tpu.memory_space<vmem>> -> memref<1x125x32xf32, #tpu.memory_space<vmem>>
    %dma_start3A_33 = tpu.memref_squeeze %dma_start3A_32 : memref<1x125x32xf32, #tpu.memory_space<vmem>> -> memref<125x32xf32, #tpu.memory_space<vmem>>
    %dma_start3A_34 = arith.constant 0 : i32
    %dma_start3A_35 = tpu.memref_slice %arg7[%dma_start3A_28, %dma_start3A_34] : memref<80x125xi32, #tpu.memory_space<vmem>> -> memref<1x125xi32, #tpu.memory_space<vmem>>
    %dma_start3A_36 = tpu.memref_squeeze %dma_start3A_35 : memref<1x125xi32, #tpu.memory_space<vmem>> -> memref<125xi32, #tpu.memory_space<vmem>>
    %dma_start3A_37 = arith.constant 0 : i32
    %dma_start3A_38 = arith.constant 0 : i32
    %dma_start3A_39 = tpu.memref_slice %arg2[%dma_start3A_37, %dma_start3A_38] : memref<51200x32xf32, #tpu.memory_space<hbm>> -> memref<51200x32xf32, #tpu.memory_space<hbm>>
    tpu.enqueue_indirect_dma source(%dma_start3A_39 : memref<51200x32xf32, #tpu.memory_space<hbm>>) target(%dma_start3A_33 : memref<125x32xf32, #tpu.memory_space<vmem>>) offsets(%dma_start3A_36 : memref<125xi32, #tpu.memory_space<vmem>>) semaphore(%arg13 : memref<!tpu.dma_semaphore, #tpu.memory_space<semaphore_mem>>)
    %dma_start3A_40 = arith.constant 3 : i32
    %dma_start3A_41 = arith.constant 3 : i32
    %dma_start3A_42 = arith.constant 0 : i32
    %dma_start3A_43 = arith.constant 0 : i32
    %dma_start3A_44 = tpu.memref_slice %arg9[%dma_start3A_41, %dma_start3A_42, %dma_start3A_43] : memref<8x125x32xf32, #tpu.memory_space<vmem>> -> memref<1x125x32xf32, #tpu.memory_space<vmem>>
    %dma_start3A_45 = tpu.memref_squeeze %dma_start3A_44 : memref<1x125x32xf32, #tpu.memory_space<vmem>> -> memref<125x32xf32, #tpu.memory_space<vmem>>
    %dma_start3A_46 = arith.constant 0 : i32
    %dma_start3A_47 = tpu.memref_slice %arg7[%dma_start3A_40, %dma_start3A_46] : memref<80x125xi32, #tpu.memory_space<vmem>> -> memref<1x125xi32, #tpu.memory_space<vmem>>
    %dma_start3A_48 = tpu.memref_squeeze %dma_start3A_47 : memref<1x125xi32, #tpu.memory_space<vmem>> -> memref<125xi32, #tpu.memory_space<vmem>>
    %dma_start3A_49 = arith.constant 0 : i32
    %dma_start3A_50 = arith.constant 0 : i32
    %dma_start3A_51 = tpu.memref_slice %arg2[%dma_start3A_49, %dma_start3A_50] : memref<51200x32xf32, #tpu.memory_space<hbm>> -> memref<51200x32xf32, #tpu.memory_space<hbm>>
    tpu.enqueue_indirect_dma source(%dma_start3A_51 : memref<51200x32xf32, #tpu.memory_space<hbm>>) target(%dma_start3A_45 : memref<125x32xf32, #tpu.memory_space<vmem>>) offsets(%dma_start3A_48 : memref<125xi32, #tpu.memory_space<vmem>>) semaphore(%arg14 : memref<!tpu.dma_semaphore, #tpu.memory_space<semaphore_mem>>)
    %dma_start3A_52 = arith.constant 4 : i32
    %dma_start3A_53 = arith.constant 4 : i32
    %dma_start3A_54 = arith.constant 0 : i32
    %dma_start3A_55 = arith.constant 0 : i32
    %dma_start3A_56 = tpu.memref_slice %arg9[%dma_start3A_53, %dma_start3A_54, %dma_start3A_55] : memref<8x125x32xf32, #tpu.memory_space<vmem>> -> memref<1x125x32xf32, #tpu.memory_space<vmem>>
    %dma_start3A_57 = tpu.memref_squeeze %dma_start3A_56 : memref<1x125x32xf32, #tpu.memory_space<vmem>> -> memref<125x32xf32, #tpu.memory_space<vmem>>
    %dma_start3A_58 = arith.constant 0 : i32
    %dma_start3A_59 = tpu.memref_slice %arg7[%dma_start3A_52, %dma_start3A_58] : memref<80x125xi32, #tpu.memory_space<vmem>> -> memref<1x125xi32, #tpu.memory_space<vmem>>
    %dma_start3A_60 = tpu.memref_squeeze %dma_start3A_59 : memref<1x125xi32, #tpu.memory_space<vmem>> -> memref<125xi32, #tpu.memory_space<vmem>>
    %dma_start3A_61 = arith.constant 0 : i32
    %dma_start3A_62 = arith.constant 0 : i32
    %dma_start3A_63 = tpu.memref_slice %arg2[%dma_start3A_61, %dma_start3A_62] : memref<51200x32xf32, #tpu.memory_space<hbm>> -> memref<51200x32xf32, #tpu.memory_space<hbm>>
    tpu.enqueue_indirect_dma source(%dma_start3A_63 : memref<51200x32xf32, #tpu.memory_space<hbm>>) target(%dma_start3A_57 : memref<125x32xf32, #tpu.memory_space<vmem>>) offsets(%dma_start3A_60 : memref<125xi32, #tpu.memory_space<vmem>>) semaphore(%arg15 : memref<!tpu.dma_semaphore, #tpu.memory_space<semaphore_mem>>)
    %dma_start3A_64 = arith.constant 5 : i32
    %dma_start3A_65 = arith.constant 5 : i32
    %dma_start3A_66 = arith.constant 0 : i32
    %dma_start3A_67 = arith.constant 0 : i32
    %dma_start3A_68 = tpu.memref_slice %arg9[%dma_start3A_65, %dma_start3A_66, %dma_start3A_67] : memref<8x125x32xf32, #tpu.memory_space<vmem>> -> memref<1x125x32xf32, #tpu.memory_space<vmem>>
    %dma_start3A_69 = tpu.memref_squeeze %dma_start3A_68 : memref<1x125x32xf32, #tpu.memory_space<vmem>> -> memref<125x32xf32, #tpu.memory_space<vmem>>
    %dma_start3A_70 = arith.constant 0 : i32
    %dma_start3A_71 = tpu.memref_slice %arg7[%dma_start3A_64, %dma_start3A_70] : memref<80x125xi32, #tpu.memory_space<vmem>> -> memref<1x125xi32, #tpu.memory_space<vmem>>
    %dma_start3A_72 = tpu.memref_squeeze %dma_start3A_71 : memref<1x125xi32, #tpu.memory_space<vmem>> -> memref<125xi32, #tpu.memory_space<vmem>>
    %dma_start3A_73 = arith.constant 0 : i32
    %dma_start3A_74 = arith.constant 0 : i32
    %dma_start3A_75 = tpu.memref_slice %arg2[%dma_start3A_73, %dma_start3A_74] : memref<51200x32xf32, #tpu.memory_space<hbm>> -> memref<51200x32xf32, #tpu.memory_space<hbm>>
    tpu.enqueue_indirect_dma source(%dma_start3A_75 : memref<51200x32xf32, #tpu.memory_space<hbm>>) target(%dma_start3A_69 : memref<125x32xf32, #tpu.memory_space<vmem>>) offsets(%dma_start3A_72 : memref<125xi32, #tpu.memory_space<vmem>>) semaphore(%arg16 : memref<!tpu.dma_semaphore, #tpu.memory_space<semaphore_mem>>)
    %dma_start3A_76 = arith.constant 6 : i32
    %dma_start3A_77 = arith.constant 6 : i32
    %dma_start3A_78 = arith.constant 0 : i32
    %dma_start3A_79 = arith.constant 0 : i32
    %dma_start3A_80 = tpu.memref_slice %arg9[%dma_start3A_77, %dma_start3A_78, %dma_start3A_79] : memref<8x125x32xf32, #tpu.memory_space<vmem>> -> memref<1x125x32xf32, #tpu.memory_space<vmem>>
    %dma_start3A_81 = tpu.memref_squeeze %dma_start3A_80 : memref<1x125x32xf32, #tpu.memory_space<vmem>> -> memref<125x32xf32, #tpu.memory_space<vmem>>
    %dma_start3A_82 = arith.constant 0 : i32
    %dma_start3A_83 = tpu.memref_slice %arg7[%dma_start3A_76, %dma_start3A_82] : memref<80x125xi32, #tpu.memory_space<vmem>> -> memref<1x125xi32, #tpu.memory_space<vmem>>
    %dma_start3A_84 = tpu.memref_squeeze %dma_start3A_83 : memref<1x125xi32, #tpu.memory_space<vmem>> -> memref<125xi32, #tpu.memory_space<vmem>>
    %dma_start3A_85 = arith.constant 0 : i32
    %dma_start3A_86 = arith.constant 0 : i32
    %dma_start3A_87 = tpu.memref_slice %arg2[%dma_start3A_85, %dma_start3A_86] : memref<51200x32xf32, #tpu.memory_space<hbm>> -> memref<51200x32xf32, #tpu.memory_space<hbm>>
    tpu.enqueue_indirect_dma source(%dma_start3A_87 : memref<51200x32xf32, #tpu.memory_space<hbm>>) target(%dma_start3A_81 : memref<125x32xf32, #tpu.memory_space<vmem>>) offsets(%dma_start3A_84 : memref<125xi32, #tpu.memory_space<vmem>>) semaphore(%arg17 : memref<!tpu.dma_semaphore, #tpu.memory_space<semaphore_mem>>)
    %dma_start3A_88 = arith.constant 7 : i32
    %dma_start3A_89 = arith.constant 7 : i32
    %dma_start3A_90 = arith.constant 0 : i32
    %dma_start3A_91 = arith.constant 0 : i32
    %dma_start3A_92 = tpu.memref_slice %arg9[%dma_start3A_89, %dma_start3A_90, %dma_start3A_91] : memref<8x125x32xf32, #tpu.memory_space<vmem>> -> memref<1x125x32xf32, #tpu.memory_space<vmem>>
    %dma_start3A_93 = tpu.memref_squeeze %dma_start3A_92 : memref<1x125x32xf32, #tpu.memory_space<vmem>> -> memref<125x32xf32, #tpu.memory_space<vmem>>
    %dma_start3A_94 = arith.constant 0 : i32
    %dma_start3A_95 = tpu.memref_slice %arg7[%dma_start3A_88, %dma_start3A_94] : memref<80x125xi32, #tpu.memory_space<vmem>> -> memref<1x125xi32, #tpu.memory_space<vmem>>
    %dma_start3A_96 = tpu.memref_squeeze %dma_start3A_95 : memref<1x125xi32, #tpu.memory_space<vmem>> -> memref<125xi32, #tpu.memory_space<vmem>>
    %dma_start3A_97 = arith.constant 0 : i32
    %dma_start3A_98 = arith.constant 0 : i32
    %dma_start3A_99 = tpu.memref_slice %arg2[%dma_start3A_97, %dma_start3A_98] : memref<51200x32xf32, #tpu.memory_space<hbm>> -> memref<51200x32xf32, #tpu.memory_space<hbm>>
    tpu.enqueue_indirect_dma source(%dma_start3A_99 : memref<51200x32xf32, #tpu.memory_space<hbm>>) target(%dma_start3A_93 : memref<125x32xf32, #tpu.memory_space<vmem>>) offsets(%dma_start3A_96 : memref<125xi32, #tpu.memory_space<vmem>>) semaphore(%arg18 : memref<!tpu.dma_semaphore, #tpu.memory_space<semaphore_mem>>)
    %scan3A = arith.constant 0 : i32
    %scan3A_100 = arith.constant 0 : i32
    %scan3A_101 = arith.constant 9 : i32
    %scan3A_102 = arith.addi %scan3A_100, %scan3A_101 : i32
    %scan3A_103 = arith.constant 1 : i32
    scf.for %scan3A_220 = %scan3A_100 to %scan3A_102 step %scan3A_103  : i32 {
      %mul3A_221 = arith.constant 8 : i32
      %mul3A_222 = arith.muli %scan3A_220, %mul3A_221 : i32
      %add3A_223 = arith.constant 0 : i32
      %add3A_224 = arith.addi %mul3A_222, %add3A_223 : i32
      %dma_wait3A_225 = arith.constant 0 : i32
      %dma_wait3A_226 = arith.constant 0 : i32
      %dma_wait3A_227 = arith.constant 0 : i32
      %dma_wait3A_228 = tpu.memref_slice %arg9[%dma_wait3A_225, %dma_wait3A_226, %dma_wait3A_227] : memref<8x125x32xf32, #tpu.memory_space<vmem>> -> memref<1x125x32xf32, #tpu.memory_space<vmem>>
      %dma_wait3A_229 = tpu.memref_squeeze %dma_wait3A_228 : memref<1x125x32xf32, #tpu.memory_space<vmem>> -> memref<125x32xf32, #tpu.memory_space<vmem>>
      %dma_wait3A_230 = arith.constant 0 : i32
      %dma_wait3A_231 = tpu.memref_slice %arg7[%add3A_224, %dma_wait3A_230] : memref<80x125xi32, #tpu.memory_space<vmem>> -> memref<1x125xi32, #tpu.memory_space<vmem>>
      %dma_wait3A_232 = tpu.memref_squeeze %dma_wait3A_231 : memref<1x125xi32, #tpu.memory_space<vmem>> -> memref<125xi32, #tpu.memory_space<vmem>>
      %dma_wait3A_233 = arith.constant 0 : i32
      %dma_wait3A_234 = arith.constant 0 : i32
      %dma_wait3A_235 = tpu.memref_slice %arg2[%dma_wait3A_233, %dma_wait3A_234] : memref<51200x32xf32, #tpu.memory_space<hbm>> -> memref<51200x32xf32, #tpu.memory_space<hbm>>
      tpu.wait_indirect_dma semaphore(%arg11 : memref<!tpu.dma_semaphore, #tpu.memory_space<semaphore_mem>>) src(%dma_wait3A_235 : memref<51200x32xf32, #tpu.memory_space<hbm>>) dst(%dma_wait3A_229 : memref<125x32xf32, #tpu.memory_space<vmem>>)
      %run_scoped3A_236 = arith.constant 0 : i32
      "tpu.region"() ({
        %run_scoped3A_453 = tpu.sem_alloc : memref<!tpu.dma_semaphore, #tpu.memory_space<semaphore_mem>>
        %dma_start3A_454 = arith.constant 0 : i32
        %dma_start3A_455 = arith.constant 0 : i32
        %dma_start3A_456 = tpu.memref_slice %arg9[%run_scoped3A_236, %dma_start3A_454, %dma_start3A_455] : memref<8x125x32xf32, #tpu.memory_space<vmem>> -> memref<1x125x32xf32, #tpu.memory_space<vmem>>
        %dma_start3A_457 = tpu.memref_squeeze %dma_start3A_456 : memref<1x125x32xf32, #tpu.memory_space<vmem>> -> memref<125x32xf32, #tpu.memory_space<vmem>>
        %dma_start3A_458 = arith.constant 0 : i32
        %dma_start3A_459 = tpu.memref_slice %arg8[%add3A_224, %dma_start3A_458] : memref<80x125xi32, #tpu.memory_space<vmem>> -> memref<1x125xi32, #tpu.memory_space<vmem>>
        %dma_start3A_460 = tpu.memref_squeeze %dma_start3A_459 : memref<1x125xi32, #tpu.memory_space<vmem>> -> memref<125xi32, #tpu.memory_space<vmem>>
        %dma_start3A_461 = arith.constant 0 : i32
        %dma_start3A_462 = arith.constant 0 : i32
        %dma_start3A_463 = tpu.memref_slice %arg10[%dma_start3A_461, %dma_start3A_462] : memref<10240x32xf32, #tpu.memory_space<vmem_shared>> -> memref<10240x32xf32, #tpu.memory_space<vmem_shared>>
        tpu.enqueue_indirect_dma source(%dma_start3A_457 : memref<125x32xf32, #tpu.memory_space<vmem>>) target(%dma_start3A_463 : memref<10240x32xf32, #tpu.memory_space<vmem_shared>>) offsets(%dma_start3A_460 : memref<125xi32, #tpu.memory_space<vmem>>) semaphore(%run_scoped3A_453 : memref<!tpu.dma_semaphore, #tpu.memory_space<semaphore_mem>>) {add = true}
        %dma_wait3A_464 = arith.constant 0 : i32
        %dma_wait3A_465 = arith.constant 0 : i32
        %dma_wait3A_466 = tpu.memref_slice %arg9[%run_scoped3A_236, %dma_wait3A_464, %dma_wait3A_465] : memref<8x125x32xf32, #tpu.memory_space<vmem>> -> memref<1x125x32xf32, #tpu.memory_space<vmem>>
        %dma_wait3A_467 = tpu.memref_squeeze %dma_wait3A_466 : memref<1x125x32xf32, #tpu.memory_space<vmem>> -> memref<125x32xf32, #tpu.memory_space<vmem>>
        %dma_wait3A_468 = arith.constant 0 : i32
        %dma_wait3A_469 = tpu.memref_slice %arg8[%add3A_224, %dma_wait3A_468] : memref<80x125xi32, #tpu.memory_space<vmem>> -> memref<1x125xi32, #tpu.memory_space<vmem>>
        %dma_wait3A_470 = tpu.memref_squeeze %dma_wait3A_469 : memref<1x125xi32, #tpu.memory_space<vmem>> -> memref<125xi32, #tpu.memory_space<vmem>>
        %dma_wait3A_471 = arith.constant 0 : i32
        %dma_wait3A_472 = arith.constant 0 : i32
        %dma_wait3A_473 = tpu.memref_slice %arg10[%dma_wait3A_471, %dma_wait3A_472] : memref<10240x32xf32, #tpu.memory_space<vmem_shared>> -> memref<10240x32xf32, #tpu.memory_space<vmem_shared>>
        tpu.wait_indirect_dma semaphore(%run_scoped3A_453 : memref<!tpu.dma_semaphore, #tpu.memory_space<semaphore_mem>>) src(%dma_wait3A_467 : memref<125x32xf32, #tpu.memory_space<vmem>>) dst(%dma_wait3A_473 : memref<10240x32xf32, #tpu.memory_space<vmem_shared>>)
        tpu.yield
      }) : () -> ()
      %add3A_237 = arith.constant 8 : i32
      %add3A_238 = arith.addi %add3A_224, %add3A_237 : i32
      %dma_start3A_239 = arith.constant 0 : i32
      %dma_start3A_240 = arith.constant 0 : i32
      %dma_start3A_241 = arith.constant 0 : i32
      %dma_start3A_242 = tpu.memref_slice %arg9[%dma_start3A_239, %dma_start3A_240, %dma_start3A_241] : memref<8x125x32xf32, #tpu.memory_space<vmem>> -> memref<1x125x32xf32, #tpu.memory_space<vmem>>
      %dma_start3A_243 = tpu.memref_squeeze %dma_start3A_242 : memref<1x125x32xf32, #tpu.memory_space<vmem>> -> memref<125x32xf32, #tpu.memory_space<vmem>>
      %dma_start3A_244 = arith.constant 0 : i32
      %dma_start3A_245 = tpu.memref_slice %arg7[%add3A_238, %dma_start3A_244] : memref<80x125xi32, #tpu.memory_space<vmem>> -> memref<1x125xi32, #tpu.memory_space<vmem>>
      %dma_start3A_246 = tpu.memref_squeeze %dma_start3A_245 : memref<1x125xi32, #tpu.memory_space<vmem>> -> memref<125xi32, #tpu.memory_space<vmem>>
      %dma_start3A_247 = arith.constant 0 : i32
      %dma_start3A_248 = arith.constant 0 : i32
      %dma_start3A_249 = tpu.memref_slice %arg2[%dma_start3A_247, %dma_start3A_248] : memref<51200x32xf32, #tpu.memory_space<hbm>> -> memref<51200x32xf32, #tpu.memory_space<hbm>>
      tpu.enqueue_indirect_dma source(%dma_start3A_249 : memref<51200x32xf32, #tpu.memory_space<hbm>>) target(%dma_start3A_243 : memref<125x32xf32, #tpu.memory_space<vmem>>) offsets(%dma_start3A_246 : memref<125xi32, #tpu.memory_space<vmem>>) semaphore(%arg11 : memref<!tpu.dma_semaphore, #tpu.memory_space<semaphore_mem>>)
      %mul3A_250 = arith.constant 8 : i32
      %mul3A_251 = arith.muli %scan3A_220, %mul3A_250 : i32
      %add3A_252 = arith.constant 1 : i32
      %add3A_253 = arith.addi %mul3A_251, %add3A_252 : i32
      %dma_wait3A_254 = arith.constant 1 : i32
      %dma_wait3A_255 = arith.constant 0 : i32
      %dma_wait3A_256 = arith.constant 0 : i32
      %dma_wait3A_257 = tpu.memref_slice %arg9[%dma_wait3A_254, %dma_wait3A_255, %dma_wait3A_256] : memref<8x125x32xf32, #tpu.memory_space<vmem>> -> memref<1x125x32xf32, #tpu.memory_space<vmem>>
      %dma_wait3A_258 = tpu.memref_squeeze %dma_wait3A_257 : memref<1x125x32xf32, #tpu.memory_space<vmem>> -> memref<125x32xf32, #tpu.memory_space<vmem>>
      %dma_wait3A_259 = arith.constant 0 : i32
      %dma_wait3A_260 = tpu.memref_slice %arg7[%add3A_253, %dma_wait3A_259] : memref<80x125xi32, #tpu.memory_space<vmem>> -> memref<1x125xi32, #tpu.memory_space<vmem>>
      %dma_wait3A_261 = tpu.memref_squeeze %dma_wait3A_260 : memref<1x125xi32, #tpu.memory_space<vmem>> -> memref<125xi32, #tpu.memory_space<vmem>>
      %dma_wait3A_262 = arith.constant 0 : i32
      %dma_wait3A_263 = arith.constant 0 : i32
      %dma_wait3A_264 = tpu.memref_slice %arg2[%dma_wait3A_262, %dma_wait3A_263] : memref<51200x32xf32, #tpu.memory_space<hbm>> -> memref<51200x32xf32, #tpu.memory_space<hbm>>
      tpu.wait_indirect_dma semaphore(%arg12 : memref<!tpu.dma_semaphore, #tpu.memory_space<semaphore_mem>>) src(%dma_wait3A_264 : memref<51200x32xf32, #tpu.memory_space<hbm>>) dst(%dma_wait3A_258 : memref<125x32xf32, #tpu.memory_space<vmem>>)
      %run_scoped3A_265 = arith.constant 1 : i32
      "tpu.region"() ({
        %run_scoped3A_453 = tpu.sem_alloc : memref<!tpu.dma_semaphore, #tpu.memory_space<semaphore_mem>>
        %dma_start3A_454 = arith.constant 0 : i32
        %dma_start3A_455 = arith.constant 0 : i32
        %dma_start3A_456 = tpu.memref_slice %arg9[%run_scoped3A_265, %dma_start3A_454, %dma_start3A_455] : memref<8x125x32xf32, #tpu.memory_space<vmem>> -> memref<1x125x32xf32, #tpu.memory_space<vmem>>
        %dma_start3A_457 = tpu.memref_squeeze %dma_start3A_456 : memref<1x125x32xf32, #tpu.memory_space<vmem>> -> memref<125x32xf32, #tpu.memory_space<vmem>>
        %dma_start3A_458 = arith.constant 0 : i32
        %dma_start3A_459 = tpu.memref_slice %arg8[%add3A_253, %dma_start3A_458] : memref<80x125xi32, #tpu.memory_space<vmem>> -> memref<1x125xi32, #tpu.memory_space<vmem>>
        %dma_start3A_460 = tpu.memref_squeeze %dma_start3A_459 : memref<1x125xi32, #tpu.memory_space<vmem>> -> memref<125xi32, #tpu.memory_space<vmem>>
        %dma_start3A_461 = arith.constant 0 : i32
        %dma_start3A_462 = arith.constant 0 : i32
        %dma_start3A_463 = tpu.memref_slice %arg10[%dma_start3A_461, %dma_start3A_462] : memref<10240x32xf32, #tpu.memory_space<vmem_shared>> -> memref<10240x32xf32, #tpu.memory_space<vmem_shared>>
        tpu.enqueue_indirect_dma source(%dma_start3A_457 : memref<125x32xf32, #tpu.memory_space<vmem>>) target(%dma_start3A_463 : memref<10240x32xf32, #tpu.memory_space<vmem_shared>>) offsets(%dma_start3A_460 : memref<125xi32, #tpu.memory_space<vmem>>) semaphore(%run_scoped3A_453 : memref<!tpu.dma_semaphore, #tpu.memory_space<semaphore_mem>>) {add = true}
        %dma_wait3A_464 = arith.constant 0 : i32
        %dma_wait3A_465 = arith.constant 0 : i32
        %dma_wait3A_466 = tpu.memref_slice %arg9[%run_scoped3A_265, %dma_wait3A_464, %dma_wait3A_465] : memref<8x125x32xf32, #tpu.memory_space<vmem>> -> memref<1x125x32xf32, #tpu.memory_space<vmem>>
        %dma_wait3A_467 = tpu.memref_squeeze %dma_wait3A_466 : memref<1x125x32xf32, #tpu.memory_space<vmem>> -> memref<125x32xf32, #tpu.memory_space<vmem>>
        %dma_wait3A_468 = arith.constant 0 : i32
        %dma_wait3A_469 = tpu.memref_slice %arg8[%add3A_253, %dma_wait3A_468] : memref<80x125xi32, #tpu.memory_space<vmem>> -> memref<1x125xi32, #tpu.memory_space<vmem>>
        %dma_wait3A_470 = tpu.memref_squeeze %dma_wait3A_469 : memref<1x125xi32, #tpu.memory_space<vmem>> -> memref<125xi32, #tpu.memory_space<vmem>>
        %dma_wait3A_471 = arith.constant 0 : i32
        %dma_wait3A_472 = arith.constant 0 : i32
        %dma_wait3A_473 = tpu.memref_slice %arg10[%dma_wait3A_471, %dma_wait3A_472] : memref<10240x32xf32, #tpu.memory_space<vmem_shared>> -> memref<10240x32xf32, #tpu.memory_space<vmem_shared>>
        tpu.wait_indirect_dma semaphore(%run_scoped3A_453 : memref<!tpu.dma_semaphore, #tpu.memory_space<semaphore_mem>>) src(%dma_wait3A_467 : memref<125x32xf32, #tpu.memory_space<vmem>>) dst(%dma_wait3A_473 : memref<10240x32xf32, #tpu.memory_space<vmem_shared>>)
        tpu.yield
      }) : () -> ()
      %add3A_266 = arith.constant 8 : i32
      %add3A_267 = arith.addi %add3A_253, %add3A_266 : i32
      %dma_start3A_268 = arith.constant 1 : i32
      %dma_start3A_269 = arith.constant 0 : i32
      %dma_start3A_270 = arith.constant 0 : i32
      %dma_start3A_271 = tpu.memref_slice %arg9[%dma_start3A_268, %dma_start3A_269, %dma_start3A_270] : memref<8x125x32xf32, #tpu.memory_space<vmem>> -> memref<1x125x32xf32, #tpu.memory_space<vmem>>
      %dma_start3A_272 = tpu.memref_squeeze %dma_start3A_271 : memref<1x125x32xf32, #tpu.memory_space<vmem>> -> memref<125x32xf32, #tpu.memory_space<vmem>>
      %dma_start3A_273 = arith.constant 0 : i32
      %dma_start3A_274 = tpu.memref_slice %arg7[%add3A_267, %dma_start3A_273] : memref<80x125xi32, #tpu.memory_space<vmem>> -> memref<1x125xi32, #tpu.memory_space<vmem>>
      %dma_start3A_275 = tpu.memref_squeeze %dma_start3A_274 : memref<1x125xi32, #tpu.memory_space<vmem>> -> memref<125xi32, #tpu.memory_space<vmem>>
      %dma_start3A_276 = arith.constant 0 : i32
      %dma_start3A_277 = arith.constant 0 : i32
      %dma_start3A_278 = tpu.memref_slice %arg2[%dma_start3A_276, %dma_start3A_277] : memref<51200x32xf32, #tpu.memory_space<hbm>> -> memref<51200x32xf32, #tpu.memory_space<hbm>>
      tpu.enqueue_indirect_dma source(%dma_start3A_278 : memref<51200x32xf32, #tpu.memory_space<hbm>>) target(%dma_start3A_272 : memref<125x32xf32, #tpu.memory_space<vmem>>) offsets(%dma_start3A_275 : memref<125xi32, #tpu.memory_space<vmem>>) semaphore(%arg12 : memref<!tpu.dma_semaphore, #tpu.memory_space<semaphore_mem>>)
      %mul3A_279 = arith.constant 8 : i32
      %mul3A_280 = arith.muli %scan3A_220, %mul3A_279 : i32
      %add3A_281 = arith.constant 2 : i32
      %add3A_282 = arith.addi %mul3A_280, %add3A_281 : i32
      %dma_wait3A_283 = arith.constant 2 : i32
      %dma_wait3A_284 = arith.constant 0 : i32
      %dma_wait3A_285 = arith.constant 0 : i32
      %dma_wait3A_286 = tpu.memref_slice %arg9[%dma_wait3A_283, %dma_wait3A_284, %dma_wait3A_285] : memref<8x125x32xf32, #tpu.memory_space<vmem>> -> memref<1x125x32xf32, #tpu.memory_space<vmem>>
      %dma_wait3A_287 = tpu.memref_squeeze %dma_wait3A_286 : memref<1x125x32xf32, #tpu.memory_space<vmem>> -> memref<125x32xf32, #tpu.memory_space<vmem>>
      %dma_wait3A_288 = arith.constant 0 : i32
      %dma_wait3A_289 = tpu.memref_slice %arg7[%add3A_282, %dma_wait3A_288] : memref<80x125xi32, #tpu.memory_space<vmem>> -> memref<1x125xi32, #tpu.memory_space<vmem>>
      %dma_wait3A_290 = tpu.memref_squeeze %dma_wait3A_289 : memref<1x125xi32, #tpu.memory_space<vmem>> -> memref<125xi32, #tpu.memory_space<vmem>>
      %dma_wait3A_291 = arith.constant 0 : i32
      %dma_wait3A_292 = arith.constant 0 : i32
      %dma_wait3A_293 = tpu.memref_slice %arg2[%dma_wait3A_291, %dma_wait3A_292] : memref<51200x32xf32, #tpu.memory_space<hbm>> -> memref<51200x32xf32, #tpu.memory_space<hbm>>
      tpu.wait_indirect_dma semaphore(%arg13 : memref<!tpu.dma_semaphore, #tpu.memory_space<semaphore_mem>>) src(%dma_wait3A_293 : memref<51200x32xf32, #tpu.memory_space<hbm>>) dst(%dma_wait3A_287 : memref<125x32xf32, #tpu.memory_space<vmem>>)
      %run_scoped3A_294 = arith.constant 2 : i32
      "tpu.region"() ({
        %run_scoped3A_453 = tpu.sem_alloc : memref<!tpu.dma_semaphore, #tpu.memory_space<semaphore_mem>>
        %dma_start3A_454 = arith.constant 0 : i32
        %dma_start3A_455 = arith.constant 0 : i32
        %dma_start3A_456 = tpu.memref_slice %arg9[%run_scoped3A_294, %dma_start3A_454, %dma_start3A_455] : memref<8x125x32xf32, #tpu.memory_space<vmem>> -> memref<1x125x32xf32, #tpu.memory_space<vmem>>
        %dma_start3A_457 = tpu.memref_squeeze %dma_start3A_456 : memref<1x125x32xf32, #tpu.memory_space<vmem>> -> memref<125x32xf32, #tpu.memory_space<vmem>>
        %dma_start3A_458 = arith.constant 0 : i32
        %dma_start3A_459 = tpu.memref_slice %arg8[%add3A_282, %dma_start3A_458] : memref<80x125xi32, #tpu.memory_space<vmem>> -> memref<1x125xi32, #tpu.memory_space<vmem>>
        %dma_start3A_460 = tpu.memref_squeeze %dma_start3A_459 : memref<1x125xi32, #tpu.memory_space<vmem>> -> memref<125xi32, #tpu.memory_space<vmem>>
        %dma_start3A_461 = arith.constant 0 : i32
        %dma_start3A_462 = arith.constant 0 : i32
        %dma_start3A_463 = tpu.memref_slice %arg10[%dma_start3A_461, %dma_start3A_462] : memref<10240x32xf32, #tpu.memory_space<vmem_shared>> -> memref<10240x32xf32, #tpu.memory_space<vmem_shared>>
        tpu.enqueue_indirect_dma source(%dma_start3A_457 : memref<125x32xf32, #tpu.memory_space<vmem>>) target(%dma_start3A_463 : memref<10240x32xf32, #tpu.memory_space<vmem_shared>>) offsets(%dma_start3A_460 : memref<125xi32, #tpu.memory_space<vmem>>) semaphore(%run_scoped3A_453 : memref<!tpu.dma_semaphore, #tpu.memory_space<semaphore_mem>>) {add = true}
        %dma_wait3A_464 = arith.constant 0 : i32
        %dma_wait3A_465 = arith.constant 0 : i32
        %dma_wait3A_466 = tpu.memref_slice %arg9[%run_scoped3A_294, %dma_wait3A_464, %dma_wait3A_465] : memref<8x125x32xf32, #tpu.memory_space<vmem>> -> memref<1x125x32xf32, #tpu.memory_space<vmem>>
        %dma_wait3A_467 = tpu.memref_squeeze %dma_wait3A_466 : memref<1x125x32xf32, #tpu.memory_space<vmem>> -> memref<125x32xf32, #tpu.memory_space<vmem>>
        %dma_wait3A_468 = arith.constant 0 : i32
        %dma_wait3A_469 = tpu.memref_slice %arg8[%add3A_282, %dma_wait3A_468] : memref<80x125xi32, #tpu.memory_space<vmem>> -> memref<1x125xi32, #tpu.memory_space<vmem>>
        %dma_wait3A_470 = tpu.memref_squeeze %dma_wait3A_469 : memref<1x125xi32, #tpu.memory_space<vmem>> -> memref<125xi32, #tpu.memory_space<vmem>>
        %dma_wait3A_471 = arith.constant 0 : i32
        %dma_wait3A_472 = arith.constant 0 : i32
        %dma_wait3A_473 = tpu.memref_slice %arg10[%dma_wait3A_471, %dma_wait3A_472] : memref<10240x32xf32, #tpu.memory_space<vmem_shared>> -> memref<10240x32xf32, #tpu.memory_space<vmem_shared>>
        tpu.wait_indirect_dma semaphore(%run_scoped3A_453 : memref<!tpu.dma_semaphore, #tpu.memory_space<semaphore_mem>>) src(%dma_wait3A_467 : memref<125x32xf32, #tpu.memory_space<vmem>>) dst(%dma_wait3A_473 : memref<10240x32xf32, #tpu.memory_space<vmem_shared>>)
        tpu.yield
      }) : () -> ()
      %add3A_295 = arith.constant 8 : i32
      %add3A_296 = arith.addi %add3A_282, %add3A_295 : i32
      %dma_start3A_297 = arith.constant 2 : i32
      %dma_start3A_298 = arith.constant 0 : i32
      %dma_start3A_299 = arith.constant 0 : i32
      %dma_start3A_300 = tpu.memref_slice %arg9[%dma_start3A_297, %dma_start3A_298, %dma_start3A_299] : memref<8x125x32xf32, #tpu.memory_space<vmem>> -> memref<1x125x32xf32, #tpu.memory_space<vmem>>
      %dma_start3A_301 = tpu.memref_squeeze %dma_start3A_300 : memref<1x125x32xf32, #tpu.memory_space<vmem>> -> memref<125x32xf32, #tpu.memory_space<vmem>>
      %dma_start3A_302 = arith.constant 0 : i32
      %dma_start3A_303 = tpu.memref_slice %arg7[%add3A_296, %dma_start3A_302] : memref<80x125xi32, #tpu.memory_space<vmem>> -> memref<1x125xi32, #tpu.memory_space<vmem>>
      %dma_start3A_304 = tpu.memref_squeeze %dma_start3A_303 : memref<1x125xi32, #tpu.memory_space<vmem>> -> memref<125xi32, #tpu.memory_space<vmem>>
      %dma_start3A_305 = arith.constant 0 : i32
      %dma_start3A_306 = arith.constant 0 : i32
      %dma_start3A_307 = tpu.memref_slice %arg2[%dma_start3A_305, %dma_start3A_306] : memref<51200x32xf32, #tpu.memory_space<hbm>> -> memref<51200x32xf32, #tpu.memory_space<hbm>>
      tpu.enqueue_indirect_dma source(%dma_start3A_307 : memref<51200x32xf32, #tpu.memory_space<hbm>>) target(%dma_start3A_301 : memref<125x32xf32, #tpu.memory_space<vmem>>) offsets(%dma_start3A_304 : memref<125xi32, #tpu.memory_space<vmem>>) semaphore(%arg13 : memref<!tpu.dma_semaphore, #tpu.memory_space<semaphore_mem>>)
      %mul3A_308 = arith.constant 8 : i32
      %mul3A_309 = arith.muli %scan3A_220, %mul3A_308 : i32
      %add3A_310 = arith.constant 3 : i32
      %add3A_311 = arith.addi %mul3A_309, %add3A_310 : i32
      %dma_wait3A_312 = arith.constant 3 : i32
      %dma_wait3A_313 = arith.constant 0 : i32
      %dma_wait3A_314 = arith.constant 0 : i32
      %dma_wait3A_315 = tpu.memref_slice %arg9[%dma_wait3A_312, %dma_wait3A_313, %dma_wait3A_314] : memref<8x125x32xf32, #tpu.memory_space<vmem>> -> memref<1x125x32xf32, #tpu.memory_space<vmem>>
      %dma_wait3A_316 = tpu.memref_squeeze %dma_wait3A_315 : memref<1x125x32xf32, #tpu.memory_space<vmem>> -> memref<125x32xf32, #tpu.memory_space<vmem>>
      %dma_wait3A_317 = arith.constant 0 : i32
      %dma_wait3A_318 = tpu.memref_slice %arg7[%add3A_311, %dma_wait3A_317] : memref<80x125xi32, #tpu.memory_space<vmem>> -> memref<1x125xi32, #tpu.memory_space<vmem>>
      %dma_wait3A_319 = tpu.memref_squeeze %dma_wait3A_318 : memref<1x125xi32, #tpu.memory_space<vmem>> -> memref<125xi32, #tpu.memory_space<vmem>>
      %dma_wait3A_320 = arith.constant 0 : i32
      %dma_wait3A_321 = arith.constant 0 : i32
      %dma_wait3A_322 = tpu.memref_slice %arg2[%dma_wait3A_320, %dma_wait3A_321] : memref<51200x32xf32, #tpu.memory_space<hbm>> -> memref<51200x32xf32, #tpu.memory_space<hbm>>
      tpu.wait_indirect_dma semaphore(%arg14 : memref<!tpu.dma_semaphore, #tpu.memory_space<semaphore_mem>>) src(%dma_wait3A_322 : memref<51200x32xf32, #tpu.memory_space<hbm>>) dst(%dma_wait3A_316 : memref<125x32xf32, #tpu.memory_space<vmem>>)
      %run_scoped3A_323 = arith.constant 3 : i32
      "tpu.region"() ({
        %run_scoped3A_453 = tpu.sem_alloc : memref<!tpu.dma_semaphore, #tpu.memory_space<semaphore_mem>>
        %dma_start3A_454 = arith.constant 0 : i32
        %dma_start3A_455 = arith.constant 0 : i32
        %dma_start3A_456 = tpu.memref_slice %arg9[%run_scoped3A_323, %dma_start3A_454, %dma_start3A_455] : memref<8x125x32xf32, #tpu.memory_space<vmem>> -> memref<1x125x32xf32, #tpu.memory_space<vmem>>
        %dma_start3A_457 = tpu.memref_squeeze %dma_start3A_456 : memref<1x125x32xf32, #tpu.memory_space<vmem>> -> memref<125x32xf32, #tpu.memory_space<vmem>>
        %dma_start3A_458 = arith.constant 0 : i32
        %dma_start3A_459 = tpu.memref_slice %arg8[%add3A_311, %dma_start3A_458] : memref<80x125xi32, #tpu.memory_space<vmem>> -> memref<1x125xi32, #tpu.memory_space<vmem>>
        %dma_start3A_460 = tpu.memref_squeeze %dma_start3A_459 : memref<1x125xi32, #tpu.memory_space<vmem>> -> memref<125xi32, #tpu.memory_space<vmem>>
        %dma_start3A_461 = arith.constant 0 : i32
        %dma_start3A_462 = arith.constant 0 : i32
        %dma_start3A_463 = tpu.memref_slice %arg10[%dma_start3A_461, %dma_start3A_462] : memref<10240x32xf32, #tpu.memory_space<vmem_shared>> -> memref<10240x32xf32, #tpu.memory_space<vmem_shared>>
        tpu.enqueue_indirect_dma source(%dma_start3A_457 : memref<125x32xf32, #tpu.memory_space<vmem>>) target(%dma_start3A_463 : memref<10240x32xf32, #tpu.memory_space<vmem_shared>>) offsets(%dma_start3A_460 : memref<125xi32, #tpu.memory_space<vmem>>) semaphore(%run_scoped3A_453 : memref<!tpu.dma_semaphore, #tpu.memory_space<semaphore_mem>>) {add = true}
        %dma_wait3A_464 = arith.constant 0 : i32
        %dma_wait3A_465 = arith.constant 0 : i32
        %dma_wait3A_466 = tpu.memref_slice %arg9[%run_scoped3A_323, %dma_wait3A_464, %dma_wait3A_465] : memref<8x125x32xf32, #tpu.memory_space<vmem>> -> memref<1x125x32xf32, #tpu.memory_space<vmem>>
        %dma_wait3A_467 = tpu.memref_squeeze %dma_wait3A_466 : memref<1x125x32xf32, #tpu.memory_space<vmem>> -> memref<125x32xf32, #tpu.memory_space<vmem>>
        %dma_wait3A_468 = arith.constant 0 : i32
        %dma_wait3A_469 = tpu.memref_slice %arg8[%add3A_311, %dma_wait3A_468] : memref<80x125xi32, #tpu.memory_space<vmem>> -> memref<1x125xi32, #tpu.memory_space<vmem>>
        %dma_wait3A_470 = tpu.memref_squeeze %dma_wait3A_469 : memref<1x125xi32, #tpu.memory_space<vmem>> -> memref<125xi32, #tpu.memory_space<vmem>>
        %dma_wait3A_471 = arith.constant 0 : i32
        %dma_wait3A_472 = arith.constant 0 : i32
        %dma_wait3A_473 = tpu.memref_slice %arg10[%dma_wait3A_471, %dma_wait3A_472] : memref<10240x32xf32, #tpu.memory_space<vmem_shared>> -> memref<10240x32xf32, #tpu.memory_space<vmem_shared>>
        tpu.wait_indirect_dma semaphore(%run_scoped3A_453 : memref<!tpu.dma_semaphore, #tpu.memory_space<semaphore_mem>>) src(%dma_wait3A_467 : memref<125x32xf32, #tpu.memory_space<vmem>>) dst(%dma_wait3A_473 : memref<10240x32xf32, #tpu.memory_space<vmem_shared>>)
        tpu.yield
      }) : () -> ()
      %add3A_324 = arith.constant 8 : i32
      %add3A_325 = arith.addi %add3A_311, %add3A_324 : i32
      %dma_start3A_326 = arith.constant 3 : i32
      %dma_start3A_327 = arith.constant 0 : i32
      %dma_start3A_328 = arith.constant 0 : i32
      %dma_start3A_329 = tpu.memref_slice %arg9[%dma_start3A_326, %dma_start3A_327, %dma_start3A_328] : memref<8x125x32xf32, #tpu.memory_space<vmem>> -> memref<1x125x32xf32, #tpu.memory_space<vmem>>
      %dma_start3A_330 = tpu.memref_squeeze %dma_start3A_329 : memref<1x125x32xf32, #tpu.memory_space<vmem>> -> memref<125x32xf32, #tpu.memory_space<vmem>>
      %dma_start3A_331 = arith.constant 0 : i32
      %dma_start3A_332 = tpu.memref_slice %arg7[%add3A_325, %dma_start3A_331] : memref<80x125xi32, #tpu.memory_space<vmem>> -> memref<1x125xi32, #tpu.memory_space<vmem>>
      %dma_start3A_333 = tpu.memref_squeeze %dma_start3A_332 : memref<1x125xi32, #tpu.memory_space<vmem>> -> memref<125xi32, #tpu.memory_space<vmem>>
      %dma_start3A_334 = arith.constant 0 : i32
      %dma_start3A_335 = arith.constant 0 : i32
      %dma_start3A_336 = tpu.memref_slice %arg2[%dma_start3A_334, %dma_start3A_335] : memref<51200x32xf32, #tpu.memory_space<hbm>> -> memref<51200x32xf32, #tpu.memory_space<hbm>>
      tpu.enqueue_indirect_dma source(%dma_start3A_336 : memref<51200x32xf32, #tpu.memory_space<hbm>>) target(%dma_start3A_330 : memref<125x32xf32, #tpu.memory_space<vmem>>) offsets(%dma_start3A_333 : memref<125xi32, #tpu.memory_space<vmem>>) semaphore(%arg14 : memref<!tpu.dma_semaphore, #tpu.memory_space<semaphore_mem>>)
      %mul3A_337 = arith.constant 8 : i32
      %mul3A_338 = arith.muli %scan3A_220, %mul3A_337 : i32
      %add3A_339 = arith.constant 4 : i32
      %add3A_340 = arith.addi %mul3A_338, %add3A_339 : i32
      %dma_wait3A_341 = arith.constant 4 : i32
      %dma_wait3A_342 = arith.constant 0 : i32
      %dma_wait3A_343 = arith.constant 0 : i32
      %dma_wait3A_344 = tpu.memref_slice %arg9[%dma_wait3A_341, %dma_wait3A_342, %dma_wait3A_343] : memref<8x125x32xf32, #tpu.memory_space<vmem>> -> memref<1x125x32xf32, #tpu.memory_space<vmem>>
      %dma_wait3A_345 = tpu.memref_squeeze %dma_wait3A_344 : memref<1x125x32xf32, #tpu.memory_space<vmem>> -> memref<125x32xf32, #tpu.memory_space<vmem>>
      %dma_wait3A_346 = arith.constant 0 : i32
      %dma_wait3A_347 = tpu.memref_slice %arg7[%add3A_340, %dma_wait3A_346] : memref<80x125xi32, #tpu.memory_space<vmem>> -> memref<1x125xi32, #tpu.memory_space<vmem>>
      %dma_wait3A_348 = tpu.memref_squeeze %dma_wait3A_347 : memref<1x125xi32, #tpu.memory_space<vmem>> -> memref<125xi32, #tpu.memory_space<vmem>>
      %dma_wait3A_349 = arith.constant 0 : i32
      %dma_wait3A_350 = arith.constant 0 : i32
      %dma_wait3A_351 = tpu.memref_slice %arg2[%dma_wait3A_349, %dma_wait3A_350] : memref<51200x32xf32, #tpu.memory_space<hbm>> -> memref<51200x32xf32, #tpu.memory_space<hbm>>
      tpu.wait_indirect_dma semaphore(%arg15 : memref<!tpu.dma_semaphore, #tpu.memory_space<semaphore_mem>>) src(%dma_wait3A_351 : memref<51200x32xf32, #tpu.memory_space<hbm>>) dst(%dma_wait3A_345 : memref<125x32xf32, #tpu.memory_space<vmem>>)
      %run_scoped3A_352 = arith.constant 4 : i32
      "tpu.region"() ({
        %run_scoped3A_453 = tpu.sem_alloc : memref<!tpu.dma_semaphore, #tpu.memory_space<semaphore_mem>>
        %dma_start3A_454 = arith.constant 0 : i32
        %dma_start3A_455 = arith.constant 0 : i32
        %dma_start3A_456 = tpu.memref_slice %arg9[%run_scoped3A_352, %dma_start3A_454, %dma_start3A_455] : memref<8x125x32xf32, #tpu.memory_space<vmem>> -> memref<1x125x32xf32, #tpu.memory_space<vmem>>
        %dma_start3A_457 = tpu.memref_squeeze %dma_start3A_456 : memref<1x125x32xf32, #tpu.memory_space<vmem>> -> memref<125x32xf32, #tpu.memory_space<vmem>>
        %dma_start3A_458 = arith.constant 0 : i32
        %dma_start3A_459 = tpu.memref_slice %arg8[%add3A_340, %dma_start3A_458] : memref<80x125xi32, #tpu.memory_space<vmem>> -> memref<1x125xi32, #tpu.memory_space<vmem>>
        %dma_start3A_460 = tpu.memref_squeeze %dma_start3A_459 : memref<1x125xi32, #tpu.memory_space<vmem>> -> memref<125xi32, #tpu.memory_space<vmem>>
        %dma_start3A_461 = arith.constant 0 : i32
        %dma_start3A_462 = arith.constant 0 : i32
        %dma_start3A_463 = tpu.memref_slice %arg10[%dma_start3A_461, %dma_start3A_462] : memref<10240x32xf32, #tpu.memory_space<vmem_shared>> -> memref<10240x32xf32, #tpu.memory_space<vmem_shared>>
        tpu.enqueue_indirect_dma source(%dma_start3A_457 : memref<125x32xf32, #tpu.memory_space<vmem>>) target(%dma_start3A_463 : memref<10240x32xf32, #tpu.memory_space<vmem_shared>>) offsets(%dma_start3A_460 : memref<125xi32, #tpu.memory_space<vmem>>) semaphore(%run_scoped3A_453 : memref<!tpu.dma_semaphore, #tpu.memory_space<semaphore_mem>>) {add = true}
        %dma_wait3A_464 = arith.constant 0 : i32
        %dma_wait3A_465 = arith.constant 0 : i32
        %dma_wait3A_466 = tpu.memref_slice %arg9[%run_scoped3A_352, %dma_wait3A_464, %dma_wait3A_465] : memref<8x125x32xf32, #tpu.memory_space<vmem>> -> memref<1x125x32xf32, #tpu.memory_space<vmem>>
        %dma_wait3A_467 = tpu.memref_squeeze %dma_wait3A_466 : memref<1x125x32xf32, #tpu.memory_space<vmem>> -> memref<125x32xf32, #tpu.memory_space<vmem>>
        %dma_wait3A_468 = arith.constant 0 : i32
        %dma_wait3A_469 = tpu.memref_slice %arg8[%add3A_340, %dma_wait3A_468] : memref<80x125xi32, #tpu.memory_space<vmem>> -> memref<1x125xi32, #tpu.memory_space<vmem>>
        %dma_wait3A_470 = tpu.memref_squeeze %dma_wait3A_469 : memref<1x125xi32, #tpu.memory_space<vmem>> -> memref<125xi32, #tpu.memory_space<vmem>>
        %dma_wait3A_471 = arith.constant 0 : i32
        %dma_wait3A_472 = arith.constant 0 : i32
        %dma_wait3A_473 = tpu.memref_slice %arg10[%dma_wait3A_471, %dma_wait3A_472] : memref<10240x32xf32, #tpu.memory_space<vmem_shared>> -> memref<10240x32xf32, #tpu.memory_space<vmem_shared>>
        tpu.wait_indirect_dma semaphore(%run_scoped3A_453 : memref<!tpu.dma_semaphore, #tpu.memory_space<semaphore_mem>>) src(%dma_wait3A_467 : memref<125x32xf32, #tpu.memory_space<vmem>>) dst(%dma_wait3A_473 : memref<10240x32xf32, #tpu.memory_space<vmem_shared>>)
        tpu.yield
      }) : () -> ()
      %add3A_353 = arith.constant 8 : i32
      %add3A_354 = arith.addi %add3A_340, %add3A_353 : i32
      %dma_start3A_355 = arith.constant 4 : i32
      %dma_start3A_356 = arith.constant 0 : i32
      %dma_start3A_357 = arith.constant 0 : i32
      %dma_start3A_358 = tpu.memref_slice %arg9[%dma_start3A_355, %dma_start3A_356, %dma_start3A_357] : memref<8x125x32xf32, #tpu.memory_space<vmem>> -> memref<1x125x32xf32, #tpu.memory_space<vmem>>
      %dma_start3A_359 = tpu.memref_squeeze %dma_start3A_358 : memref<1x125x32xf32, #tpu.memory_space<vmem>> -> memref<125x32xf32, #tpu.memory_space<vmem>>
      %dma_start3A_360 = arith.constant 0 : i32
      %dma_start3A_361 = tpu.memref_slice %arg7[%add3A_354, %dma_start3A_360] : memref<80x125xi32, #tpu.memory_space<vmem>> -> memref<1x125xi32, #tpu.memory_space<vmem>>
      %dma_start3A_362 = tpu.memref_squeeze %dma_start3A_361 : memref<1x125xi32, #tpu.memory_space<vmem>> -> memref<125xi32, #tpu.memory_space<vmem>>
      %dma_start3A_363 = arith.constant 0 : i32
      %dma_start3A_364 = arith.constant 0 : i32
      %dma_start3A_365 = tpu.memref_slice %arg2[%dma_start3A_363, %dma_start3A_364] : memref<51200x32xf32, #tpu.memory_space<hbm>> -> memref<51200x32xf32, #tpu.memory_space<hbm>>
      tpu.enqueue_indirect_dma source(%dma_start3A_365 : memref<51200x32xf32, #tpu.memory_space<hbm>>) target(%dma_start3A_359 : memref<125x32xf32, #tpu.memory_space<vmem>>) offsets(%dma_start3A_362 : memref<125xi32, #tpu.memory_space<vmem>>) semaphore(%arg15 : memref<!tpu.dma_semaphore, #tpu.memory_space<semaphore_mem>>)
      %mul3A_366 = arith.constant 8 : i32
      %mul3A_367 = arith.muli %scan3A_220, %mul3A_366 : i32
      %add3A_368 = arith.constant 5 : i32
      %add3A_369 = arith.addi %mul3A_367, %add3A_368 : i32
      %dma_wait3A_370 = arith.constant 5 : i32
      %dma_wait3A_371 = arith.constant 0 : i32
      %dma_wait3A_372 = arith.constant 0 : i32
      %dma_wait3A_373 = tpu.memref_slice %arg9[%dma_wait3A_370, %dma_wait3A_371, %dma_wait3A_372] : memref<8x125x32xf32, #tpu.memory_space<vmem>> -> memref<1x125x32xf32, #tpu.memory_space<vmem>>
      %dma_wait3A_374 = tpu.memref_squeeze %dma_wait3A_373 : memref<1x125x32xf32, #tpu.memory_space<vmem>> -> memref<125x32xf32, #tpu.memory_space<vmem>>
      %dma_wait3A_375 = arith.constant 0 : i32
      %dma_wait3A_376 = tpu.memref_slice %arg7[%add3A_369, %dma_wait3A_375] : memref<80x125xi32, #tpu.memory_space<vmem>> -> memref<1x125xi32, #tpu.memory_space<vmem>>
      %dma_wait3A_377 = tpu.memref_squeeze %dma_wait3A_376 : memref<1x125xi32, #tpu.memory_space<vmem>> -> memref<125xi32, #tpu.memory_space<vmem>>
      %dma_wait3A_378 = arith.constant 0 : i32
      %dma_wait3A_379 = arith.constant 0 : i32
      %dma_wait3A_380 = tpu.memref_slice %arg2[%dma_wait3A_378, %dma_wait3A_379] : memref<51200x32xf32, #tpu.memory_space<hbm>> -> memref<51200x32xf32, #tpu.memory_space<hbm>>
      tpu.wait_indirect_dma semaphore(%arg16 : memref<!tpu.dma_semaphore, #tpu.memory_space<semaphore_mem>>) src(%dma_wait3A_380 : memref<51200x32xf32, #tpu.memory_space<hbm>>) dst(%dma_wait3A_374 : memref<125x32xf32, #tpu.memory_space<vmem>>)
      %run_scoped3A_381 = arith.constant 5 : i32
      "tpu.region"() ({
        %run_scoped3A_453 = tpu.sem_alloc : memref<!tpu.dma_semaphore, #tpu.memory_space<semaphore_mem>>
        %dma_start3A_454 = arith.constant 0 : i32
        %dma_start3A_455 = arith.constant 0 : i32
        %dma_start3A_456 = tpu.memref_slice %arg9[%run_scoped3A_381, %dma_start3A_454, %dma_start3A_455] : memref<8x125x32xf32, #tpu.memory_space<vmem>> -> memref<1x125x32xf32, #tpu.memory_space<vmem>>
        %dma_start3A_457 = tpu.memref_squeeze %dma_start3A_456 : memref<1x125x32xf32, #tpu.memory_space<vmem>> -> memref<125x32xf32, #tpu.memory_space<vmem>>
        %dma_start3A_458 = arith.constant 0 : i32
        %dma_start3A_459 = tpu.memref_slice %arg8[%add3A_369, %dma_start3A_458] : memref<80x125xi32, #tpu.memory_space<vmem>> -> memref<1x125xi32, #tpu.memory_space<vmem>>
        %dma_start3A_460 = tpu.memref_squeeze %dma_start3A_459 : memref<1x125xi32, #tpu.memory_space<vmem>> -> memref<125xi32, #tpu.memory_space<vmem>>
        %dma_start3A_461 = arith.constant 0 : i32
        %dma_start3A_462 = arith.constant 0 : i32
        %dma_start3A_463 = tpu.memref_slice %arg10[%dma_start3A_461, %dma_start3A_462] : memref<10240x32xf32, #tpu.memory_space<vmem_shared>> -> memref<10240x32xf32, #tpu.memory_space<vmem_shared>>
        tpu.enqueue_indirect_dma source(%dma_start3A_457 : memref<125x32xf32, #tpu.memory_space<vmem>>) target(%dma_start3A_463 : memref<10240x32xf32, #tpu.memory_space<vmem_shared>>) offsets(%dma_start3A_460 : memref<125xi32, #tpu.memory_space<vmem>>) semaphore(%run_scoped3A_453 : memref<!tpu.dma_semaphore, #tpu.memory_space<semaphore_mem>>) {add = true}
        %dma_wait3A_464 = arith.constant 0 : i32
        %dma_wait3A_465 = arith.constant 0 : i32
        %dma_wait3A_466 = tpu.memref_slice %arg9[%run_scoped3A_381, %dma_wait3A_464, %dma_wait3A_465] : memref<8x125x32xf32, #tpu.memory_space<vmem>> -> memref<1x125x32xf32, #tpu.memory_space<vmem>>
        %dma_wait3A_467 = tpu.memref_squeeze %dma_wait3A_466 : memref<1x125x32xf32, #tpu.memory_space<vmem>> -> memref<125x32xf32, #tpu.memory_space<vmem>>
        %dma_wait3A_468 = arith.constant 0 : i32
        %dma_wait3A_469 = tpu.memref_slice %arg8[%add3A_369, %dma_wait3A_468] : memref<80x125xi32, #tpu.memory_space<vmem>> -> memref<1x125xi32, #tpu.memory_space<vmem>>
        %dma_wait3A_470 = tpu.memref_squeeze %dma_wait3A_469 : memref<1x125xi32, #tpu.memory_space<vmem>> -> memref<125xi32, #tpu.memory_space<vmem>>
        %dma_wait3A_471 = arith.constant 0 : i32
        %dma_wait3A_472 = arith.constant 0 : i32
        %dma_wait3A_473 = tpu.memref_slice %arg10[%dma_wait3A_471, %dma_wait3A_472] : memref<10240x32xf32, #tpu.memory_space<vmem_shared>> -> memref<10240x32xf32, #tpu.memory_space<vmem_shared>>
        tpu.wait_indirect_dma semaphore(%run_scoped3A_453 : memref<!tpu.dma_semaphore, #tpu.memory_space<semaphore_mem>>) src(%dma_wait3A_467 : memref<125x32xf32, #tpu.memory_space<vmem>>) dst(%dma_wait3A_473 : memref<10240x32xf32, #tpu.memory_space<vmem_shared>>)
        tpu.yield
      }) : () -> ()
      %add3A_382 = arith.constant 8 : i32
      %add3A_383 = arith.addi %add3A_369, %add3A_382 : i32
      %dma_start3A_384 = arith.constant 5 : i32
      %dma_start3A_385 = arith.constant 0 : i32
      %dma_start3A_386 = arith.constant 0 : i32
      %dma_start3A_387 = tpu.memref_slice %arg9[%dma_start3A_384, %dma_start3A_385, %dma_start3A_386] : memref<8x125x32xf32, #tpu.memory_space<vmem>> -> memref<1x125x32xf32, #tpu.memory_space<vmem>>
      %dma_start3A_388 = tpu.memref_squeeze %dma_start3A_387 : memref<1x125x32xf32, #tpu.memory_space<vmem>> -> memref<125x32xf32, #tpu.memory_space<vmem>>
      %dma_start3A_389 = arith.constant 0 : i32
      %dma_start3A_390 = tpu.memref_slice %arg7[%add3A_383, %dma_start3A_389] : memref<80x125xi32, #tpu.memory_space<vmem>> -> memref<1x125xi32, #tpu.memory_space<vmem>>
      %dma_start3A_391 = tpu.memref_squeeze %dma_start3A_390 : memref<1x125xi32, #tpu.memory_space<vmem>> -> memref<125xi32, #tpu.memory_space<vmem>>
      %dma_start3A_392 = arith.constant 0 : i32
      %dma_start3A_393 = arith.constant 0 : i32
      %dma_start3A_394 = tpu.memref_slice %arg2[%dma_start3A_392, %dma_start3A_393] : memref<51200x32xf32, #tpu.memory_space<hbm>> -> memref<51200x32xf32, #tpu.memory_space<hbm>>
      tpu.enqueue_indirect_dma source(%dma_start3A_394 : memref<51200x32xf32, #tpu.memory_space<hbm>>) target(%dma_start3A_388 : memref<125x32xf32, #tpu.memory_space<vmem>>) offsets(%dma_start3A_391 : memref<125xi32, #tpu.memory_space<vmem>>) semaphore(%arg16 : memref<!tpu.dma_semaphore, #tpu.memory_space<semaphore_mem>>)
      %mul3A_395 = arith.constant 8 : i32
      %mul3A_396 = arith.muli %scan3A_220, %mul3A_395 : i32
      %add3A_397 = arith.constant 6 : i32
      %add3A_398 = arith.addi %mul3A_396, %add3A_397 : i32
      %dma_wait3A_399 = arith.constant 6 : i32
      %dma_wait3A_400 = arith.constant 0 : i32
      %dma_wait3A_401 = arith.constant 0 : i32
      %dma_wait3A_402 = tpu.memref_slice %arg9[%dma_wait3A_399, %dma_wait3A_400, %dma_wait3A_401] : memref<8x125x32xf32, #tpu.memory_space<vmem>> -> memref<1x125x32xf32, #tpu.memory_space<vmem>>
      %dma_wait3A_403 = tpu.memref_squeeze %dma_wait3A_402 : memref<1x125x32xf32, #tpu.memory_space<vmem>> -> memref<125x32xf32, #tpu.memory_space<vmem>>
      %dma_wait3A_404 = arith.constant 0 : i32
      %dma_wait3A_405 = tpu.memref_slice %arg7[%add3A_398, %dma_wait3A_404] : memref<80x125xi32, #tpu.memory_space<vmem>> -> memref<1x125xi32, #tpu.memory_space<vmem>>
      %dma_wait3A_406 = tpu.memref_squeeze %dma_wait3A_405 : memref<1x125xi32, #tpu.memory_space<vmem>> -> memref<125xi32, #tpu.memory_space<vmem>>
      %dma_wait3A_407 = arith.constant 0 : i32
      %dma_wait3A_408 = arith.constant 0 : i32
      %dma_wait3A_409 = tpu.memref_slice %arg2[%dma_wait3A_407, %dma_wait3A_408] : memref<51200x32xf32, #tpu.memory_space<hbm>> -> memref<51200x32xf32, #tpu.memory_space<hbm>>
      tpu.wait_indirect_dma semaphore(%arg17 : memref<!tpu.dma_semaphore, #tpu.memory_space<semaphore_mem>>) src(%dma_wait3A_409 : memref<51200x32xf32, #tpu.memory_space<hbm>>) dst(%dma_wait3A_403 : memref<125x32xf32, #tpu.memory_space<vmem>>)
      %run_scoped3A_410 = arith.constant 6 : i32
      "tpu.region"() ({
        %run_scoped3A_453 = tpu.sem_alloc : memref<!tpu.dma_semaphore, #tpu.memory_space<semaphore_mem>>
        %dma_start3A_454 = arith.constant 0 : i32
        %dma_start3A_455 = arith.constant 0 : i32
        %dma_start3A_456 = tpu.memref_slice %arg9[%run_scoped3A_410, %dma_start3A_454, %dma_start3A_455] : memref<8x125x32xf32, #tpu.memory_space<vmem>> -> memref<1x125x32xf32, #tpu.memory_space<vmem>>
        %dma_start3A_457 = tpu.memref_squeeze %dma_start3A_456 : memref<1x125x32xf32, #tpu.memory_space<vmem>> -> memref<125x32xf32, #tpu.memory_space<vmem>>
        %dma_start3A_458 = arith.constant 0 : i32
        %dma_start3A_459 = tpu.memref_slice %arg8[%add3A_398, %dma_start3A_458] : memref<80x125xi32, #tpu.memory_space<vmem>> -> memref<1x125xi32, #tpu.memory_space<vmem>>
        %dma_start3A_460 = tpu.memref_squeeze %dma_start3A_459 : memref<1x125xi32, #tpu.memory_space<vmem>> -> memref<125xi32, #tpu.memory_space<vmem>>
        %dma_start3A_461 = arith.constant 0 : i32
        %dma_start3A_462 = arith.constant 0 : i32
        %dma_start3A_463 = tpu.memref_slice %arg10[%dma_start3A_461, %dma_start3A_462] : memref<10240x32xf32, #tpu.memory_space<vmem_shared>> -> memref<10240x32xf32, #tpu.memory_space<vmem_shared>>
        tpu.enqueue_indirect_dma source(%dma_start3A_457 : memref<125x32xf32, #tpu.memory_space<vmem>>) target(%dma_start3A_463 : memref<10240x32xf32, #tpu.memory_space<vmem_shared>>) offsets(%dma_start3A_460 : memref<125xi32, #tpu.memory_space<vmem>>) semaphore(%run_scoped3A_453 : memref<!tpu.dma_semaphore, #tpu.memory_space<semaphore_mem>>) {add = true}
        %dma_wait3A_464 = arith.constant 0 : i32
        %dma_wait3A_465 = arith.constant 0 : i32
        %dma_wait3A_466 = tpu.memref_slice %arg9[%run_scoped3A_410, %dma_wait3A_464, %dma_wait3A_465] : memref<8x125x32xf32, #tpu.memory_space<vmem>> -> memref<1x125x32xf32, #tpu.memory_space<vmem>>
        %dma_wait3A_467 = tpu.memref_squeeze %dma_wait3A_466 : memref<1x125x32xf32, #tpu.memory_space<vmem>> -> memref<125x32xf32, #tpu.memory_space<vmem>>
        %dma_wait3A_468 = arith.constant 0 : i32
        %dma_wait3A_469 = tpu.memref_slice %arg8[%add3A_398, %dma_wait3A_468] : memref<80x125xi32, #tpu.memory_space<vmem>> -> memref<1x125xi32, #tpu.memory_space<vmem>>
        %dma_wait3A_470 = tpu.memref_squeeze %dma_wait3A_469 : memref<1x125xi32, #tpu.memory_space<vmem>> -> memref<125xi32, #tpu.memory_space<vmem>>
        %dma_wait3A_471 = arith.constant 0 : i32
        %dma_wait3A_472 = arith.constant 0 : i32
        %dma_wait3A_473 = tpu.memref_slice %arg10[%dma_wait3A_471, %dma_wait3A_472] : memref<10240x32xf32, #tpu.memory_space<vmem_shared>> -> memref<10240x32xf32, #tpu.memory_space<vmem_shared>>
        tpu.wait_indirect_dma semaphore(%run_scoped3A_453 : memref<!tpu.dma_semaphore, #tpu.memory_space<semaphore_mem>>) src(%dma_wait3A_467 : memref<125x32xf32, #tpu.memory_space<vmem>>) dst(%dma_wait3A_473 : memref<10240x32xf32, #tpu.memory_space<vmem_shared>>)
        tpu.yield
      }) : () -> ()
      %add3A_411 = arith.constant 8 : i32
      %add3A_412 = arith.addi %add3A_398, %add3A_411 : i32
      %dma_start3A_413 = arith.constant 6 : i32
      %dma_start3A_414 = arith.constant 0 : i32
      %dma_start3A_415 = arith.constant 0 : i32
      %dma_start3A_416 = tpu.memref_slice %arg9[%dma_start3A_413, %dma_start3A_414, %dma_start3A_415] : memref<8x125x32xf32, #tpu.memory_space<vmem>> -> memref<1x125x32xf32, #tpu.memory_space<vmem>>
      %dma_start3A_417 = tpu.memref_squeeze %dma_start3A_416 : memref<1x125x32xf32, #tpu.memory_space<vmem>> -> memref<125x32xf32, #tpu.memory_space<vmem>>
      %dma_start3A_418 = arith.constant 0 : i32
      %dma_start3A_419 = tpu.memref_slice %arg7[%add3A_412, %dma_start3A_418] : memref<80x125xi32, #tpu.memory_space<vmem>> -> memref<1x125xi32, #tpu.memory_space<vmem>>
      %dma_start3A_420 = tpu.memref_squeeze %dma_start3A_419 : memref<1x125xi32, #tpu.memory_space<vmem>> -> memref<125xi32, #tpu.memory_space<vmem>>
      %dma_start3A_421 = arith.constant 0 : i32
      %dma_start3A_422 = arith.constant 0 : i32
      %dma_start3A_423 = tpu.memref_slice %arg2[%dma_start3A_421, %dma_start3A_422] : memref<51200x32xf32, #tpu.memory_space<hbm>> -> memref<51200x32xf32, #tpu.memory_space<hbm>>
      tpu.enqueue_indirect_dma source(%dma_start3A_423 : memref<51200x32xf32, #tpu.memory_space<hbm>>) target(%dma_start3A_417 : memref<125x32xf32, #tpu.memory_space<vmem>>) offsets(%dma_start3A_420 : memref<125xi32, #tpu.memory_space<vmem>>) semaphore(%arg17 : memref<!tpu.dma_semaphore, #tpu.memory_space<semaphore_mem>>)
      %mul3A_424 = arith.constant 8 : i32
      %mul3A_425 = arith.muli %scan3A_220, %mul3A_424 : i32
      %add3A_426 = arith.constant 7 : i32
      %add3A_427 = arith.addi %mul3A_425, %add3A_426 : i32
      %dma_wait3A_428 = arith.constant 7 : i32
      %dma_wait3A_429 = arith.constant 0 : i32
      %dma_wait3A_430 = arith.constant 0 : i32
      %dma_wait3A_431 = tpu.memref_slice %arg9[%dma_wait3A_428, %dma_wait3A_429, %dma_wait3A_430] : memref<8x125x32xf32, #tpu.memory_space<vmem>> -> memref<1x125x32xf32, #tpu.memory_space<vmem>>
      %dma_wait3A_432 = tpu.memref_squeeze %dma_wait3A_431 : memref<1x125x32xf32, #tpu.memory_space<vmem>> -> memref<125x32xf32, #tpu.memory_space<vmem>>
      %dma_wait3A_433 = arith.constant 0 : i32
      %dma_wait3A_434 = tpu.memref_slice %arg7[%add3A_427, %dma_wait3A_433] : memref<80x125xi32, #tpu.memory_space<vmem>> -> memref<1x125xi32, #tpu.memory_space<vmem>>
      %dma_wait3A_435 = tpu.memref_squeeze %dma_wait3A_434 : memref<1x125xi32, #tpu.memory_space<vmem>> -> memref<125xi32, #tpu.memory_space<vmem>>
      %dma_wait3A_436 = arith.constant 0 : i32
      %dma_wait3A_437 = arith.constant 0 : i32
      %dma_wait3A_438 = tpu.memref_slice %arg2[%dma_wait3A_436, %dma_wait3A_437] : memref<51200x32xf32, #tpu.memory_space<hbm>> -> memref<51200x32xf32, #tpu.memory_space<hbm>>
      tpu.wait_indirect_dma semaphore(%arg18 : memref<!tpu.dma_semaphore, #tpu.memory_space<semaphore_mem>>) src(%dma_wait3A_438 : memref<51200x32xf32, #tpu.memory_space<hbm>>) dst(%dma_wait3A_432 : memref<125x32xf32, #tpu.memory_space<vmem>>)
      %run_scoped3A_439 = arith.constant 7 : i32
      "tpu.region"() ({
        %run_scoped3A_453 = tpu.sem_alloc : memref<!tpu.dma_semaphore, #tpu.memory_space<semaphore_mem>>
        %dma_start3A_454 = arith.constant 0 : i32
        %dma_start3A_455 = arith.constant 0 : i32
        %dma_start3A_456 = tpu.memref_slice %arg9[%run_scoped3A_439, %dma_start3A_454, %dma_start3A_455] : memref<8x125x32xf32, #tpu.memory_space<vmem>> -> memref<1x125x32xf32, #tpu.memory_space<vmem>>
        %dma_start3A_457 = tpu.memref_squeeze %dma_start3A_456 : memref<1x125x32xf32, #tpu.memory_space<vmem>> -> memref<125x32xf32, #tpu.memory_space<vmem>>
        %dma_start3A_458 = arith.constant 0 : i32
        %dma_start3A_459 = tpu.memref_slice %arg8[%add3A_427, %dma_start3A_458] : memref<80x125xi32, #tpu.memory_space<vmem>> -> memref<1x125xi32, #tpu.memory_space<vmem>>
        %dma_start3A_460 = tpu.memref_squeeze %dma_start3A_459 : memref<1x125xi32, #tpu.memory_space<vmem>> -> memref<125xi32, #tpu.memory_space<vmem>>
        %dma_start3A_461 = arith.constant 0 : i32
        %dma_start3A_462 = arith.constant 0 : i32
        %dma_start3A_463 = tpu.memref_slice %arg10[%dma_start3A_461, %dma_start3A_462] : memref<10240x32xf32, #tpu.memory_space<vmem_shared>> -> memref<10240x32xf32, #tpu.memory_space<vmem_shared>>
        tpu.enqueue_indirect_dma source(%dma_start3A_457 : memref<125x32xf32, #tpu.memory_space<vmem>>) target(%dma_start3A_463 : memref<10240x32xf32, #tpu.memory_space<vmem_shared>>) offsets(%dma_start3A_460 : memref<125xi32, #tpu.memory_space<vmem>>) semaphore(%run_scoped3A_453 : memref<!tpu.dma_semaphore, #tpu.memory_space<semaphore_mem>>) {add = true}
        %dma_wait3A_464 = arith.constant 0 : i32
        %dma_wait3A_465 = arith.constant 0 : i32
        %dma_wait3A_466 = tpu.memref_slice %arg9[%run_scoped3A_439, %dma_wait3A_464, %dma_wait3A_465] : memref<8x125x32xf32, #tpu.memory_space<vmem>> -> memref<1x125x32xf32, #tpu.memory_space<vmem>>
        %dma_wait3A_467 = tpu.memref_squeeze %dma_wait3A_466 : memref<1x125x32xf32, #tpu.memory_space<vmem>> -> memref<125x32xf32, #tpu.memory_space<vmem>>
        %dma_wait3A_468 = arith.constant 0 : i32
        %dma_wait3A_469 = tpu.memref_slice %arg8[%add3A_427, %dma_wait3A_468] : memref<80x125xi32, #tpu.memory_space<vmem>> -> memref<1x125xi32, #tpu.memory_space<vmem>>
        %dma_wait3A_470 = tpu.memref_squeeze %dma_wait3A_469 : memref<1x125xi32, #tpu.memory_space<vmem>> -> memref<125xi32, #tpu.memory_space<vmem>>
        %dma_wait3A_471 = arith.constant 0 : i32
        %dma_wait3A_472 = arith.constant 0 : i32
        %dma_wait3A_473 = tpu.memref_slice %arg10[%dma_wait3A_471, %dma_wait3A_472] : memref<10240x32xf32, #tpu.memory_space<vmem_shared>> -> memref<10240x32xf32, #tpu.memory_space<vmem_shared>>
        tpu.wait_indirect_dma semaphore(%run_scoped3A_453 : memref<!tpu.dma_semaphore, #tpu.memory_space<semaphore_mem>>) src(%dma_wait3A_467 : memref<125x32xf32, #tpu.memory_space<vmem>>) dst(%dma_wait3A_473 : memref<10240x32xf32, #tpu.memory_space<vmem_shared>>)
        tpu.yield
      }) : () -> ()
      %add3A_440 = arith.constant 8 : i32
      %add3A_441 = arith.addi %add3A_427, %add3A_440 : i32
      %dma_start3A_442 = arith.constant 7 : i32
      %dma_start3A_443 = arith.constant 0 : i32
      %dma_start3A_444 = arith.constant 0 : i32
      %dma_start3A_445 = tpu.memref_slice %arg9[%dma_start3A_442, %dma_start3A_443, %dma_start3A_444] : memref<8x125x32xf32, #tpu.memory_space<vmem>> -> memref<1x125x32xf32, #tpu.memory_space<vmem>>
      %dma_start3A_446 = tpu.memref_squeeze %dma_start3A_445 : memref<1x125x32xf32, #tpu.memory_space<vmem>> -> memref<125x32xf32, #tpu.memory_space<vmem>>
      %dma_start3A_447 = arith.constant 0 : i32
      %dma_start3A_448 = tpu.memref_slice %arg7[%add3A_441, %dma_start3A_447] : memref<80x125xi32, #tpu.memory_space<vmem>> -> memref<1x125xi32, #tpu.memory_space<vmem>>
      %dma_start3A_449 = tpu.memref_squeeze %dma_start3A_448 : memref<1x125xi32, #tpu.memory_space<vmem>> -> memref<125xi32, #tpu.memory_space<vmem>>
      %dma_start3A_450 = arith.constant 0 : i32
      %dma_start3A_451 = arith.constant 0 : i32
      %dma_start3A_452 = tpu.memref_slice %arg2[%dma_start3A_450, %dma_start3A_451] : memref<51200x32xf32, #tpu.memory_space<hbm>> -> memref<51200x32xf32, #tpu.memory_space<hbm>>
      tpu.enqueue_indirect_dma source(%dma_start3A_452 : memref<51200x32xf32, #tpu.memory_space<hbm>>) target(%dma_start3A_446 : memref<125x32xf32, #tpu.memory_space<vmem>>) offsets(%dma_start3A_449 : memref<125xi32, #tpu.memory_space<vmem>>) semaphore(%arg18 : memref<!tpu.dma_semaphore, #tpu.memory_space<semaphore_mem>>)
    }
    %scan3A_104 = arith.constant 9 : i32
    %dma_wait3A = arith.constant 72 : i32
    %dma_wait3A_105 = arith.constant 0 : i32
    %dma_wait3A_106 = arith.constant 0 : i32
    %dma_wait3A_107 = arith.constant 0 : i32
    %dma_wait3A_108 = tpu.memref_slice %arg9[%dma_wait3A_105, %dma_wait3A_106, %dma_wait3A_107] : memref<8x125x32xf32, #tpu.memory_space<vmem>> -> memref<1x125x32xf32, #tpu.memory_space<vmem>>
    %dma_wait3A_109 = tpu.memref_squeeze %dma_wait3A_108 : memref<1x125x32xf32, #tpu.memory_space<vmem>> -> memref<125x32xf32, #tpu.memory_space<vmem>>
    %dma_wait3A_110 = arith.constant 0 : i32
    %dma_wait3A_111 = tpu.memref_slice %arg7[%dma_wait3A, %dma_wait3A_110] : memref<80x125xi32, #tpu.memory_space<vmem>> -> memref<1x125xi32, #tpu.memory_space<vmem>>
    %dma_wait3A_112 = tpu.memref_squeeze %dma_wait3A_111 : memref<1x125xi32, #tpu.memory_space<vmem>> -> memref<125xi32, #tpu.memory_space<vmem>>
    %dma_wait3A_113 = arith.constant 0 : i32
    %dma_wait3A_114 = arith.constant 0 : i32
    %dma_wait3A_115 = tpu.memref_slice %arg2[%dma_wait3A_113, %dma_wait3A_114] : memref<51200x32xf32, #tpu.memory_space<hbm>> -> memref<51200x32xf32, #tpu.memory_space<hbm>>
    tpu.wait_indirect_dma semaphore(%arg11 : memref<!tpu.dma_semaphore, #tpu.memory_space<semaphore_mem>>) src(%dma_wait3A_115 : memref<51200x32xf32, #tpu.memory_space<hbm>>) dst(%dma_wait3A_109 : memref<125x32xf32, #tpu.memory_space<vmem>>)
    %run_scoped3A = arith.constant 0 : i32
    %run_scoped3A_116 = arith.constant 72 : i32
    "tpu.region"() ({
      %run_scoped3A_220 = tpu.sem_alloc : memref<!tpu.dma_semaphore, #tpu.memory_space<semaphore_mem>>
      %dma_start3A_221 = arith.constant 0 : i32
      %dma_start3A_222 = arith.constant 0 : i32
      %dma_start3A_223 = tpu.memref_slice %arg9[%run_scoped3A, %dma_start3A_221, %dma_start3A_222] : memref<8x125x32xf32, #tpu.memory_space<vmem>> -> memref<1x125x32xf32, #tpu.memory_space<vmem>>
      %dma_start3A_224 = tpu.memref_squeeze %dma_start3A_223 : memref<1x125x32xf32, #tpu.memory_space<vmem>> -> memref<125x32xf32, #tpu.memory_space<vmem>>
      %dma_start3A_225 = arith.constant 0 : i32
      %dma_start3A_226 = tpu.memref_slice %arg8[%run_scoped3A_116, %dma_start3A_225] : memref<80x125xi32, #tpu.memory_space<vmem>> -> memref<1x125xi32, #tpu.memory_space<vmem>>
      %dma_start3A_227 = tpu.memref_squeeze %dma_start3A_226 : memref<1x125xi32, #tpu.memory_space<vmem>> -> memref<125xi32, #tpu.memory_space<vmem>>
      %dma_start3A_228 = arith.constant 0 : i32
      %dma_start3A_229 = arith.constant 0 : i32
      %dma_start3A_230 = tpu.memref_slice %arg10[%dma_start3A_228, %dma_start3A_229] : memref<10240x32xf32, #tpu.memory_space<vmem_shared>> -> memref<10240x32xf32, #tpu.memory_space<vmem_shared>>
      tpu.enqueue_indirect_dma source(%dma_start3A_224 : memref<125x32xf32, #tpu.memory_space<vmem>>) target(%dma_start3A_230 : memref<10240x32xf32, #tpu.memory_space<vmem_shared>>) offsets(%dma_start3A_227 : memref<125xi32, #tpu.memory_space<vmem>>) semaphore(%run_scoped3A_220 : memref<!tpu.dma_semaphore, #tpu.memory_space<semaphore_mem>>) {add = true}
      %dma_wait3A_231 = arith.constant 0 : i32
      %dma_wait3A_232 = arith.constant 0 : i32
      %dma_wait3A_233 = tpu.memref_slice %arg9[%run_scoped3A, %dma_wait3A_231, %dma_wait3A_232] : memref<8x125x32xf32, #tpu.memory_space<vmem>> -> memref<1x125x32xf32, #tpu.memory_space<vmem>>
      %dma_wait3A_234 = tpu.memref_squeeze %dma_wait3A_233 : memref<1x125x32xf32, #tpu.memory_space<vmem>> -> memref<125x32xf32, #tpu.memory_space<vmem>>
      %dma_wait3A_235 = arith.constant 0 : i32
      %dma_wait3A_236 = tpu.memref_slice %arg8[%run_scoped3A_116, %dma_wait3A_235] : memref<80x125xi32, #tpu.memory_space<vmem>> -> memref<1x125xi32, #tpu.memory_space<vmem>>
      %dma_wait3A_237 = tpu.memref_squeeze %dma_wait3A_236 : memref<1x125xi32, #tpu.memory_space<vmem>> -> memref<125xi32, #tpu.memory_space<vmem>>
      %dma_wait3A_238 = arith.constant 0 : i32
      %dma_wait3A_239 = arith.constant 0 : i32
      %dma_wait3A_240 = tpu.memref_slice %arg10[%dma_wait3A_238, %dma_wait3A_239] : memref<10240x32xf32, #tpu.memory_space<vmem_shared>> -> memref<10240x32xf32, #tpu.memory_space<vmem_shared>>
      tpu.wait_indirect_dma semaphore(%run_scoped3A_220 : memref<!tpu.dma_semaphore, #tpu.memory_space<semaphore_mem>>) src(%dma_wait3A_234 : memref<125x32xf32, #tpu.memory_space<vmem>>) dst(%dma_wait3A_240 : memref<10240x32xf32, #tpu.memory_space<vmem_shared>>)
      tpu.yield
    }) : () -> ()
    %dma_wait3A_117 = arith.constant 73 : i32
    %dma_wait3A_118 = arith.constant 1 : i32
    %dma_wait3A_119 = arith.constant 0 : i32
    %dma_wait3A_120 = arith.constant 0 : i32
    %dma_wait3A_121 = tpu.memref_slice %arg9[%dma_wait3A_118, %dma_wait3A_119, %dma_wait3A_120] : memref<8x125x32xf32, #tpu.memory_space<vmem>> -> memref<1x125x32xf32, #tpu.memory_space<vmem>>
    %dma_wait3A_122 = tpu.memref_squeeze %dma_wait3A_121 : memref<1x125x32xf32, #tpu.memory_space<vmem>> -> memref<125x32xf32, #tpu.memory_space<vmem>>
    %dma_wait3A_123 = arith.constant 0 : i32
    %dma_wait3A_124 = tpu.memref_slice %arg7[%dma_wait3A_117, %dma_wait3A_123] : memref<80x125xi32, #tpu.memory_space<vmem>> -> memref<1x125xi32, #tpu.memory_space<vmem>>
    %dma_wait3A_125 = tpu.memref_squeeze %dma_wait3A_124 : memref<1x125xi32, #tpu.memory_space<vmem>> -> memref<125xi32, #tpu.memory_space<vmem>>
    %dma_wait3A_126 = arith.constant 0 : i32
    %dma_wait3A_127 = arith.constant 0 : i32
    %dma_wait3A_128 = tpu.memref_slice %arg2[%dma_wait3A_126, %dma_wait3A_127] : memref<51200x32xf32, #tpu.memory_space<hbm>> -> memref<51200x32xf32, #tpu.memory_space<hbm>>
    tpu.wait_indirect_dma semaphore(%arg12 : memref<!tpu.dma_semaphore, #tpu.memory_space<semaphore_mem>>) src(%dma_wait3A_128 : memref<51200x32xf32, #tpu.memory_space<hbm>>) dst(%dma_wait3A_122 : memref<125x32xf32, #tpu.memory_space<vmem>>)
    %run_scoped3A_129 = arith.constant 1 : i32
    %run_scoped3A_130 = arith.constant 73 : i32
    "tpu.region"() ({
      %run_scoped3A_220 = tpu.sem_alloc : memref<!tpu.dma_semaphore, #tpu.memory_space<semaphore_mem>>
      %dma_start3A_221 = arith.constant 0 : i32
      %dma_start3A_222 = arith.constant 0 : i32
      %dma_start3A_223 = tpu.memref_slice %arg9[%run_scoped3A_129, %dma_start3A_221, %dma_start3A_222] : memref<8x125x32xf32, #tpu.memory_space<vmem>> -> memref<1x125x32xf32, #tpu.memory_space<vmem>>
      %dma_start3A_224 = tpu.memref_squeeze %dma_start3A_223 : memref<1x125x32xf32, #tpu.memory_space<vmem>> -> memref<125x32xf32, #tpu.memory_space<vmem>>
      %dma_start3A_225 = arith.constant 0 : i32
      %dma_start3A_226 = tpu.memref_slice %arg8[%run_scoped3A_130, %dma_start3A_225] : memref<80x125xi32, #tpu.memory_space<vmem>> -> memref<1x125xi32, #tpu.memory_space<vmem>>
      %dma_start3A_227 = tpu.memref_squeeze %dma_start3A_226 : memref<1x125xi32, #tpu.memory_space<vmem>> -> memref<125xi32, #tpu.memory_space<vmem>>
      %dma_start3A_228 = arith.constant 0 : i32
      %dma_start3A_229 = arith.constant 0 : i32
      %dma_start3A_230 = tpu.memref_slice %arg10[%dma_start3A_228, %dma_start3A_229] : memref<10240x32xf32, #tpu.memory_space<vmem_shared>> -> memref<10240x32xf32, #tpu.memory_space<vmem_shared>>
      tpu.enqueue_indirect_dma source(%dma_start3A_224 : memref<125x32xf32, #tpu.memory_space<vmem>>) target(%dma_start3A_230 : memref<10240x32xf32, #tpu.memory_space<vmem_shared>>) offsets(%dma_start3A_227 : memref<125xi32, #tpu.memory_space<vmem>>) semaphore(%run_scoped3A_220 : memref<!tpu.dma_semaphore, #tpu.memory_space<semaphore_mem>>) {add = true}
      %dma_wait3A_231 = arith.constant 0 : i32
      %dma_wait3A_232 = arith.constant 0 : i32
      %dma_wait3A_233 = tpu.memref_slice %arg9[%run_scoped3A_129, %dma_wait3A_231, %dma_wait3A_232] : memref<8x125x32xf32, #tpu.memory_space<vmem>> -> memref<1x125x32xf32, #tpu.memory_space<vmem>>
      %dma_wait3A_234 = tpu.memref_squeeze %dma_wait3A_233 : memref<1x125x32xf32, #tpu.memory_space<vmem>> -> memref<125x32xf32, #tpu.memory_space<vmem>>
      %dma_wait3A_235 = arith.constant 0 : i32
      %dma_wait3A_236 = tpu.memref_slice %arg8[%run_scoped3A_130, %dma_wait3A_235] : memref<80x125xi32, #tpu.memory_space<vmem>> -> memref<1x125xi32, #tpu.memory_space<vmem>>
      %dma_wait3A_237 = tpu.memref_squeeze %dma_wait3A_236 : memref<1x125xi32, #tpu.memory_space<vmem>> -> memref<125xi32, #tpu.memory_space<vmem>>
      %dma_wait3A_238 = arith.constant 0 : i32
      %dma_wait3A_239 = arith.constant 0 : i32
      %dma_wait3A_240 = tpu.memref_slice %arg10[%dma_wait3A_238, %dma_wait3A_239] : memref<10240x32xf32, #tpu.memory_space<vmem_shared>> -> memref<10240x32xf32, #tpu.memory_space<vmem_shared>>
      tpu.wait_indirect_dma semaphore(%run_scoped3A_220 : memref<!tpu.dma_semaphore, #tpu.memory_space<semaphore_mem>>) src(%dma_wait3A_234 : memref<125x32xf32, #tpu.memory_space<vmem>>) dst(%dma_wait3A_240 : memref<10240x32xf32, #tpu.memory_space<vmem_shared>>)
      tpu.yield
    }) : () -> ()
    %dma_wait3A_131 = arith.constant 74 : i32
    %dma_wait3A_132 = arith.constant 2 : i32
    %dma_wait3A_133 = arith.constant 0 : i32
    %dma_wait3A_134 = arith.constant 0 : i32
    %dma_wait3A_135 = tpu.memref_slice %arg9[%dma_wait3A_132, %dma_wait3A_133, %dma_wait3A_134] : memref<8x125x32xf32, #tpu.memory_space<vmem>> -> memref<1x125x32xf32, #tpu.memory_space<vmem>>
    %dma_wait3A_136 = tpu.memref_squeeze %dma_wait3A_135 : memref<1x125x32xf32, #tpu.memory_space<vmem>> -> memref<125x32xf32, #tpu.memory_space<vmem>>
    %dma_wait3A_137 = arith.constant 0 : i32
    %dma_wait3A_138 = tpu.memref_slice %arg7[%dma_wait3A_131, %dma_wait3A_137] : memref<80x125xi32, #tpu.memory_space<vmem>> -> memref<1x125xi32, #tpu.memory_space<vmem>>
    %dma_wait3A_139 = tpu.memref_squeeze %dma_wait3A_138 : memref<1x125xi32, #tpu.memory_space<vmem>> -> memref<125xi32, #tpu.memory_space<vmem>>
    %dma_wait3A_140 = arith.constant 0 : i32
    %dma_wait3A_141 = arith.constant 0 : i32
    %dma_wait3A_142 = tpu.memref_slice %arg2[%dma_wait3A_140, %dma_wait3A_141] : memref<51200x32xf32, #tpu.memory_space<hbm>> -> memref<51200x32xf32, #tpu.memory_space<hbm>>
    tpu.wait_indirect_dma semaphore(%arg13 : memref<!tpu.dma_semaphore, #tpu.memory_space<semaphore_mem>>) src(%dma_wait3A_142 : memref<51200x32xf32, #tpu.memory_space<hbm>>) dst(%dma_wait3A_136 : memref<125x32xf32, #tpu.memory_space<vmem>>)
    %run_scoped3A_143 = arith.constant 2 : i32
    %run_scoped3A_144 = arith.constant 74 : i32
    "tpu.region"() ({
      %run_scoped3A_220 = tpu.sem_alloc : memref<!tpu.dma_semaphore, #tpu.memory_space<semaphore_mem>>
      %dma_start3A_221 = arith.constant 0 : i32
      %dma_start3A_222 = arith.constant 0 : i32
      %dma_start3A_223 = tpu.memref_slice %arg9[%run_scoped3A_143, %dma_start3A_221, %dma_start3A_222] : memref<8x125x32xf32, #tpu.memory_space<vmem>> -> memref<1x125x32xf32, #tpu.memory_space<vmem>>
      %dma_start3A_224 = tpu.memref_squeeze %dma_start3A_223 : memref<1x125x32xf32, #tpu.memory_space<vmem>> -> memref<125x32xf32, #tpu.memory_space<vmem>>
      %dma_start3A_225 = arith.constant 0 : i32
      %dma_start3A_226 = tpu.memref_slice %arg8[%run_scoped3A_144, %dma_start3A_225] : memref<80x125xi32, #tpu.memory_space<vmem>> -> memref<1x125xi32, #tpu.memory_space<vmem>>
      %dma_start3A_227 = tpu.memref_squeeze %dma_start3A_226 : memref<1x125xi32, #tpu.memory_space<vmem>> -> memref<125xi32, #tpu.memory_space<vmem>>
      %dma_start3A_228 = arith.constant 0 : i32
      %dma_start3A_229 = arith.constant 0 : i32
      %dma_start3A_230 = tpu.memref_slice %arg10[%dma_start3A_228, %dma_start3A_229] : memref<10240x32xf32, #tpu.memory_space<vmem_shared>> -> memref<10240x32xf32, #tpu.memory_space<vmem_shared>>
      tpu.enqueue_indirect_dma source(%dma_start3A_224 : memref<125x32xf32, #tpu.memory_space<vmem>>) target(%dma_start3A_230 : memref<10240x32xf32, #tpu.memory_space<vmem_shared>>) offsets(%dma_start3A_227 : memref<125xi32, #tpu.memory_space<vmem>>) semaphore(%run_scoped3A_220 : memref<!tpu.dma_semaphore, #tpu.memory_space<semaphore_mem>>) {add = true}
      %dma_wait3A_231 = arith.constant 0 : i32
      %dma_wait3A_232 = arith.constant 0 : i32
      %dma_wait3A_233 = tpu.memref_slice %arg9[%run_scoped3A_143, %dma_wait3A_231, %dma_wait3A_232] : memref<8x125x32xf32, #tpu.memory_space<vmem>> -> memref<1x125x32xf32, #tpu.memory_space<vmem>>
      %dma_wait3A_234 = tpu.memref_squeeze %dma_wait3A_233 : memref<1x125x32xf32, #tpu.memory_space<vmem>> -> memref<125x32xf32, #tpu.memory_space<vmem>>
      %dma_wait3A_235 = arith.constant 0 : i32
      %dma_wait3A_236 = tpu.memref_slice %arg8[%run_scoped3A_144, %dma_wait3A_235] : memref<80x125xi32, #tpu.memory_space<vmem>> -> memref<1x125xi32, #tpu.memory_space<vmem>>
      %dma_wait3A_237 = tpu.memref_squeeze %dma_wait3A_236 : memref<1x125xi32, #tpu.memory_space<vmem>> -> memref<125xi32, #tpu.memory_space<vmem>>
      %dma_wait3A_238 = arith.constant 0 : i32
      %dma_wait3A_239 = arith.constant 0 : i32
      %dma_wait3A_240 = tpu.memref_slice %arg10[%dma_wait3A_238, %dma_wait3A_239] : memref<10240x32xf32, #tpu.memory_space<vmem_shared>> -> memref<10240x32xf32, #tpu.memory_space<vmem_shared>>
      tpu.wait_indirect_dma semaphore(%run_scoped3A_220 : memref<!tpu.dma_semaphore, #tpu.memory_space<semaphore_mem>>) src(%dma_wait3A_234 : memref<125x32xf32, #tpu.memory_space<vmem>>) dst(%dma_wait3A_240 : memref<10240x32xf32, #tpu.memory_space<vmem_shared>>)
      tpu.yield
    }) : () -> ()
    %dma_wait3A_145 = arith.constant 75 : i32
    %dma_wait3A_146 = arith.constant 3 : i32
    %dma_wait3A_147 = arith.constant 0 : i32
    %dma_wait3A_148 = arith.constant 0 : i32
    %dma_wait3A_149 = tpu.memref_slice %arg9[%dma_wait3A_146, %dma_wait3A_147, %dma_wait3A_148] : memref<8x125x32xf32, #tpu.memory_space<vmem>> -> memref<1x125x32xf32, #tpu.memory_space<vmem>>
    %dma_wait3A_150 = tpu.memref_squeeze %dma_wait3A_149 : memref<1x125x32xf32, #tpu.memory_space<vmem>> -> memref<125x32xf32, #tpu.memory_space<vmem>>
    %dma_wait3A_151 = arith.constant 0 : i32
    %dma_wait3A_152 = tpu.memref_slice %arg7[%dma_wait3A_145, %dma_wait3A_151] : memref<80x125xi32, #tpu.memory_space<vmem>> -> memref<1x125xi32, #tpu.memory_space<vmem>>
    %dma_wait3A_153 = tpu.memref_squeeze %dma_wait3A_152 : memref<1x125xi32, #tpu.memory_space<vmem>> -> memref<125xi32, #tpu.memory_space<vmem>>
    %dma_wait3A_154 = arith.constant 0 : i32
    %dma_wait3A_155 = arith.constant 0 : i32
    %dma_wait3A_156 = tpu.memref_slice %arg2[%dma_wait3A_154, %dma_wait3A_155] : memref<51200x32xf32, #tpu.memory_space<hbm>> -> memref<51200x32xf32, #tpu.memory_space<hbm>>
    tpu.wait_indirect_dma semaphore(%arg14 : memref<!tpu.dma_semaphore, #tpu.memory_space<semaphore_mem>>) src(%dma_wait3A_156 : memref<51200x32xf32, #tpu.memory_space<hbm>>) dst(%dma_wait3A_150 : memref<125x32xf32, #tpu.memory_space<vmem>>)
    %run_scoped3A_157 = arith.constant 3 : i32
    %run_scoped3A_158 = arith.constant 75 : i32
    "tpu.region"() ({
      %run_scoped3A_220 = tpu.sem_alloc : memref<!tpu.dma_semaphore, #tpu.memory_space<semaphore_mem>>
      %dma_start3A_221 = arith.constant 0 : i32
      %dma_start3A_222 = arith.constant 0 : i32
      %dma_start3A_223 = tpu.memref_slice %arg9[%run_scoped3A_157, %dma_start3A_221, %dma_start3A_222] : memref<8x125x32xf32, #tpu.memory_space<vmem>> -> memref<1x125x32xf32, #tpu.memory_space<vmem>>
      %dma_start3A_224 = tpu.memref_squeeze %dma_start3A_223 : memref<1x125x32xf32, #tpu.memory_space<vmem>> -> memref<125x32xf32, #tpu.memory_space<vmem>>
      %dma_start3A_225 = arith.constant 0 : i32
      %dma_start3A_226 = tpu.memref_slice %arg8[%run_scoped3A_158, %dma_start3A_225] : memref<80x125xi32, #tpu.memory_space<vmem>> -> memref<1x125xi32, #tpu.memory_space<vmem>>
      %dma_start3A_227 = tpu.memref_squeeze %dma_start3A_226 : memref<1x125xi32, #tpu.memory_space<vmem>> -> memref<125xi32, #tpu.memory_space<vmem>>
      %dma_start3A_228 = arith.constant 0 : i32
      %dma_start3A_229 = arith.constant 0 : i32
      %dma_start3A_230 = tpu.memref_slice %arg10[%dma_start3A_228, %dma_start3A_229] : memref<10240x32xf32, #tpu.memory_space<vmem_shared>> -> memref<10240x32xf32, #tpu.memory_space<vmem_shared>>
      tpu.enqueue_indirect_dma source(%dma_start3A_224 : memref<125x32xf32, #tpu.memory_space<vmem>>) target(%dma_start3A_230 : memref<10240x32xf32, #tpu.memory_space<vmem_shared>>) offsets(%dma_start3A_227 : memref<125xi32, #tpu.memory_space<vmem>>) semaphore(%run_scoped3A_220 : memref<!tpu.dma_semaphore, #tpu.memory_space<semaphore_mem>>) {add = true}
      %dma_wait3A_231 = arith.constant 0 : i32
      %dma_wait3A_232 = arith.constant 0 : i32
      %dma_wait3A_233 = tpu.memref_slice %arg9[%run_scoped3A_157, %dma_wait3A_231, %dma_wait3A_232] : memref<8x125x32xf32, #tpu.memory_space<vmem>> -> memref<1x125x32xf32, #tpu.memory_space<vmem>>
      %dma_wait3A_234 = tpu.memref_squeeze %dma_wait3A_233 : memref<1x125x32xf32, #tpu.memory_space<vmem>> -> memref<125x32xf32, #tpu.memory_space<vmem>>
      %dma_wait3A_235 = arith.constant 0 : i32
      %dma_wait3A_236 = tpu.memref_slice %arg8[%run_scoped3A_158, %dma_wait3A_235] : memref<80x125xi32, #tpu.memory_space<vmem>> -> memref<1x125xi32, #tpu.memory_space<vmem>>
      %dma_wait3A_237 = tpu.memref_squeeze %dma_wait3A_236 : memref<1x125xi32, #tpu.memory_space<vmem>> -> memref<125xi32, #tpu.memory_space<vmem>>
      %dma_wait3A_238 = arith.constant 0 : i32
      %dma_wait3A_239 = arith.constant 0 : i32
      %dma_wait3A_240 = tpu.memref_slice %arg10[%dma_wait3A_238, %dma_wait3A_239] : memref<10240x32xf32, #tpu.memory_space<vmem_shared>> -> memref<10240x32xf32, #tpu.memory_space<vmem_shared>>
      tpu.wait_indirect_dma semaphore(%run_scoped3A_220 : memref<!tpu.dma_semaphore, #tpu.memory_space<semaphore_mem>>) src(%dma_wait3A_234 : memref<125x32xf32, #tpu.memory_space<vmem>>) dst(%dma_wait3A_240 : memref<10240x32xf32, #tpu.memory_space<vmem_shared>>)
      tpu.yield
    }) : () -> ()
    %dma_wait3A_159 = arith.constant 76 : i32
    %dma_wait3A_160 = arith.constant 4 : i32
    %dma_wait3A_161 = arith.constant 0 : i32
    %dma_wait3A_162 = arith.constant 0 : i32
    %dma_wait3A_163 = tpu.memref_slice %arg9[%dma_wait3A_160, %dma_wait3A_161, %dma_wait3A_162] : memref<8x125x32xf32, #tpu.memory_space<vmem>> -> memref<1x125x32xf32, #tpu.memory_space<vmem>>
    %dma_wait3A_164 = tpu.memref_squeeze %dma_wait3A_163 : memref<1x125x32xf32, #tpu.memory_space<vmem>> -> memref<125x32xf32, #tpu.memory_space<vmem>>
    %dma_wait3A_165 = arith.constant 0 : i32
    %dma_wait3A_166 = tpu.memref_slice %arg7[%dma_wait3A_159, %dma_wait3A_165] : memref<80x125xi32, #tpu.memory_space<vmem>> -> memref<1x125xi32, #tpu.memory_space<vmem>>
    %dma_wait3A_167 = tpu.memref_squeeze %dma_wait3A_166 : memref<1x125xi32, #tpu.memory_space<vmem>> -> memref<125xi32, #tpu.memory_space<vmem>>
    %dma_wait3A_168 = arith.constant 0 : i32
    %dma_wait3A_169 = arith.constant 0 : i32
    %dma_wait3A_170 = tpu.memref_slice %arg2[%dma_wait3A_168, %dma_wait3A_169] : memref<51200x32xf32, #tpu.memory_space<hbm>> -> memref<51200x32xf32, #tpu.memory_space<hbm>>
    tpu.wait_indirect_dma semaphore(%arg15 : memref<!tpu.dma_semaphore, #tpu.memory_space<semaphore_mem>>) src(%dma_wait3A_170 : memref<51200x32xf32, #tpu.memory_space<hbm>>) dst(%dma_wait3A_164 : memref<125x32xf32, #tpu.memory_space<vmem>>)
    %run_scoped3A_171 = arith.constant 4 : i32
    %run_scoped3A_172 = arith.constant 76 : i32
    "tpu.region"() ({
      %run_scoped3A_220 = tpu.sem_alloc : memref<!tpu.dma_semaphore, #tpu.memory_space<semaphore_mem>>
      %dma_start3A_221 = arith.constant 0 : i32
      %dma_start3A_222 = arith.constant 0 : i32
      %dma_start3A_223 = tpu.memref_slice %arg9[%run_scoped3A_171, %dma_start3A_221, %dma_start3A_222] : memref<8x125x32xf32, #tpu.memory_space<vmem>> -> memref<1x125x32xf32, #tpu.memory_space<vmem>>
      %dma_start3A_224 = tpu.memref_squeeze %dma_start3A_223 : memref<1x125x32xf32, #tpu.memory_space<vmem>> -> memref<125x32xf32, #tpu.memory_space<vmem>>
      %dma_start3A_225 = arith.constant 0 : i32
      %dma_start3A_226 = tpu.memref_slice %arg8[%run_scoped3A_172, %dma_start3A_225] : memref<80x125xi32, #tpu.memory_space<vmem>> -> memref<1x125xi32, #tpu.memory_space<vmem>>
      %dma_start3A_227 = tpu.memref_squeeze %dma_start3A_226 : memref<1x125xi32, #tpu.memory_space<vmem>> -> memref<125xi32, #tpu.memory_space<vmem>>
      %dma_start3A_228 = arith.constant 0 : i32
      %dma_start3A_229 = arith.constant 0 : i32
      %dma_start3A_230 = tpu.memref_slice %arg10[%dma_start3A_228, %dma_start3A_229] : memref<10240x32xf32, #tpu.memory_space<vmem_shared>> -> memref<10240x32xf32, #tpu.memory_space<vmem_shared>>
      tpu.enqueue_indirect_dma source(%dma_start3A_224 : memref<125x32xf32, #tpu.memory_space<vmem>>) target(%dma_start3A_230 : memref<10240x32xf32, #tpu.memory_space<vmem_shared>>) offsets(%dma_start3A_227 : memref<125xi32, #tpu.memory_space<vmem>>) semaphore(%run_scoped3A_220 : memref<!tpu.dma_semaphore, #tpu.memory_space<semaphore_mem>>) {add = true}
      %dma_wait3A_231 = arith.constant 0 : i32
      %dma_wait3A_232 = arith.constant 0 : i32
      %dma_wait3A_233 = tpu.memref_slice %arg9[%run_scoped3A_171, %dma_wait3A_231, %dma_wait3A_232] : memref<8x125x32xf32, #tpu.memory_space<vmem>> -> memref<1x125x32xf32, #tpu.memory_space<vmem>>
      %dma_wait3A_234 = tpu.memref_squeeze %dma_wait3A_233 : memref<1x125x32xf32, #tpu.memory_space<vmem>> -> memref<125x32xf32, #tpu.memory_space<vmem>>
      %dma_wait3A_235 = arith.constant 0 : i32
      %dma_wait3A_236 = tpu.memref_slice %arg8[%run_scoped3A_172, %dma_wait3A_235] : memref<80x125xi32, #tpu.memory_space<vmem>> -> memref<1x125xi32, #tpu.memory_space<vmem>>
      %dma_wait3A_237 = tpu.memref_squeeze %dma_wait3A_236 : memref<1x125xi32, #tpu.memory_space<vmem>> -> memref<125xi32, #tpu.memory_space<vmem>>
      %dma_wait3A_238 = arith.constant 0 : i32
      %dma_wait3A_239 = arith.constant 0 : i32
      %dma_wait3A_240 = tpu.memref_slice %arg10[%dma_wait3A_238, %dma_wait3A_239] : memref<10240x32xf32, #tpu.memory_space<vmem_shared>> -> memref<10240x32xf32, #tpu.memory_space<vmem_shared>>
      tpu.wait_indirect_dma semaphore(%run_scoped3A_220 : memref<!tpu.dma_semaphore, #tpu.memory_space<semaphore_mem>>) src(%dma_wait3A_234 : memref<125x32xf32, #tpu.memory_space<vmem>>) dst(%dma_wait3A_240 : memref<10240x32xf32, #tpu.memory_space<vmem_shared>>)
      tpu.yield
    }) : () -> ()
    %dma_wait3A_173 = arith.constant 77 : i32
    %dma_wait3A_174 = arith.constant 5 : i32
    %dma_wait3A_175 = arith.constant 0 : i32
    %dma_wait3A_176 = arith.constant 0 : i32
    %dma_wait3A_177 = tpu.memref_slice %arg9[%dma_wait3A_174, %dma_wait3A_175, %dma_wait3A_176] : memref<8x125x32xf32, #tpu.memory_space<vmem>> -> memref<1x125x32xf32, #tpu.memory_space<vmem>>
    %dma_wait3A_178 = tpu.memref_squeeze %dma_wait3A_177 : memref<1x125x32xf32, #tpu.memory_space<vmem>> -> memref<125x32xf32, #tpu.memory_space<vmem>>
    %dma_wait3A_179 = arith.constant 0 : i32
    %dma_wait3A_180 = tpu.memref_slice %arg7[%dma_wait3A_173, %dma_wait3A_179] : memref<80x125xi32, #tpu.memory_space<vmem>> -> memref<1x125xi32, #tpu.memory_space<vmem>>
    %dma_wait3A_181 = tpu.memref_squeeze %dma_wait3A_180 : memref<1x125xi32, #tpu.memory_space<vmem>> -> memref<125xi32, #tpu.memory_space<vmem>>
    %dma_wait3A_182 = arith.constant 0 : i32
    %dma_wait3A_183 = arith.constant 0 : i32
    %dma_wait3A_184 = tpu.memref_slice %arg2[%dma_wait3A_182, %dma_wait3A_183] : memref<51200x32xf32, #tpu.memory_space<hbm>> -> memref<51200x32xf32, #tpu.memory_space<hbm>>
    tpu.wait_indirect_dma semaphore(%arg16 : memref<!tpu.dma_semaphore, #tpu.memory_space<semaphore_mem>>) src(%dma_wait3A_184 : memref<51200x32xf32, #tpu.memory_space<hbm>>) dst(%dma_wait3A_178 : memref<125x32xf32, #tpu.memory_space<vmem>>)
    %run_scoped3A_185 = arith.constant 5 : i32
    %run_scoped3A_186 = arith.constant 77 : i32
    "tpu.region"() ({
      %run_scoped3A_220 = tpu.sem_alloc : memref<!tpu.dma_semaphore, #tpu.memory_space<semaphore_mem>>
      %dma_start3A_221 = arith.constant 0 : i32
      %dma_start3A_222 = arith.constant 0 : i32
      %dma_start3A_223 = tpu.memref_slice %arg9[%run_scoped3A_185, %dma_start3A_221, %dma_start3A_222] : memref<8x125x32xf32, #tpu.memory_space<vmem>> -> memref<1x125x32xf32, #tpu.memory_space<vmem>>
      %dma_start3A_224 = tpu.memref_squeeze %dma_start3A_223 : memref<1x125x32xf32, #tpu.memory_space<vmem>> -> memref<125x32xf32, #tpu.memory_space<vmem>>
      %dma_start3A_225 = arith.constant 0 : i32
      %dma_start3A_226 = tpu.memref_slice %arg8[%run_scoped3A_186, %dma_start3A_225] : memref<80x125xi32, #tpu.memory_space<vmem>> -> memref<1x125xi32, #tpu.memory_space<vmem>>
      %dma_start3A_227 = tpu.memref_squeeze %dma_start3A_226 : memref<1x125xi32, #tpu.memory_space<vmem>> -> memref<125xi32, #tpu.memory_space<vmem>>
      %dma_start3A_228 = arith.constant 0 : i32
      %dma_start3A_229 = arith.constant 0 : i32
      %dma_start3A_230 = tpu.memref_slice %arg10[%dma_start3A_228, %dma_start3A_229] : memref<10240x32xf32, #tpu.memory_space<vmem_shared>> -> memref<10240x32xf32, #tpu.memory_space<vmem_shared>>
      tpu.enqueue_indirect_dma source(%dma_start3A_224 : memref<125x32xf32, #tpu.memory_space<vmem>>) target(%dma_start3A_230 : memref<10240x32xf32, #tpu.memory_space<vmem_shared>>) offsets(%dma_start3A_227 : memref<125xi32, #tpu.memory_space<vmem>>) semaphore(%run_scoped3A_220 : memref<!tpu.dma_semaphore, #tpu.memory_space<semaphore_mem>>) {add = true}
      %dma_wait3A_231 = arith.constant 0 : i32
      %dma_wait3A_232 = arith.constant 0 : i32
      %dma_wait3A_233 = tpu.memref_slice %arg9[%run_scoped3A_185, %dma_wait3A_231, %dma_wait3A_232] : memref<8x125x32xf32, #tpu.memory_space<vmem>> -> memref<1x125x32xf32, #tpu.memory_space<vmem>>
      %dma_wait3A_234 = tpu.memref_squeeze %dma_wait3A_233 : memref<1x125x32xf32, #tpu.memory_space<vmem>> -> memref<125x32xf32, #tpu.memory_space<vmem>>
      %dma_wait3A_235 = arith.constant 0 : i32
      %dma_wait3A_236 = tpu.memref_slice %arg8[%run_scoped3A_186, %dma_wait3A_235] : memref<80x125xi32, #tpu.memory_space<vmem>> -> memref<1x125xi32, #tpu.memory_space<vmem>>
      %dma_wait3A_237 = tpu.memref_squeeze %dma_wait3A_236 : memref<1x125xi32, #tpu.memory_space<vmem>> -> memref<125xi32, #tpu.memory_space<vmem>>
      %dma_wait3A_238 = arith.constant 0 : i32
      %dma_wait3A_239 = arith.constant 0 : i32
      %dma_wait3A_240 = tpu.memref_slice %arg10[%dma_wait3A_238, %dma_wait3A_239] : memref<10240x32xf32, #tpu.memory_space<vmem_shared>> -> memref<10240x32xf32, #tpu.memory_space<vmem_shared>>
      tpu.wait_indirect_dma semaphore(%run_scoped3A_220 : memref<!tpu.dma_semaphore, #tpu.memory_space<semaphore_mem>>) src(%dma_wait3A_234 : memref<125x32xf32, #tpu.memory_space<vmem>>) dst(%dma_wait3A_240 : memref<10240x32xf32, #tpu.memory_space<vmem_shared>>)
      tpu.yield
    }) : () -> ()
    %dma_wait3A_187 = arith.constant 78 : i32
    %dma_wait3A_188 = arith.constant 6 : i32
    %dma_wait3A_189 = arith.constant 0 : i32
    %dma_wait3A_190 = arith.constant 0 : i32
    %dma_wait3A_191 = tpu.memref_slice %arg9[%dma_wait3A_188, %dma_wait3A_189, %dma_wait3A_190] : memref<8x125x32xf32, #tpu.memory_space<vmem>> -> memref<1x125x32xf32, #tpu.memory_space<vmem>>
    %dma_wait3A_192 = tpu.memref_squeeze %dma_wait3A_191 : memref<1x125x32xf32, #tpu.memory_space<vmem>> -> memref<125x32xf32, #tpu.memory_space<vmem>>
    %dma_wait3A_193 = arith.constant 0 : i32
    %dma_wait3A_194 = tpu.memref_slice %arg7[%dma_wait3A_187, %dma_wait3A_193] : memref<80x125xi32, #tpu.memory_space<vmem>> -> memref<1x125xi32, #tpu.memory_space<vmem>>
    %dma_wait3A_195 = tpu.memref_squeeze %dma_wait3A_194 : memref<1x125xi32, #tpu.memory_space<vmem>> -> memref<125xi32, #tpu.memory_space<vmem>>
    %dma_wait3A_196 = arith.constant 0 : i32
    %dma_wait3A_197 = arith.constant 0 : i32
    %dma_wait3A_198 = tpu.memref_slice %arg2[%dma_wait3A_196, %dma_wait3A_197] : memref<51200x32xf32, #tpu.memory_space<hbm>> -> memref<51200x32xf32, #tpu.memory_space<hbm>>
    tpu.wait_indirect_dma semaphore(%arg17 : memref<!tpu.dma_semaphore, #tpu.memory_space<semaphore_mem>>) src(%dma_wait3A_198 : memref<51200x32xf32, #tpu.memory_space<hbm>>) dst(%dma_wait3A_192 : memref<125x32xf32, #tpu.memory_space<vmem>>)
    %run_scoped3A_199 = arith.constant 6 : i32
    %run_scoped3A_200 = arith.constant 78 : i32
    "tpu.region"() ({
      %run_scoped3A_220 = tpu.sem_alloc : memref<!tpu.dma_semaphore, #tpu.memory_space<semaphore_mem>>
      %dma_start3A_221 = arith.constant 0 : i32
      %dma_start3A_222 = arith.constant 0 : i32
      %dma_start3A_223 = tpu.memref_slice %arg9[%run_scoped3A_199, %dma_start3A_221, %dma_start3A_222] : memref<8x125x32xf32, #tpu.memory_space<vmem>> -> memref<1x125x32xf32, #tpu.memory_space<vmem>>
      %dma_start3A_224 = tpu.memref_squeeze %dma_start3A_223 : memref<1x125x32xf32, #tpu.memory_space<vmem>> -> memref<125x32xf32, #tpu.memory_space<vmem>>
      %dma_start3A_225 = arith.constant 0 : i32
      %dma_start3A_226 = tpu.memref_slice %arg8[%run_scoped3A_200, %dma_start3A_225] : memref<80x125xi32, #tpu.memory_space<vmem>> -> memref<1x125xi32, #tpu.memory_space<vmem>>
      %dma_start3A_227 = tpu.memref_squeeze %dma_start3A_226 : memref<1x125xi32, #tpu.memory_space<vmem>> -> memref<125xi32, #tpu.memory_space<vmem>>
      %dma_start3A_228 = arith.constant 0 : i32
      %dma_start3A_229 = arith.constant 0 : i32
      %dma_start3A_230 = tpu.memref_slice %arg10[%dma_start3A_228, %dma_start3A_229] : memref<10240x32xf32, #tpu.memory_space<vmem_shared>> -> memref<10240x32xf32, #tpu.memory_space<vmem_shared>>
      tpu.enqueue_indirect_dma source(%dma_start3A_224 : memref<125x32xf32, #tpu.memory_space<vmem>>) target(%dma_start3A_230 : memref<10240x32xf32, #tpu.memory_space<vmem_shared>>) offsets(%dma_start3A_227 : memref<125xi32, #tpu.memory_space<vmem>>) semaphore(%run_scoped3A_220 : memref<!tpu.dma_semaphore, #tpu.memory_space<semaphore_mem>>) {add = true}
      %dma_wait3A_231 = arith.constant 0 : i32
      %dma_wait3A_232 = arith.constant 0 : i32
      %dma_wait3A_233 = tpu.memref_slice %arg9[%run_scoped3A_199, %dma_wait3A_231, %dma_wait3A_232] : memref<8x125x32xf32, #tpu.memory_space<vmem>> -> memref<1x125x32xf32, #tpu.memory_space<vmem>>
      %dma_wait3A_234 = tpu.memref_squeeze %dma_wait3A_233 : memref<1x125x32xf32, #tpu.memory_space<vmem>> -> memref<125x32xf32, #tpu.memory_space<vmem>>
      %dma_wait3A_235 = arith.constant 0 : i32
      %dma_wait3A_236 = tpu.memref_slice %arg8[%run_scoped3A_200, %dma_wait3A_235] : memref<80x125xi32, #tpu.memory_space<vmem>> -> memref<1x125xi32, #tpu.memory_space<vmem>>
      %dma_wait3A_237 = tpu.memref_squeeze %dma_wait3A_236 : memref<1x125xi32, #tpu.memory_space<vmem>> -> memref<125xi32, #tpu.memory_space<vmem>>
      %dma_wait3A_238 = arith.constant 0 : i32
      %dma_wait3A_239 = arith.constant 0 : i32
      %dma_wait3A_240 = tpu.memref_slice %arg10[%dma_wait3A_238, %dma_wait3A_239] : memref<10240x32xf32, #tpu.memory_space<vmem_shared>> -> memref<10240x32xf32, #tpu.memory_space<vmem_shared>>
      tpu.wait_indirect_dma semaphore(%run_scoped3A_220 : memref<!tpu.dma_semaphore, #tpu.memory_space<semaphore_mem>>) src(%dma_wait3A_234 : memref<125x32xf32, #tpu.memory_space<vmem>>) dst(%dma_wait3A_240 : memref<10240x32xf32, #tpu.memory_space<vmem_shared>>)
      tpu.yield
    }) : () -> ()
    %dma_wait3A_201 = arith.constant 79 : i32
    %dma_wait3A_202 = arith.constant 7 : i32
    %dma_wait3A_203 = arith.constant 0 : i32
    %dma_wait3A_204 = arith.constant 0 : i32
    %dma_wait3A_205 = tpu.memref_slice %arg9[%dma_wait3A_202, %dma_wait3A_203, %dma_wait3A_204] : memref<8x125x32xf32, #tpu.memory_space<vmem>> -> memref<1x125x32xf32, #tpu.memory_space<vmem>>
    %dma_wait3A_206 = tpu.memref_squeeze %dma_wait3A_205 : memref<1x125x32xf32, #tpu.memory_space<vmem>> -> memref<125x32xf32, #tpu.memory_space<vmem>>
    %dma_wait3A_207 = arith.constant 0 : i32
    %dma_wait3A_208 = tpu.memref_slice %arg7[%dma_wait3A_201, %dma_wait3A_207] : memref<80x125xi32, #tpu.memory_space<vmem>> -> memref<1x125xi32, #tpu.memory_space<vmem>>
    %dma_wait3A_209 = tpu.memref_squeeze %dma_wait3A_208 : memref<1x125xi32, #tpu.memory_space<vmem>> -> memref<125xi32, #tpu.memory_space<vmem>>
    %dma_wait3A_210 = arith.constant 0 : i32
    %dma_wait3A_211 = arith.constant 0 : i32
    %dma_wait3A_212 = tpu.memref_slice %arg2[%dma_wait3A_210, %dma_wait3A_211] : memref<51200x32xf32, #tpu.memory_space<hbm>> -> memref<51200x32xf32, #tpu.memory_space<hbm>>
    tpu.wait_indirect_dma semaphore(%arg18 : memref<!tpu.dma_semaphore, #tpu.memory_space<semaphore_mem>>) src(%dma_wait3A_212 : memref<51200x32xf32, #tpu.memory_space<hbm>>) dst(%dma_wait3A_206 : memref<125x32xf32, #tpu.memory_space<vmem>>)
    %run_scoped3A_213 = arith.constant 7 : i32
    %run_scoped3A_214 = arith.constant 79 : i32
    "tpu.region"() ({
      %run_scoped3A_220 = tpu.sem_alloc : memref<!tpu.dma_semaphore, #tpu.memory_space<semaphore_mem>>
      %dma_start3A_221 = arith.constant 0 : i32
      %dma_start3A_222 = arith.constant 0 : i32
      %dma_start3A_223 = tpu.memref_slice %arg9[%run_scoped3A_213, %dma_start3A_221, %dma_start3A_222] : memref<8x125x32xf32, #tpu.memory_space<vmem>> -> memref<1x125x32xf32, #tpu.memory_space<vmem>>
      %dma_start3A_224 = tpu.memref_squeeze %dma_start3A_223 : memref<1x125x32xf32, #tpu.memory_space<vmem>> -> memref<125x32xf32, #tpu.memory_space<vmem>>
      %dma_start3A_225 = arith.constant 0 : i32
      %dma_start3A_226 = tpu.memref_slice %arg8[%run_scoped3A_214, %dma_start3A_225] : memref<80x125xi32, #tpu.memory_space<vmem>> -> memref<1x125xi32, #tpu.memory_space<vmem>>
      %dma_start3A_227 = tpu.memref_squeeze %dma_start3A_226 : memref<1x125xi32, #tpu.memory_space<vmem>> -> memref<125xi32, #tpu.memory_space<vmem>>
      %dma_start3A_228 = arith.constant 0 : i32
      %dma_start3A_229 = arith.constant 0 : i32
      %dma_start3A_230 = tpu.memref_slice %arg10[%dma_start3A_228, %dma_start3A_229] : memref<10240x32xf32, #tpu.memory_space<vmem_shared>> -> memref<10240x32xf32, #tpu.memory_space<vmem_shared>>
      tpu.enqueue_indirect_dma source(%dma_start3A_224 : memref<125x32xf32, #tpu.memory_space<vmem>>) target(%dma_start3A_230 : memref<10240x32xf32, #tpu.memory_space<vmem_shared>>) offsets(%dma_start3A_227 : memref<125xi32, #tpu.memory_space<vmem>>) semaphore(%run_scoped3A_220 : memref<!tpu.dma_semaphore, #tpu.memory_space<semaphore_mem>>) {add = true}
      %dma_wait3A_231 = arith.constant 0 : i32
      %dma_wait3A_232 = arith.constant 0 : i32
      %dma_wait3A_233 = tpu.memref_slice %arg9[%run_scoped3A_213, %dma_wait3A_231, %dma_wait3A_232] : memref<8x125x32xf32, #tpu.memory_space<vmem>> -> memref<1x125x32xf32, #tpu.memory_space<vmem>>
      %dma_wait3A_234 = tpu.memref_squeeze %dma_wait3A_233 : memref<1x125x32xf32, #tpu.memory_space<vmem>> -> memref<125x32xf32, #tpu.memory_space<vmem>>
      %dma_wait3A_235 = arith.constant 0 : i32
      %dma_wait3A_236 = tpu.memref_slice %arg8[%run_scoped3A_214, %dma_wait3A_235] : memref<80x125xi32, #tpu.memory_space<vmem>> -> memref<1x125xi32, #tpu.memory_space<vmem>>
      %dma_wait3A_237 = tpu.memref_squeeze %dma_wait3A_236 : memref<1x125xi32, #tpu.memory_space<vmem>> -> memref<125xi32, #tpu.memory_space<vmem>>
      %dma_wait3A_238 = arith.constant 0 : i32
      %dma_wait3A_239 = arith.constant 0 : i32
      %dma_wait3A_240 = tpu.memref_slice %arg10[%dma_wait3A_238, %dma_wait3A_239] : memref<10240x32xf32, #tpu.memory_space<vmem_shared>> -> memref<10240x32xf32, #tpu.memory_space<vmem_shared>>
      tpu.wait_indirect_dma semaphore(%run_scoped3A_220 : memref<!tpu.dma_semaphore, #tpu.memory_space<semaphore_mem>>) src(%dma_wait3A_234 : memref<125x32xf32, #tpu.memory_space<vmem>>) dst(%dma_wait3A_240 : memref<10240x32xf32, #tpu.memory_space<vmem_shared>>)
      tpu.yield
    }) : () -> ()
    %barrier3A_215 = arith.constant 0 : index
    tpu.barrier barrier_id(%barrier3A_215)
    %mul3A_216 = arith.constant 640 : i32
    %mul3A_217 = arith.muli %arg1, %mul3A_216 : i32
    %mul3A_218 = arith.constant 640 : i32
    %mul3A_219 = arith.muli %arg1, %mul3A_218 : i32
    "tpu.region"() ({
      %run_scoped3A_220 = tpu.sem_alloc : memref<!tpu.dma_semaphore, #tpu.memory_space<semaphore_mem>>
      %dma_start3A_221 = arith.constant 0 : i32
      %dma_start3A_222 = tpu.memref_slice %arg6[%arg0, %mul3A_219, %dma_start3A_221] : memref<2x10240x32xf32, #tpu.memory_space<hbm>> -> memref<1x640x32xf32, #tpu.memory_space<hbm>>
      %dma_start3A_223 = tpu.memref_squeeze %dma_start3A_222 : memref<1x640x32xf32, #tpu.memory_space<hbm>> -> memref<640x32xf32, #tpu.memory_space<hbm>>
      %dma_start3A_224 = arith.constant 0 : i32
      %dma_start3A_225 = tpu.memref_slice %arg10[%mul3A_217, %dma_start3A_224] : memref<10240x32xf32, #tpu.memory_space<vmem_shared>> -> memref<640x32xf32, #tpu.memory_space<vmem_shared>>
      tpu.enqueue_dma source(%dma_start3A_225 : memref<640x32xf32, #tpu.memory_space<vmem_shared>>) target(%dma_start3A_223 : memref<640x32xf32, #tpu.memory_space<hbm>>) target_semaphore(%run_scoped3A_220 : memref<!tpu.dma_semaphore, #tpu.memory_space<semaphore_mem>>)
      %dma_wait3A_226 = arith.constant 0 : i32
      %dma_wait3A_227 = tpu.memref_slice %arg6[%arg0, %mul3A_219, %dma_wait3A_226] : memref<2x10240x32xf32, #tpu.memory_space<hbm>> -> memref<1x640x32xf32, #tpu.memory_space<hbm>>
      %dma_wait3A_228 = tpu.memref_squeeze %dma_wait3A_227 : memref<1x640x32xf32, #tpu.memory_space<hbm>> -> memref<640x32xf32, #tpu.memory_space<hbm>>
      %dma_wait3A_229 = arith.constant 0 : i32
      %dma_wait3A_230 = tpu.memref_slice %arg10[%mul3A_217, %dma_wait3A_229] : memref<10240x32xf32, #tpu.memory_space<vmem_shared>> -> memref<640x32xf32, #tpu.memory_space<vmem_shared>>
      tpu.wait_dma2 semaphore(%run_scoped3A_220 : memref<!tpu.dma_semaphore, #tpu.memory_space<semaphore_mem>>) src(%dma_wait3A_230 : memref<640x32xf32, #tpu.memory_space<vmem_shared>>) dst(%dma_wait3A_228 : memref<640x32xf32, #tpu.memory_space<hbm>>)
      tpu.yield
    }) : () -> ()
    return
  }
}

#map = affine_map<(d0, d1) -> (0, 0)>
#map1 = affine_map<(d0, d1) -> (0, 0, 0)>
module attributes {stable_mosaic.version = 14 : i64} {
  func.func @_edge_agg_body(%arg0: i32, %arg1: i32, %arg2: memref<51200x32xf32, #tpu.memory_space<hbm>>, %arg3: memref<32x80x125xi32, #tpu.memory_space<hbm>>, %arg4: memref<32x80x125xi32, #tpu.memory_space<hbm>>, %arg5: memref<10240x32xf32, #tpu.memory_space<hbm>>, %arg6: memref<2x10240x32xf32, #tpu.memory_space<hbm>>, %arg7: memref<80x125xi32, #tpu.memory_space<vmem>>, %arg8: memref<80x125xi32, #tpu.memory_space<vmem>>, %arg9: memref<8x125x32xf32, #tpu.memory_space<vmem>>, %arg10: memref<10240x32xf32, #tpu.memory_space<vmem_shared>>, %arg11: memref<!tpu.dma_semaphore, #tpu.memory_space<semaphore_mem>>, %arg12: memref<!tpu.dma_semaphore, #tpu.memory_space<semaphore_mem>>, %arg13: memref<!tpu.dma_semaphore, #tpu.memory_space<semaphore_mem>>, %arg14: memref<!tpu.dma_semaphore, #tpu.memory_space<semaphore_mem>>, %arg15: memref<!tpu.dma_semaphore, #tpu.memory_space<semaphore_mem>>, %arg16: memref<!tpu.dma_semaphore, #tpu.memory_space<semaphore_mem>>, %arg17: memref<!tpu.dma_semaphore, #tpu.memory_space<semaphore_mem>>, %arg18: memref<!tpu.dma_semaphore, #tpu.memory_space<semaphore_mem>>) attributes {dimension_semantics = [#tpu.dimension_semantics<core_parallel>, #tpu.dimension_semantics<subcore_parallel>], iteration_bounds = array<i64: 2, 16>, scalar_prefetch = 0 : i64, scratch_operands = 12 : i64, tpu.core_type = #tpu.core_type<sc_vector_subcore>, window_params = [{transform_indices = #map}, {transform_indices = #map1}, {transform_indices = #map1}, {transform_indices = #map}, {transform_indices = #map1}]} {
    %mul3A = arith.constant 2 : i32
    %mul3A_0 = arith.muli %arg1, %mul3A : i32
    %add3A = arith.addi %mul3A_0, %arg0 : i32
    %mul3A_1 = arith.constant 640 : i32
    %mul3A_2 = arith.muli %arg1, %mul3A_1 : i32
    %mul3A_3 = arith.constant 640 : i32
    %mul3A_4 = arith.muli %arg1, %mul3A_3 : i32
    "tpu.region"() ({
      %run_scoped3A_220 = tpu.sem_alloc : memref<!tpu.dma_semaphore, #tpu.memory_space<semaphore_mem>>
      %dma_start3A_221 = arith.constant 0 : i32
      %dma_start3A_222 = tpu.memref_slice %arg10[%mul3A_4, %dma_start3A_221] : memref<10240x32xf32, #tpu.memory_space<vmem_shared>> -> memref<640x32xf32, #tpu.memory_space<vmem_shared>>
      %dma_start3A_223 = arith.constant 0 : i32
      %dma_start3A_224 = tpu.memref_slice %arg5[%mul3A_2, %dma_start3A_223] : memref<10240x32xf32, #tpu.memory_space<hbm>> -> memref<640x32xf32, #tpu.memory_space<hbm>>
      tpu.enqueue_dma source(%dma_start3A_224 : memref<640x32xf32, #tpu.memory_space<hbm>>) target(%dma_start3A_222 : memref<640x32xf32, #tpu.memory_space<vmem_shared>>) target_semaphore(%run_scoped3A_220 : memref<!tpu.dma_semaphore, #tpu.memory_space<semaphore_mem>>)
      %dma_wait3A_225 = arith.constant 0 : i32
      %dma_wait3A_226 = tpu.memref_slice %arg10[%mul3A_4, %dma_wait3A_225] : memref<10240x32xf32, #tpu.memory_space<vmem_shared>> -> memref<640x32xf32, #tpu.memory_space<vmem_shared>>
      %dma_wait3A_227 = arith.constant 0 : i32
      %dma_wait3A_228 = tpu.memref_slice %arg5[%mul3A_2, %dma_wait3A_227] : memref<10240x32xf32, #tpu.memory_space<hbm>> -> memref<640x32xf32, #tpu.memory_space<hbm>>
      tpu.wait_dma2 semaphore(%run_scoped3A_220 : memref<!tpu.dma_semaphore, #tpu.memory_space<semaphore_mem>>) src(%dma_wait3A_228 : memref<640x32xf32, #tpu.memory_space<hbm>>) dst(%dma_wait3A_226 : memref<640x32xf32, #tpu.memory_space<vmem_shared>>)
      tpu.yield
    }) : () -> ()
    "tpu.region"() ({
      %run_scoped3A_220 = tpu.sem_alloc : memref<!tpu.dma_semaphore, #tpu.memory_space<semaphore_mem>>
      %dma_start3A_221 = arith.constant 0 : i32
      %dma_start3A_222 = arith.constant 0 : i32
      %dma_start3A_223 = tpu.memref_slice %arg3[%add3A, %dma_start3A_221, %dma_start3A_222] : memref<32x80x125xi32, #tpu.memory_space<hbm>> -> memref<1x80x125xi32, #tpu.memory_space<hbm>>
      %dma_start3A_224 = tpu.memref_squeeze %dma_start3A_223 : memref<1x80x125xi32, #tpu.memory_space<hbm>> -> memref<80x125xi32, #tpu.memory_space<hbm>>
      %dma_start3A_225 = arith.constant 0 : i32
      %dma_start3A_226 = arith.constant 0 : i32
      %dma_start3A_227 = tpu.memref_slice %arg3[%add3A, %dma_start3A_225, %dma_start3A_226] : memref<32x80x125xi32, #tpu.memory_space<hbm>> -> memref<1x80x125xi32, #tpu.memory_space<hbm>>
      %dma_start3A_228 = tpu.memref_squeeze %dma_start3A_227 : memref<1x80x125xi32, #tpu.memory_space<hbm>> -> memref<80x125xi32, #tpu.memory_space<hbm>>
      tpu.enqueue_dma source(%dma_start3A_228 : memref<80x125xi32, #tpu.memory_space<hbm>>) target(%arg7 : memref<80x125xi32, #tpu.memory_space<vmem>>) target_semaphore(%run_scoped3A_220 : memref<!tpu.dma_semaphore, #tpu.memory_space<semaphore_mem>>)
      %dma_wait3A_229 = arith.constant 0 : i32
      %dma_wait3A_230 = arith.constant 0 : i32
      %dma_wait3A_231 = tpu.memref_slice %arg3[%add3A, %dma_wait3A_229, %dma_wait3A_230] : memref<32x80x125xi32, #tpu.memory_space<hbm>> -> memref<1x80x125xi32, #tpu.memory_space<hbm>>
      %dma_wait3A_232 = tpu.memref_squeeze %dma_wait3A_231 : memref<1x80x125xi32, #tpu.memory_space<hbm>> -> memref<80x125xi32, #tpu.memory_space<hbm>>
      %dma_wait3A_233 = arith.constant 0 : i32
      %dma_wait3A_234 = arith.constant 0 : i32
      %dma_wait3A_235 = tpu.memref_slice %arg3[%add3A, %dma_wait3A_233, %dma_wait3A_234] : memref<32x80x125xi32, #tpu.memory_space<hbm>> -> memref<1x80x125xi32, #tpu.memory_space<hbm>>
      %dma_wait3A_236 = tpu.memref_squeeze %dma_wait3A_235 : memref<1x80x125xi32, #tpu.memory_space<hbm>> -> memref<80x125xi32, #tpu.memory_space<hbm>>
      tpu.wait_dma2 semaphore(%run_scoped3A_220 : memref<!tpu.dma_semaphore, #tpu.memory_space<semaphore_mem>>) src(%dma_wait3A_236 : memref<80x125xi32, #tpu.memory_space<hbm>>) dst(%arg7 : memref<80x125xi32, #tpu.memory_space<vmem>>)
      tpu.yield
    }) : () -> ()
    "tpu.region"() ({
      %run_scoped3A_220 = tpu.sem_alloc : memref<!tpu.dma_semaphore, #tpu.memory_space<semaphore_mem>>
      %dma_start3A_221 = arith.constant 0 : i32
      %dma_start3A_222 = arith.constant 0 : i32
      %dma_start3A_223 = tpu.memref_slice %arg4[%add3A, %dma_start3A_221, %dma_start3A_222] : memref<32x80x125xi32, #tpu.memory_space<hbm>> -> memref<1x80x125xi32, #tpu.memory_space<hbm>>
      %dma_start3A_224 = tpu.memref_squeeze %dma_start3A_223 : memref<1x80x125xi32, #tpu.memory_space<hbm>> -> memref<80x125xi32, #tpu.memory_space<hbm>>
      %dma_start3A_225 = arith.constant 0 : i32
      %dma_start3A_226 = arith.constant 0 : i32
      %dma_start3A_227 = tpu.memref_slice %arg4[%add3A, %dma_start3A_225, %dma_start3A_226] : memref<32x80x125xi32, #tpu.memory_space<hbm>> -> memref<1x80x125xi32, #tpu.memory_space<hbm>>
      %dma_start3A_228 = tpu.memref_squeeze %dma_start3A_227 : memref<1x80x125xi32, #tpu.memory_space<hbm>> -> memref<80x125xi32, #tpu.memory_space<hbm>>
      tpu.enqueue_dma source(%dma_start3A_228 : memref<80x125xi32, #tpu.memory_space<hbm>>) target(%arg8 : memref<80x125xi32, #tpu.memory_space<vmem>>) target_semaphore(%run_scoped3A_220 : memref<!tpu.dma_semaphore, #tpu.memory_space<semaphore_mem>>)
      %dma_wait3A_229 = arith.constant 0 : i32
      %dma_wait3A_230 = arith.constant 0 : i32
      %dma_wait3A_231 = tpu.memref_slice %arg4[%add3A, %dma_wait3A_229, %dma_wait3A_230] : memref<32x80x125xi32, #tpu.memory_space<hbm>> -> memref<1x80x125xi32, #tpu.memory_space<hbm>>
      %dma_wait3A_232 = tpu.memref_squeeze %dma_wait3A_231 : memref<1x80x125xi32, #tpu.memory_space<hbm>> -> memref<80x125xi32, #tpu.memory_space<hbm>>
      %dma_wait3A_233 = arith.constant 0 : i32
      %dma_wait3A_234 = arith.constant 0 : i32
      %dma_wait3A_235 = tpu.memref_slice %arg4[%add3A, %dma_wait3A_233, %dma_wait3A_234] : memref<32x80x125xi32, #tpu.memory_space<hbm>> -> memref<1x80x125xi32, #tpu.memory_space<hbm>>
      %dma_wait3A_236 = tpu.memref_squeeze %dma_wait3A_235 : memref<1x80x125xi32, #tpu.memory_space<hbm>> -> memref<80x125xi32, #tpu.memory_space<hbm>>
      tpu.wait_dma2 semaphore(%run_scoped3A_220 : memref<!tpu.dma_semaphore, #tpu.memory_space<semaphore_mem>>) src(%dma_wait3A_236 : memref<80x125xi32, #tpu.memory_space<hbm>>) dst(%arg8 : memref<80x125xi32, #tpu.memory_space<vmem>>)
      tpu.yield
    }) : () -> ()
    %barrier3A = arith.constant 0 : index
    tpu.barrier barrier_id(%barrier3A)
    %dma_start3A = arith.constant 0 : i32
    %dma_start3A_5 = arith.constant 0 : i32
    %dma_start3A_6 = arith.constant 0 : i32
    %dma_start3A_7 = arith.constant 0 : i32
    %dma_start3A_8 = tpu.memref_slice %arg9[%dma_start3A_5, %dma_start3A_6, %dma_start3A_7] : memref<8x125x32xf32, #tpu.memory_space<vmem>> -> memref<1x125x32xf32, #tpu.memory_space<vmem>>
    %dma_start3A_9 = tpu.memref_squeeze %dma_start3A_8 : memref<1x125x32xf32, #tpu.memory_space<vmem>> -> memref<125x32xf32, #tpu.memory_space<vmem>>
    %dma_start3A_10 = arith.constant 0 : i32
    %dma_start3A_11 = tpu.memref_slice %arg7[%dma_start3A, %dma_start3A_10] : memref<80x125xi32, #tpu.memory_space<vmem>> -> memref<1x125xi32, #tpu.memory_space<vmem>>
    %dma_start3A_12 = tpu.memref_squeeze %dma_start3A_11 : memref<1x125xi32, #tpu.memory_space<vmem>> -> memref<125xi32, #tpu.memory_space<vmem>>
    %dma_start3A_13 = arith.constant 0 : i32
    %dma_start3A_14 = arith.constant 0 : i32
    %dma_start3A_15 = tpu.memref_slice %arg2[%dma_start3A_13, %dma_start3A_14] : memref<51200x32xf32, #tpu.memory_space<hbm>> -> memref<51200x32xf32, #tpu.memory_space<hbm>>
    tpu.enqueue_indirect_dma source(%dma_start3A_15 : memref<51200x32xf32, #tpu.memory_space<hbm>>) target(%dma_start3A_9 : memref<125x32xf32, #tpu.memory_space<vmem>>) offsets(%dma_start3A_12 : memref<125xi32, #tpu.memory_space<vmem>>) semaphore(%arg11 : memref<!tpu.dma_semaphore, #tpu.memory_space<semaphore_mem>>)
    %dma_start3A_16 = arith.constant 1 : i32
    %dma_start3A_17 = arith.constant 1 : i32
    %dma_start3A_18 = arith.constant 0 : i32
    %dma_start3A_19 = arith.constant 0 : i32
    %dma_start3A_20 = tpu.memref_slice %arg9[%dma_start3A_17, %dma_start3A_18, %dma_start3A_19] : memref<8x125x32xf32, #tpu.memory_space<vmem>> -> memref<1x125x32xf32, #tpu.memory_space<vmem>>
    %dma_start3A_21 = tpu.memref_squeeze %dma_start3A_20 : memref<1x125x32xf32, #tpu.memory_space<vmem>> -> memref<125x32xf32, #tpu.memory_space<vmem>>
    %dma_start3A_22 = arith.constant 0 : i32
    %dma_start3A_23 = tpu.memref_slice %arg7[%dma_start3A_16, %dma_start3A_22] : memref<80x125xi32, #tpu.memory_space<vmem>> -> memref<1x125xi32, #tpu.memory_space<vmem>>
    %dma_start3A_24 = tpu.memref_squeeze %dma_start3A_23 : memref<1x125xi32, #tpu.memory_space<vmem>> -> memref<125xi32, #tpu.memory_space<vmem>>
    %dma_start3A_25 = arith.constant 0 : i32
    %dma_start3A_26 = arith.constant 0 : i32
    %dma_start3A_27 = tpu.memref_slice %arg2[%dma_start3A_25, %dma_start3A_26] : memref<51200x32xf32, #tpu.memory_space<hbm>> -> memref<51200x32xf32, #tpu.memory_space<hbm>>
    tpu.enqueue_indirect_dma source(%dma_start3A_27 : memref<51200x32xf32, #tpu.memory_space<hbm>>) target(%dma_start3A_21 : memref<125x32xf32, #tpu.memory_space<vmem>>) offsets(%dma_start3A_24 : memref<125xi32, #tpu.memory_space<vmem>>) semaphore(%arg12 : memref<!tpu.dma_semaphore, #tpu.memory_space<semaphore_mem>>)
    %dma_start3A_28 = arith.constant 2 : i32
    %dma_start3A_29 = arith.constant 2 : i32
    %dma_start3A_30 = arith.constant 0 : i32
    %dma_start3A_31 = arith.constant 0 : i32
    %dma_start3A_32 = tpu.memref_slice %arg9[%dma_start3A_29, %dma_start3A_30, %dma_start3A_31] : memref<8x125x32xf32, #tpu.memory_space<vmem>> -> memref<1x125x32xf32, #tpu.memory_space<vmem>>
    %dma_start3A_33 = tpu.memref_squeeze %dma_start3A_32 : memref<1x125x32xf32, #tpu.memory_space<vmem>> -> memref<125x32xf32, #tpu.memory_space<vmem>>
    %dma_start3A_34 = arith.constant 0 : i32
    %dma_start3A_35 = tpu.memref_slice %arg7[%dma_start3A_28, %dma_start3A_34] : memref<80x125xi32, #tpu.memory_space<vmem>> -> memref<1x125xi32, #tpu.memory_space<vmem>>
    %dma_start3A_36 = tpu.memref_squeeze %dma_start3A_35 : memref<1x125xi32, #tpu.memory_space<vmem>> -> memref<125xi32, #tpu.memory_space<vmem>>
    %dma_start3A_37 = arith.constant 0 : i32
    %dma_start3A_38 = arith.constant 0 : i32
    %dma_start3A_39 = tpu.memref_slice %arg2[%dma_start3A_37, %dma_start3A_38] : memref<51200x32xf32, #tpu.memory_space<hbm>> -> memref<51200x32xf32, #tpu.memory_space<hbm>>
    tpu.enqueue_indirect_dma source(%dma_start3A_39 : memref<51200x32xf32, #tpu.memory_space<hbm>>) target(%dma_start3A_33 : memref<125x32xf32, #tpu.memory_space<vmem>>) offsets(%dma_start3A_36 : memref<125xi32, #tpu.memory_space<vmem>>) semaphore(%arg13 : memref<!tpu.dma_semaphore, #tpu.memory_space<semaphore_mem>>)
    %dma_start3A_40 = arith.constant 3 : i32
    %dma_start3A_41 = arith.constant 3 : i32
    %dma_start3A_42 = arith.constant 0 : i32
    %dma_start3A_43 = arith.constant 0 : i32
    %dma_start3A_44 = tpu.memref_slice %arg9[%dma_start3A_41, %dma_start3A_42, %dma_start3A_43] : memref<8x125x32xf32, #tpu.memory_space<vmem>> -> memref<1x125x32xf32, #tpu.memory_space<vmem>>
    %dma_start3A_45 = tpu.memref_squeeze %dma_start3A_44 : memref<1x125x32xf32, #tpu.memory_space<vmem>> -> memref<125x32xf32, #tpu.memory_space<vmem>>
    %dma_start3A_46 = arith.constant 0 : i32
    %dma_start3A_47 = tpu.memref_slice %arg7[%dma_start3A_40, %dma_start3A_46] : memref<80x125xi32, #tpu.memory_space<vmem>> -> memref<1x125xi32, #tpu.memory_space<vmem>>
    %dma_start3A_48 = tpu.memref_squeeze %dma_start3A_47 : memref<1x125xi32, #tpu.memory_space<vmem>> -> memref<125xi32, #tpu.memory_space<vmem>>
    %dma_start3A_49 = arith.constant 0 : i32
    %dma_start3A_50 = arith.constant 0 : i32
    %dma_start3A_51 = tpu.memref_slice %arg2[%dma_start3A_49, %dma_start3A_50] : memref<51200x32xf32, #tpu.memory_space<hbm>> -> memref<51200x32xf32, #tpu.memory_space<hbm>>
    tpu.enqueue_indirect_dma source(%dma_start3A_51 : memref<51200x32xf32, #tpu.memory_space<hbm>>) target(%dma_start3A_45 : memref<125x32xf32, #tpu.memory_space<vmem>>) offsets(%dma_start3A_48 : memref<125xi32, #tpu.memory_space<vmem>>) semaphore(%arg14 : memref<!tpu.dma_semaphore, #tpu.memory_space<semaphore_mem>>)
    %dma_start3A_52 = arith.constant 4 : i32
    %dma_start3A_53 = arith.constant 4 : i32
    %dma_start3A_54 = arith.constant 0 : i32
    %dma_start3A_55 = arith.constant 0 : i32
    %dma_start3A_56 = tpu.memref_slice %arg9[%dma_start3A_53, %dma_start3A_54, %dma_start3A_55] : memref<8x125x32xf32, #tpu.memory_space<vmem>> -> memref<1x125x32xf32, #tpu.memory_space<vmem>>
    %dma_start3A_57 = tpu.memref_squeeze %dma_start3A_56 : memref<1x125x32xf32, #tpu.memory_space<vmem>> -> memref<125x32xf32, #tpu.memory_space<vmem>>
    %dma_start3A_58 = arith.constant 0 : i32
    %dma_start3A_59 = tpu.memref_slice %arg7[%dma_start3A_52, %dma_start3A_58] : memref<80x125xi32, #tpu.memory_space<vmem>> -> memref<1x125xi32, #tpu.memory_space<vmem>>
    %dma_start3A_60 = tpu.memref_squeeze %dma_start3A_59 : memref<1x125xi32, #tpu.memory_space<vmem>> -> memref<125xi32, #tpu.memory_space<vmem>>
    %dma_start3A_61 = arith.constant 0 : i32
    %dma_start3A_62 = arith.constant 0 : i32
    %dma_start3A_63 = tpu.memref_slice %arg2[%dma_start3A_61, %dma_start3A_62] : memref<51200x32xf32, #tpu.memory_space<hbm>> -> memref<51200x32xf32, #tpu.memory_space<hbm>>
    tpu.enqueue_indirect_dma source(%dma_start3A_63 : memref<51200x32xf32, #tpu.memory_space<hbm>>) target(%dma_start3A_57 : memref<125x32xf32, #tpu.memory_space<vmem>>) offsets(%dma_start3A_60 : memref<125xi32, #tpu.memory_space<vmem>>) semaphore(%arg15 : memref<!tpu.dma_semaphore, #tpu.memory_space<semaphore_mem>>)
    %dma_start3A_64 = arith.constant 5 : i32
    %dma_start3A_65 = arith.constant 5 : i32
    %dma_start3A_66 = arith.constant 0 : i32
    %dma_start3A_67 = arith.constant 0 : i32
    %dma_start3A_68 = tpu.memref_slice %arg9[%dma_start3A_65, %dma_start3A_66, %dma_start3A_67] : memref<8x125x32xf32, #tpu.memory_space<vmem>> -> memref<1x125x32xf32, #tpu.memory_space<vmem>>
    %dma_start3A_69 = tpu.memref_squeeze %dma_start3A_68 : memref<1x125x32xf32, #tpu.memory_space<vmem>> -> memref<125x32xf32, #tpu.memory_space<vmem>>
    %dma_start3A_70 = arith.constant 0 : i32
    %dma_start3A_71 = tpu.memref_slice %arg7[%dma_start3A_64, %dma_start3A_70] : memref<80x125xi32, #tpu.memory_space<vmem>> -> memref<1x125xi32, #tpu.memory_space<vmem>>
    %dma_start3A_72 = tpu.memref_squeeze %dma_start3A_71 : memref<1x125xi32, #tpu.memory_space<vmem>> -> memref<125xi32, #tpu.memory_space<vmem>>
    %dma_start3A_73 = arith.constant 0 : i32
    %dma_start3A_74 = arith.constant 0 : i32
    %dma_start3A_75 = tpu.memref_slice %arg2[%dma_start3A_73, %dma_start3A_74] : memref<51200x32xf32, #tpu.memory_space<hbm>> -> memref<51200x32xf32, #tpu.memory_space<hbm>>
    tpu.enqueue_indirect_dma source(%dma_start3A_75 : memref<51200x32xf32, #tpu.memory_space<hbm>>) target(%dma_start3A_69 : memref<125x32xf32, #tpu.memory_space<vmem>>) offsets(%dma_start3A_72 : memref<125xi32, #tpu.memory_space<vmem>>) semaphore(%arg16 : memref<!tpu.dma_semaphore, #tpu.memory_space<semaphore_mem>>)
    %dma_start3A_76 = arith.constant 6 : i32
    %dma_start3A_77 = arith.constant 6 : i32
    %dma_start3A_78 = arith.constant 0 : i32
    %dma_start3A_79 = arith.constant 0 : i32
    %dma_start3A_80 = tpu.memref_slice %arg9[%dma_start3A_77, %dma_start3A_78, %dma_start3A_79] : memref<8x125x32xf32, #tpu.memory_space<vmem>> -> memref<1x125x32xf32, #tpu.memory_space<vmem>>
    %dma_start3A_81 = tpu.memref_squeeze %dma_start3A_80 : memref<1x125x32xf32, #tpu.memory_space<vmem>> -> memref<125x32xf32, #tpu.memory_space<vmem>>
    %dma_start3A_82 = arith.constant 0 : i32
    %dma_start3A_83 = tpu.memref_slice %arg7[%dma_start3A_76, %dma_start3A_82] : memref<80x125xi32, #tpu.memory_space<vmem>> -> memref<1x125xi32, #tpu.memory_space<vmem>>
    %dma_start3A_84 = tpu.memref_squeeze %dma_start3A_83 : memref<1x125xi32, #tpu.memory_space<vmem>> -> memref<125xi32, #tpu.memory_space<vmem>>
    %dma_start3A_85 = arith.constant 0 : i32
    %dma_start3A_86 = arith.constant 0 : i32
    %dma_start3A_87 = tpu.memref_slice %arg2[%dma_start3A_85, %dma_start3A_86] : memref<51200x32xf32, #tpu.memory_space<hbm>> -> memref<51200x32xf32, #tpu.memory_space<hbm>>
    tpu.enqueue_indirect_dma source(%dma_start3A_87 : memref<51200x32xf32, #tpu.memory_space<hbm>>) target(%dma_start3A_81 : memref<125x32xf32, #tpu.memory_space<vmem>>) offsets(%dma_start3A_84 : memref<125xi32, #tpu.memory_space<vmem>>) semaphore(%arg17 : memref<!tpu.dma_semaphore, #tpu.memory_space<semaphore_mem>>)
    %dma_start3A_88 = arith.constant 7 : i32
    %dma_start3A_89 = arith.constant 7 : i32
    %dma_start3A_90 = arith.constant 0 : i32
    %dma_start3A_91 = arith.constant 0 : i32
    %dma_start3A_92 = tpu.memref_slice %arg9[%dma_start3A_89, %dma_start3A_90, %dma_start3A_91] : memref<8x125x32xf32, #tpu.memory_space<vmem>> -> memref<1x125x32xf32, #tpu.memory_space<vmem>>
    %dma_start3A_93 = tpu.memref_squeeze %dma_start3A_92 : memref<1x125x32xf32, #tpu.memory_space<vmem>> -> memref<125x32xf32, #tpu.memory_space<vmem>>
    %dma_start3A_94 = arith.constant 0 : i32
    %dma_start3A_95 = tpu.memref_slice %arg7[%dma_start3A_88, %dma_start3A_94] : memref<80x125xi32, #tpu.memory_space<vmem>> -> memref<1x125xi32, #tpu.memory_space<vmem>>
    %dma_start3A_96 = tpu.memref_squeeze %dma_start3A_95 : memref<1x125xi32, #tpu.memory_space<vmem>> -> memref<125xi32, #tpu.memory_space<vmem>>
    %dma_start3A_97 = arith.constant 0 : i32
    %dma_start3A_98 = arith.constant 0 : i32
    %dma_start3A_99 = tpu.memref_slice %arg2[%dma_start3A_97, %dma_start3A_98] : memref<51200x32xf32, #tpu.memory_space<hbm>> -> memref<51200x32xf32, #tpu.memory_space<hbm>>
    tpu.enqueue_indirect_dma source(%dma_start3A_99 : memref<51200x32xf32, #tpu.memory_space<hbm>>) target(%dma_start3A_93 : memref<125x32xf32, #tpu.memory_space<vmem>>) offsets(%dma_start3A_96 : memref<125xi32, #tpu.memory_space<vmem>>) semaphore(%arg18 : memref<!tpu.dma_semaphore, #tpu.memory_space<semaphore_mem>>)
    %scan3A = arith.constant 0 : i32
    %scan3A_100 = arith.constant 0 : i32
    %scan3A_101 = arith.constant 9 : i32
    %scan3A_102 = arith.addi %scan3A_100, %scan3A_101 : i32
    %scan3A_103 = arith.constant 1 : i32
    scf.for %scan3A_220 = %scan3A_100 to %scan3A_102 step %scan3A_103  : i32 {
      %mul3A_221 = arith.constant 8 : i32
      %mul3A_222 = arith.muli %scan3A_220, %mul3A_221 : i32
      %add3A_223 = arith.constant 0 : i32
      %add3A_224 = arith.addi %mul3A_222, %add3A_223 : i32
      %dma_wait3A_225 = arith.constant 0 : i32
      %dma_wait3A_226 = arith.constant 0 : i32
      %dma_wait3A_227 = arith.constant 0 : i32
      %dma_wait3A_228 = tpu.memref_slice %arg9[%dma_wait3A_225, %dma_wait3A_226, %dma_wait3A_227] : memref<8x125x32xf32, #tpu.memory_space<vmem>> -> memref<1x125x32xf32, #tpu.memory_space<vmem>>
      %dma_wait3A_229 = tpu.memref_squeeze %dma_wait3A_228 : memref<1x125x32xf32, #tpu.memory_space<vmem>> -> memref<125x32xf32, #tpu.memory_space<vmem>>
      %dma_wait3A_230 = arith.constant 0 : i32
      %dma_wait3A_231 = tpu.memref_slice %arg7[%add3A_224, %dma_wait3A_230] : memref<80x125xi32, #tpu.memory_space<vmem>> -> memref<1x125xi32, #tpu.memory_space<vmem>>
      %dma_wait3A_232 = tpu.memref_squeeze %dma_wait3A_231 : memref<1x125xi32, #tpu.memory_space<vmem>> -> memref<125xi32, #tpu.memory_space<vmem>>
      %dma_wait3A_233 = arith.constant 0 : i32
      %dma_wait3A_234 = arith.constant 0 : i32
      %dma_wait3A_235 = tpu.memref_slice %arg2[%dma_wait3A_233, %dma_wait3A_234] : memref<51200x32xf32, #tpu.memory_space<hbm>> -> memref<51200x32xf32, #tpu.memory_space<hbm>>
      tpu.wait_indirect_dma semaphore(%arg11 : memref<!tpu.dma_semaphore, #tpu.memory_space<semaphore_mem>>) src(%dma_wait3A_235 : memref<51200x32xf32, #tpu.memory_space<hbm>>) dst(%dma_wait3A_229 : memref<125x32xf32, #tpu.memory_space<vmem>>)
      %run_scoped3A_236 = arith.constant 0 : i32
      "tpu.region"() ({
        %run_scoped3A_453 = tpu.sem_alloc : memref<!tpu.dma_semaphore, #tpu.memory_space<semaphore_mem>>
        %dma_start3A_454 = arith.constant 0 : i32
        %dma_start3A_455 = arith.constant 0 : i32
        %dma_start3A_456 = tpu.memref_slice %arg9[%run_scoped3A_236, %dma_start3A_454, %dma_start3A_455] : memref<8x125x32xf32, #tpu.memory_space<vmem>> -> memref<1x125x32xf32, #tpu.memory_space<vmem>>
        %dma_start3A_457 = tpu.memref_squeeze %dma_start3A_456 : memref<1x125x32xf32, #tpu.memory_space<vmem>> -> memref<125x32xf32, #tpu.memory_space<vmem>>
        %dma_start3A_458 = arith.constant 0 : i32
        %dma_start3A_459 = tpu.memref_slice %arg8[%add3A_224, %dma_start3A_458] : memref<80x125xi32, #tpu.memory_space<vmem>> -> memref<1x125xi32, #tpu.memory_space<vmem>>
        %dma_start3A_460 = tpu.memref_squeeze %dma_start3A_459 : memref<1x125xi32, #tpu.memory_space<vmem>> -> memref<125xi32, #tpu.memory_space<vmem>>
        %dma_start3A_461 = arith.constant 0 : i32
        %dma_start3A_462 = arith.constant 0 : i32
        %dma_start3A_463 = tpu.memref_slice %arg10[%dma_start3A_461, %dma_start3A_462] : memref<10240x32xf32, #tpu.memory_space<vmem_shared>> -> memref<10240x32xf32, #tpu.memory_space<vmem_shared>>
        tpu.enqueue_indirect_dma source(%dma_start3A_457 : memref<125x32xf32, #tpu.memory_space<vmem>>) target(%dma_start3A_463 : memref<10240x32xf32, #tpu.memory_space<vmem_shared>>) offsets(%dma_start3A_460 : memref<125xi32, #tpu.memory_space<vmem>>) semaphore(%run_scoped3A_453 : memref<!tpu.dma_semaphore, #tpu.memory_space<semaphore_mem>>) {add = true}
        %dma_wait3A_464 = arith.constant 0 : i32
        %dma_wait3A_465 = arith.constant 0 : i32
        %dma_wait3A_466 = tpu.memref_slice %arg9[%run_scoped3A_236, %dma_wait3A_464, %dma_wait3A_465] : memref<8x125x32xf32, #tpu.memory_space<vmem>> -> memref<1x125x32xf32, #tpu.memory_space<vmem>>
        %dma_wait3A_467 = tpu.memref_squeeze %dma_wait3A_466 : memref<1x125x32xf32, #tpu.memory_space<vmem>> -> memref<125x32xf32, #tpu.memory_space<vmem>>
        %dma_wait3A_468 = arith.constant 0 : i32
        %dma_wait3A_469 = tpu.memref_slice %arg8[%add3A_224, %dma_wait3A_468] : memref<80x125xi32, #tpu.memory_space<vmem>> -> memref<1x125xi32, #tpu.memory_space<vmem>>
        %dma_wait3A_470 = tpu.memref_squeeze %dma_wait3A_469 : memref<1x125xi32, #tpu.memory_space<vmem>> -> memref<125xi32, #tpu.memory_space<vmem>>
        %dma_wait3A_471 = arith.constant 0 : i32
        %dma_wait3A_472 = arith.constant 0 : i32
        %dma_wait3A_473 = tpu.memref_slice %arg10[%dma_wait3A_471, %dma_wait3A_472] : memref<10240x32xf32, #tpu.memory_space<vmem_shared>> -> memref<10240x32xf32, #tpu.memory_space<vmem_shared>>
        tpu.wait_indirect_dma semaphore(%run_scoped3A_453 : memref<!tpu.dma_semaphore, #tpu.memory_space<semaphore_mem>>) src(%dma_wait3A_467 : memref<125x32xf32, #tpu.memory_space<vmem>>) dst(%dma_wait3A_473 : memref<10240x32xf32, #tpu.memory_space<vmem_shared>>)
        tpu.yield
      }) : () -> ()
      %add3A_237 = arith.constant 8 : i32
      %add3A_238 = arith.addi %add3A_224, %add3A_237 : i32
      %dma_start3A_239 = arith.constant 0 : i32
      %dma_start3A_240 = arith.constant 0 : i32
      %dma_start3A_241 = arith.constant 0 : i32
      %dma_start3A_242 = tpu.memref_slice %arg9[%dma_start3A_239, %dma_start3A_240, %dma_start3A_241] : memref<8x125x32xf32, #tpu.memory_space<vmem>> -> memref<1x125x32xf32, #tpu.memory_space<vmem>>
      %dma_start3A_243 = tpu.memref_squeeze %dma_start3A_242 : memref<1x125x32xf32, #tpu.memory_space<vmem>> -> memref<125x32xf32, #tpu.memory_space<vmem>>
      %dma_start3A_244 = arith.constant 0 : i32
      %dma_start3A_245 = tpu.memref_slice %arg7[%add3A_238, %dma_start3A_244] : memref<80x125xi32, #tpu.memory_space<vmem>> -> memref<1x125xi32, #tpu.memory_space<vmem>>
      %dma_start3A_246 = tpu.memref_squeeze %dma_start3A_245 : memref<1x125xi32, #tpu.memory_space<vmem>> -> memref<125xi32, #tpu.memory_space<vmem>>
      %dma_start3A_247 = arith.constant 0 : i32
      %dma_start3A_248 = arith.constant 0 : i32
      %dma_start3A_249 = tpu.memref_slice %arg2[%dma_start3A_247, %dma_start3A_248] : memref<51200x32xf32, #tpu.memory_space<hbm>> -> memref<51200x32xf32, #tpu.memory_space<hbm>>
      tpu.enqueue_indirect_dma source(%dma_start3A_249 : memref<51200x32xf32, #tpu.memory_space<hbm>>) target(%dma_start3A_243 : memref<125x32xf32, #tpu.memory_space<vmem>>) offsets(%dma_start3A_246 : memref<125xi32, #tpu.memory_space<vmem>>) semaphore(%arg11 : memref<!tpu.dma_semaphore, #tpu.memory_space<semaphore_mem>>)
      %mul3A_250 = arith.constant 8 : i32
      %mul3A_251 = arith.muli %scan3A_220, %mul3A_250 : i32
      %add3A_252 = arith.constant 1 : i32
      %add3A_253 = arith.addi %mul3A_251, %add3A_252 : i32
      %dma_wait3A_254 = arith.constant 1 : i32
      %dma_wait3A_255 = arith.constant 0 : i32
      %dma_wait3A_256 = arith.constant 0 : i32
      %dma_wait3A_257 = tpu.memref_slice %arg9[%dma_wait3A_254, %dma_wait3A_255, %dma_wait3A_256] : memref<8x125x32xf32, #tpu.memory_space<vmem>> -> memref<1x125x32xf32, #tpu.memory_space<vmem>>
      %dma_wait3A_258 = tpu.memref_squeeze %dma_wait3A_257 : memref<1x125x32xf32, #tpu.memory_space<vmem>> -> memref<125x32xf32, #tpu.memory_space<vmem>>
      %dma_wait3A_259 = arith.constant 0 : i32
      %dma_wait3A_260 = tpu.memref_slice %arg7[%add3A_253, %dma_wait3A_259] : memref<80x125xi32, #tpu.memory_space<vmem>> -> memref<1x125xi32, #tpu.memory_space<vmem>>
      %dma_wait3A_261 = tpu.memref_squeeze %dma_wait3A_260 : memref<1x125xi32, #tpu.memory_space<vmem>> -> memref<125xi32, #tpu.memory_space<vmem>>
      %dma_wait3A_262 = arith.constant 0 : i32
      %dma_wait3A_263 = arith.constant 0 : i32
      %dma_wait3A_264 = tpu.memref_slice %arg2[%dma_wait3A_262, %dma_wait3A_263] : memref<51200x32xf32, #tpu.memory_space<hbm>> -> memref<51200x32xf32, #tpu.memory_space<hbm>>
      tpu.wait_indirect_dma semaphore(%arg12 : memref<!tpu.dma_semaphore, #tpu.memory_space<semaphore_mem>>) src(%dma_wait3A_264 : memref<51200x32xf32, #tpu.memory_space<hbm>>) dst(%dma_wait3A_258 : memref<125x32xf32, #tpu.memory_space<vmem>>)
      %run_scoped3A_265 = arith.constant 1 : i32
      "tpu.region"() ({
        %run_scoped3A_453 = tpu.sem_alloc : memref<!tpu.dma_semaphore, #tpu.memory_space<semaphore_mem>>
        %dma_start3A_454 = arith.constant 0 : i32
        %dma_start3A_455 = arith.constant 0 : i32
        %dma_start3A_456 = tpu.memref_slice %arg9[%run_scoped3A_265, %dma_start3A_454, %dma_start3A_455] : memref<8x125x32xf32, #tpu.memory_space<vmem>> -> memref<1x125x32xf32, #tpu.memory_space<vmem>>
        %dma_start3A_457 = tpu.memref_squeeze %dma_start3A_456 : memref<1x125x32xf32, #tpu.memory_space<vmem>> -> memref<125x32xf32, #tpu.memory_space<vmem>>
        %dma_start3A_458 = arith.constant 0 : i32
        %dma_start3A_459 = tpu.memref_slice %arg8[%add3A_253, %dma_start3A_458] : memref<80x125xi32, #tpu.memory_space<vmem>> -> memref<1x125xi32, #tpu.memory_space<vmem>>
        %dma_start3A_460 = tpu.memref_squeeze %dma_start3A_459 : memref<1x125xi32, #tpu.memory_space<vmem>> -> memref<125xi32, #tpu.memory_space<vmem>>
        %dma_start3A_461 = arith.constant 0 : i32
        %dma_start3A_462 = arith.constant 0 : i32
        %dma_start3A_463 = tpu.memref_slice %arg10[%dma_start3A_461, %dma_start3A_462] : memref<10240x32xf32, #tpu.memory_space<vmem_shared>> -> memref<10240x32xf32, #tpu.memory_space<vmem_shared>>
        tpu.enqueue_indirect_dma source(%dma_start3A_457 : memref<125x32xf32, #tpu.memory_space<vmem>>) target(%dma_start3A_463 : memref<10240x32xf32, #tpu.memory_space<vmem_shared>>) offsets(%dma_start3A_460 : memref<125xi32, #tpu.memory_space<vmem>>) semaphore(%run_scoped3A_453 : memref<!tpu.dma_semaphore, #tpu.memory_space<semaphore_mem>>) {add = true}
        %dma_wait3A_464 = arith.constant 0 : i32
        %dma_wait3A_465 = arith.constant 0 : i32
        %dma_wait3A_466 = tpu.memref_slice %arg9[%run_scoped3A_265, %dma_wait3A_464, %dma_wait3A_465] : memref<8x125x32xf32, #tpu.memory_space<vmem>> -> memref<1x125x32xf32, #tpu.memory_space<vmem>>
        %dma_wait3A_467 = tpu.memref_squeeze %dma_wait3A_466 : memref<1x125x32xf32, #tpu.memory_space<vmem>> -> memref<125x32xf32, #tpu.memory_space<vmem>>
        %dma_wait3A_468 = arith.constant 0 : i32
        %dma_wait3A_469 = tpu.memref_slice %arg8[%add3A_253, %dma_wait3A_468] : memref<80x125xi32, #tpu.memory_space<vmem>> -> memref<1x125xi32, #tpu.memory_space<vmem>>
        %dma_wait3A_470 = tpu.memref_squeeze %dma_wait3A_469 : memref<1x125xi32, #tpu.memory_space<vmem>> -> memref<125xi32, #tpu.memory_space<vmem>>
        %dma_wait3A_471 = arith.constant 0 : i32
        %dma_wait3A_472 = arith.constant 0 : i32
        %dma_wait3A_473 = tpu.memref_slice %arg10[%dma_wait3A_471, %dma_wait3A_472] : memref<10240x32xf32, #tpu.memory_space<vmem_shared>> -> memref<10240x32xf32, #tpu.memory_space<vmem_shared>>
        tpu.wait_indirect_dma semaphore(%run_scoped3A_453 : memref<!tpu.dma_semaphore, #tpu.memory_space<semaphore_mem>>) src(%dma_wait3A_467 : memref<125x32xf32, #tpu.memory_space<vmem>>) dst(%dma_wait3A_473 : memref<10240x32xf32, #tpu.memory_space<vmem_shared>>)
        tpu.yield
      }) : () -> ()
      %add3A_266 = arith.constant 8 : i32
      %add3A_267 = arith.addi %add3A_253, %add3A_266 : i32
      %dma_start3A_268 = arith.constant 1 : i32
      %dma_start3A_269 = arith.constant 0 : i32
      %dma_start3A_270 = arith.constant 0 : i32
      %dma_start3A_271 = tpu.memref_slice %arg9[%dma_start3A_268, %dma_start3A_269, %dma_start3A_270] : memref<8x125x32xf32, #tpu.memory_space<vmem>> -> memref<1x125x32xf32, #tpu.memory_space<vmem>>
      %dma_start3A_272 = tpu.memref_squeeze %dma_start3A_271 : memref<1x125x32xf32, #tpu.memory_space<vmem>> -> memref<125x32xf32, #tpu.memory_space<vmem>>
      %dma_start3A_273 = arith.constant 0 : i32
      %dma_start3A_274 = tpu.memref_slice %arg7[%add3A_267, %dma_start3A_273] : memref<80x125xi32, #tpu.memory_space<vmem>> -> memref<1x125xi32, #tpu.memory_space<vmem>>
      %dma_start3A_275 = tpu.memref_squeeze %dma_start3A_274 : memref<1x125xi32, #tpu.memory_space<vmem>> -> memref<125xi32, #tpu.memory_space<vmem>>
      %dma_start3A_276 = arith.constant 0 : i32
      %dma_start3A_277 = arith.constant 0 : i32
      %dma_start3A_278 = tpu.memref_slice %arg2[%dma_start3A_276, %dma_start3A_277] : memref<51200x32xf32, #tpu.memory_space<hbm>> -> memref<51200x32xf32, #tpu.memory_space<hbm>>
      tpu.enqueue_indirect_dma source(%dma_start3A_278 : memref<51200x32xf32, #tpu.memory_space<hbm>>) target(%dma_start3A_272 : memref<125x32xf32, #tpu.memory_space<vmem>>) offsets(%dma_start3A_275 : memref<125xi32, #tpu.memory_space<vmem>>) semaphore(%arg12 : memref<!tpu.dma_semaphore, #tpu.memory_space<semaphore_mem>>)
      %mul3A_279 = arith.constant 8 : i32
      %mul3A_280 = arith.muli %scan3A_220, %mul3A_279 : i32
      %add3A_281 = arith.constant 2 : i32
      %add3A_282 = arith.addi %mul3A_280, %add3A_281 : i32
      %dma_wait3A_283 = arith.constant 2 : i32
      %dma_wait3A_284 = arith.constant 0 : i32
      %dma_wait3A_285 = arith.constant 0 : i32
      %dma_wait3A_286 = tpu.memref_slice %arg9[%dma_wait3A_283, %dma_wait3A_284, %dma_wait3A_285] : memref<8x125x32xf32, #tpu.memory_space<vmem>> -> memref<1x125x32xf32, #tpu.memory_space<vmem>>
      %dma_wait3A_287 = tpu.memref_squeeze %dma_wait3A_286 : memref<1x125x32xf32, #tpu.memory_space<vmem>> -> memref<125x32xf32, #tpu.memory_space<vmem>>
      %dma_wait3A_288 = arith.constant 0 : i32
      %dma_wait3A_289 = tpu.memref_slice %arg7[%add3A_282, %dma_wait3A_288] : memref<80x125xi32, #tpu.memory_space<vmem>> -> memref<1x125xi32, #tpu.memory_space<vmem>>
      %dma_wait3A_290 = tpu.memref_squeeze %dma_wait3A_289 : memref<1x125xi32, #tpu.memory_space<vmem>> -> memref<125xi32, #tpu.memory_space<vmem>>
      %dma_wait3A_291 = arith.constant 0 : i32
      %dma_wait3A_292 = arith.constant 0 : i32
      %dma_wait3A_293 = tpu.memref_slice %arg2[%dma_wait3A_291, %dma_wait3A_292] : memref<51200x32xf32, #tpu.memory_space<hbm>> -> memref<51200x32xf32, #tpu.memory_space<hbm>>
      tpu.wait_indirect_dma semaphore(%arg13 : memref<!tpu.dma_semaphore, #tpu.memory_space<semaphore_mem>>) src(%dma_wait3A_293 : memref<51200x32xf32, #tpu.memory_space<hbm>>) dst(%dma_wait3A_287 : memref<125x32xf32, #tpu.memory_space<vmem>>)
      %run_scoped3A_294 = arith.constant 2 : i32
      "tpu.region"() ({
        %run_scoped3A_453 = tpu.sem_alloc : memref<!tpu.dma_semaphore, #tpu.memory_space<semaphore_mem>>
        %dma_start3A_454 = arith.constant 0 : i32
        %dma_start3A_455 = arith.constant 0 : i32
        %dma_start3A_456 = tpu.memref_slice %arg9[%run_scoped3A_294, %dma_start3A_454, %dma_start3A_455] : memref<8x125x32xf32, #tpu.memory_space<vmem>> -> memref<1x125x32xf32, #tpu.memory_space<vmem>>
        %dma_start3A_457 = tpu.memref_squeeze %dma_start3A_456 : memref<1x125x32xf32, #tpu.memory_space<vmem>> -> memref<125x32xf32, #tpu.memory_space<vmem>>
        %dma_start3A_458 = arith.constant 0 : i32
        %dma_start3A_459 = tpu.memref_slice %arg8[%add3A_282, %dma_start3A_458] : memref<80x125xi32, #tpu.memory_space<vmem>> -> memref<1x125xi32, #tpu.memory_space<vmem>>
        %dma_start3A_460 = tpu.memref_squeeze %dma_start3A_459 : memref<1x125xi32, #tpu.memory_space<vmem>> -> memref<125xi32, #tpu.memory_space<vmem>>
        %dma_start3A_461 = arith.constant 0 : i32
        %dma_start3A_462 = arith.constant 0 : i32
        %dma_start3A_463 = tpu.memref_slice %arg10[%dma_start3A_461, %dma_start3A_462] : memref<10240x32xf32, #tpu.memory_space<vmem_shared>> -> memref<10240x32xf32, #tpu.memory_space<vmem_shared>>
        tpu.enqueue_indirect_dma source(%dma_start3A_457 : memref<125x32xf32, #tpu.memory_space<vmem>>) target(%dma_start3A_463 : memref<10240x32xf32, #tpu.memory_space<vmem_shared>>) offsets(%dma_start3A_460 : memref<125xi32, #tpu.memory_space<vmem>>) semaphore(%run_scoped3A_453 : memref<!tpu.dma_semaphore, #tpu.memory_space<semaphore_mem>>) {add = true}
        %dma_wait3A_464 = arith.constant 0 : i32
        %dma_wait3A_465 = arith.constant 0 : i32
        %dma_wait3A_466 = tpu.memref_slice %arg9[%run_scoped3A_294, %dma_wait3A_464, %dma_wait3A_465] : memref<8x125x32xf32, #tpu.memory_space<vmem>> -> memref<1x125x32xf32, #tpu.memory_space<vmem>>
        %dma_wait3A_467 = tpu.memref_squeeze %dma_wait3A_466 : memref<1x125x32xf32, #tpu.memory_space<vmem>> -> memref<125x32xf32, #tpu.memory_space<vmem>>
        %dma_wait3A_468 = arith.constant 0 : i32
        %dma_wait3A_469 = tpu.memref_slice %arg8[%add3A_282, %dma_wait3A_468] : memref<80x125xi32, #tpu.memory_space<vmem>> -> memref<1x125xi32, #tpu.memory_space<vmem>>
        %dma_wait3A_470 = tpu.memref_squeeze %dma_wait3A_469 : memref<1x125xi32, #tpu.memory_space<vmem>> -> memref<125xi32, #tpu.memory_space<vmem>>
        %dma_wait3A_471 = arith.constant 0 : i32
        %dma_wait3A_472 = arith.constant 0 : i32
        %dma_wait3A_473 = tpu.memref_slice %arg10[%dma_wait3A_471, %dma_wait3A_472] : memref<10240x32xf32, #tpu.memory_space<vmem_shared>> -> memref<10240x32xf32, #tpu.memory_space<vmem_shared>>
        tpu.wait_indirect_dma semaphore(%run_scoped3A_453 : memref<!tpu.dma_semaphore, #tpu.memory_space<semaphore_mem>>) src(%dma_wait3A_467 : memref<125x32xf32, #tpu.memory_space<vmem>>) dst(%dma_wait3A_473 : memref<10240x32xf32, #tpu.memory_space<vmem_shared>>)
        tpu.yield
      }) : () -> ()
      %add3A_295 = arith.constant 8 : i32
      %add3A_296 = arith.addi %add3A_282, %add3A_295 : i32
      %dma_start3A_297 = arith.constant 2 : i32
      %dma_start3A_298 = arith.constant 0 : i32
      %dma_start3A_299 = arith.constant 0 : i32
      %dma_start3A_300 = tpu.memref_slice %arg9[%dma_start3A_297, %dma_start3A_298, %dma_start3A_299] : memref<8x125x32xf32, #tpu.memory_space<vmem>> -> memref<1x125x32xf32, #tpu.memory_space<vmem>>
      %dma_start3A_301 = tpu.memref_squeeze %dma_start3A_300 : memref<1x125x32xf32, #tpu.memory_space<vmem>> -> memref<125x32xf32, #tpu.memory_space<vmem>>
      %dma_start3A_302 = arith.constant 0 : i32
      %dma_start3A_303 = tpu.memref_slice %arg7[%add3A_296, %dma_start3A_302] : memref<80x125xi32, #tpu.memory_space<vmem>> -> memref<1x125xi32, #tpu.memory_space<vmem>>
      %dma_start3A_304 = tpu.memref_squeeze %dma_start3A_303 : memref<1x125xi32, #tpu.memory_space<vmem>> -> memref<125xi32, #tpu.memory_space<vmem>>
      %dma_start3A_305 = arith.constant 0 : i32
      %dma_start3A_306 = arith.constant 0 : i32
      %dma_start3A_307 = tpu.memref_slice %arg2[%dma_start3A_305, %dma_start3A_306] : memref<51200x32xf32, #tpu.memory_space<hbm>> -> memref<51200x32xf32, #tpu.memory_space<hbm>>
      tpu.enqueue_indirect_dma source(%dma_start3A_307 : memref<51200x32xf32, #tpu.memory_space<hbm>>) target(%dma_start3A_301 : memref<125x32xf32, #tpu.memory_space<vmem>>) offsets(%dma_start3A_304 : memref<125xi32, #tpu.memory_space<vmem>>) semaphore(%arg13 : memref<!tpu.dma_semaphore, #tpu.memory_space<semaphore_mem>>)
      %mul3A_308 = arith.constant 8 : i32
      %mul3A_309 = arith.muli %scan3A_220, %mul3A_308 : i32
      %add3A_310 = arith.constant 3 : i32
      %add3A_311 = arith.addi %mul3A_309, %add3A_310 : i32
      %dma_wait3A_312 = arith.constant 3 : i32
      %dma_wait3A_313 = arith.constant 0 : i32
      %dma_wait3A_314 = arith.constant 0 : i32
      %dma_wait3A_315 = tpu.memref_slice %arg9[%dma_wait3A_312, %dma_wait3A_313, %dma_wait3A_314] : memref<8x125x32xf32, #tpu.memory_space<vmem>> -> memref<1x125x32xf32, #tpu.memory_space<vmem>>
      %dma_wait3A_316 = tpu.memref_squeeze %dma_wait3A_315 : memref<1x125x32xf32, #tpu.memory_space<vmem>> -> memref<125x32xf32, #tpu.memory_space<vmem>>
      %dma_wait3A_317 = arith.constant 0 : i32
      %dma_wait3A_318 = tpu.memref_slice %arg7[%add3A_311, %dma_wait3A_317] : memref<80x125xi32, #tpu.memory_space<vmem>> -> memref<1x125xi32, #tpu.memory_space<vmem>>
      %dma_wait3A_319 = tpu.memref_squeeze %dma_wait3A_318 : memref<1x125xi32, #tpu.memory_space<vmem>> -> memref<125xi32, #tpu.memory_space<vmem>>
      %dma_wait3A_320 = arith.constant 0 : i32
      %dma_wait3A_321 = arith.constant 0 : i32
      %dma_wait3A_322 = tpu.memref_slice %arg2[%dma_wait3A_320, %dma_wait3A_321] : memref<51200x32xf32, #tpu.memory_space<hbm>> -> memref<51200x32xf32, #tpu.memory_space<hbm>>
      tpu.wait_indirect_dma semaphore(%arg14 : memref<!tpu.dma_semaphore, #tpu.memory_space<semaphore_mem>>) src(%dma_wait3A_322 : memref<51200x32xf32, #tpu.memory_space<hbm>>) dst(%dma_wait3A_316 : memref<125x32xf32, #tpu.memory_space<vmem>>)
      %run_scoped3A_323 = arith.constant 3 : i32
      "tpu.region"() ({
        %run_scoped3A_453 = tpu.sem_alloc : memref<!tpu.dma_semaphore, #tpu.memory_space<semaphore_mem>>
        %dma_start3A_454 = arith.constant 0 : i32
        %dma_start3A_455 = arith.constant 0 : i32
        %dma_start3A_456 = tpu.memref_slice %arg9[%run_scoped3A_323, %dma_start3A_454, %dma_start3A_455] : memref<8x125x32xf32, #tpu.memory_space<vmem>> -> memref<1x125x32xf32, #tpu.memory_space<vmem>>
        %dma_start3A_457 = tpu.memref_squeeze %dma_start3A_456 : memref<1x125x32xf32, #tpu.memory_space<vmem>> -> memref<125x32xf32, #tpu.memory_space<vmem>>
        %dma_start3A_458 = arith.constant 0 : i32
        %dma_start3A_459 = tpu.memref_slice %arg8[%add3A_311, %dma_start3A_458] : memref<80x125xi32, #tpu.memory_space<vmem>> -> memref<1x125xi32, #tpu.memory_space<vmem>>
        %dma_start3A_460 = tpu.memref_squeeze %dma_start3A_459 : memref<1x125xi32, #tpu.memory_space<vmem>> -> memref<125xi32, #tpu.memory_space<vmem>>
        %dma_start3A_461 = arith.constant 0 : i32
        %dma_start3A_462 = arith.constant 0 : i32
        %dma_start3A_463 = tpu.memref_slice %arg10[%dma_start3A_461, %dma_start3A_462] : memref<10240x32xf32, #tpu.memory_space<vmem_shared>> -> memref<10240x32xf32, #tpu.memory_space<vmem_shared>>
        tpu.enqueue_indirect_dma source(%dma_start3A_457 : memref<125x32xf32, #tpu.memory_space<vmem>>) target(%dma_start3A_463 : memref<10240x32xf32, #tpu.memory_space<vmem_shared>>) offsets(%dma_start3A_460 : memref<125xi32, #tpu.memory_space<vmem>>) semaphore(%run_scoped3A_453 : memref<!tpu.dma_semaphore, #tpu.memory_space<semaphore_mem>>) {add = true}
        %dma_wait3A_464 = arith.constant 0 : i32
        %dma_wait3A_465 = arith.constant 0 : i32
        %dma_wait3A_466 = tpu.memref_slice %arg9[%run_scoped3A_323, %dma_wait3A_464, %dma_wait3A_465] : memref<8x125x32xf32, #tpu.memory_space<vmem>> -> memref<1x125x32xf32, #tpu.memory_space<vmem>>
        %dma_wait3A_467 = tpu.memref_squeeze %dma_wait3A_466 : memref<1x125x32xf32, #tpu.memory_space<vmem>> -> memref<125x32xf32, #tpu.memory_space<vmem>>
        %dma_wait3A_468 = arith.constant 0 : i32
        %dma_wait3A_469 = tpu.memref_slice %arg8[%add3A_311, %dma_wait3A_468] : memref<80x125xi32, #tpu.memory_space<vmem>> -> memref<1x125xi32, #tpu.memory_space<vmem>>
        %dma_wait3A_470 = tpu.memref_squeeze %dma_wait3A_469 : memref<1x125xi32, #tpu.memory_space<vmem>> -> memref<125xi32, #tpu.memory_space<vmem>>
        %dma_wait3A_471 = arith.constant 0 : i32
        %dma_wait3A_472 = arith.constant 0 : i32
        %dma_wait3A_473 = tpu.memref_slice %arg10[%dma_wait3A_471, %dma_wait3A_472] : memref<10240x32xf32, #tpu.memory_space<vmem_shared>> -> memref<10240x32xf32, #tpu.memory_space<vmem_shared>>
        tpu.wait_indirect_dma semaphore(%run_scoped3A_453 : memref<!tpu.dma_semaphore, #tpu.memory_space<semaphore_mem>>) src(%dma_wait3A_467 : memref<125x32xf32, #tpu.memory_space<vmem>>) dst(%dma_wait3A_473 : memref<10240x32xf32, #tpu.memory_space<vmem_shared>>)
        tpu.yield
      }) : () -> ()
      %add3A_324 = arith.constant 8 : i32
      %add3A_325 = arith.addi %add3A_311, %add3A_324 : i32
      %dma_start3A_326 = arith.constant 3 : i32
      %dma_start3A_327 = arith.constant 0 : i32
      %dma_start3A_328 = arith.constant 0 : i32
      %dma_start3A_329 = tpu.memref_slice %arg9[%dma_start3A_326, %dma_start3A_327, %dma_start3A_328] : memref<8x125x32xf32, #tpu.memory_space<vmem>> -> memref<1x125x32xf32, #tpu.memory_space<vmem>>
      %dma_start3A_330 = tpu.memref_squeeze %dma_start3A_329 : memref<1x125x32xf32, #tpu.memory_space<vmem>> -> memref<125x32xf32, #tpu.memory_space<vmem>>
      %dma_start3A_331 = arith.constant 0 : i32
      %dma_start3A_332 = tpu.memref_slice %arg7[%add3A_325, %dma_start3A_331] : memref<80x125xi32, #tpu.memory_space<vmem>> -> memref<1x125xi32, #tpu.memory_space<vmem>>
      %dma_start3A_333 = tpu.memref_squeeze %dma_start3A_332 : memref<1x125xi32, #tpu.memory_space<vmem>> -> memref<125xi32, #tpu.memory_space<vmem>>
      %dma_start3A_334 = arith.constant 0 : i32
      %dma_start3A_335 = arith.constant 0 : i32
      %dma_start3A_336 = tpu.memref_slice %arg2[%dma_start3A_334, %dma_start3A_335] : memref<51200x32xf32, #tpu.memory_space<hbm>> -> memref<51200x32xf32, #tpu.memory_space<hbm>>
      tpu.enqueue_indirect_dma source(%dma_start3A_336 : memref<51200x32xf32, #tpu.memory_space<hbm>>) target(%dma_start3A_330 : memref<125x32xf32, #tpu.memory_space<vmem>>) offsets(%dma_start3A_333 : memref<125xi32, #tpu.memory_space<vmem>>) semaphore(%arg14 : memref<!tpu.dma_semaphore, #tpu.memory_space<semaphore_mem>>)
      %mul3A_337 = arith.constant 8 : i32
      %mul3A_338 = arith.muli %scan3A_220, %mul3A_337 : i32
      %add3A_339 = arith.constant 4 : i32
      %add3A_340 = arith.addi %mul3A_338, %add3A_339 : i32
      %dma_wait3A_341 = arith.constant 4 : i32
      %dma_wait3A_342 = arith.constant 0 : i32
      %dma_wait3A_343 = arith.constant 0 : i32
      %dma_wait3A_344 = tpu.memref_slice %arg9[%dma_wait3A_341, %dma_wait3A_342, %dma_wait3A_343] : memref<8x125x32xf32, #tpu.memory_space<vmem>> -> memref<1x125x32xf32, #tpu.memory_space<vmem>>
      %dma_wait3A_345 = tpu.memref_squeeze %dma_wait3A_344 : memref<1x125x32xf32, #tpu.memory_space<vmem>> -> memref<125x32xf32, #tpu.memory_space<vmem>>
      %dma_wait3A_346 = arith.constant 0 : i32
      %dma_wait3A_347 = tpu.memref_slice %arg7[%add3A_340, %dma_wait3A_346] : memref<80x125xi32, #tpu.memory_space<vmem>> -> memref<1x125xi32, #tpu.memory_space<vmem>>
      %dma_wait3A_348 = tpu.memref_squeeze %dma_wait3A_347 : memref<1x125xi32, #tpu.memory_space<vmem>> -> memref<125xi32, #tpu.memory_space<vmem>>
      %dma_wait3A_349 = arith.constant 0 : i32
      %dma_wait3A_350 = arith.constant 0 : i32
      %dma_wait3A_351 = tpu.memref_slice %arg2[%dma_wait3A_349, %dma_wait3A_350] : memref<51200x32xf32, #tpu.memory_space<hbm>> -> memref<51200x32xf32, #tpu.memory_space<hbm>>
      tpu.wait_indirect_dma semaphore(%arg15 : memref<!tpu.dma_semaphore, #tpu.memory_space<semaphore_mem>>) src(%dma_wait3A_351 : memref<51200x32xf32, #tpu.memory_space<hbm>>) dst(%dma_wait3A_345 : memref<125x32xf32, #tpu.memory_space<vmem>>)
      %run_scoped3A_352 = arith.constant 4 : i32
      "tpu.region"() ({
        %run_scoped3A_453 = tpu.sem_alloc : memref<!tpu.dma_semaphore, #tpu.memory_space<semaphore_mem>>
        %dma_start3A_454 = arith.constant 0 : i32
        %dma_start3A_455 = arith.constant 0 : i32
        %dma_start3A_456 = tpu.memref_slice %arg9[%run_scoped3A_352, %dma_start3A_454, %dma_start3A_455] : memref<8x125x32xf32, #tpu.memory_space<vmem>> -> memref<1x125x32xf32, #tpu.memory_space<vmem>>
        %dma_start3A_457 = tpu.memref_squeeze %dma_start3A_456 : memref<1x125x32xf32, #tpu.memory_space<vmem>> -> memref<125x32xf32, #tpu.memory_space<vmem>>
        %dma_start3A_458 = arith.constant 0 : i32
        %dma_start3A_459 = tpu.memref_slice %arg8[%add3A_340, %dma_start3A_458] : memref<80x125xi32, #tpu.memory_space<vmem>> -> memref<1x125xi32, #tpu.memory_space<vmem>>
        %dma_start3A_460 = tpu.memref_squeeze %dma_start3A_459 : memref<1x125xi32, #tpu.memory_space<vmem>> -> memref<125xi32, #tpu.memory_space<vmem>>
        %dma_start3A_461 = arith.constant 0 : i32
        %dma_start3A_462 = arith.constant 0 : i32
        %dma_start3A_463 = tpu.memref_slice %arg10[%dma_start3A_461, %dma_start3A_462] : memref<10240x32xf32, #tpu.memory_space<vmem_shared>> -> memref<10240x32xf32, #tpu.memory_space<vmem_shared>>
        tpu.enqueue_indirect_dma source(%dma_start3A_457 : memref<125x32xf32, #tpu.memory_space<vmem>>) target(%dma_start3A_463 : memref<10240x32xf32, #tpu.memory_space<vmem_shared>>) offsets(%dma_start3A_460 : memref<125xi32, #tpu.memory_space<vmem>>) semaphore(%run_scoped3A_453 : memref<!tpu.dma_semaphore, #tpu.memory_space<semaphore_mem>>) {add = true}
        %dma_wait3A_464 = arith.constant 0 : i32
        %dma_wait3A_465 = arith.constant 0 : i32
        %dma_wait3A_466 = tpu.memref_slice %arg9[%run_scoped3A_352, %dma_wait3A_464, %dma_wait3A_465] : memref<8x125x32xf32, #tpu.memory_space<vmem>> -> memref<1x125x32xf32, #tpu.memory_space<vmem>>
        %dma_wait3A_467 = tpu.memref_squeeze %dma_wait3A_466 : memref<1x125x32xf32, #tpu.memory_space<vmem>> -> memref<125x32xf32, #tpu.memory_space<vmem>>
        %dma_wait3A_468 = arith.constant 0 : i32
        %dma_wait3A_469 = tpu.memref_slice %arg8[%add3A_340, %dma_wait3A_468] : memref<80x125xi32, #tpu.memory_space<vmem>> -> memref<1x125xi32, #tpu.memory_space<vmem>>
        %dma_wait3A_470 = tpu.memref_squeeze %dma_wait3A_469 : memref<1x125xi32, #tpu.memory_space<vmem>> -> memref<125xi32, #tpu.memory_space<vmem>>
        %dma_wait3A_471 = arith.constant 0 : i32
        %dma_wait3A_472 = arith.constant 0 : i32
        %dma_wait3A_473 = tpu.memref_slice %arg10[%dma_wait3A_471, %dma_wait3A_472] : memref<10240x32xf32, #tpu.memory_space<vmem_shared>> -> memref<10240x32xf32, #tpu.memory_space<vmem_shared>>
        tpu.wait_indirect_dma semaphore(%run_scoped3A_453 : memref<!tpu.dma_semaphore, #tpu.memory_space<semaphore_mem>>) src(%dma_wait3A_467 : memref<125x32xf32, #tpu.memory_space<vmem>>) dst(%dma_wait3A_473 : memref<10240x32xf32, #tpu.memory_space<vmem_shared>>)
        tpu.yield
      }) : () -> ()
      %add3A_353 = arith.constant 8 : i32
      %add3A_354 = arith.addi %add3A_340, %add3A_353 : i32
      %dma_start3A_355 = arith.constant 4 : i32
      %dma_start3A_356 = arith.constant 0 : i32
      %dma_start3A_357 = arith.constant 0 : i32
      %dma_start3A_358 = tpu.memref_slice %arg9[%dma_start3A_355, %dma_start3A_356, %dma_start3A_357] : memref<8x125x32xf32, #tpu.memory_space<vmem>> -> memref<1x125x32xf32, #tpu.memory_space<vmem>>
      %dma_start3A_359 = tpu.memref_squeeze %dma_start3A_358 : memref<1x125x32xf32, #tpu.memory_space<vmem>> -> memref<125x32xf32, #tpu.memory_space<vmem>>
      %dma_start3A_360 = arith.constant 0 : i32
      %dma_start3A_361 = tpu.memref_slice %arg7[%add3A_354, %dma_start3A_360] : memref<80x125xi32, #tpu.memory_space<vmem>> -> memref<1x125xi32, #tpu.memory_space<vmem>>
      %dma_start3A_362 = tpu.memref_squeeze %dma_start3A_361 : memref<1x125xi32, #tpu.memory_space<vmem>> -> memref<125xi32, #tpu.memory_space<vmem>>
      %dma_start3A_363 = arith.constant 0 : i32
      %dma_start3A_364 = arith.constant 0 : i32
      %dma_start3A_365 = tpu.memref_slice %arg2[%dma_start3A_363, %dma_start3A_364] : memref<51200x32xf32, #tpu.memory_space<hbm>> -> memref<51200x32xf32, #tpu.memory_space<hbm>>
      tpu.enqueue_indirect_dma source(%dma_start3A_365 : memref<51200x32xf32, #tpu.memory_space<hbm>>) target(%dma_start3A_359 : memref<125x32xf32, #tpu.memory_space<vmem>>) offsets(%dma_start3A_362 : memref<125xi32, #tpu.memory_space<vmem>>) semaphore(%arg15 : memref<!tpu.dma_semaphore, #tpu.memory_space<semaphore_mem>>)
      %mul3A_366 = arith.constant 8 : i32
      %mul3A_367 = arith.muli %scan3A_220, %mul3A_366 : i32
      %add3A_368 = arith.constant 5 : i32
      %add3A_369 = arith.addi %mul3A_367, %add3A_368 : i32
      %dma_wait3A_370 = arith.constant 5 : i32
      %dma_wait3A_371 = arith.constant 0 : i32
      %dma_wait3A_372 = arith.constant 0 : i32
      %dma_wait3A_373 = tpu.memref_slice %arg9[%dma_wait3A_370, %dma_wait3A_371, %dma_wait3A_372] : memref<8x125x32xf32, #tpu.memory_space<vmem>> -> memref<1x125x32xf32, #tpu.memory_space<vmem>>
      %dma_wait3A_374 = tpu.memref_squeeze %dma_wait3A_373 : memref<1x125x32xf32, #tpu.memory_space<vmem>> -> memref<125x32xf32, #tpu.memory_space<vmem>>
      %dma_wait3A_375 = arith.constant 0 : i32
      %dma_wait3A_376 = tpu.memref_slice %arg7[%add3A_369, %dma_wait3A_375] : memref<80x125xi32, #tpu.memory_space<vmem>> -> memref<1x125xi32, #tpu.memory_space<vmem>>
      %dma_wait3A_377 = tpu.memref_squeeze %dma_wait3A_376 : memref<1x125xi32, #tpu.memory_space<vmem>> -> memref<125xi32, #tpu.memory_space<vmem>>
      %dma_wait3A_378 = arith.constant 0 : i32
      %dma_wait3A_379 = arith.constant 0 : i32
      %dma_wait3A_380 = tpu.memref_slice %arg2[%dma_wait3A_378, %dma_wait3A_379] : memref<51200x32xf32, #tpu.memory_space<hbm>> -> memref<51200x32xf32, #tpu.memory_space<hbm>>
      tpu.wait_indirect_dma semaphore(%arg16 : memref<!tpu.dma_semaphore, #tpu.memory_space<semaphore_mem>>) src(%dma_wait3A_380 : memref<51200x32xf32, #tpu.memory_space<hbm>>) dst(%dma_wait3A_374 : memref<125x32xf32, #tpu.memory_space<vmem>>)
      %run_scoped3A_381 = arith.constant 5 : i32
      "tpu.region"() ({
        %run_scoped3A_453 = tpu.sem_alloc : memref<!tpu.dma_semaphore, #tpu.memory_space<semaphore_mem>>
        %dma_start3A_454 = arith.constant 0 : i32
        %dma_start3A_455 = arith.constant 0 : i32
        %dma_start3A_456 = tpu.memref_slice %arg9[%run_scoped3A_381, %dma_start3A_454, %dma_start3A_455] : memref<8x125x32xf32, #tpu.memory_space<vmem>> -> memref<1x125x32xf32, #tpu.memory_space<vmem>>
        %dma_start3A_457 = tpu.memref_squeeze %dma_start3A_456 : memref<1x125x32xf32, #tpu.memory_space<vmem>> -> memref<125x32xf32, #tpu.memory_space<vmem>>
        %dma_start3A_458 = arith.constant 0 : i32
        %dma_start3A_459 = tpu.memref_slice %arg8[%add3A_369, %dma_start3A_458] : memref<80x125xi32, #tpu.memory_space<vmem>> -> memref<1x125xi32, #tpu.memory_space<vmem>>
        %dma_start3A_460 = tpu.memref_squeeze %dma_start3A_459 : memref<1x125xi32, #tpu.memory_space<vmem>> -> memref<125xi32, #tpu.memory_space<vmem>>
        %dma_start3A_461 = arith.constant 0 : i32
        %dma_start3A_462 = arith.constant 0 : i32
        %dma_start3A_463 = tpu.memref_slice %arg10[%dma_start3A_461, %dma_start3A_462] : memref<10240x32xf32, #tpu.memory_space<vmem_shared>> -> memref<10240x32xf32, #tpu.memory_space<vmem_shared>>
        tpu.enqueue_indirect_dma source(%dma_start3A_457 : memref<125x32xf32, #tpu.memory_space<vmem>>) target(%dma_start3A_463 : memref<10240x32xf32, #tpu.memory_space<vmem_shared>>) offsets(%dma_start3A_460 : memref<125xi32, #tpu.memory_space<vmem>>) semaphore(%run_scoped3A_453 : memref<!tpu.dma_semaphore, #tpu.memory_space<semaphore_mem>>) {add = true}
        %dma_wait3A_464 = arith.constant 0 : i32
        %dma_wait3A_465 = arith.constant 0 : i32
        %dma_wait3A_466 = tpu.memref_slice %arg9[%run_scoped3A_381, %dma_wait3A_464, %dma_wait3A_465] : memref<8x125x32xf32, #tpu.memory_space<vmem>> -> memref<1x125x32xf32, #tpu.memory_space<vmem>>
        %dma_wait3A_467 = tpu.memref_squeeze %dma_wait3A_466 : memref<1x125x32xf32, #tpu.memory_space<vmem>> -> memref<125x32xf32, #tpu.memory_space<vmem>>
        %dma_wait3A_468 = arith.constant 0 : i32
        %dma_wait3A_469 = tpu.memref_slice %arg8[%add3A_369, %dma_wait3A_468] : memref<80x125xi32, #tpu.memory_space<vmem>> -> memref<1x125xi32, #tpu.memory_space<vmem>>
        %dma_wait3A_470 = tpu.memref_squeeze %dma_wait3A_469 : memref<1x125xi32, #tpu.memory_space<vmem>> -> memref<125xi32, #tpu.memory_space<vmem>>
        %dma_wait3A_471 = arith.constant 0 : i32
        %dma_wait3A_472 = arith.constant 0 : i32
        %dma_wait3A_473 = tpu.memref_slice %arg10[%dma_wait3A_471, %dma_wait3A_472] : memref<10240x32xf32, #tpu.memory_space<vmem_shared>> -> memref<10240x32xf32, #tpu.memory_space<vmem_shared>>
        tpu.wait_indirect_dma semaphore(%run_scoped3A_453 : memref<!tpu.dma_semaphore, #tpu.memory_space<semaphore_mem>>) src(%dma_wait3A_467 : memref<125x32xf32, #tpu.memory_space<vmem>>) dst(%dma_wait3A_473 : memref<10240x32xf32, #tpu.memory_space<vmem_shared>>)
        tpu.yield
      }) : () -> ()
      %add3A_382 = arith.constant 8 : i32
      %add3A_383 = arith.addi %add3A_369, %add3A_382 : i32
      %dma_start3A_384 = arith.constant 5 : i32
      %dma_start3A_385 = arith.constant 0 : i32
      %dma_start3A_386 = arith.constant 0 : i32
      %dma_start3A_387 = tpu.memref_slice %arg9[%dma_start3A_384, %dma_start3A_385, %dma_start3A_386] : memref<8x125x32xf32, #tpu.memory_space<vmem>> -> memref<1x125x32xf32, #tpu.memory_space<vmem>>
      %dma_start3A_388 = tpu.memref_squeeze %dma_start3A_387 : memref<1x125x32xf32, #tpu.memory_space<vmem>> -> memref<125x32xf32, #tpu.memory_space<vmem>>
      %dma_start3A_389 = arith.constant 0 : i32
      %dma_start3A_390 = tpu.memref_slice %arg7[%add3A_383, %dma_start3A_389] : memref<80x125xi32, #tpu.memory_space<vmem>> -> memref<1x125xi32, #tpu.memory_space<vmem>>
      %dma_start3A_391 = tpu.memref_squeeze %dma_start3A_390 : memref<1x125xi32, #tpu.memory_space<vmem>> -> memref<125xi32, #tpu.memory_space<vmem>>
      %dma_start3A_392 = arith.constant 0 : i32
      %dma_start3A_393 = arith.constant 0 : i32
      %dma_start3A_394 = tpu.memref_slice %arg2[%dma_start3A_392, %dma_start3A_393] : memref<51200x32xf32, #tpu.memory_space<hbm>> -> memref<51200x32xf32, #tpu.memory_space<hbm>>
      tpu.enqueue_indirect_dma source(%dma_start3A_394 : memref<51200x32xf32, #tpu.memory_space<hbm>>) target(%dma_start3A_388 : memref<125x32xf32, #tpu.memory_space<vmem>>) offsets(%dma_start3A_391 : memref<125xi32, #tpu.memory_space<vmem>>) semaphore(%arg16 : memref<!tpu.dma_semaphore, #tpu.memory_space<semaphore_mem>>)
      %mul3A_395 = arith.constant 8 : i32
      %mul3A_396 = arith.muli %scan3A_220, %mul3A_395 : i32
      %add3A_397 = arith.constant 6 : i32
      %add3A_398 = arith.addi %mul3A_396, %add3A_397 : i32
      %dma_wait3A_399 = arith.constant 6 : i32
      %dma_wait3A_400 = arith.constant 0 : i32
      %dma_wait3A_401 = arith.constant 0 : i32
      %dma_wait3A_402 = tpu.memref_slice %arg9[%dma_wait3A_399, %dma_wait3A_400, %dma_wait3A_401] : memref<8x125x32xf32, #tpu.memory_space<vmem>> -> memref<1x125x32xf32, #tpu.memory_space<vmem>>
      %dma_wait3A_403 = tpu.memref_squeeze %dma_wait3A_402 : memref<1x125x32xf32, #tpu.memory_space<vmem>> -> memref<125x32xf32, #tpu.memory_space<vmem>>
      %dma_wait3A_404 = arith.constant 0 : i32
      %dma_wait3A_405 = tpu.memref_slice %arg7[%add3A_398, %dma_wait3A_404] : memref<80x125xi32, #tpu.memory_space<vmem>> -> memref<1x125xi32, #tpu.memory_space<vmem>>
      %dma_wait3A_406 = tpu.memref_squeeze %dma_wait3A_405 : memref<1x125xi32, #tpu.memory_space<vmem>> -> memref<125xi32, #tpu.memory_space<vmem>>
      %dma_wait3A_407 = arith.constant 0 : i32
      %dma_wait3A_408 = arith.constant 0 : i32
      %dma_wait3A_409 = tpu.memref_slice %arg2[%dma_wait3A_407, %dma_wait3A_408] : memref<51200x32xf32, #tpu.memory_space<hbm>> -> memref<51200x32xf32, #tpu.memory_space<hbm>>
      tpu.wait_indirect_dma semaphore(%arg17 : memref<!tpu.dma_semaphore, #tpu.memory_space<semaphore_mem>>) src(%dma_wait3A_409 : memref<51200x32xf32, #tpu.memory_space<hbm>>) dst(%dma_wait3A_403 : memref<125x32xf32, #tpu.memory_space<vmem>>)
      %run_scoped3A_410 = arith.constant 6 : i32
      "tpu.region"() ({
        %run_scoped3A_453 = tpu.sem_alloc : memref<!tpu.dma_semaphore, #tpu.memory_space<semaphore_mem>>
        %dma_start3A_454 = arith.constant 0 : i32
        %dma_start3A_455 = arith.constant 0 : i32
        %dma_start3A_456 = tpu.memref_slice %arg9[%run_scoped3A_410, %dma_start3A_454, %dma_start3A_455] : memref<8x125x32xf32, #tpu.memory_space<vmem>> -> memref<1x125x32xf32, #tpu.memory_space<vmem>>
        %dma_start3A_457 = tpu.memref_squeeze %dma_start3A_456 : memref<1x125x32xf32, #tpu.memory_space<vmem>> -> memref<125x32xf32, #tpu.memory_space<vmem>>
        %dma_start3A_458 = arith.constant 0 : i32
        %dma_start3A_459 = tpu.memref_slice %arg8[%add3A_398, %dma_start3A_458] : memref<80x125xi32, #tpu.memory_space<vmem>> -> memref<1x125xi32, #tpu.memory_space<vmem>>
        %dma_start3A_460 = tpu.memref_squeeze %dma_start3A_459 : memref<1x125xi32, #tpu.memory_space<vmem>> -> memref<125xi32, #tpu.memory_space<vmem>>
        %dma_start3A_461 = arith.constant 0 : i32
        %dma_start3A_462 = arith.constant 0 : i32
        %dma_start3A_463 = tpu.memref_slice %arg10[%dma_start3A_461, %dma_start3A_462] : memref<10240x32xf32, #tpu.memory_space<vmem_shared>> -> memref<10240x32xf32, #tpu.memory_space<vmem_shared>>
        tpu.enqueue_indirect_dma source(%dma_start3A_457 : memref<125x32xf32, #tpu.memory_space<vmem>>) target(%dma_start3A_463 : memref<10240x32xf32, #tpu.memory_space<vmem_shared>>) offsets(%dma_start3A_460 : memref<125xi32, #tpu.memory_space<vmem>>) semaphore(%run_scoped3A_453 : memref<!tpu.dma_semaphore, #tpu.memory_space<semaphore_mem>>) {add = true}
        %dma_wait3A_464 = arith.constant 0 : i32
        %dma_wait3A_465 = arith.constant 0 : i32
        %dma_wait3A_466 = tpu.memref_slice %arg9[%run_scoped3A_410, %dma_wait3A_464, %dma_wait3A_465] : memref<8x125x32xf32, #tpu.memory_space<vmem>> -> memref<1x125x32xf32, #tpu.memory_space<vmem>>
        %dma_wait3A_467 = tpu.memref_squeeze %dma_wait3A_466 : memref<1x125x32xf32, #tpu.memory_space<vmem>> -> memref<125x32xf32, #tpu.memory_space<vmem>>
        %dma_wait3A_468 = arith.constant 0 : i32
        %dma_wait3A_469 = tpu.memref_slice %arg8[%add3A_398, %dma_wait3A_468] : memref<80x125xi32, #tpu.memory_space<vmem>> -> memref<1x125xi32, #tpu.memory_space<vmem>>
        %dma_wait3A_470 = tpu.memref_squeeze %dma_wait3A_469 : memref<1x125xi32, #tpu.memory_space<vmem>> -> memref<125xi32, #tpu.memory_space<vmem>>
        %dma_wait3A_471 = arith.constant 0 : i32
        %dma_wait3A_472 = arith.constant 0 : i32
        %dma_wait3A_473 = tpu.memref_slice %arg10[%dma_wait3A_471, %dma_wait3A_472] : memref<10240x32xf32, #tpu.memory_space<vmem_shared>> -> memref<10240x32xf32, #tpu.memory_space<vmem_shared>>
        tpu.wait_indirect_dma semaphore(%run_scoped3A_453 : memref<!tpu.dma_semaphore, #tpu.memory_space<semaphore_mem>>) src(%dma_wait3A_467 : memref<125x32xf32, #tpu.memory_space<vmem>>) dst(%dma_wait3A_473 : memref<10240x32xf32, #tpu.memory_space<vmem_shared>>)
        tpu.yield
      }) : () -> ()
      %add3A_411 = arith.constant 8 : i32
      %add3A_412 = arith.addi %add3A_398, %add3A_411 : i32
      %dma_start3A_413 = arith.constant 6 : i32
      %dma_start3A_414 = arith.constant 0 : i32
      %dma_start3A_415 = arith.constant 0 : i32
      %dma_start3A_416 = tpu.memref_slice %arg9[%dma_start3A_413, %dma_start3A_414, %dma_start3A_415] : memref<8x125x32xf32, #tpu.memory_space<vmem>> -> memref<1x125x32xf32, #tpu.memory_space<vmem>>
      %dma_start3A_417 = tpu.memref_squeeze %dma_start3A_416 : memref<1x125x32xf32, #tpu.memory_space<vmem>> -> memref<125x32xf32, #tpu.memory_space<vmem>>
      %dma_start3A_418 = arith.constant 0 : i32
      %dma_start3A_419 = tpu.memref_slice %arg7[%add3A_412, %dma_start3A_418] : memref<80x125xi32, #tpu.memory_space<vmem>> -> memref<1x125xi32, #tpu.memory_space<vmem>>
      %dma_start3A_420 = tpu.memref_squeeze %dma_start3A_419 : memref<1x125xi32, #tpu.memory_space<vmem>> -> memref<125xi32, #tpu.memory_space<vmem>>
      %dma_start3A_421 = arith.constant 0 : i32
      %dma_start3A_422 = arith.constant 0 : i32
      %dma_start3A_423 = tpu.memref_slice %arg2[%dma_start3A_421, %dma_start3A_422] : memref<51200x32xf32, #tpu.memory_space<hbm>> -> memref<51200x32xf32, #tpu.memory_space<hbm>>
      tpu.enqueue_indirect_dma source(%dma_start3A_423 : memref<51200x32xf32, #tpu.memory_space<hbm>>) target(%dma_start3A_417 : memref<125x32xf32, #tpu.memory_space<vmem>>) offsets(%dma_start3A_420 : memref<125xi32, #tpu.memory_space<vmem>>) semaphore(%arg17 : memref<!tpu.dma_semaphore, #tpu.memory_space<semaphore_mem>>)
      %mul3A_424 = arith.constant 8 : i32
      %mul3A_425 = arith.muli %scan3A_220, %mul3A_424 : i32
      %add3A_426 = arith.constant 7 : i32
      %add3A_427 = arith.addi %mul3A_425, %add3A_426 : i32
      %dma_wait3A_428 = arith.constant 7 : i32
      %dma_wait3A_429 = arith.constant 0 : i32
      %dma_wait3A_430 = arith.constant 0 : i32
      %dma_wait3A_431 = tpu.memref_slice %arg9[%dma_wait3A_428, %dma_wait3A_429, %dma_wait3A_430] : memref<8x125x32xf32, #tpu.memory_space<vmem>> -> memref<1x125x32xf32, #tpu.memory_space<vmem>>
      %dma_wait3A_432 = tpu.memref_squeeze %dma_wait3A_431 : memref<1x125x32xf32, #tpu.memory_space<vmem>> -> memref<125x32xf32, #tpu.memory_space<vmem>>
      %dma_wait3A_433 = arith.constant 0 : i32
      %dma_wait3A_434 = tpu.memref_slice %arg7[%add3A_427, %dma_wait3A_433] : memref<80x125xi32, #tpu.memory_space<vmem>> -> memref<1x125xi32, #tpu.memory_space<vmem>>
      %dma_wait3A_435 = tpu.memref_squeeze %dma_wait3A_434 : memref<1x125xi32, #tpu.memory_space<vmem>> -> memref<125xi32, #tpu.memory_space<vmem>>
      %dma_wait3A_436 = arith.constant 0 : i32
      %dma_wait3A_437 = arith.constant 0 : i32
      %dma_wait3A_438 = tpu.memref_slice %arg2[%dma_wait3A_436, %dma_wait3A_437] : memref<51200x32xf32, #tpu.memory_space<hbm>> -> memref<51200x32xf32, #tpu.memory_space<hbm>>
      tpu.wait_indirect_dma semaphore(%arg18 : memref<!tpu.dma_semaphore, #tpu.memory_space<semaphore_mem>>) src(%dma_wait3A_438 : memref<51200x32xf32, #tpu.memory_space<hbm>>) dst(%dma_wait3A_432 : memref<125x32xf32, #tpu.memory_space<vmem>>)
      %run_scoped3A_439 = arith.constant 7 : i32
      "tpu.region"() ({
        %run_scoped3A_453 = tpu.sem_alloc : memref<!tpu.dma_semaphore, #tpu.memory_space<semaphore_mem>>
        %dma_start3A_454 = arith.constant 0 : i32
        %dma_start3A_455 = arith.constant 0 : i32
        %dma_start3A_456 = tpu.memref_slice %arg9[%run_scoped3A_439, %dma_start3A_454, %dma_start3A_455] : memref<8x125x32xf32, #tpu.memory_space<vmem>> -> memref<1x125x32xf32, #tpu.memory_space<vmem>>
        %dma_start3A_457 = tpu.memref_squeeze %dma_start3A_456 : memref<1x125x32xf32, #tpu.memory_space<vmem>> -> memref<125x32xf32, #tpu.memory_space<vmem>>
        %dma_start3A_458 = arith.constant 0 : i32
        %dma_start3A_459 = tpu.memref_slice %arg8[%add3A_427, %dma_start3A_458] : memref<80x125xi32, #tpu.memory_space<vmem>> -> memref<1x125xi32, #tpu.memory_space<vmem>>
        %dma_start3A_460 = tpu.memref_squeeze %dma_start3A_459 : memref<1x125xi32, #tpu.memory_space<vmem>> -> memref<125xi32, #tpu.memory_space<vmem>>
        %dma_start3A_461 = arith.constant 0 : i32
        %dma_start3A_462 = arith.constant 0 : i32
        %dma_start3A_463 = tpu.memref_slice %arg10[%dma_start3A_461, %dma_start3A_462] : memref<10240x32xf32, #tpu.memory_space<vmem_shared>> -> memref<10240x32xf32, #tpu.memory_space<vmem_shared>>
        tpu.enqueue_indirect_dma source(%dma_start3A_457 : memref<125x32xf32, #tpu.memory_space<vmem>>) target(%dma_start3A_463 : memref<10240x32xf32, #tpu.memory_space<vmem_shared>>) offsets(%dma_start3A_460 : memref<125xi32, #tpu.memory_space<vmem>>) semaphore(%run_scoped3A_453 : memref<!tpu.dma_semaphore, #tpu.memory_space<semaphore_mem>>) {add = true}
        %dma_wait3A_464 = arith.constant 0 : i32
        %dma_wait3A_465 = arith.constant 0 : i32
        %dma_wait3A_466 = tpu.memref_slice %arg9[%run_scoped3A_439, %dma_wait3A_464, %dma_wait3A_465] : memref<8x125x32xf32, #tpu.memory_space<vmem>> -> memref<1x125x32xf32, #tpu.memory_space<vmem>>
        %dma_wait3A_467 = tpu.memref_squeeze %dma_wait3A_466 : memref<1x125x32xf32, #tpu.memory_space<vmem>> -> memref<125x32xf32, #tpu.memory_space<vmem>>
        %dma_wait3A_468 = arith.constant 0 : i32
        %dma_wait3A_469 = tpu.memref_slice %arg8[%add3A_427, %dma_wait3A_468] : memref<80x125xi32, #tpu.memory_space<vmem>> -> memref<1x125xi32, #tpu.memory_space<vmem>>
        %dma_wait3A_470 = tpu.memref_squeeze %dma_wait3A_469 : memref<1x125xi32, #tpu.memory_space<vmem>> -> memref<125xi32, #tpu.memory_space<vmem>>
        %dma_wait3A_471 = arith.constant 0 : i32
        %dma_wait3A_472 = arith.constant 0 : i32
        %dma_wait3A_473 = tpu.memref_slice %arg10[%dma_wait3A_471, %dma_wait3A_472] : memref<10240x32xf32, #tpu.memory_space<vmem_shared>> -> memref<10240x32xf32, #tpu.memory_space<vmem_shared>>
        tpu.wait_indirect_dma semaphore(%run_scoped3A_453 : memref<!tpu.dma_semaphore, #tpu.memory_space<semaphore_mem>>) src(%dma_wait3A_467 : memref<125x32xf32, #tpu.memory_space<vmem>>) dst(%dma_wait3A_473 : memref<10240x32xf32, #tpu.memory_space<vmem_shared>>)
        tpu.yield
      }) : () -> ()
      %add3A_440 = arith.constant 8 : i32
      %add3A_441 = arith.addi %add3A_427, %add3A_440 : i32
      %dma_start3A_442 = arith.constant 7 : i32
      %dma_start3A_443 = arith.constant 0 : i32
      %dma_start3A_444 = arith.constant 0 : i32
      %dma_start3A_445 = tpu.memref_slice %arg9[%dma_start3A_442, %dma_start3A_443, %dma_start3A_444] : memref<8x125x32xf32, #tpu.memory_space<vmem>> -> memref<1x125x32xf32, #tpu.memory_space<vmem>>
      %dma_start3A_446 = tpu.memref_squeeze %dma_start3A_445 : memref<1x125x32xf32, #tpu.memory_space<vmem>> -> memref<125x32xf32, #tpu.memory_space<vmem>>
      %dma_start3A_447 = arith.constant 0 : i32
      %dma_start3A_448 = tpu.memref_slice %arg7[%add3A_441, %dma_start3A_447] : memref<80x125xi32, #tpu.memory_space<vmem>> -> memref<1x125xi32, #tpu.memory_space<vmem>>
      %dma_start3A_449 = tpu.memref_squeeze %dma_start3A_448 : memref<1x125xi32, #tpu.memory_space<vmem>> -> memref<125xi32, #tpu.memory_space<vmem>>
      %dma_start3A_450 = arith.constant 0 : i32
      %dma_start3A_451 = arith.constant 0 : i32
      %dma_start3A_452 = tpu.memref_slice %arg2[%dma_start3A_450, %dma_start3A_451] : memref<51200x32xf32, #tpu.memory_space<hbm>> -> memref<51200x32xf32, #tpu.memory_space<hbm>>
      tpu.enqueue_indirect_dma source(%dma_start3A_452 : memref<51200x32xf32, #tpu.memory_space<hbm>>) target(%dma_start3A_446 : memref<125x32xf32, #tpu.memory_space<vmem>>) offsets(%dma_start3A_449 : memref<125xi32, #tpu.memory_space<vmem>>) semaphore(%arg18 : memref<!tpu.dma_semaphore, #tpu.memory_space<semaphore_mem>>)
    }
    %scan3A_104 = arith.constant 9 : i32
    %dma_wait3A = arith.constant 72 : i32
    %dma_wait3A_105 = arith.constant 0 : i32
    %dma_wait3A_106 = arith.constant 0 : i32
    %dma_wait3A_107 = arith.constant 0 : i32
    %dma_wait3A_108 = tpu.memref_slice %arg9[%dma_wait3A_105, %dma_wait3A_106, %dma_wait3A_107] : memref<8x125x32xf32, #tpu.memory_space<vmem>> -> memref<1x125x32xf32, #tpu.memory_space<vmem>>
    %dma_wait3A_109 = tpu.memref_squeeze %dma_wait3A_108 : memref<1x125x32xf32, #tpu.memory_space<vmem>> -> memref<125x32xf32, #tpu.memory_space<vmem>>
    %dma_wait3A_110 = arith.constant 0 : i32
    %dma_wait3A_111 = tpu.memref_slice %arg7[%dma_wait3A, %dma_wait3A_110] : memref<80x125xi32, #tpu.memory_space<vmem>> -> memref<1x125xi32, #tpu.memory_space<vmem>>
    %dma_wait3A_112 = tpu.memref_squeeze %dma_wait3A_111 : memref<1x125xi32, #tpu.memory_space<vmem>> -> memref<125xi32, #tpu.memory_space<vmem>>
    %dma_wait3A_113 = arith.constant 0 : i32
    %dma_wait3A_114 = arith.constant 0 : i32
    %dma_wait3A_115 = tpu.memref_slice %arg2[%dma_wait3A_113, %dma_wait3A_114] : memref<51200x32xf32, #tpu.memory_space<hbm>> -> memref<51200x32xf32, #tpu.memory_space<hbm>>
    tpu.wait_indirect_dma semaphore(%arg11 : memref<!tpu.dma_semaphore, #tpu.memory_space<semaphore_mem>>) src(%dma_wait3A_115 : memref<51200x32xf32, #tpu.memory_space<hbm>>) dst(%dma_wait3A_109 : memref<125x32xf32, #tpu.memory_space<vmem>>)
    %run_scoped3A = arith.constant 0 : i32
    %run_scoped3A_116 = arith.constant 72 : i32
    "tpu.region"() ({
      %run_scoped3A_220 = tpu.sem_alloc : memref<!tpu.dma_semaphore, #tpu.memory_space<semaphore_mem>>
      %dma_start3A_221 = arith.constant 0 : i32
      %dma_start3A_222 = arith.constant 0 : i32
      %dma_start3A_223 = tpu.memref_slice %arg9[%run_scoped3A, %dma_start3A_221, %dma_start3A_222] : memref<8x125x32xf32, #tpu.memory_space<vmem>> -> memref<1x125x32xf32, #tpu.memory_space<vmem>>
      %dma_start3A_224 = tpu.memref_squeeze %dma_start3A_223 : memref<1x125x32xf32, #tpu.memory_space<vmem>> -> memref<125x32xf32, #tpu.memory_space<vmem>>
      %dma_start3A_225 = arith.constant 0 : i32
      %dma_start3A_226 = tpu.memref_slice %arg8[%run_scoped3A_116, %dma_start3A_225] : memref<80x125xi32, #tpu.memory_space<vmem>> -> memref<1x125xi32, #tpu.memory_space<vmem>>
      %dma_start3A_227 = tpu.memref_squeeze %dma_start3A_226 : memref<1x125xi32, #tpu.memory_space<vmem>> -> memref<125xi32, #tpu.memory_space<vmem>>
      %dma_start3A_228 = arith.constant 0 : i32
      %dma_start3A_229 = arith.constant 0 : i32
      %dma_start3A_230 = tpu.memref_slice %arg10[%dma_start3A_228, %dma_start3A_229] : memref<10240x32xf32, #tpu.memory_space<vmem_shared>> -> memref<10240x32xf32, #tpu.memory_space<vmem_shared>>
      tpu.enqueue_indirect_dma source(%dma_start3A_224 : memref<125x32xf32, #tpu.memory_space<vmem>>) target(%dma_start3A_230 : memref<10240x32xf32, #tpu.memory_space<vmem_shared>>) offsets(%dma_start3A_227 : memref<125xi32, #tpu.memory_space<vmem>>) semaphore(%run_scoped3A_220 : memref<!tpu.dma_semaphore, #tpu.memory_space<semaphore_mem>>) {add = true}
      %dma_wait3A_231 = arith.constant 0 : i32
      %dma_wait3A_232 = arith.constant 0 : i32
      %dma_wait3A_233 = tpu.memref_slice %arg9[%run_scoped3A, %dma_wait3A_231, %dma_wait3A_232] : memref<8x125x32xf32, #tpu.memory_space<vmem>> -> memref<1x125x32xf32, #tpu.memory_space<vmem>>
      %dma_wait3A_234 = tpu.memref_squeeze %dma_wait3A_233 : memref<1x125x32xf32, #tpu.memory_space<vmem>> -> memref<125x32xf32, #tpu.memory_space<vmem>>
      %dma_wait3A_235 = arith.constant 0 : i32
      %dma_wait3A_236 = tpu.memref_slice %arg8[%run_scoped3A_116, %dma_wait3A_235] : memref<80x125xi32, #tpu.memory_space<vmem>> -> memref<1x125xi32, #tpu.memory_space<vmem>>
      %dma_wait3A_237 = tpu.memref_squeeze %dma_wait3A_236 : memref<1x125xi32, #tpu.memory_space<vmem>> -> memref<125xi32, #tpu.memory_space<vmem>>
      %dma_wait3A_238 = arith.constant 0 : i32
      %dma_wait3A_239 = arith.constant 0 : i32
      %dma_wait3A_240 = tpu.memref_slice %arg10[%dma_wait3A_238, %dma_wait3A_239] : memref<10240x32xf32, #tpu.memory_space<vmem_shared>> -> memref<10240x32xf32, #tpu.memory_space<vmem_shared>>
      tpu.wait_indirect_dma semaphore(%run_scoped3A_220 : memref<!tpu.dma_semaphore, #tpu.memory_space<semaphore_mem>>) src(%dma_wait3A_234 : memref<125x32xf32, #tpu.memory_space<vmem>>) dst(%dma_wait3A_240 : memref<10240x32xf32, #tpu.memory_space<vmem_shared>>)
      tpu.yield
    }) : () -> ()
    %dma_wait3A_117 = arith.constant 73 : i32
    %dma_wait3A_118 = arith.constant 1 : i32
    %dma_wait3A_119 = arith.constant 0 : i32
    %dma_wait3A_120 = arith.constant 0 : i32
    %dma_wait3A_121 = tpu.memref_slice %arg9[%dma_wait3A_118, %dma_wait3A_119, %dma_wait3A_120] : memref<8x125x32xf32, #tpu.memory_space<vmem>> -> memref<1x125x32xf32, #tpu.memory_space<vmem>>
    %dma_wait3A_122 = tpu.memref_squeeze %dma_wait3A_121 : memref<1x125x32xf32, #tpu.memory_space<vmem>> -> memref<125x32xf32, #tpu.memory_space<vmem>>
    %dma_wait3A_123 = arith.constant 0 : i32
    %dma_wait3A_124 = tpu.memref_slice %arg7[%dma_wait3A_117, %dma_wait3A_123] : memref<80x125xi32, #tpu.memory_space<vmem>> -> memref<1x125xi32, #tpu.memory_space<vmem>>
    %dma_wait3A_125 = tpu.memref_squeeze %dma_wait3A_124 : memref<1x125xi32, #tpu.memory_space<vmem>> -> memref<125xi32, #tpu.memory_space<vmem>>
    %dma_wait3A_126 = arith.constant 0 : i32
    %dma_wait3A_127 = arith.constant 0 : i32
    %dma_wait3A_128 = tpu.memref_slice %arg2[%dma_wait3A_126, %dma_wait3A_127] : memref<51200x32xf32, #tpu.memory_space<hbm>> -> memref<51200x32xf32, #tpu.memory_space<hbm>>
    tpu.wait_indirect_dma semaphore(%arg12 : memref<!tpu.dma_semaphore, #tpu.memory_space<semaphore_mem>>) src(%dma_wait3A_128 : memref<51200x32xf32, #tpu.memory_space<hbm>>) dst(%dma_wait3A_122 : memref<125x32xf32, #tpu.memory_space<vmem>>)
    %run_scoped3A_129 = arith.constant 1 : i32
    %run_scoped3A_130 = arith.constant 73 : i32
    "tpu.region"() ({
      %run_scoped3A_220 = tpu.sem_alloc : memref<!tpu.dma_semaphore, #tpu.memory_space<semaphore_mem>>
      %dma_start3A_221 = arith.constant 0 : i32
      %dma_start3A_222 = arith.constant 0 : i32
      %dma_start3A_223 = tpu.memref_slice %arg9[%run_scoped3A_129, %dma_start3A_221, %dma_start3A_222] : memref<8x125x32xf32, #tpu.memory_space<vmem>> -> memref<1x125x32xf32, #tpu.memory_space<vmem>>
      %dma_start3A_224 = tpu.memref_squeeze %dma_start3A_223 : memref<1x125x32xf32, #tpu.memory_space<vmem>> -> memref<125x32xf32, #tpu.memory_space<vmem>>
      %dma_start3A_225 = arith.constant 0 : i32
      %dma_start3A_226 = tpu.memref_slice %arg8[%run_scoped3A_130, %dma_start3A_225] : memref<80x125xi32, #tpu.memory_space<vmem>> -> memref<1x125xi32, #tpu.memory_space<vmem>>
      %dma_start3A_227 = tpu.memref_squeeze %dma_start3A_226 : memref<1x125xi32, #tpu.memory_space<vmem>> -> memref<125xi32, #tpu.memory_space<vmem>>
      %dma_start3A_228 = arith.constant 0 : i32
      %dma_start3A_229 = arith.constant 0 : i32
      %dma_start3A_230 = tpu.memref_slice %arg10[%dma_start3A_228, %dma_start3A_229] : memref<10240x32xf32, #tpu.memory_space<vmem_shared>> -> memref<10240x32xf32, #tpu.memory_space<vmem_shared>>
      tpu.enqueue_indirect_dma source(%dma_start3A_224 : memref<125x32xf32, #tpu.memory_space<vmem>>) target(%dma_start3A_230 : memref<10240x32xf32, #tpu.memory_space<vmem_shared>>) offsets(%dma_start3A_227 : memref<125xi32, #tpu.memory_space<vmem>>) semaphore(%run_scoped3A_220 : memref<!tpu.dma_semaphore, #tpu.memory_space<semaphore_mem>>) {add = true}
      %dma_wait3A_231 = arith.constant 0 : i32
      %dma_wait3A_232 = arith.constant 0 : i32
      %dma_wait3A_233 = tpu.memref_slice %arg9[%run_scoped3A_129, %dma_wait3A_231, %dma_wait3A_232] : memref<8x125x32xf32, #tpu.memory_space<vmem>> -> memref<1x125x32xf32, #tpu.memory_space<vmem>>
      %dma_wait3A_234 = tpu.memref_squeeze %dma_wait3A_233 : memref<1x125x32xf32, #tpu.memory_space<vmem>> -> memref<125x32xf32, #tpu.memory_space<vmem>>
      %dma_wait3A_235 = arith.constant 0 : i32
      %dma_wait3A_236 = tpu.memref_slice %arg8[%run_scoped3A_130, %dma_wait3A_235] : memref<80x125xi32, #tpu.memory_space<vmem>> -> memref<1x125xi32, #tpu.memory_space<vmem>>
      %dma_wait3A_237 = tpu.memref_squeeze %dma_wait3A_236 : memref<1x125xi32, #tpu.memory_space<vmem>> -> memref<125xi32, #tpu.memory_space<vmem>>
      %dma_wait3A_238 = arith.constant 0 : i32
      %dma_wait3A_239 = arith.constant 0 : i32
      %dma_wait3A_240 = tpu.memref_slice %arg10[%dma_wait3A_238, %dma_wait3A_239] : memref<10240x32xf32, #tpu.memory_space<vmem_shared>> -> memref<10240x32xf32, #tpu.memory_space<vmem_shared>>
      tpu.wait_indirect_dma semaphore(%run_scoped3A_220 : memref<!tpu.dma_semaphore, #tpu.memory_space<semaphore_mem>>) src(%dma_wait3A_234 : memref<125x32xf32, #tpu.memory_space<vmem>>) dst(%dma_wait3A_240 : memref<10240x32xf32, #tpu.memory_space<vmem_shared>>)
      tpu.yield
    }) : () -> ()
    %dma_wait3A_131 = arith.constant 74 : i32
    %dma_wait3A_132 = arith.constant 2 : i32
    %dma_wait3A_133 = arith.constant 0 : i32
    %dma_wait3A_134 = arith.constant 0 : i32
    %dma_wait3A_135 = tpu.memref_slice %arg9[%dma_wait3A_132, %dma_wait3A_133, %dma_wait3A_134] : memref<8x125x32xf32, #tpu.memory_space<vmem>> -> memref<1x125x32xf32, #tpu.memory_space<vmem>>
    %dma_wait3A_136 = tpu.memref_squeeze %dma_wait3A_135 : memref<1x125x32xf32, #tpu.memory_space<vmem>> -> memref<125x32xf32, #tpu.memory_space<vmem>>
    %dma_wait3A_137 = arith.constant 0 : i32
    %dma_wait3A_138 = tpu.memref_slice %arg7[%dma_wait3A_131, %dma_wait3A_137] : memref<80x125xi32, #tpu.memory_space<vmem>> -> memref<1x125xi32, #tpu.memory_space<vmem>>
    %dma_wait3A_139 = tpu.memref_squeeze %dma_wait3A_138 : memref<1x125xi32, #tpu.memory_space<vmem>> -> memref<125xi32, #tpu.memory_space<vmem>>
    %dma_wait3A_140 = arith.constant 0 : i32
    %dma_wait3A_141 = arith.constant 0 : i32
    %dma_wait3A_142 = tpu.memref_slice %arg2[%dma_wait3A_140, %dma_wait3A_141] : memref<51200x32xf32, #tpu.memory_space<hbm>> -> memref<51200x32xf32, #tpu.memory_space<hbm>>
    tpu.wait_indirect_dma semaphore(%arg13 : memref<!tpu.dma_semaphore, #tpu.memory_space<semaphore_mem>>) src(%dma_wait3A_142 : memref<51200x32xf32, #tpu.memory_space<hbm>>) dst(%dma_wait3A_136 : memref<125x32xf32, #tpu.memory_space<vmem>>)
    %run_scoped3A_143 = arith.constant 2 : i32
    %run_scoped3A_144 = arith.constant 74 : i32
    "tpu.region"() ({
      %run_scoped3A_220 = tpu.sem_alloc : memref<!tpu.dma_semaphore, #tpu.memory_space<semaphore_mem>>
      %dma_start3A_221 = arith.constant 0 : i32
      %dma_start3A_222 = arith.constant 0 : i32
      %dma_start3A_223 = tpu.memref_slice %arg9[%run_scoped3A_143, %dma_start3A_221, %dma_start3A_222] : memref<8x125x32xf32, #tpu.memory_space<vmem>> -> memref<1x125x32xf32, #tpu.memory_space<vmem>>
      %dma_start3A_224 = tpu.memref_squeeze %dma_start3A_223 : memref<1x125x32xf32, #tpu.memory_space<vmem>> -> memref<125x32xf32, #tpu.memory_space<vmem>>
      %dma_start3A_225 = arith.constant 0 : i32
      %dma_start3A_226 = tpu.memref_slice %arg8[%run_scoped3A_144, %dma_start3A_225] : memref<80x125xi32, #tpu.memory_space<vmem>> -> memref<1x125xi32, #tpu.memory_space<vmem>>
      %dma_start3A_227 = tpu.memref_squeeze %dma_start3A_226 : memref<1x125xi32, #tpu.memory_space<vmem>> -> memref<125xi32, #tpu.memory_space<vmem>>
      %dma_start3A_228 = arith.constant 0 : i32
      %dma_start3A_229 = arith.constant 0 : i32
      %dma_start3A_230 = tpu.memref_slice %arg10[%dma_start3A_228, %dma_start3A_229] : memref<10240x32xf32, #tpu.memory_space<vmem_shared>> -> memref<10240x32xf32, #tpu.memory_space<vmem_shared>>
      tpu.enqueue_indirect_dma source(%dma_start3A_224 : memref<125x32xf32, #tpu.memory_space<vmem>>) target(%dma_start3A_230 : memref<10240x32xf32, #tpu.memory_space<vmem_shared>>) offsets(%dma_start3A_227 : memref<125xi32, #tpu.memory_space<vmem>>) semaphore(%run_scoped3A_220 : memref<!tpu.dma_semaphore, #tpu.memory_space<semaphore_mem>>) {add = true}
      %dma_wait3A_231 = arith.constant 0 : i32
      %dma_wait3A_232 = arith.constant 0 : i32
      %dma_wait3A_233 = tpu.memref_slice %arg9[%run_scoped3A_143, %dma_wait3A_231, %dma_wait3A_232] : memref<8x125x32xf32, #tpu.memory_space<vmem>> -> memref<1x125x32xf32, #tpu.memory_space<vmem>>
      %dma_wait3A_234 = tpu.memref_squeeze %dma_wait3A_233 : memref<1x125x32xf32, #tpu.memory_space<vmem>> -> memref<125x32xf32, #tpu.memory_space<vmem>>
      %dma_wait3A_235 = arith.constant 0 : i32
      %dma_wait3A_236 = tpu.memref_slice %arg8[%run_scoped3A_144, %dma_wait3A_235] : memref<80x125xi32, #tpu.memory_space<vmem>> -> memref<1x125xi32, #tpu.memory_space<vmem>>
      %dma_wait3A_237 = tpu.memref_squeeze %dma_wait3A_236 : memref<1x125xi32, #tpu.memory_space<vmem>> -> memref<125xi32, #tpu.memory_space<vmem>>
      %dma_wait3A_238 = arith.constant 0 : i32
      %dma_wait3A_239 = arith.constant 0 : i32
      %dma_wait3A_240 = tpu.memref_slice %arg10[%dma_wait3A_238, %dma_wait3A_239] : memref<10240x32xf32, #tpu.memory_space<vmem_shared>> -> memref<10240x32xf32, #tpu.memory_space<vmem_shared>>
      tpu.wait_indirect_dma semaphore(%run_scoped3A_220 : memref<!tpu.dma_semaphore, #tpu.memory_space<semaphore_mem>>) src(%dma_wait3A_234 : memref<125x32xf32, #tpu.memory_space<vmem>>) dst(%dma_wait3A_240 : memref<10240x32xf32, #tpu.memory_space<vmem_shared>>)
      tpu.yield
    }) : () -> ()
    %dma_wait3A_145 = arith.constant 75 : i32
    %dma_wait3A_146 = arith.constant 3 : i32
    %dma_wait3A_147 = arith.constant 0 : i32
    %dma_wait3A_148 = arith.constant 0 : i32
    %dma_wait3A_149 = tpu.memref_slice %arg9[%dma_wait3A_146, %dma_wait3A_147, %dma_wait3A_148] : memref<8x125x32xf32, #tpu.memory_space<vmem>> -> memref<1x125x32xf32, #tpu.memory_space<vmem>>
    %dma_wait3A_150 = tpu.memref_squeeze %dma_wait3A_149 : memref<1x125x32xf32, #tpu.memory_space<vmem>> -> memref<125x32xf32, #tpu.memory_space<vmem>>
    %dma_wait3A_151 = arith.constant 0 : i32
    %dma_wait3A_152 = tpu.memref_slice %arg7[%dma_wait3A_145, %dma_wait3A_151] : memref<80x125xi32, #tpu.memory_space<vmem>> -> memref<1x125xi32, #tpu.memory_space<vmem>>
    %dma_wait3A_153 = tpu.memref_squeeze %dma_wait3A_152 : memref<1x125xi32, #tpu.memory_space<vmem>> -> memref<125xi32, #tpu.memory_space<vmem>>
    %dma_wait3A_154 = arith.constant 0 : i32
    %dma_wait3A_155 = arith.constant 0 : i32
    %dma_wait3A_156 = tpu.memref_slice %arg2[%dma_wait3A_154, %dma_wait3A_155] : memref<51200x32xf32, #tpu.memory_space<hbm>> -> memref<51200x32xf32, #tpu.memory_space<hbm>>
    tpu.wait_indirect_dma semaphore(%arg14 : memref<!tpu.dma_semaphore, #tpu.memory_space<semaphore_mem>>) src(%dma_wait3A_156 : memref<51200x32xf32, #tpu.memory_space<hbm>>) dst(%dma_wait3A_150 : memref<125x32xf32, #tpu.memory_space<vmem>>)
    %run_scoped3A_157 = arith.constant 3 : i32
    %run_scoped3A_158 = arith.constant 75 : i32
    "tpu.region"() ({
      %run_scoped3A_220 = tpu.sem_alloc : memref<!tpu.dma_semaphore, #tpu.memory_space<semaphore_mem>>
      %dma_start3A_221 = arith.constant 0 : i32
      %dma_start3A_222 = arith.constant 0 : i32
      %dma_start3A_223 = tpu.memref_slice %arg9[%run_scoped3A_157, %dma_start3A_221, %dma_start3A_222] : memref<8x125x32xf32, #tpu.memory_space<vmem>> -> memref<1x125x32xf32, #tpu.memory_space<vmem>>
      %dma_start3A_224 = tpu.memref_squeeze %dma_start3A_223 : memref<1x125x32xf32, #tpu.memory_space<vmem>> -> memref<125x32xf32, #tpu.memory_space<vmem>>
      %dma_start3A_225 = arith.constant 0 : i32
      %dma_start3A_226 = tpu.memref_slice %arg8[%run_scoped3A_158, %dma_start3A_225] : memref<80x125xi32, #tpu.memory_space<vmem>> -> memref<1x125xi32, #tpu.memory_space<vmem>>
      %dma_start3A_227 = tpu.memref_squeeze %dma_start3A_226 : memref<1x125xi32, #tpu.memory_space<vmem>> -> memref<125xi32, #tpu.memory_space<vmem>>
      %dma_start3A_228 = arith.constant 0 : i32
      %dma_start3A_229 = arith.constant 0 : i32
      %dma_start3A_230 = tpu.memref_slice %arg10[%dma_start3A_228, %dma_start3A_229] : memref<10240x32xf32, #tpu.memory_space<vmem_shared>> -> memref<10240x32xf32, #tpu.memory_space<vmem_shared>>
      tpu.enqueue_indirect_dma source(%dma_start3A_224 : memref<125x32xf32, #tpu.memory_space<vmem>>) target(%dma_start3A_230 : memref<10240x32xf32, #tpu.memory_space<vmem_shared>>) offsets(%dma_start3A_227 : memref<125xi32, #tpu.memory_space<vmem>>) semaphore(%run_scoped3A_220 : memref<!tpu.dma_semaphore, #tpu.memory_space<semaphore_mem>>) {add = true}
      %dma_wait3A_231 = arith.constant 0 : i32
      %dma_wait3A_232 = arith.constant 0 : i32
      %dma_wait3A_233 = tpu.memref_slice %arg9[%run_scoped3A_157, %dma_wait3A_231, %dma_wait3A_232] : memref<8x125x32xf32, #tpu.memory_space<vmem>> -> memref<1x125x32xf32, #tpu.memory_space<vmem>>
      %dma_wait3A_234 = tpu.memref_squeeze %dma_wait3A_233 : memref<1x125x32xf32, #tpu.memory_space<vmem>> -> memref<125x32xf32, #tpu.memory_space<vmem>>
      %dma_wait3A_235 = arith.constant 0 : i32
      %dma_wait3A_236 = tpu.memref_slice %arg8[%run_scoped3A_158, %dma_wait3A_235] : memref<80x125xi32, #tpu.memory_space<vmem>> -> memref<1x125xi32, #tpu.memory_space<vmem>>
      %dma_wait3A_237 = tpu.memref_squeeze %dma_wait3A_236 : memref<1x125xi32, #tpu.memory_space<vmem>> -> memref<125xi32, #tpu.memory_space<vmem>>
      %dma_wait3A_238 = arith.constant 0 : i32
      %dma_wait3A_239 = arith.constant 0 : i32
      %dma_wait3A_240 = tpu.memref_slice %arg10[%dma_wait3A_238, %dma_wait3A_239] : memref<10240x32xf32, #tpu.memory_space<vmem_shared>> -> memref<10240x32xf32, #tpu.memory_space<vmem_shared>>
      tpu.wait_indirect_dma semaphore(%run_scoped3A_220 : memref<!tpu.dma_semaphore, #tpu.memory_space<semaphore_mem>>) src(%dma_wait3A_234 : memref<125x32xf32, #tpu.memory_space<vmem>>) dst(%dma_wait3A_240 : memref<10240x32xf32, #tpu.memory_space<vmem_shared>>)
      tpu.yield
    }) : () -> ()
    %dma_wait3A_159 = arith.constant 76 : i32
    %dma_wait3A_160 = arith.constant 4 : i32
    %dma_wait3A_161 = arith.constant 0 : i32
    %dma_wait3A_162 = arith.constant 0 : i32
    %dma_wait3A_163 = tpu.memref_slice %arg9[%dma_wait3A_160, %dma_wait3A_161, %dma_wait3A_162] : memref<8x125x32xf32, #tpu.memory_space<vmem>> -> memref<1x125x32xf32, #tpu.memory_space<vmem>>
    %dma_wait3A_164 = tpu.memref_squeeze %dma_wait3A_163 : memref<1x125x32xf32, #tpu.memory_space<vmem>> -> memref<125x32xf32, #tpu.memory_space<vmem>>
    %dma_wait3A_165 = arith.constant 0 : i32
    %dma_wait3A_166 = tpu.memref_slice %arg7[%dma_wait3A_159, %dma_wait3A_165] : memref<80x125xi32, #tpu.memory_space<vmem>> -> memref<1x125xi32, #tpu.memory_space<vmem>>
    %dma_wait3A_167 = tpu.memref_squeeze %dma_wait3A_166 : memref<1x125xi32, #tpu.memory_space<vmem>> -> memref<125xi32, #tpu.memory_space<vmem>>
    %dma_wait3A_168 = arith.constant 0 : i32
    %dma_wait3A_169 = arith.constant 0 : i32
    %dma_wait3A_170 = tpu.memref_slice %arg2[%dma_wait3A_168, %dma_wait3A_169] : memref<51200x32xf32, #tpu.memory_space<hbm>> -> memref<51200x32xf32, #tpu.memory_space<hbm>>
    tpu.wait_indirect_dma semaphore(%arg15 : memref<!tpu.dma_semaphore, #tpu.memory_space<semaphore_mem>>) src(%dma_wait3A_170 : memref<51200x32xf32, #tpu.memory_space<hbm>>) dst(%dma_wait3A_164 : memref<125x32xf32, #tpu.memory_space<vmem>>)
    %run_scoped3A_171 = arith.constant 4 : i32
    %run_scoped3A_172 = arith.constant 76 : i32
    "tpu.region"() ({
      %run_scoped3A_220 = tpu.sem_alloc : memref<!tpu.dma_semaphore, #tpu.memory_space<semaphore_mem>>
      %dma_start3A_221 = arith.constant 0 : i32
      %dma_start3A_222 = arith.constant 0 : i32
      %dma_start3A_223 = tpu.memref_slice %arg9[%run_scoped3A_171, %dma_start3A_221, %dma_start3A_222] : memref<8x125x32xf32, #tpu.memory_space<vmem>> -> memref<1x125x32xf32, #tpu.memory_space<vmem>>
      %dma_start3A_224 = tpu.memref_squeeze %dma_start3A_223 : memref<1x125x32xf32, #tpu.memory_space<vmem>> -> memref<125x32xf32, #tpu.memory_space<vmem>>
      %dma_start3A_225 = arith.constant 0 : i32
      %dma_start3A_226 = tpu.memref_slice %arg8[%run_scoped3A_172, %dma_start3A_225] : memref<80x125xi32, #tpu.memory_space<vmem>> -> memref<1x125xi32, #tpu.memory_space<vmem>>
      %dma_start3A_227 = tpu.memref_squeeze %dma_start3A_226 : memref<1x125xi32, #tpu.memory_space<vmem>> -> memref<125xi32, #tpu.memory_space<vmem>>
      %dma_start3A_228 = arith.constant 0 : i32
      %dma_start3A_229 = arith.constant 0 : i32
      %dma_start3A_230 = tpu.memref_slice %arg10[%dma_start3A_228, %dma_start3A_229] : memref<10240x32xf32, #tpu.memory_space<vmem_shared>> -> memref<10240x32xf32, #tpu.memory_space<vmem_shared>>
      tpu.enqueue_indirect_dma source(%dma_start3A_224 : memref<125x32xf32, #tpu.memory_space<vmem>>) target(%dma_start3A_230 : memref<10240x32xf32, #tpu.memory_space<vmem_shared>>) offsets(%dma_start3A_227 : memref<125xi32, #tpu.memory_space<vmem>>) semaphore(%run_scoped3A_220 : memref<!tpu.dma_semaphore, #tpu.memory_space<semaphore_mem>>) {add = true}
      %dma_wait3A_231 = arith.constant 0 : i32
      %dma_wait3A_232 = arith.constant 0 : i32
      %dma_wait3A_233 = tpu.memref_slice %arg9[%run_scoped3A_171, %dma_wait3A_231, %dma_wait3A_232] : memref<8x125x32xf32, #tpu.memory_space<vmem>> -> memref<1x125x32xf32, #tpu.memory_space<vmem>>
      %dma_wait3A_234 = tpu.memref_squeeze %dma_wait3A_233 : memref<1x125x32xf32, #tpu.memory_space<vmem>> -> memref<125x32xf32, #tpu.memory_space<vmem>>
      %dma_wait3A_235 = arith.constant 0 : i32
      %dma_wait3A_236 = tpu.memref_slice %arg8[%run_scoped3A_172, %dma_wait3A_235] : memref<80x125xi32, #tpu.memory_space<vmem>> -> memref<1x125xi32, #tpu.memory_space<vmem>>
      %dma_wait3A_237 = tpu.memref_squeeze %dma_wait3A_236 : memref<1x125xi32, #tpu.memory_space<vmem>> -> memref<125xi32, #tpu.memory_space<vmem>>
      %dma_wait3A_238 = arith.constant 0 : i32
      %dma_wait3A_239 = arith.constant 0 : i32
      %dma_wait3A_240 = tpu.memref_slice %arg10[%dma_wait3A_238, %dma_wait3A_239] : memref<10240x32xf32, #tpu.memory_space<vmem_shared>> -> memref<10240x32xf32, #tpu.memory_space<vmem_shared>>
      tpu.wait_indirect_dma semaphore(%run_scoped3A_220 : memref<!tpu.dma_semaphore, #tpu.memory_space<semaphore_mem>>) src(%dma_wait3A_234 : memref<125x32xf32, #tpu.memory_space<vmem>>) dst(%dma_wait3A_240 : memref<10240x32xf32, #tpu.memory_space<vmem_shared>>)
      tpu.yield
    }) : () -> ()
    %dma_wait3A_173 = arith.constant 77 : i32
    %dma_wait3A_174 = arith.constant 5 : i32
    %dma_wait3A_175 = arith.constant 0 : i32
    %dma_wait3A_176 = arith.constant 0 : i32
    %dma_wait3A_177 = tpu.memref_slice %arg9[%dma_wait3A_174, %dma_wait3A_175, %dma_wait3A_176] : memref<8x125x32xf32, #tpu.memory_space<vmem>> -> memref<1x125x32xf32, #tpu.memory_space<vmem>>
    %dma_wait3A_178 = tpu.memref_squeeze %dma_wait3A_177 : memref<1x125x32xf32, #tpu.memory_space<vmem>> -> memref<125x32xf32, #tpu.memory_space<vmem>>
    %dma_wait3A_179 = arith.constant 0 : i32
    %dma_wait3A_180 = tpu.memref_slice %arg7[%dma_wait3A_173, %dma_wait3A_179] : memref<80x125xi32, #tpu.memory_space<vmem>> -> memref<1x125xi32, #tpu.memory_space<vmem>>
    %dma_wait3A_181 = tpu.memref_squeeze %dma_wait3A_180 : memref<1x125xi32, #tpu.memory_space<vmem>> -> memref<125xi32, #tpu.memory_space<vmem>>
    %dma_wait3A_182 = arith.constant 0 : i32
    %dma_wait3A_183 = arith.constant 0 : i32
    %dma_wait3A_184 = tpu.memref_slice %arg2[%dma_wait3A_182, %dma_wait3A_183] : memref<51200x32xf32, #tpu.memory_space<hbm>> -> memref<51200x32xf32, #tpu.memory_space<hbm>>
    tpu.wait_indirect_dma semaphore(%arg16 : memref<!tpu.dma_semaphore, #tpu.memory_space<semaphore_mem>>) src(%dma_wait3A_184 : memref<51200x32xf32, #tpu.memory_space<hbm>>) dst(%dma_wait3A_178 : memref<125x32xf32, #tpu.memory_space<vmem>>)
    %run_scoped3A_185 = arith.constant 5 : i32
    %run_scoped3A_186 = arith.constant 77 : i32
    "tpu.region"() ({
      %run_scoped3A_220 = tpu.sem_alloc : memref<!tpu.dma_semaphore, #tpu.memory_space<semaphore_mem>>
      %dma_start3A_221 = arith.constant 0 : i32
      %dma_start3A_222 = arith.constant 0 : i32
      %dma_start3A_223 = tpu.memref_slice %arg9[%run_scoped3A_185, %dma_start3A_221, %dma_start3A_222] : memref<8x125x32xf32, #tpu.memory_space<vmem>> -> memref<1x125x32xf32, #tpu.memory_space<vmem>>
      %dma_start3A_224 = tpu.memref_squeeze %dma_start3A_223 : memref<1x125x32xf32, #tpu.memory_space<vmem>> -> memref<125x32xf32, #tpu.memory_space<vmem>>
      %dma_start3A_225 = arith.constant 0 : i32
      %dma_start3A_226 = tpu.memref_slice %arg8[%run_scoped3A_186, %dma_start3A_225] : memref<80x125xi32, #tpu.memory_space<vmem>> -> memref<1x125xi32, #tpu.memory_space<vmem>>
      %dma_start3A_227 = tpu.memref_squeeze %dma_start3A_226 : memref<1x125xi32, #tpu.memory_space<vmem>> -> memref<125xi32, #tpu.memory_space<vmem>>
      %dma_start3A_228 = arith.constant 0 : i32
      %dma_start3A_229 = arith.constant 0 : i32
      %dma_start3A_230 = tpu.memref_slice %arg10[%dma_start3A_228, %dma_start3A_229] : memref<10240x32xf32, #tpu.memory_space<vmem_shared>> -> memref<10240x32xf32, #tpu.memory_space<vmem_shared>>
      tpu.enqueue_indirect_dma source(%dma_start3A_224 : memref<125x32xf32, #tpu.memory_space<vmem>>) target(%dma_start3A_230 : memref<10240x32xf32, #tpu.memory_space<vmem_shared>>) offsets(%dma_start3A_227 : memref<125xi32, #tpu.memory_space<vmem>>) semaphore(%run_scoped3A_220 : memref<!tpu.dma_semaphore, #tpu.memory_space<semaphore_mem>>) {add = true}
      %dma_wait3A_231 = arith.constant 0 : i32
      %dma_wait3A_232 = arith.constant 0 : i32
      %dma_wait3A_233 = tpu.memref_slice %arg9[%run_scoped3A_185, %dma_wait3A_231, %dma_wait3A_232] : memref<8x125x32xf32, #tpu.memory_space<vmem>> -> memref<1x125x32xf32, #tpu.memory_space<vmem>>
      %dma_wait3A_234 = tpu.memref_squeeze %dma_wait3A_233 : memref<1x125x32xf32, #tpu.memory_space<vmem>> -> memref<125x32xf32, #tpu.memory_space<vmem>>
      %dma_wait3A_235 = arith.constant 0 : i32
      %dma_wait3A_236 = tpu.memref_slice %arg8[%run_scoped3A_186, %dma_wait3A_235] : memref<80x125xi32, #tpu.memory_space<vmem>> -> memref<1x125xi32, #tpu.memory_space<vmem>>
      %dma_wait3A_237 = tpu.memref_squeeze %dma_wait3A_236 : memref<1x125xi32, #tpu.memory_space<vmem>> -> memref<125xi32, #tpu.memory_space<vmem>>
      %dma_wait3A_238 = arith.constant 0 : i32
      %dma_wait3A_239 = arith.constant 0 : i32
      %dma_wait3A_240 = tpu.memref_slice %arg10[%dma_wait3A_238, %dma_wait3A_239] : memref<10240x32xf32, #tpu.memory_space<vmem_shared>> -> memref<10240x32xf32, #tpu.memory_space<vmem_shared>>
      tpu.wait_indirect_dma semaphore(%run_scoped3A_220 : memref<!tpu.dma_semaphore, #tpu.memory_space<semaphore_mem>>) src(%dma_wait3A_234 : memref<125x32xf32, #tpu.memory_space<vmem>>) dst(%dma_wait3A_240 : memref<10240x32xf32, #tpu.memory_space<vmem_shared>>)
      tpu.yield
    }) : () -> ()
    %dma_wait3A_187 = arith.constant 78 : i32
    %dma_wait3A_188 = arith.constant 6 : i32
    %dma_wait3A_189 = arith.constant 0 : i32
    %dma_wait3A_190 = arith.constant 0 : i32
    %dma_wait3A_191 = tpu.memref_slice %arg9[%dma_wait3A_188, %dma_wait3A_189, %dma_wait3A_190] : memref<8x125x32xf32, #tpu.memory_space<vmem>> -> memref<1x125x32xf32, #tpu.memory_space<vmem>>
    %dma_wait3A_192 = tpu.memref_squeeze %dma_wait3A_191 : memref<1x125x32xf32, #tpu.memory_space<vmem>> -> memref<125x32xf32, #tpu.memory_space<vmem>>
    %dma_wait3A_193 = arith.constant 0 : i32
    %dma_wait3A_194 = tpu.memref_slice %arg7[%dma_wait3A_187, %dma_wait3A_193] : memref<80x125xi32, #tpu.memory_space<vmem>> -> memref<1x125xi32, #tpu.memory_space<vmem>>
    %dma_wait3A_195 = tpu.memref_squeeze %dma_wait3A_194 : memref<1x125xi32, #tpu.memory_space<vmem>> -> memref<125xi32, #tpu.memory_space<vmem>>
    %dma_wait3A_196 = arith.constant 0 : i32
    %dma_wait3A_197 = arith.constant 0 : i32
    %dma_wait3A_198 = tpu.memref_slice %arg2[%dma_wait3A_196, %dma_wait3A_197] : memref<51200x32xf32, #tpu.memory_space<hbm>> -> memref<51200x32xf32, #tpu.memory_space<hbm>>
    tpu.wait_indirect_dma semaphore(%arg17 : memref<!tpu.dma_semaphore, #tpu.memory_space<semaphore_mem>>) src(%dma_wait3A_198 : memref<51200x32xf32, #tpu.memory_space<hbm>>) dst(%dma_wait3A_192 : memref<125x32xf32, #tpu.memory_space<vmem>>)
    %run_scoped3A_199 = arith.constant 6 : i32
    %run_scoped3A_200 = arith.constant 78 : i32
    "tpu.region"() ({
      %run_scoped3A_220 = tpu.sem_alloc : memref<!tpu.dma_semaphore, #tpu.memory_space<semaphore_mem>>
      %dma_start3A_221 = arith.constant 0 : i32
      %dma_start3A_222 = arith.constant 0 : i32
      %dma_start3A_223 = tpu.memref_slice %arg9[%run_scoped3A_199, %dma_start3A_221, %dma_start3A_222] : memref<8x125x32xf32, #tpu.memory_space<vmem>> -> memref<1x125x32xf32, #tpu.memory_space<vmem>>
      %dma_start3A_224 = tpu.memref_squeeze %dma_start3A_223 : memref<1x125x32xf32, #tpu.memory_space<vmem>> -> memref<125x32xf32, #tpu.memory_space<vmem>>
      %dma_start3A_225 = arith.constant 0 : i32
      %dma_start3A_226 = tpu.memref_slice %arg8[%run_scoped3A_200, %dma_start3A_225] : memref<80x125xi32, #tpu.memory_space<vmem>> -> memref<1x125xi32, #tpu.memory_space<vmem>>
      %dma_start3A_227 = tpu.memref_squeeze %dma_start3A_226 : memref<1x125xi32, #tpu.memory_space<vmem>> -> memref<125xi32, #tpu.memory_space<vmem>>
      %dma_start3A_228 = arith.constant 0 : i32
      %dma_start3A_229 = arith.constant 0 : i32
      %dma_start3A_230 = tpu.memref_slice %arg10[%dma_start3A_228, %dma_start3A_229] : memref<10240x32xf32, #tpu.memory_space<vmem_shared>> -> memref<10240x32xf32, #tpu.memory_space<vmem_shared>>
      tpu.enqueue_indirect_dma source(%dma_start3A_224 : memref<125x32xf32, #tpu.memory_space<vmem>>) target(%dma_start3A_230 : memref<10240x32xf32, #tpu.memory_space<vmem_shared>>) offsets(%dma_start3A_227 : memref<125xi32, #tpu.memory_space<vmem>>) semaphore(%run_scoped3A_220 : memref<!tpu.dma_semaphore, #tpu.memory_space<semaphore_mem>>) {add = true}
      %dma_wait3A_231 = arith.constant 0 : i32
      %dma_wait3A_232 = arith.constant 0 : i32
      %dma_wait3A_233 = tpu.memref_slice %arg9[%run_scoped3A_199, %dma_wait3A_231, %dma_wait3A_232] : memref<8x125x32xf32, #tpu.memory_space<vmem>> -> memref<1x125x32xf32, #tpu.memory_space<vmem>>
      %dma_wait3A_234 = tpu.memref_squeeze %dma_wait3A_233 : memref<1x125x32xf32, #tpu.memory_space<vmem>> -> memref<125x32xf32, #tpu.memory_space<vmem>>
      %dma_wait3A_235 = arith.constant 0 : i32
      %dma_wait3A_236 = tpu.memref_slice %arg8[%run_scoped3A_200, %dma_wait3A_235] : memref<80x125xi32, #tpu.memory_space<vmem>> -> memref<1x125xi32, #tpu.memory_space<vmem>>
      %dma_wait3A_237 = tpu.memref_squeeze %dma_wait3A_236 : memref<1x125xi32, #tpu.memory_space<vmem>> -> memref<125xi32, #tpu.memory_space<vmem>>
      %dma_wait3A_238 = arith.constant 0 : i32
      %dma_wait3A_239 = arith.constant 0 : i32
      %dma_wait3A_240 = tpu.memref_slice %arg10[%dma_wait3A_238, %dma_wait3A_239] : memref<10240x32xf32, #tpu.memory_space<vmem_shared>> -> memref<10240x32xf32, #tpu.memory_space<vmem_shared>>
      tpu.wait_indirect_dma semaphore(%run_scoped3A_220 : memref<!tpu.dma_semaphore, #tpu.memory_space<semaphore_mem>>) src(%dma_wait3A_234 : memref<125x32xf32, #tpu.memory_space<vmem>>) dst(%dma_wait3A_240 : memref<10240x32xf32, #tpu.memory_space<vmem_shared>>)
      tpu.yield
    }) : () -> ()
    %dma_wait3A_201 = arith.constant 79 : i32
    %dma_wait3A_202 = arith.constant 7 : i32
    %dma_wait3A_203 = arith.constant 0 : i32
    %dma_wait3A_204 = arith.constant 0 : i32
    %dma_wait3A_205 = tpu.memref_slice %arg9[%dma_wait3A_202, %dma_wait3A_203, %dma_wait3A_204] : memref<8x125x32xf32, #tpu.memory_space<vmem>> -> memref<1x125x32xf32, #tpu.memory_space<vmem>>
    %dma_wait3A_206 = tpu.memref_squeeze %dma_wait3A_205 : memref<1x125x32xf32, #tpu.memory_space<vmem>> -> memref<125x32xf32, #tpu.memory_space<vmem>>
    %dma_wait3A_207 = arith.constant 0 : i32
    %dma_wait3A_208 = tpu.memref_slice %arg7[%dma_wait3A_201, %dma_wait3A_207] : memref<80x125xi32, #tpu.memory_space<vmem>> -> memref<1x125xi32, #tpu.memory_space<vmem>>
    %dma_wait3A_209 = tpu.memref_squeeze %dma_wait3A_208 : memref<1x125xi32, #tpu.memory_space<vmem>> -> memref<125xi32, #tpu.memory_space<vmem>>
    %dma_wait3A_210 = arith.constant 0 : i32
    %dma_wait3A_211 = arith.constant 0 : i32
    %dma_wait3A_212 = tpu.memref_slice %arg2[%dma_wait3A_210, %dma_wait3A_211] : memref<51200x32xf32, #tpu.memory_space<hbm>> -> memref<51200x32xf32, #tpu.memory_space<hbm>>
    tpu.wait_indirect_dma semaphore(%arg18 : memref<!tpu.dma_semaphore, #tpu.memory_space<semaphore_mem>>) src(%dma_wait3A_212 : memref<51200x32xf32, #tpu.memory_space<hbm>>) dst(%dma_wait3A_206 : memref<125x32xf32, #tpu.memory_space<vmem>>)
    %run_scoped3A_213 = arith.constant 7 : i32
    %run_scoped3A_214 = arith.constant 79 : i32
    "tpu.region"() ({
      %run_scoped3A_220 = tpu.sem_alloc : memref<!tpu.dma_semaphore, #tpu.memory_space<semaphore_mem>>
      %dma_start3A_221 = arith.constant 0 : i32
      %dma_start3A_222 = arith.constant 0 : i32
      %dma_start3A_223 = tpu.memref_slice %arg9[%run_scoped3A_213, %dma_start3A_221, %dma_start3A_222] : memref<8x125x32xf32, #tpu.memory_space<vmem>> -> memref<1x125x32xf32, #tpu.memory_space<vmem>>
      %dma_start3A_224 = tpu.memref_squeeze %dma_start3A_223 : memref<1x125x32xf32, #tpu.memory_space<vmem>> -> memref<125x32xf32, #tpu.memory_space<vmem>>
      %dma_start3A_225 = arith.constant 0 : i32
      %dma_start3A_226 = tpu.memref_slice %arg8[%run_scoped3A_214, %dma_start3A_225] : memref<80x125xi32, #tpu.memory_space<vmem>> -> memref<1x125xi32, #tpu.memory_space<vmem>>
      %dma_start3A_227 = tpu.memref_squeeze %dma_start3A_226 : memref<1x125xi32, #tpu.memory_space<vmem>> -> memref<125xi32, #tpu.memory_space<vmem>>
      %dma_start3A_228 = arith.constant 0 : i32
      %dma_start3A_229 = arith.constant 0 : i32
      %dma_start3A_230 = tpu.memref_slice %arg10[%dma_start3A_228, %dma_start3A_229] : memref<10240x32xf32, #tpu.memory_space<vmem_shared>> -> memref<10240x32xf32, #tpu.memory_space<vmem_shared>>
      tpu.enqueue_indirect_dma source(%dma_start3A_224 : memref<125x32xf32, #tpu.memory_space<vmem>>) target(%dma_start3A_230 : memref<10240x32xf32, #tpu.memory_space<vmem_shared>>) offsets(%dma_start3A_227 : memref<125xi32, #tpu.memory_space<vmem>>) semaphore(%run_scoped3A_220 : memref<!tpu.dma_semaphore, #tpu.memory_space<semaphore_mem>>) {add = true}
      %dma_wait3A_231 = arith.constant 0 : i32
      %dma_wait3A_232 = arith.constant 0 : i32
      %dma_wait3A_233 = tpu.memref_slice %arg9[%run_scoped3A_213, %dma_wait3A_231, %dma_wait3A_232] : memref<8x125x32xf32, #tpu.memory_space<vmem>> -> memref<1x125x32xf32, #tpu.memory_space<vmem>>
      %dma_wait3A_234 = tpu.memref_squeeze %dma_wait3A_233 : memref<1x125x32xf32, #tpu.memory_space<vmem>> -> memref<125x32xf32, #tpu.memory_space<vmem>>
      %dma_wait3A_235 = arith.constant 0 : i32
      %dma_wait3A_236 = tpu.memref_slice %arg8[%run_scoped3A_214, %dma_wait3A_235] : memref<80x125xi32, #tpu.memory_space<vmem>> -> memref<1x125xi32, #tpu.memory_space<vmem>>
      %dma_wait3A_237 = tpu.memref_squeeze %dma_wait3A_236 : memref<1x125xi32, #tpu.memory_space<vmem>> -> memref<125xi32, #tpu.memory_space<vmem>>
      %dma_wait3A_238 = arith.constant 0 : i32
      %dma_wait3A_239 = arith.constant 0 : i32
      %dma_wait3A_240 = tpu.memref_slice %arg10[%dma_wait3A_238, %dma_wait3A_239] : memref<10240x32xf32, #tpu.memory_space<vmem_shared>> -> memref<10240x32xf32, #tpu.memory_space<vmem_shared>>
      tpu.wait_indirect_dma semaphore(%run_scoped3A_220 : memref<!tpu.dma_semaphore, #tpu.memory_space<semaphore_mem>>) src(%dma_wait3A_234 : memref<125x32xf32, #tpu.memory_space<vmem>>) dst(%dma_wait3A_240 : memref<10240x32xf32, #tpu.memory_space<vmem_shared>>)
      tpu.yield
    }) : () -> ()
    %barrier3A_215 = arith.constant 0 : index
    tpu.barrier barrier_id(%barrier3A_215)
    %mul3A_216 = arith.constant 640 : i32
    %mul3A_217 = arith.muli %arg1, %mul3A_216 : i32
    %mul3A_218 = arith.constant 640 : i32
    %mul3A_219 = arith.muli %arg1, %mul3A_218 : i32
    "tpu.region"() ({
      %run_scoped3A_220 = tpu.sem_alloc : memref<!tpu.dma_semaphore, #tpu.memory_space<semaphore_mem>>
      %dma_start3A_221 = arith.constant 0 : i32
      %dma_start3A_222 = tpu.memref_slice %arg6[%arg0, %mul3A_219, %dma_start3A_221] : memref<2x10240x32xf32, #tpu.memory_space<hbm>> -> memref<1x640x32xf32, #tpu.memory_space<hbm>>
      %dma_start3A_223 = tpu.memref_squeeze %dma_start3A_222 : memref<1x640x32xf32, #tpu.memory_space<hbm>> -> memref<640x32xf32, #tpu.memory_space<hbm>>
      %dma_start3A_224 = arith.constant 0 : i32
      %dma_start3A_225 = tpu.memref_slice %arg10[%mul3A_217, %dma_start3A_224] : memref<10240x32xf32, #tpu.memory_space<vmem_shared>> -> memref<640x32xf32, #tpu.memory_space<vmem_shared>>
      tpu.enqueue_dma source(%dma_start3A_225 : memref<640x32xf32, #tpu.memory_space<vmem_shared>>) target(%dma_start3A_223 : memref<640x32xf32, #tpu.memory_space<hbm>>) target_semaphore(%run_scoped3A_220 : memref<!tpu.dma_semaphore, #tpu.memory_space<semaphore_mem>>)
      %dma_wait3A_226 = arith.constant 0 : i32
      %dma_wait3A_227 = tpu.memref_slice %arg6[%arg0, %mul3A_219, %dma_wait3A_226] : memref<2x10240x32xf32, #tpu.memory_space<hbm>> -> memref<1x640x32xf32, #tpu.memory_space<hbm>>
      %dma_wait3A_228 = tpu.memref_squeeze %dma_wait3A_227 : memref<1x640x32xf32, #tpu.memory_space<hbm>> -> memref<640x32xf32, #tpu.memory_space<hbm>>
      %dma_wait3A_229 = arith.constant 0 : i32
      %dma_wait3A_230 = tpu.memref_slice %arg10[%mul3A_217, %dma_wait3A_229] : memref<10240x32xf32, #tpu.memory_space<vmem_shared>> -> memref<640x32xf32, #tpu.memory_space<vmem_shared>>
      tpu.wait_dma2 semaphore(%run_scoped3A_220 : memref<!tpu.dma_semaphore, #tpu.memory_space<semaphore_mem>>) src(%dma_wait3A_230 : memref<640x32xf32, #tpu.memory_space<vmem_shared>>) dst(%dma_wait3A_228 : memref<640x32xf32, #tpu.memory_space<hbm>>)
      tpu.yield
    }) : () -> ()
    return
  }
}

module attributes {stable_mosaic.version = 14 : i64} {
  func.func @_proj_body(%arg0: i32, %arg1: memref<5x2xf32, #tpu.memory_space<smem>>, %arg2: memref<2560x512xf32, #tpu.memory_space<vmem>>, %arg3: memref<2x512x128xf32, #tpu.memory_space<vmem>>, %arg4: memref<5x2560x128xf32, #tpu.memory_space<vmem>>) attributes {dimension_semantics = [#tpu.dimension_semantics<arbitrary>], iteration_bounds = array<i64: 1>, scalar_prefetch = 0 : i64, scratch_operands = 0 : i64, tpu.core_type = #tpu.core_type<tc>, window_params = [{transform_indices = @transform_0, window_bounds = array<i64: 5, 2>}, {transform_indices = @transform_1, window_bounds = array<i64: 2560, 512>}, {pipeline_mode = #tpu.pipeline_mode<synchronous>, transform_indices = @transform_2, window_bounds = array<i64: 2, 512, 128>}, {transform_indices = @transform_3, window_bounds = array<i64: 5, 2560, 128>}]} {
    %get3A = arith.constant 0 : index
    %get3A_0 = arith.constant 0 : index
    %get3A_1 = vector.load %arg2[%get3A, %get3A_0] : memref<2560x512xf32, #tpu.memory_space<vmem>>, vector<2560x512xf32>
    %get3A_2 = arith.constant 0 : index
    %get3A_3 = arith.constant 0 : index
    %get3A_4 = arith.constant 0 : index
    %get3A_5 = vector.load %arg3[%get3A_2, %get3A_3, %get3A_4] : memref<2x512x128xf32, #tpu.memory_space<vmem>>, vector<2x512x128xf32>
    %slice3A = vector.extract_strided_slice %get3A_5 {offsets = [0, 0, 0], sizes = [1, 512, 128], strides = [1, 1, 1]} : vector<2x512x128xf32> to vector<1x512x128xf32>
    %squeeze3A = vector.shape_cast %slice3A : vector<1x512x128xf32> to vector<512x128xf32>
    %dot_general3A = arith.constant dense<0.000000e+00> : vector<2560x128xf32>
    %dot_general3A_6 = tpu.matmul %get3A_1, %squeeze3A, %dot_general3A {dimension_numbers = #tpu.dot_dimension_numbers<[1], [0], [0], [1], [0, 0, 1, 1], [], []>, transpose_lhs_hint = false} : vector<2560x512xf32>, vector<512x128xf32>, vector<2560x128xf32> -> vector<2560x128xf32>
    %convert_element_type3A = arith.truncf %dot_general3A_6 : vector<2560x128xf32> to vector<2560x128xbf16>
    %convert_element_type3A_7 = arith.extf %convert_element_type3A : vector<2560x128xbf16> to vector<2560x128xf32>
    %slice3A_8 = vector.extract_strided_slice %get3A_5 {offsets = [1, 0, 0], sizes = [1, 512, 128], strides = [1, 1, 1]} : vector<2x512x128xf32> to vector<1x512x128xf32>
    %squeeze3A_9 = vector.shape_cast %slice3A_8 : vector<1x512x128xf32> to vector<512x128xf32>
    %dot_general3A_10 = arith.constant dense<0.000000e+00> : vector<2560x128xf32>
    %dot_general3A_11 = tpu.matmul %get3A_1, %squeeze3A_9, %dot_general3A_10 {dimension_numbers = #tpu.dot_dimension_numbers<[1], [0], [0], [1], [0, 0, 1, 1], [], []>, transpose_lhs_hint = false} : vector<2560x512xf32>, vector<512x128xf32>, vector<2560x128xf32> -> vector<2560x128xf32>
    %convert_element_type3A_12 = arith.truncf %dot_general3A_11 : vector<2560x128xf32> to vector<2560x128xbf16>
    %convert_element_type3A_13 = arith.extf %convert_element_type3A_12 : vector<2560x128xbf16> to vector<2560x128xf32>
    %get3A_14 = arith.constant 0 : index
    %get3A_15 = arith.constant 0 : index
    %get3A_16 = memref.load %arg1[%get3A_14, %get3A_15] : memref<5x2xf32, #tpu.memory_space<smem>>
    %convert_element_type3A_17 = arith.truncf %get3A_16 : f32 to bf16
    %convert_element_type3A_18 = arith.extf %convert_element_type3A_17 : bf16 to f32
    %mul3A = vector.broadcast %convert_element_type3A_18 : f32 to vector<2560x128xf32>
    %mul3A_19 = arith.mulf %mul3A, %convert_element_type3A_7 : vector<2560x128xf32>
    %get3A_20 = arith.constant 0 : index
    %get3A_21 = arith.constant 1 : index
    %get3A_22 = memref.load %arg1[%get3A_20, %get3A_21] : memref<5x2xf32, #tpu.memory_space<smem>>
    %convert_element_type3A_23 = arith.truncf %get3A_22 : f32 to bf16
    %convert_element_type3A_24 = arith.extf %convert_element_type3A_23 : bf16 to f32
    %mul3A_25 = vector.broadcast %convert_element_type3A_24 : f32 to vector<2560x128xf32>
    %mul3A_26 = arith.mulf %mul3A_25, %convert_element_type3A_13 : vector<2560x128xf32>
    %add3A = arith.addf %mul3A_19, %mul3A_26 : vector<2560x128xf32>
    %swap3A = arith.constant 0 : index
    %swap3A_27 = arith.constant 0 : index
    %swap3A_28 = arith.constant 0 : index
    %swap3A_29 = vector.load %arg4[%swap3A, %swap3A_27, %swap3A_28] : memref<5x2560x128xf32, #tpu.memory_space<vmem>>, vector<1x2560x128xf32>
    %swap3A_30 = vector.shape_cast %swap3A_29 : vector<1x2560x128xf32> to vector<2560x128xf32>
    %swap3A_31 = vector.shape_cast %add3A : vector<2560x128xf32> to vector<1x2560x128xf32>
    tpu.vector_store %arg4[%swap3A, %swap3A_27, %swap3A_28], %swap3A_31 {strides = array<i32>} : memref<5x2560x128xf32, #tpu.memory_space<vmem>>, vector<1x2560x128xf32>,
    %get3A_32 = arith.constant 1 : index
    %get3A_33 = arith.constant 0 : index
    %get3A_34 = memref.load %arg1[%get3A_32, %get3A_33] : memref<5x2xf32, #tpu.memory_space<smem>>
    %convert_element_type3A_35 = arith.truncf %get3A_34 : f32 to bf16
    %convert_element_type3A_36 = arith.extf %convert_element_type3A_35 : bf16 to f32
    %mul3A_37 = vector.broadcast %convert_element_type3A_36 : f32 to vector<2560x128xf32>
    %mul3A_38 = arith.mulf %mul3A_37, %convert_element_type3A_7 : vector<2560x128xf32>
    %get3A_39 = arith.constant 1 : index
    %get3A_40 = arith.constant 1 : index
    %get3A_41 = memref.load %arg1[%get3A_39, %get3A_40] : memref<5x2xf32, #tpu.memory_space<smem>>
    %convert_element_type3A_42 = arith.truncf %get3A_41 : f32 to bf16
    %convert_element_type3A_43 = arith.extf %convert_element_type3A_42 : bf16 to f32
    %mul3A_44 = vector.broadcast %convert_element_type3A_43 : f32 to vector<2560x128xf32>
    %mul3A_45 = arith.mulf %mul3A_44, %convert_element_type3A_13 : vector<2560x128xf32>
    %add3A_46 = arith.addf %mul3A_38, %mul3A_45 : vector<2560x128xf32>
    %swap3A_47 = arith.constant 1 : index
    %swap3A_48 = arith.constant 0 : index
    %swap3A_49 = arith.constant 0 : index
    %swap3A_50 = vector.load %arg4[%swap3A_47, %swap3A_48, %swap3A_49] : memref<5x2560x128xf32, #tpu.memory_space<vmem>>, vector<1x2560x128xf32>
    %swap3A_51 = vector.shape_cast %swap3A_50 : vector<1x2560x128xf32> to vector<2560x128xf32>
    %swap3A_52 = vector.shape_cast %add3A_46 : vector<2560x128xf32> to vector<1x2560x128xf32>
    tpu.vector_store %arg4[%swap3A_47, %swap3A_48, %swap3A_49], %swap3A_52 {strides = array<i32>} : memref<5x2560x128xf32, #tpu.memory_space<vmem>>, vector<1x2560x128xf32>,
    %get3A_53 = arith.constant 2 : index
    %get3A_54 = arith.constant 0 : index
    %get3A_55 = memref.load %arg1[%get3A_53, %get3A_54] : memref<5x2xf32, #tpu.memory_space<smem>>
    %convert_element_type3A_56 = arith.truncf %get3A_55 : f32 to bf16
    %convert_element_type3A_57 = arith.extf %convert_element_type3A_56 : bf16 to f32
    %mul3A_58 = vector.broadcast %convert_element_type3A_57 : f32 to vector<2560x128xf32>
    %mul3A_59 = arith.mulf %mul3A_58, %convert_element_type3A_7 : vector<2560x128xf32>
    %get3A_60 = arith.constant 2 : index
    %get3A_61 = arith.constant 1 : index
    %get3A_62 = memref.load %arg1[%get3A_60, %get3A_61] : memref<5x2xf32, #tpu.memory_space<smem>>
    %convert_element_type3A_63 = arith.truncf %get3A_62 : f32 to bf16
    %convert_element_type3A_64 = arith.extf %convert_element_type3A_63 : bf16 to f32
    %mul3A_65 = vector.broadcast %convert_element_type3A_64 : f32 to vector<2560x128xf32>
    %mul3A_66 = arith.mulf %mul3A_65, %convert_element_type3A_13 : vector<2560x128xf32>
    %add3A_67 = arith.addf %mul3A_59, %mul3A_66 : vector<2560x128xf32>
    %swap3A_68 = arith.constant 2 : index
    %swap3A_69 = arith.constant 0 : index
    %swap3A_70 = arith.constant 0 : index
    %swap3A_71 = vector.load %arg4[%swap3A_68, %swap3A_69, %swap3A_70] : memref<5x2560x128xf32, #tpu.memory_space<vmem>>, vector<1x2560x128xf32>
    %swap3A_72 = vector.shape_cast %swap3A_71 : vector<1x2560x128xf32> to vector<2560x128xf32>
    %swap3A_73 = vector.shape_cast %add3A_67 : vector<2560x128xf32> to vector<1x2560x128xf32>
    tpu.vector_store %arg4[%swap3A_68, %swap3A_69, %swap3A_70], %swap3A_73 {strides = array<i32>} : memref<5x2560x128xf32, #tpu.memory_space<vmem>>, vector<1x2560x128xf32>,
    %get3A_74 = arith.constant 3 : index
    %get3A_75 = arith.constant 0 : index
    %get3A_76 = memref.load %arg1[%get3A_74, %get3A_75] : memref<5x2xf32, #tpu.memory_space<smem>>
    %convert_element_type3A_77 = arith.truncf %get3A_76 : f32 to bf16
    %convert_element_type3A_78 = arith.extf %convert_element_type3A_77 : bf16 to f32
    %mul3A_79 = vector.broadcast %convert_element_type3A_78 : f32 to vector<2560x128xf32>
    %mul3A_80 = arith.mulf %mul3A_79, %convert_element_type3A_7 : vector<2560x128xf32>
    %get3A_81 = arith.constant 3 : index
    %get3A_82 = arith.constant 1 : index
    %get3A_83 = memref.load %arg1[%get3A_81, %get3A_82] : memref<5x2xf32, #tpu.memory_space<smem>>
    %convert_element_type3A_84 = arith.truncf %get3A_83 : f32 to bf16
    %convert_element_type3A_85 = arith.extf %convert_element_type3A_84 : bf16 to f32
    %mul3A_86 = vector.broadcast %convert_element_type3A_85 : f32 to vector<2560x128xf32>
    %mul3A_87 = arith.mulf %mul3A_86, %convert_element_type3A_13 : vector<2560x128xf32>
    %add3A_88 = arith.addf %mul3A_80, %mul3A_87 : vector<2560x128xf32>
    %swap3A_89 = arith.constant 3 : index
    %swap3A_90 = arith.constant 0 : index
    %swap3A_91 = arith.constant 0 : index
    %swap3A_92 = vector.load %arg4[%swap3A_89, %swap3A_90, %swap3A_91] : memref<5x2560x128xf32, #tpu.memory_space<vmem>>, vector<1x2560x128xf32>
    %swap3A_93 = vector.shape_cast %swap3A_92 : vector<1x2560x128xf32> to vector<2560x128xf32>
    %swap3A_94 = vector.shape_cast %add3A_88 : vector<2560x128xf32> to vector<1x2560x128xf32>
    tpu.vector_store %arg4[%swap3A_89, %swap3A_90, %swap3A_91], %swap3A_94 {strides = array<i32>} : memref<5x2560x128xf32, #tpu.memory_space<vmem>>, vector<1x2560x128xf32>,
    %get3A_95 = arith.constant 4 : index
    %get3A_96 = arith.constant 0 : index
    %get3A_97 = memref.load %arg1[%get3A_95, %get3A_96] : memref<5x2xf32, #tpu.memory_space<smem>>
    %convert_element_type3A_98 = arith.truncf %get3A_97 : f32 to bf16
    %convert_element_type3A_99 = arith.extf %convert_element_type3A_98 : bf16 to f32
    %mul3A_100 = vector.broadcast %convert_element_type3A_99 : f32 to vector<2560x128xf32>
    %mul3A_101 = arith.mulf %mul3A_100, %convert_element_type3A_7 : vector<2560x128xf32>
    %get3A_102 = arith.constant 4 : index
    %get3A_103 = arith.constant 1 : index
    %get3A_104 = memref.load %arg1[%get3A_102, %get3A_103] : memref<5x2xf32, #tpu.memory_space<smem>>
    %convert_element_type3A_105 = arith.truncf %get3A_104 : f32 to bf16
    %convert_element_type3A_106 = arith.extf %convert_element_type3A_105 : bf16 to f32
    %mul3A_107 = vector.broadcast %convert_element_type3A_106 : f32 to vector<2560x128xf32>
    %mul3A_108 = arith.mulf %mul3A_107, %convert_element_type3A_13 : vector<2560x128xf32>
    %add3A_109 = arith.addf %mul3A_101, %mul3A_108 : vector<2560x128xf32>
    %swap3A_110 = arith.constant 4 : index
    %swap3A_111 = arith.constant 0 : index
    %swap3A_112 = arith.constant 0 : index
    %swap3A_113 = vector.load %arg4[%swap3A_110, %swap3A_111, %swap3A_112] : memref<5x2560x128xf32, #tpu.memory_space<vmem>>, vector<1x2560x128xf32>
    %swap3A_114 = vector.shape_cast %swap3A_113 : vector<1x2560x128xf32> to vector<2560x128xf32>
    %swap3A_115 = vector.shape_cast %add3A_109 : vector<2560x128xf32> to vector<1x2560x128xf32>
    tpu.vector_store %arg4[%swap3A_110, %swap3A_111, %swap3A_112], %swap3A_115 {strides = array<i32>} : memref<5x2560x128xf32, #tpu.memory_space<vmem>>, vector<1x2560x128xf32>,
    return
  }
  func.func @transform_0(%arg0: i32) -> (i32, i32) {
    %c0_i32 = arith.constant 0 : i32
    %c0_i32_0 = arith.constant 0 : i32
    %c0_i32_1 = arith.constant 0 : i32
    return %c0_i32, %c0_i32_0 : i32, i32
  }
  func.func @transform_1(%arg0: i32) -> (i32, i32) {
    %c0_i32 = arith.constant 0 : i32
    %c0_i32_0 = arith.constant 0 : i32
    return %arg0, %c0_i32 : i32, i32
  }
  func.func @transform_2(%arg0: i32) -> (i32, i32, i32) {
    %c0_i32 = arith.constant 0 : i32
    %c0_i32_0 = arith.constant 0 : i32
    %c0_i32_1 = arith.constant 0 : i32
    %c0_i32_2 = arith.constant 0 : i32
    return %c0_i32, %c0_i32_0, %c0_i32_1 : i32, i32, i32
  }
  func.func @transform_3(%arg0: i32) -> (i32, i32, i32) {
    %c0_i32 = arith.constant 0 : i32
    %c0_i32_0 = arith.constant 0 : i32
    %c0_i32_1 = arith.constant 0 : i32
    return %c0_i32, %arg0, %c0_i32_0 : i32, i32, i32
  }
}

module attributes {stable_mosaic.version = 14 : i64} {
  func.func @_combine_proj_body(%arg0: i32, %arg1: memref<5x2xf32, #tpu.memory_space<smem>>, %arg2: memref<2x2560x128xf32, #tpu.memory_space<vmem>>, %arg3: memref<2560x512xf32, #tpu.memory_space<vmem>>, %arg4: memref<512x128xf32, #tpu.memory_space<vmem>>, %arg5: memref<1x128xf32, #tpu.memory_space<vmem>>, %arg6: memref<2x128x128xf32, #tpu.memory_space<vmem>>, %arg7: memref<2560x128xf32, #tpu.memory_space<vmem>>, %arg8: memref<5x2560x128xf32, #tpu.memory_space<vmem>>) attributes {dimension_semantics = [#tpu.dimension_semantics<arbitrary>], iteration_bounds = array<i64: 1>, scalar_prefetch = 0 : i64, scratch_operands = 0 : i64, tpu.core_type = #tpu.core_type<tc>, window_params = [{transform_indices = @transform_0, window_bounds = array<i64: 5, 2>}, {transform_indices = @transform_1, window_bounds = array<i64: 2, 2560, 128>}, {transform_indices = @transform_2, window_bounds = array<i64: 2560, 512>}, {pipeline_mode = #tpu.pipeline_mode<synchronous>, transform_indices = @transform_3, window_bounds = array<i64: 512, 128>}, {pipeline_mode = #tpu.pipeline_mode<synchronous>, transform_indices = @transform_4, window_bounds = array<i64: 1, 128>}, {pipeline_mode = #tpu.pipeline_mode<synchronous>, transform_indices = @transform_5, window_bounds = array<i64: 2, 128, 128>}, {transform_indices = @transform_6, window_bounds = array<i64: 2560, 128>}, {transform_indices = @transform_7, window_bounds = array<i64: 5, 2560, 128>}]} {
    %get3A = arith.constant 0 : index
    %get3A_0 = arith.constant 0 : index
    %get3A_1 = arith.constant 0 : index
    %get3A_2 = vector.load %arg2[%get3A, %get3A_0, %get3A_1] : memref<2x2560x128xf32, #tpu.memory_space<vmem>>, vector<1x2560x128xf32>
    %get3A_3 = vector.shape_cast %get3A_2 : vector<1x2560x128xf32> to vector<2560x128xf32>
    %get3A_4 = arith.constant 1 : index
    %get3A_5 = arith.constant 0 : index
    %get3A_6 = arith.constant 0 : index
    %get3A_7 = vector.load %arg2[%get3A_4, %get3A_5, %get3A_6] : memref<2x2560x128xf32, #tpu.memory_space<vmem>>, vector<1x2560x128xf32>
    %get3A_8 = vector.shape_cast %get3A_7 : vector<1x2560x128xf32> to vector<2560x128xf32>
    %add3A = arith.addf %get3A_3, %get3A_8 : vector<2560x128xf32>
    %get3A_9 = arith.constant 0 : index
    %get3A_10 = arith.constant 0 : index
    %get3A_11 = vector.load %arg3[%get3A_9, %get3A_10] : memref<2560x512xf32, #tpu.memory_space<vmem>>, vector<2560x512xf32>
    %get3A_12 = arith.constant 0 : index
    %get3A_13 = arith.constant 0 : index
    %get3A_14 = vector.load %arg4[%get3A_12, %get3A_13] : memref<512x128xf32, #tpu.memory_space<vmem>>, vector<512x128xf32>
    %dot_general3A = arith.constant dense<0.000000e+00> : vector<2560x128xf32>
    %dot_general3A_15 = tpu.matmul %get3A_11, %get3A_14, %dot_general3A {dimension_numbers = #tpu.dot_dimension_numbers<[1], [0], [0], [1], [0, 0, 1, 1], [], []>, transpose_lhs_hint = false} : vector<2560x512xf32>, vector<512x128xf32>, vector<2560x128xf32> -> vector<2560x128xf32>
    %add3A_16 = arith.addf %add3A, %dot_general3A_15 : vector<2560x128xf32>
    %get3A_17 = arith.constant 0 : index
    %get3A_18 = arith.constant 0 : index
    %get3A_19 = vector.load %arg5[%get3A_17, %get3A_18] : memref<1x128xf32, #tpu.memory_space<vmem>>, vector<1x128xf32>
    %add3A_20 = vector.broadcast %get3A_19 : vector<1x128xf32> to vector<2560x128xf32>
    %add3A_21 = arith.addf %add3A_16, %add3A_20 : vector<2560x128xf32>
    %tanh3A = math.tanh %add3A_21 : vector<2560x128xf32>
    %swap3A = arith.constant 0 : index
    %swap3A_22 = arith.constant 0 : index
    %swap3A_23 = vector.load %arg7[%swap3A, %swap3A_22] : memref<2560x128xf32, #tpu.memory_space<vmem>>, vector<2560x128xf32>
    tpu.vector_store %arg7[%swap3A, %swap3A_22], %tanh3A {strides = array<i32>} : memref<2560x128xf32, #tpu.memory_space<vmem>>, vector<2560x128xf32>,
    %get3A_24 = arith.constant 0 : index
    %get3A_25 = arith.constant 0 : index
    %get3A_26 = arith.constant 0 : index
    %get3A_27 = vector.load %arg6[%get3A_24, %get3A_25, %get3A_26] : memref<2x128x128xf32, #tpu.memory_space<vmem>>, vector<2x128x128xf32>
    %slice3A = vector.extract_strided_slice %get3A_27 {offsets = [0, 0, 0], sizes = [1, 128, 128], strides = [1, 1, 1]} : vector<2x128x128xf32> to vector<1x128x128xf32>
    %squeeze3A = vector.shape_cast %slice3A : vector<1x128x128xf32> to vector<128x128xf32>
    %dot_general3A_28 = arith.constant dense<0.000000e+00> : vector<2560x128xf32>
    %dot_general3A_29 = tpu.matmul %tanh3A, %squeeze3A, %dot_general3A_28 {dimension_numbers = #tpu.dot_dimension_numbers<[1], [0], [0], [1], [0, 0, 1, 1], [], []>, transpose_lhs_hint = false} : vector<2560x128xf32>, vector<128x128xf32>, vector<2560x128xf32> -> vector<2560x128xf32>
    %convert_element_type3A = arith.truncf %dot_general3A_29 : vector<2560x128xf32> to vector<2560x128xbf16>
    %convert_element_type3A_30 = arith.extf %convert_element_type3A : vector<2560x128xbf16> to vector<2560x128xf32>
    %slice3A_31 = vector.extract_strided_slice %get3A_27 {offsets = [1, 0, 0], sizes = [1, 128, 128], strides = [1, 1, 1]} : vector<2x128x128xf32> to vector<1x128x128xf32>
    %squeeze3A_32 = vector.shape_cast %slice3A_31 : vector<1x128x128xf32> to vector<128x128xf32>
    %dot_general3A_33 = arith.constant dense<0.000000e+00> : vector<2560x128xf32>
    %dot_general3A_34 = tpu.matmul %tanh3A, %squeeze3A_32, %dot_general3A_33 {dimension_numbers = #tpu.dot_dimension_numbers<[1], [0], [0], [1], [0, 0, 1, 1], [], []>, transpose_lhs_hint = false} : vector<2560x128xf32>, vector<128x128xf32>, vector<2560x128xf32> -> vector<2560x128xf32>
    %convert_element_type3A_35 = arith.truncf %dot_general3A_34 : vector<2560x128xf32> to vector<2560x128xbf16>
    %convert_element_type3A_36 = arith.extf %convert_element_type3A_35 : vector<2560x128xbf16> to vector<2560x128xf32>
    %get3A_37 = arith.constant 0 : index
    %get3A_38 = arith.constant 0 : index
    %get3A_39 = memref.load %arg1[%get3A_37, %get3A_38] : memref<5x2xf32, #tpu.memory_space<smem>>
    %convert_element_type3A_40 = arith.truncf %get3A_39 : f32 to bf16
    %convert_element_type3A_41 = arith.extf %convert_element_type3A_40 : bf16 to f32
    %mul3A = vector.broadcast %convert_element_type3A_41 : f32 to vector<2560x128xf32>
    %mul3A_42 = arith.mulf %mul3A, %convert_element_type3A_30 : vector<2560x128xf32>
    %get3A_43 = arith.constant 0 : index
    %get3A_44 = arith.constant 1 : index
    %get3A_45 = memref.load %arg1[%get3A_43, %get3A_44] : memref<5x2xf32, #tpu.memory_space<smem>>
    %convert_element_type3A_46 = arith.truncf %get3A_45 : f32 to bf16
    %convert_element_type3A_47 = arith.extf %convert_element_type3A_46 : bf16 to f32
    %mul3A_48 = vector.broadcast %convert_element_type3A_47 : f32 to vector<2560x128xf32>
    %mul3A_49 = arith.mulf %mul3A_48, %convert_element_type3A_36 : vector<2560x128xf32>
    %add3A_50 = arith.addf %mul3A_42, %mul3A_49 : vector<2560x128xf32>
    %swap3A_51 = arith.constant 0 : index
    %swap3A_52 = arith.constant 0 : index
    %swap3A_53 = arith.constant 0 : index
    %swap3A_54 = vector.load %arg8[%swap3A_51, %swap3A_52, %swap3A_53] : memref<5x2560x128xf32, #tpu.memory_space<vmem>>, vector<1x2560x128xf32>
    %swap3A_55 = vector.shape_cast %swap3A_54 : vector<1x2560x128xf32> to vector<2560x128xf32>
    %swap3A_56 = vector.shape_cast %add3A_50 : vector<2560x128xf32> to vector<1x2560x128xf32>
    tpu.vector_store %arg8[%swap3A_51, %swap3A_52, %swap3A_53], %swap3A_56 {strides = array<i32>} : memref<5x2560x128xf32, #tpu.memory_space<vmem>>, vector<1x2560x128xf32>,
    %get3A_57 = arith.constant 1 : index
    %get3A_58 = arith.constant 0 : index
    %get3A_59 = memref.load %arg1[%get3A_57, %get3A_58] : memref<5x2xf32, #tpu.memory_space<smem>>
    %convert_element_type3A_60 = arith.truncf %get3A_59 : f32 to bf16
    %convert_element_type3A_61 = arith.extf %convert_element_type3A_60 : bf16 to f32
    %mul3A_62 = vector.broadcast %convert_element_type3A_61 : f32 to vector<2560x128xf32>
    %mul3A_63 = arith.mulf %mul3A_62, %convert_element_type3A_30 : vector<2560x128xf32>
    %get3A_64 = arith.constant 1 : index
    %get3A_65 = arith.constant 1 : index
    %get3A_66 = memref.load %arg1[%get3A_64, %get3A_65] : memref<5x2xf32, #tpu.memory_space<smem>>
    %convert_element_type3A_67 = arith.truncf %get3A_66 : f32 to bf16
    %convert_element_type3A_68 = arith.extf %convert_element_type3A_67 : bf16 to f32
    %mul3A_69 = vector.broadcast %convert_element_type3A_68 : f32 to vector<2560x128xf32>
    %mul3A_70 = arith.mulf %mul3A_69, %convert_element_type3A_36 : vector<2560x128xf32>
    %add3A_71 = arith.addf %mul3A_63, %mul3A_70 : vector<2560x128xf32>
    %swap3A_72 = arith.constant 1 : index
    %swap3A_73 = arith.constant 0 : index
    %swap3A_74 = arith.constant 0 : index
    %swap3A_75 = vector.load %arg8[%swap3A_72, %swap3A_73, %swap3A_74] : memref<5x2560x128xf32, #tpu.memory_space<vmem>>, vector<1x2560x128xf32>
    %swap3A_76 = vector.shape_cast %swap3A_75 : vector<1x2560x128xf32> to vector<2560x128xf32>
    %swap3A_77 = vector.shape_cast %add3A_71 : vector<2560x128xf32> to vector<1x2560x128xf32>
    tpu.vector_store %arg8[%swap3A_72, %swap3A_73, %swap3A_74], %swap3A_77 {strides = array<i32>} : memref<5x2560x128xf32, #tpu.memory_space<vmem>>, vector<1x2560x128xf32>,
    %get3A_78 = arith.constant 2 : index
    %get3A_79 = arith.constant 0 : index
    %get3A_80 = memref.load %arg1[%get3A_78, %get3A_79] : memref<5x2xf32, #tpu.memory_space<smem>>
    %convert_element_type3A_81 = arith.truncf %get3A_80 : f32 to bf16
    %convert_element_type3A_82 = arith.extf %convert_element_type3A_81 : bf16 to f32
    %mul3A_83 = vector.broadcast %convert_element_type3A_82 : f32 to vector<2560x128xf32>
    %mul3A_84 = arith.mulf %mul3A_83, %convert_element_type3A_30 : vector<2560x128xf32>
    %get3A_85 = arith.constant 2 : index
    %get3A_86 = arith.constant 1 : index
    %get3A_87 = memref.load %arg1[%get3A_85, %get3A_86] : memref<5x2xf32, #tpu.memory_space<smem>>
    %convert_element_type3A_88 = arith.truncf %get3A_87 : f32 to bf16
    %convert_element_type3A_89 = arith.extf %convert_element_type3A_88 : bf16 to f32
    %mul3A_90 = vector.broadcast %convert_element_type3A_89 : f32 to vector<2560x128xf32>
    %mul3A_91 = arith.mulf %mul3A_90, %convert_element_type3A_36 : vector<2560x128xf32>
    %add3A_92 = arith.addf %mul3A_84, %mul3A_91 : vector<2560x128xf32>
    %swap3A_93 = arith.constant 2 : index
    %swap3A_94 = arith.constant 0 : index
    %swap3A_95 = arith.constant 0 : index
    %swap3A_96 = vector.load %arg8[%swap3A_93, %swap3A_94, %swap3A_95] : memref<5x2560x128xf32, #tpu.memory_space<vmem>>, vector<1x2560x128xf32>
    %swap3A_97 = vector.shape_cast %swap3A_96 : vector<1x2560x128xf32> to vector<2560x128xf32>
    %swap3A_98 = vector.shape_cast %add3A_92 : vector<2560x128xf32> to vector<1x2560x128xf32>
    tpu.vector_store %arg8[%swap3A_93, %swap3A_94, %swap3A_95], %swap3A_98 {strides = array<i32>} : memref<5x2560x128xf32, #tpu.memory_space<vmem>>, vector<1x2560x128xf32>,
    %get3A_99 = arith.constant 3 : index
    %get3A_100 = arith.constant 0 : index
    %get3A_101 = memref.load %arg1[%get3A_99, %get3A_100] : memref<5x2xf32, #tpu.memory_space<smem>>
    %convert_element_type3A_102 = arith.truncf %get3A_101 : f32 to bf16
    %convert_element_type3A_103 = arith.extf %convert_element_type3A_102 : bf16 to f32
    %mul3A_104 = vector.broadcast %convert_element_type3A_103 : f32 to vector<2560x128xf32>
    %mul3A_105 = arith.mulf %mul3A_104, %convert_element_type3A_30 : vector<2560x128xf32>
    %get3A_106 = arith.constant 3 : index
    %get3A_107 = arith.constant 1 : index
    %get3A_108 = memref.load %arg1[%get3A_106, %get3A_107] : memref<5x2xf32, #tpu.memory_space<smem>>
    %convert_element_type3A_109 = arith.truncf %get3A_108 : f32 to bf16
    %convert_element_type3A_110 = arith.extf %convert_element_type3A_109 : bf16 to f32
    %mul3A_111 = vector.broadcast %convert_element_type3A_110 : f32 to vector<2560x128xf32>
    %mul3A_112 = arith.mulf %mul3A_111, %convert_element_type3A_36 : vector<2560x128xf32>
    %add3A_113 = arith.addf %mul3A_105, %mul3A_112 : vector<2560x128xf32>
    %swap3A_114 = arith.constant 3 : index
    %swap3A_115 = arith.constant 0 : index
    %swap3A_116 = arith.constant 0 : index
    %swap3A_117 = vector.load %arg8[%swap3A_114, %swap3A_115, %swap3A_116] : memref<5x2560x128xf32, #tpu.memory_space<vmem>>, vector<1x2560x128xf32>
    %swap3A_118 = vector.shape_cast %swap3A_117 : vector<1x2560x128xf32> to vector<2560x128xf32>
    %swap3A_119 = vector.shape_cast %add3A_113 : vector<2560x128xf32> to vector<1x2560x128xf32>
    tpu.vector_store %arg8[%swap3A_114, %swap3A_115, %swap3A_116], %swap3A_119 {strides = array<i32>} : memref<5x2560x128xf32, #tpu.memory_space<vmem>>, vector<1x2560x128xf32>,
    %get3A_120 = arith.constant 4 : index
    %get3A_121 = arith.constant 0 : index
    %get3A_122 = memref.load %arg1[%get3A_120, %get3A_121] : memref<5x2xf32, #tpu.memory_space<smem>>
    %convert_element_type3A_123 = arith.truncf %get3A_122 : f32 to bf16
    %convert_element_type3A_124 = arith.extf %convert_element_type3A_123 : bf16 to f32
    %mul3A_125 = vector.broadcast %convert_element_type3A_124 : f32 to vector<2560x128xf32>
    %mul3A_126 = arith.mulf %mul3A_125, %convert_element_type3A_30 : vector<2560x128xf32>
    %get3A_127 = arith.constant 4 : index
    %get3A_128 = arith.constant 1 : index
    %get3A_129 = memref.load %arg1[%get3A_127, %get3A_128] : memref<5x2xf32, #tpu.memory_space<smem>>
    %convert_element_type3A_130 = arith.truncf %get3A_129 : f32 to bf16
    %convert_element_type3A_131 = arith.extf %convert_element_type3A_130 : bf16 to f32
    %mul3A_132 = vector.broadcast %convert_element_type3A_131 : f32 to vector<2560x128xf32>
    %mul3A_133 = arith.mulf %mul3A_132, %convert_element_type3A_36 : vector<2560x128xf32>
    %add3A_134 = arith.addf %mul3A_126, %mul3A_133 : vector<2560x128xf32>
    %swap3A_135 = arith.constant 4 : index
    %swap3A_136 = arith.constant 0 : index
    %swap3A_137 = arith.constant 0 : index
    %swap3A_138 = vector.load %arg8[%swap3A_135, %swap3A_136, %swap3A_137] : memref<5x2560x128xf32, #tpu.memory_space<vmem>>, vector<1x2560x128xf32>
    %swap3A_139 = vector.shape_cast %swap3A_138 : vector<1x2560x128xf32> to vector<2560x128xf32>
    %swap3A_140 = vector.shape_cast %add3A_134 : vector<2560x128xf32> to vector<1x2560x128xf32>
    tpu.vector_store %arg8[%swap3A_135, %swap3A_136, %swap3A_137], %swap3A_140 {strides = array<i32>} : memref<5x2560x128xf32, #tpu.memory_space<vmem>>, vector<1x2560x128xf32>,
    return
  }
  func.func @transform_0(%arg0: i32) -> (i32, i32) {
    %c0_i32 = arith.constant 0 : i32
    %c0_i32_0 = arith.constant 0 : i32
    %c0_i32_1 = arith.constant 0 : i32
    return %c0_i32, %c0_i32_0 : i32, i32
  }
  func.func @transform_1(%arg0: i32) -> (i32, i32, i32) {
    %c0_i32 = arith.constant 0 : i32
    %c0_i32_0 = arith.constant 0 : i32
    %c0_i32_1 = arith.constant 0 : i32
    return %c0_i32, %arg0, %c0_i32_0 : i32, i32, i32
  }
  func.func @transform_2(%arg0: i32) -> (i32, i32) {
    %c0_i32 = arith.constant 0 : i32
    %c0_i32_0 = arith.constant 0 : i32
    return %arg0, %c0_i32 : i32, i32
  }
  func.func @transform_3(%arg0: i32) -> (i32, i32) {
    %c0_i32 = arith.constant 0 : i32
    %c0_i32_0 = arith.constant 0 : i32
    %c0_i32_1 = arith.constant 0 : i32
    return %c0_i32, %c0_i32_0 : i32, i32
  }
  func.func @transform_4(%arg0: i32) -> (i32, i32) {
    %c0_i32 = arith.constant 0 : i32
    %c0_i32_0 = arith.constant 0 : i32
    %c0_i32_1 = arith.constant 0 : i32
    return %c0_i32, %c0_i32_0 : i32, i32
  }
  func.func @transform_5(%arg0: i32) -> (i32, i32, i32) {
    %c0_i32 = arith.constant 0 : i32
    %c0_i32_0 = arith.constant 0 : i32
    %c0_i32_1 = arith.constant 0 : i32
    %c0_i32_2 = arith.constant 0 : i32
    return %c0_i32, %c0_i32_0, %c0_i32_1 : i32, i32, i32
  }
  func.func @transform_6(%arg0: i32) -> (i32, i32) {
    %c0_i32 = arith.constant 0 : i32
    %c0_i32_0 = arith.constant 0 : i32
    return %arg0, %c0_i32 : i32, i32
  }
  func.func @transform_7(%arg0: i32) -> (i32, i32, i32) {
    %c0_i32 = arith.constant 0 : i32
    %c0_i32_0 = arith.constant 0 : i32
    %c0_i32_1 = arith.constant 0 : i32
    return %c0_i32, %arg0, %c0_i32_0 : i32, i32, i32
  }
}

module attributes {stable_mosaic.version = 14 : i64} {
  func.func @_combine_proj_body(%arg0: i32, %arg1: memref<5x2xf32, #tpu.memory_space<smem>>, %arg2: memref<2x2560x128xf32, #tpu.memory_space<vmem>>, %arg3: memref<2560x128xf32, #tpu.memory_space<vmem>>, %arg4: memref<128x128xf32, #tpu.memory_space<vmem>>, %arg5: memref<1x128xf32, #tpu.memory_space<vmem>>, %arg6: memref<2x128x128xf32, #tpu.memory_space<vmem>>, %arg7: memref<2560x128xf32, #tpu.memory_space<vmem>>, %arg8: memref<5x2560x128xf32, #tpu.memory_space<vmem>>) attributes {dimension_semantics = [#tpu.dimension_semantics<arbitrary>], iteration_bounds = array<i64: 1>, scalar_prefetch = 0 : i64, scratch_operands = 0 : i64, tpu.core_type = #tpu.core_type<tc>, window_params = [{transform_indices = @transform_0, window_bounds = array<i64: 5, 2>}, {transform_indices = @transform_1, window_bounds = array<i64: 2, 2560, 128>}, {transform_indices = @transform_2, window_bounds = array<i64: 2560, 128>}, {pipeline_mode = #tpu.pipeline_mode<synchronous>, transform_indices = @transform_3, window_bounds = array<i64: 128, 128>}, {pipeline_mode = #tpu.pipeline_mode<synchronous>, transform_indices = @transform_4, window_bounds = array<i64: 1, 128>}, {pipeline_mode = #tpu.pipeline_mode<synchronous>, transform_indices = @transform_5, window_bounds = array<i64: 2, 128, 128>}, {transform_indices = @transform_6, window_bounds = array<i64: 2560, 128>}, {transform_indices = @transform_7, window_bounds = array<i64: 5, 2560, 128>}]} {
    %get3A = arith.constant 0 : index
    %get3A_0 = arith.constant 0 : index
    %get3A_1 = arith.constant 0 : index
    %get3A_2 = vector.load %arg2[%get3A, %get3A_0, %get3A_1] : memref<2x2560x128xf32, #tpu.memory_space<vmem>>, vector<1x2560x128xf32>
    %get3A_3 = vector.shape_cast %get3A_2 : vector<1x2560x128xf32> to vector<2560x128xf32>
    %get3A_4 = arith.constant 1 : index
    %get3A_5 = arith.constant 0 : index
    %get3A_6 = arith.constant 0 : index
    %get3A_7 = vector.load %arg2[%get3A_4, %get3A_5, %get3A_6] : memref<2x2560x128xf32, #tpu.memory_space<vmem>>, vector<1x2560x128xf32>
    %get3A_8 = vector.shape_cast %get3A_7 : vector<1x2560x128xf32> to vector<2560x128xf32>
    %add3A = arith.addf %get3A_3, %get3A_8 : vector<2560x128xf32>
    %get3A_9 = arith.constant 0 : index
    %get3A_10 = arith.constant 0 : index
    %get3A_11 = vector.load %arg3[%get3A_9, %get3A_10] : memref<2560x128xf32, #tpu.memory_space<vmem>>, vector<2560x128xf32>
    %get3A_12 = arith.constant 0 : index
    %get3A_13 = arith.constant 0 : index
    %get3A_14 = vector.load %arg4[%get3A_12, %get3A_13] : memref<128x128xf32, #tpu.memory_space<vmem>>, vector<128x128xf32>
    %dot_general3A = arith.constant dense<0.000000e+00> : vector<2560x128xf32>
    %dot_general3A_15 = tpu.matmul %get3A_11, %get3A_14, %dot_general3A {dimension_numbers = #tpu.dot_dimension_numbers<[1], [0], [0], [1], [0, 0, 1, 1], [], []>, transpose_lhs_hint = false} : vector<2560x128xf32>, vector<128x128xf32>, vector<2560x128xf32> -> vector<2560x128xf32>
    %add3A_16 = arith.addf %add3A, %dot_general3A_15 : vector<2560x128xf32>
    %get3A_17 = arith.constant 0 : index
    %get3A_18 = arith.constant 0 : index
    %get3A_19 = vector.load %arg5[%get3A_17, %get3A_18] : memref<1x128xf32, #tpu.memory_space<vmem>>, vector<1x128xf32>
    %add3A_20 = vector.broadcast %get3A_19 : vector<1x128xf32> to vector<2560x128xf32>
    %add3A_21 = arith.addf %add3A_16, %add3A_20 : vector<2560x128xf32>
    %tanh3A = math.tanh %add3A_21 : vector<2560x128xf32>
    %swap3A = arith.constant 0 : index
    %swap3A_22 = arith.constant 0 : index
    %swap3A_23 = vector.load %arg7[%swap3A, %swap3A_22] : memref<2560x128xf32, #tpu.memory_space<vmem>>, vector<2560x128xf32>
    tpu.vector_store %arg7[%swap3A, %swap3A_22], %tanh3A {strides = array<i32>} : memref<2560x128xf32, #tpu.memory_space<vmem>>, vector<2560x128xf32>,
    %get3A_24 = arith.constant 0 : index
    %get3A_25 = arith.constant 0 : index
    %get3A_26 = arith.constant 0 : index
    %get3A_27 = vector.load %arg6[%get3A_24, %get3A_25, %get3A_26] : memref<2x128x128xf32, #tpu.memory_space<vmem>>, vector<2x128x128xf32>
    %slice3A = vector.extract_strided_slice %get3A_27 {offsets = [0, 0, 0], sizes = [1, 128, 128], strides = [1, 1, 1]} : vector<2x128x128xf32> to vector<1x128x128xf32>
    %squeeze3A = vector.shape_cast %slice3A : vector<1x128x128xf32> to vector<128x128xf32>
    %dot_general3A_28 = arith.constant dense<0.000000e+00> : vector<2560x128xf32>
    %dot_general3A_29 = tpu.matmul %tanh3A, %squeeze3A, %dot_general3A_28 {dimension_numbers = #tpu.dot_dimension_numbers<[1], [0], [0], [1], [0, 0, 1, 1], [], []>, transpose_lhs_hint = false} : vector<2560x128xf32>, vector<128x128xf32>, vector<2560x128xf32> -> vector<2560x128xf32>
    %convert_element_type3A = arith.truncf %dot_general3A_29 : vector<2560x128xf32> to vector<2560x128xbf16>
    %convert_element_type3A_30 = arith.extf %convert_element_type3A : vector<2560x128xbf16> to vector<2560x128xf32>
    %slice3A_31 = vector.extract_strided_slice %get3A_27 {offsets = [1, 0, 0], sizes = [1, 128, 128], strides = [1, 1, 1]} : vector<2x128x128xf32> to vector<1x128x128xf32>
    %squeeze3A_32 = vector.shape_cast %slice3A_31 : vector<1x128x128xf32> to vector<128x128xf32>
    %dot_general3A_33 = arith.constant dense<0.000000e+00> : vector<2560x128xf32>
    %dot_general3A_34 = tpu.matmul %tanh3A, %squeeze3A_32, %dot_general3A_33 {dimension_numbers = #tpu.dot_dimension_numbers<[1], [0], [0], [1], [0, 0, 1, 1], [], []>, transpose_lhs_hint = false} : vector<2560x128xf32>, vector<128x128xf32>, vector<2560x128xf32> -> vector<2560x128xf32>
    %convert_element_type3A_35 = arith.truncf %dot_general3A_34 : vector<2560x128xf32> to vector<2560x128xbf16>
    %convert_element_type3A_36 = arith.extf %convert_element_type3A_35 : vector<2560x128xbf16> to vector<2560x128xf32>
    %get3A_37 = arith.constant 0 : index
    %get3A_38 = arith.constant 0 : index
    %get3A_39 = memref.load %arg1[%get3A_37, %get3A_38] : memref<5x2xf32, #tpu.memory_space<smem>>
    %convert_element_type3A_40 = arith.truncf %get3A_39 : f32 to bf16
    %convert_element_type3A_41 = arith.extf %convert_element_type3A_40 : bf16 to f32
    %mul3A = vector.broadcast %convert_element_type3A_41 : f32 to vector<2560x128xf32>
    %mul3A_42 = arith.mulf %mul3A, %convert_element_type3A_30 : vector<2560x128xf32>
    %get3A_43 = arith.constant 0 : index
    %get3A_44 = arith.constant 1 : index
    %get3A_45 = memref.load %arg1[%get3A_43, %get3A_44] : memref<5x2xf32, #tpu.memory_space<smem>>
    %convert_element_type3A_46 = arith.truncf %get3A_45 : f32 to bf16
    %convert_element_type3A_47 = arith.extf %convert_element_type3A_46 : bf16 to f32
    %mul3A_48 = vector.broadcast %convert_element_type3A_47 : f32 to vector<2560x128xf32>
    %mul3A_49 = arith.mulf %mul3A_48, %convert_element_type3A_36 : vector<2560x128xf32>
    %add3A_50 = arith.addf %mul3A_42, %mul3A_49 : vector<2560x128xf32>
    %swap3A_51 = arith.constant 0 : index
    %swap3A_52 = arith.constant 0 : index
    %swap3A_53 = arith.constant 0 : index
    %swap3A_54 = vector.load %arg8[%swap3A_51, %swap3A_52, %swap3A_53] : memref<5x2560x128xf32, #tpu.memory_space<vmem>>, vector<1x2560x128xf32>
    %swap3A_55 = vector.shape_cast %swap3A_54 : vector<1x2560x128xf32> to vector<2560x128xf32>
    %swap3A_56 = vector.shape_cast %add3A_50 : vector<2560x128xf32> to vector<1x2560x128xf32>
    tpu.vector_store %arg8[%swap3A_51, %swap3A_52, %swap3A_53], %swap3A_56 {strides = array<i32>} : memref<5x2560x128xf32, #tpu.memory_space<vmem>>, vector<1x2560x128xf32>,
    %get3A_57 = arith.constant 1 : index
    %get3A_58 = arith.constant 0 : index
    %get3A_59 = memref.load %arg1[%get3A_57, %get3A_58] : memref<5x2xf32, #tpu.memory_space<smem>>
    %convert_element_type3A_60 = arith.truncf %get3A_59 : f32 to bf16
    %convert_element_type3A_61 = arith.extf %convert_element_type3A_60 : bf16 to f32
    %mul3A_62 = vector.broadcast %convert_element_type3A_61 : f32 to vector<2560x128xf32>
    %mul3A_63 = arith.mulf %mul3A_62, %convert_element_type3A_30 : vector<2560x128xf32>
    %get3A_64 = arith.constant 1 : index
    %get3A_65 = arith.constant 1 : index
    %get3A_66 = memref.load %arg1[%get3A_64, %get3A_65] : memref<5x2xf32, #tpu.memory_space<smem>>
    %convert_element_type3A_67 = arith.truncf %get3A_66 : f32 to bf16
    %convert_element_type3A_68 = arith.extf %convert_element_type3A_67 : bf16 to f32
    %mul3A_69 = vector.broadcast %convert_element_type3A_68 : f32 to vector<2560x128xf32>
    %mul3A_70 = arith.mulf %mul3A_69, %convert_element_type3A_36 : vector<2560x128xf32>
    %add3A_71 = arith.addf %mul3A_63, %mul3A_70 : vector<2560x128xf32>
    %swap3A_72 = arith.constant 1 : index
    %swap3A_73 = arith.constant 0 : index
    %swap3A_74 = arith.constant 0 : index
    %swap3A_75 = vector.load %arg8[%swap3A_72, %swap3A_73, %swap3A_74] : memref<5x2560x128xf32, #tpu.memory_space<vmem>>, vector<1x2560x128xf32>
    %swap3A_76 = vector.shape_cast %swap3A_75 : vector<1x2560x128xf32> to vector<2560x128xf32>
    %swap3A_77 = vector.shape_cast %add3A_71 : vector<2560x128xf32> to vector<1x2560x128xf32>
    tpu.vector_store %arg8[%swap3A_72, %swap3A_73, %swap3A_74], %swap3A_77 {strides = array<i32>} : memref<5x2560x128xf32, #tpu.memory_space<vmem>>, vector<1x2560x128xf32>,
    %get3A_78 = arith.constant 2 : index
    %get3A_79 = arith.constant 0 : index
    %get3A_80 = memref.load %arg1[%get3A_78, %get3A_79] : memref<5x2xf32, #tpu.memory_space<smem>>
    %convert_element_type3A_81 = arith.truncf %get3A_80 : f32 to bf16
    %convert_element_type3A_82 = arith.extf %convert_element_type3A_81 : bf16 to f32
    %mul3A_83 = vector.broadcast %convert_element_type3A_82 : f32 to vector<2560x128xf32>
    %mul3A_84 = arith.mulf %mul3A_83, %convert_element_type3A_30 : vector<2560x128xf32>
    %get3A_85 = arith.constant 2 : index
    %get3A_86 = arith.constant 1 : index
    %get3A_87 = memref.load %arg1[%get3A_85, %get3A_86] : memref<5x2xf32, #tpu.memory_space<smem>>
    %convert_element_type3A_88 = arith.truncf %get3A_87 : f32 to bf16
    %convert_element_type3A_89 = arith.extf %convert_element_type3A_88 : bf16 to f32
    %mul3A_90 = vector.broadcast %convert_element_type3A_89 : f32 to vector<2560x128xf32>
    %mul3A_91 = arith.mulf %mul3A_90, %convert_element_type3A_36 : vector<2560x128xf32>
    %add3A_92 = arith.addf %mul3A_84, %mul3A_91 : vector<2560x128xf32>
    %swap3A_93 = arith.constant 2 : index
    %swap3A_94 = arith.constant 0 : index
    %swap3A_95 = arith.constant 0 : index
    %swap3A_96 = vector.load %arg8[%swap3A_93, %swap3A_94, %swap3A_95] : memref<5x2560x128xf32, #tpu.memory_space<vmem>>, vector<1x2560x128xf32>
    %swap3A_97 = vector.shape_cast %swap3A_96 : vector<1x2560x128xf32> to vector<2560x128xf32>
    %swap3A_98 = vector.shape_cast %add3A_92 : vector<2560x128xf32> to vector<1x2560x128xf32>
    tpu.vector_store %arg8[%swap3A_93, %swap3A_94, %swap3A_95], %swap3A_98 {strides = array<i32>} : memref<5x2560x128xf32, #tpu.memory_space<vmem>>, vector<1x2560x128xf32>,
    %get3A_99 = arith.constant 3 : index
    %get3A_100 = arith.constant 0 : index
    %get3A_101 = memref.load %arg1[%get3A_99, %get3A_100] : memref<5x2xf32, #tpu.memory_space<smem>>
    %convert_element_type3A_102 = arith.truncf %get3A_101 : f32 to bf16
    %convert_element_type3A_103 = arith.extf %convert_element_type3A_102 : bf16 to f32
    %mul3A_104 = vector.broadcast %convert_element_type3A_103 : f32 to vector<2560x128xf32>
    %mul3A_105 = arith.mulf %mul3A_104, %convert_element_type3A_30 : vector<2560x128xf32>
    %get3A_106 = arith.constant 3 : index
    %get3A_107 = arith.constant 1 : index
    %get3A_108 = memref.load %arg1[%get3A_106, %get3A_107] : memref<5x2xf32, #tpu.memory_space<smem>>
    %convert_element_type3A_109 = arith.truncf %get3A_108 : f32 to bf16
    %convert_element_type3A_110 = arith.extf %convert_element_type3A_109 : bf16 to f32
    %mul3A_111 = vector.broadcast %convert_element_type3A_110 : f32 to vector<2560x128xf32>
    %mul3A_112 = arith.mulf %mul3A_111, %convert_element_type3A_36 : vector<2560x128xf32>
    %add3A_113 = arith.addf %mul3A_105, %mul3A_112 : vector<2560x128xf32>
    %swap3A_114 = arith.constant 3 : index
    %swap3A_115 = arith.constant 0 : index
    %swap3A_116 = arith.constant 0 : index
    %swap3A_117 = vector.load %arg8[%swap3A_114, %swap3A_115, %swap3A_116] : memref<5x2560x128xf32, #tpu.memory_space<vmem>>, vector<1x2560x128xf32>
    %swap3A_118 = vector.shape_cast %swap3A_117 : vector<1x2560x128xf32> to vector<2560x128xf32>
    %swap3A_119 = vector.shape_cast %add3A_113 : vector<2560x128xf32> to vector<1x2560x128xf32>
    tpu.vector_store %arg8[%swap3A_114, %swap3A_115, %swap3A_116], %swap3A_119 {strides = array<i32>} : memref<5x2560x128xf32, #tpu.memory_space<vmem>>, vector<1x2560x128xf32>,
    %get3A_120 = arith.constant 4 : index
    %get3A_121 = arith.constant 0 : index
    %get3A_122 = memref.load %arg1[%get3A_120, %get3A_121] : memref<5x2xf32, #tpu.memory_space<smem>>
    %convert_element_type3A_123 = arith.truncf %get3A_122 : f32 to bf16
    %convert_element_type3A_124 = arith.extf %convert_element_type3A_123 : bf16 to f32
    %mul3A_125 = vector.broadcast %convert_element_type3A_124 : f32 to vector<2560x128xf32>
    %mul3A_126 = arith.mulf %mul3A_125, %convert_element_type3A_30 : vector<2560x128xf32>
    %get3A_127 = arith.constant 4 : index
    %get3A_128 = arith.constant 1 : index
    %get3A_129 = memref.load %arg1[%get3A_127, %get3A_128] : memref<5x2xf32, #tpu.memory_space<smem>>
    %convert_element_type3A_130 = arith.truncf %get3A_129 : f32 to bf16
    %convert_element_type3A_131 = arith.extf %convert_element_type3A_130 : bf16 to f32
    %mul3A_132 = vector.broadcast %convert_element_type3A_131 : f32 to vector<2560x128xf32>
    %mul3A_133 = arith.mulf %mul3A_132, %convert_element_type3A_36 : vector<2560x128xf32>
    %add3A_134 = arith.addf %mul3A_126, %mul3A_133 : vector<2560x128xf32>
    %swap3A_135 = arith.constant 4 : index
    %swap3A_136 = arith.constant 0 : index
    %swap3A_137 = arith.constant 0 : index
    %swap3A_138 = vector.load %arg8[%swap3A_135, %swap3A_136, %swap3A_137] : memref<5x2560x128xf32, #tpu.memory_space<vmem>>, vector<1x2560x128xf32>
    %swap3A_139 = vector.shape_cast %swap3A_138 : vector<1x2560x128xf32> to vector<2560x128xf32>
    %swap3A_140 = vector.shape_cast %add3A_134 : vector<2560x128xf32> to vector<1x2560x128xf32>
    tpu.vector_store %arg8[%swap3A_135, %swap3A_136, %swap3A_137], %swap3A_140 {strides = array<i32>} : memref<5x2560x128xf32, #tpu.memory_space<vmem>>, vector<1x2560x128xf32>,
    return
  }
  func.func @transform_0(%arg0: i32) -> (i32, i32) {
    %c0_i32 = arith.constant 0 : i32
    %c0_i32_0 = arith.constant 0 : i32
    %c0_i32_1 = arith.constant 0 : i32
    return %c0_i32, %c0_i32_0 : i32, i32
  }
  func.func @transform_1(%arg0: i32) -> (i32, i32, i32) {
    %c0_i32 = arith.constant 0 : i32
    %c0_i32_0 = arith.constant 0 : i32
    %c0_i32_1 = arith.constant 0 : i32
    return %c0_i32, %arg0, %c0_i32_0 : i32, i32, i32
  }
  func.func @transform_2(%arg0: i32) -> (i32, i32) {
    %c0_i32 = arith.constant 0 : i32
    %c0_i32_0 = arith.constant 0 : i32
    return %arg0, %c0_i32 : i32, i32
  }
  func.func @transform_3(%arg0: i32) -> (i32, i32) {
    %c0_i32 = arith.constant 0 : i32
    %c0_i32_0 = arith.constant 0 : i32
    %c0_i32_1 = arith.constant 0 : i32
    return %c0_i32, %c0_i32_0 : i32, i32
  }
  func.func @transform_4(%arg0: i32) -> (i32, i32) {
    %c0_i32 = arith.constant 0 : i32
    %c0_i32_0 = arith.constant 0 : i32
    %c0_i32_1 = arith.constant 0 : i32
    return %c0_i32, %c0_i32_0 : i32, i32
  }
  func.func @transform_5(%arg0: i32) -> (i32, i32, i32) {
    %c0_i32 = arith.constant 0 : i32
    %c0_i32_0 = arith.constant 0 : i32
    %c0_i32_1 = arith.constant 0 : i32
    %c0_i32_2 = arith.constant 0 : i32
    return %c0_i32, %c0_i32_0, %c0_i32_1 : i32, i32, i32
  }
  func.func @transform_6(%arg0: i32) -> (i32, i32) {
    %c0_i32 = arith.constant 0 : i32
    %c0_i32_0 = arith.constant 0 : i32
    return %arg0, %c0_i32 : i32, i32
  }
  func.func @transform_7(%arg0: i32) -> (i32, i32, i32) {
    %c0_i32 = arith.constant 0 : i32
    %c0_i32_0 = arith.constant 0 : i32
    %c0_i32_1 = arith.constant 0 : i32
    return %c0_i32, %arg0, %c0_i32_0 : i32, i32, i32
  }
}

module attributes {stable_mosaic.version = 14 : i64} {
  func.func @_final_body(%arg0: i32, %arg1: memref<2x512x128xf32, #tpu.memory_space<vmem>>, %arg2: memref<512x128xf32, #tpu.memory_space<vmem>>, %arg3: memref<512x128xf32, #tpu.memory_space<vmem>>, %arg4: memref<128x128xf32, #tpu.memory_space<vmem>>, %arg5: memref<1x128xf32, #tpu.memory_space<vmem>>, %arg6: memref<768x512xf32, #tpu.memory_space<vmem>>, %arg7: memref<1x512xf32, #tpu.memory_space<vmem>>, %arg8: memref<512x4xf32, #tpu.memory_space<vmem>>, %arg9: memref<1x4xf32, #tpu.memory_space<vmem>>, %arg10: memref<256x4xf32, #tpu.memory_space<vmem>>) attributes {dimension_semantics = [#tpu.dimension_semantics<arbitrary>], iteration_bounds = array<i64: 1>, scalar_prefetch = 0 : i64, scratch_operands = 0 : i64, tpu.core_type = #tpu.core_type<tc>, window_params = [{transform_indices = @transform_0, window_bounds = array<i64: 2, 512, 128>}, {transform_indices = @transform_1, window_bounds = array<i64: 512, 128>}, {transform_indices = @transform_2, window_bounds = array<i64: 512, 128>}, {pipeline_mode = #tpu.pipeline_mode<synchronous>, transform_indices = @transform_3, window_bounds = array<i64: 128, 128>}, {pipeline_mode = #tpu.pipeline_mode<synchronous>, transform_indices = @transform_4, window_bounds = array<i64: 1, 128>}, {pipeline_mode = #tpu.pipeline_mode<synchronous>, transform_indices = @transform_5, window_bounds = array<i64: 768, 512>}, {pipeline_mode = #tpu.pipeline_mode<synchronous>, transform_indices = @transform_6, window_bounds = array<i64: 1, 512>}, {pipeline_mode = #tpu.pipeline_mode<synchronous>, transform_indices = @transform_7, window_bounds = array<i64: 512, 4>}, {pipeline_mode = #tpu.pipeline_mode<synchronous>, transform_indices = @transform_8, window_bounds = array<i64: 1, 4>}, {pipeline_mode = #tpu.pipeline_mode<synchronous>, transform_indices = @transform_9, window_bounds = array<i64: 256, 4>}]} {
    %get3A = arith.constant 0 : index
    %get3A_0 = arith.constant 0 : index
    %get3A_1 = arith.constant 0 : index
    %get3A_2 = vector.load %arg1[%get3A, %get3A_0, %get3A_1] : memref<2x512x128xf32, #tpu.memory_space<vmem>>, vector<1x512x128xf32>
    %get3A_3 = vector.shape_cast %get3A_2 : vector<1x512x128xf32> to vector<512x128xf32>
    %get3A_4 = arith.constant 1 : index
    %get3A_5 = arith.constant 0 : index
    %get3A_6 = arith.constant 0 : index
    %get3A_7 = vector.load %arg1[%get3A_4, %get3A_5, %get3A_6] : memref<2x512x128xf32, #tpu.memory_space<vmem>>, vector<1x512x128xf32>
    %get3A_8 = vector.shape_cast %get3A_7 : vector<1x512x128xf32> to vector<512x128xf32>
    %add3A = arith.addf %get3A_3, %get3A_8 : vector<512x128xf32>
    %get3A_9 = arith.constant 0 : index
    %get3A_10 = arith.constant 0 : index
    %get3A_11 = vector.load %arg3[%get3A_9, %get3A_10] : memref<512x128xf32, #tpu.memory_space<vmem>>, vector<512x128xf32>
    %get3A_12 = arith.constant 0 : index
    %get3A_13 = arith.constant 0 : index
    %get3A_14 = vector.load %arg4[%get3A_12, %get3A_13] : memref<128x128xf32, #tpu.memory_space<vmem>>, vector<128x128xf32>
    %dot_general3A = arith.constant dense<0.000000e+00> : vector<512x128xf32>
    %dot_general3A_15 = tpu.matmul %get3A_11, %get3A_14, %dot_general3A {dimension_numbers = #tpu.dot_dimension_numbers<[1], [0], [0], [1], [0, 0, 1, 1], [], []>, transpose_lhs_hint = false} : vector<512x128xf32>, vector<128x128xf32>, vector<512x128xf32> -> vector<512x128xf32>
    %add3A_16 = arith.addf %add3A, %dot_general3A_15 : vector<512x128xf32>
    %get3A_17 = arith.constant 0 : index
    %get3A_18 = arith.constant 0 : index
    %get3A_19 = vector.load %arg5[%get3A_17, %get3A_18] : memref<1x128xf32, #tpu.memory_space<vmem>>, vector<1x128xf32>
    %add3A_20 = vector.broadcast %get3A_19 : vector<1x128xf32> to vector<512x128xf32>
    %add3A_21 = arith.addf %add3A_16, %add3A_20 : vector<512x128xf32>
    %tanh3A = math.tanh %add3A_21 : vector<512x128xf32>
    %get3A_22 = arith.constant 0 : index
    %get3A_23 = arith.constant 0 : index
    %get3A_24 = vector.load %arg2[%get3A_22, %get3A_23] : memref<512x128xf32, #tpu.memory_space<vmem>>, vector<512x128xf32>
    %slice3A = vector.extract_strided_slice %get3A_24 {offsets = [0, 0], sizes = [256, 32], strides = [1, 1]} : vector<512x128xf32> to vector<256x32xf32>
    %slice3A_25 = vector.extract_strided_slice %get3A_11 {offsets = [0, 0], sizes = [256, 32], strides = [1, 1]} : vector<512x128xf32> to vector<256x32xf32>
    %slice3A_26 = vector.extract_strided_slice %tanh3A {offsets = [0, 0], sizes = [256, 32], strides = [1, 1]} : vector<512x128xf32> to vector<256x32xf32>
    %slice3A_27 = vector.extract_strided_slice %get3A_24 {offsets = [256, 0], sizes = [256, 32], strides = [1, 1]} : vector<512x128xf32> to vector<256x32xf32>
    %slice3A_28 = vector.extract_strided_slice %get3A_11 {offsets = [256, 0], sizes = [256, 32], strides = [1, 1]} : vector<512x128xf32> to vector<256x32xf32>
    %slice3A_29 = vector.extract_strided_slice %tanh3A {offsets = [256, 0], sizes = [256, 32], strides = [1, 1]} : vector<512x128xf32> to vector<256x32xf32>
    %slice3A_30 = vector.extract_strided_slice %get3A_24 {offsets = [0, 32], sizes = [256, 32], strides = [1, 1]} : vector<512x128xf32> to vector<256x32xf32>
    %slice3A_31 = vector.extract_strided_slice %get3A_11 {offsets = [0, 32], sizes = [256, 32], strides = [1, 1]} : vector<512x128xf32> to vector<256x32xf32>
    %slice3A_32 = vector.extract_strided_slice %tanh3A {offsets = [0, 32], sizes = [256, 32], strides = [1, 1]} : vector<512x128xf32> to vector<256x32xf32>
    %slice3A_33 = vector.extract_strided_slice %get3A_24 {offsets = [256, 32], sizes = [256, 32], strides = [1, 1]} : vector<512x128xf32> to vector<256x32xf32>
    %slice3A_34 = vector.extract_strided_slice %get3A_11 {offsets = [256, 32], sizes = [256, 32], strides = [1, 1]} : vector<512x128xf32> to vector<256x32xf32>
    %slice3A_35 = vector.extract_strided_slice %tanh3A {offsets = [256, 32], sizes = [256, 32], strides = [1, 1]} : vector<512x128xf32> to vector<256x32xf32>
    %slice3A_36 = vector.extract_strided_slice %get3A_24 {offsets = [0, 64], sizes = [256, 32], strides = [1, 1]} : vector<512x128xf32> to vector<256x32xf32>
    %slice3A_37 = vector.extract_strided_slice %get3A_11 {offsets = [0, 64], sizes = [256, 32], strides = [1, 1]} : vector<512x128xf32> to vector<256x32xf32>
    %slice3A_38 = vector.extract_strided_slice %tanh3A {offsets = [0, 64], sizes = [256, 32], strides = [1, 1]} : vector<512x128xf32> to vector<256x32xf32>
    %slice3A_39 = vector.extract_strided_slice %get3A_24 {offsets = [256, 64], sizes = [256, 32], strides = [1, 1]} : vector<512x128xf32> to vector<256x32xf32>
    %slice3A_40 = vector.extract_strided_slice %get3A_11 {offsets = [256, 64], sizes = [256, 32], strides = [1, 1]} : vector<512x128xf32> to vector<256x32xf32>
    %slice3A_41 = vector.extract_strided_slice %tanh3A {offsets = [256, 64], sizes = [256, 32], strides = [1, 1]} : vector<512x128xf32> to vector<256x32xf32>
    %slice3A_42 = vector.extract_strided_slice %get3A_24 {offsets = [0, 96], sizes = [256, 32], strides = [1, 1]} : vector<512x128xf32> to vector<256x32xf32>
    %slice3A_43 = vector.extract_strided_slice %get3A_11 {offsets = [0, 96], sizes = [256, 32], strides = [1, 1]} : vector<512x128xf32> to vector<256x32xf32>
    %slice3A_44 = vector.extract_strided_slice %tanh3A {offsets = [0, 96], sizes = [256, 32], strides = [1, 1]} : vector<512x128xf32> to vector<256x32xf32>
    %slice3A_45 = vector.extract_strided_slice %get3A_24 {offsets = [256, 96], sizes = [256, 32], strides = [1, 1]} : vector<512x128xf32> to vector<256x32xf32>
    %slice3A_46 = vector.extract_strided_slice %get3A_11 {offsets = [256, 96], sizes = [256, 32], strides = [1, 1]} : vector<512x128xf32> to vector<256x32xf32>
    %slice3A_47 = vector.extract_strided_slice %tanh3A {offsets = [256, 96], sizes = [256, 32], strides = [1, 1]} : vector<512x128xf32> to vector<256x32xf32>
    %concatenate3A = tpu.concatenate %slice3A, %slice3A_25, %slice3A_26, %slice3A_27, %slice3A_28, %slice3A_29, %slice3A_30, %slice3A_31, %slice3A_32, %slice3A_33, %slice3A_34, %slice3A_35, %slice3A_36, %slice3A_37, %slice3A_38, %slice3A_39, %slice3A_40, %slice3A_41, %slice3A_42, %slice3A_43, %slice3A_44, %slice3A_45, %slice3A_46, %slice3A_47 in 1 : vector<256x32xf32>, vector<256x32xf32>, vector<256x32xf32>, vector<256x32xf32>, vector<256x32xf32>, vector<256x32xf32>, vector<256x32xf32>, vector<256x32xf32>, vector<256x32xf32>, vector<256x32xf32>, vector<256x32xf32>, vector<256x32xf32>, vector<256x32xf32>, vector<256x32xf32>, vector<256x32xf32>, vector<256x32xf32>, vector<256x32xf32>, vector<256x32xf32>, vector<256x32xf32>, vector<256x32xf32>, vector<256x32xf32>, vector<256x32xf32>, vector<256x32xf32>, vector<256x32xf32> -> vector<256x768xf32>
    %get3A_48 = arith.constant 0 : index
    %get3A_49 = arith.constant 0 : index
    %get3A_50 = vector.load %arg6[%get3A_48, %get3A_49] : memref<768x512xf32, #tpu.memory_space<vmem>>, vector<768x512xf32>
    %dot_general3A_51 = arith.constant dense<0.000000e+00> : vector<256x512xf32>
    %dot_general3A_52 = tpu.matmul %concatenate3A, %get3A_50, %dot_general3A_51 {dimension_numbers = #tpu.dot_dimension_numbers<[1], [0], [0], [1], [0, 0, 1, 1], [], []>, transpose_lhs_hint = false} : vector<256x768xf32>, vector<768x512xf32>, vector<256x512xf32> -> vector<256x512xf32>
    %get3A_53 = arith.constant 0 : index
    %get3A_54 = arith.constant 0 : index
    %get3A_55 = vector.load %arg7[%get3A_53, %get3A_54] : memref<1x512xf32, #tpu.memory_space<vmem>>, vector<1x512xf32>
    %add3A_56 = vector.broadcast %get3A_55 : vector<1x512xf32> to vector<256x512xf32>
    %add3A_57 = arith.addf %dot_general3A_52, %add3A_56 : vector<256x512xf32>
    %max3A = arith.constant 0.000000e+00 : f32
    %max3A_58 = vector.broadcast %max3A : f32 to vector<256x512xf32>
    %max3A_59 = arith.maximumf %add3A_57, %max3A_58 : vector<256x512xf32>
    %get3A_60 = arith.constant 0 : index
    %get3A_61 = arith.constant 0 : index
    %get3A_62 = vector.load %arg8[%get3A_60, %get3A_61] : memref<512x4xf32, #tpu.memory_space<vmem>>, vector<512x4xf32>
    %dot_general3A_63 = arith.constant dense<0.000000e+00> : vector<256x4xf32>
    %dot_general3A_64 = tpu.matmul %max3A_59, %get3A_62, %dot_general3A_63 {dimension_numbers = #tpu.dot_dimension_numbers<[1], [0], [0], [1], [0, 0, 1, 1], [], []>, transpose_lhs_hint = false} : vector<256x512xf32>, vector<512x4xf32>, vector<256x4xf32> -> vector<256x4xf32>
    %get3A_65 = arith.constant 0 : index
    %get3A_66 = arith.constant 0 : index
    %get3A_67 = vector.load %arg9[%get3A_65, %get3A_66] : memref<1x4xf32, #tpu.memory_space<vmem>>, vector<1x4xf32>
    %add3A_68 = vector.broadcast %get3A_67 : vector<1x4xf32> to vector<256x4xf32>
    %add3A_69 = arith.addf %dot_general3A_64, %add3A_68 : vector<256x4xf32>
    %swap3A = arith.constant 0 : index
    %swap3A_70 = arith.constant 0 : index
    %swap3A_71 = vector.load %arg10[%swap3A, %swap3A_70] : memref<256x4xf32, #tpu.memory_space<vmem>>, vector<256x4xf32>
    tpu.vector_store %arg10[%swap3A, %swap3A_70], %add3A_69 {strides = array<i32>} : memref<256x4xf32, #tpu.memory_space<vmem>>, vector<256x4xf32>,
    return
  }
  func.func @transform_0(%arg0: i32) -> (i32, i32, i32) {
    %c0_i32 = arith.constant 0 : i32
    %c0_i32_0 = arith.constant 0 : i32
    %c0_i32_1 = arith.constant 0 : i32
    %c0_i32_2 = arith.constant 0 : i32
    return %c0_i32, %c0_i32_0, %c0_i32_1 : i32, i32, i32
  }
  func.func @transform_1(%arg0: i32) -> (i32, i32) {
    %c0_i32 = arith.constant 0 : i32
    %c0_i32_0 = arith.constant 0 : i32
    %c0_i32_1 = arith.constant 0 : i32
    return %c0_i32, %c0_i32_0 : i32, i32
  }
  func.func @transform_2(%arg0: i32) -> (i32, i32) {
    %c0_i32 = arith.constant 0 : i32
    %c0_i32_0 = arith.constant 0 : i32
    %c0_i32_1 = arith.constant 0 : i32
    return %c0_i32, %c0_i32_0 : i32, i32
  }
  func.func @transform_3(%arg0: i32) -> (i32, i32) {
    %c0_i32 = arith.constant 0 : i32
    %c0_i32_0 = arith.constant 0 : i32
    %c0_i32_1 = arith.constant 0 : i32
    return %c0_i32, %c0_i32_0 : i32, i32
  }
  func.func @transform_4(%arg0: i32) -> (i32, i32) {
    %c0_i32 = arith.constant 0 : i32
    %c0_i32_0 = arith.constant 0 : i32
    %c0_i32_1 = arith.constant 0 : i32
    return %c0_i32, %c0_i32_0 : i32, i32
  }
  func.func @transform_5(%arg0: i32) -> (i32, i32) {
    %c0_i32 = arith.constant 0 : i32
    %c0_i32_0 = arith.constant 0 : i32
    %c0_i32_1 = arith.constant 0 : i32
    return %c0_i32, %c0_i32_0 : i32, i32
  }
  func.func @transform_6(%arg0: i32) -> (i32, i32) {
    %c0_i32 = arith.constant 0 : i32
    %c0_i32_0 = arith.constant 0 : i32
    %c0_i32_1 = arith.constant 0 : i32
    return %c0_i32, %c0_i32_0 : i32, i32
  }
  func.func @transform_7(%arg0: i32) -> (i32, i32) {
    %c0_i32 = arith.constant 0 : i32
    %c0_i32_0 = arith.constant 0 : i32
    %c0_i32_1 = arith.constant 0 : i32
    return %c0_i32, %c0_i32_0 : i32, i32
  }
  func.func @transform_8(%arg0: i32) -> (i32, i32) {
    %c0_i32 = arith.constant 0 : i32
    %c0_i32_0 = arith.constant 0 : i32
    %c0_i32_1 = arith.constant 0 : i32
    return %c0_i32, %c0_i32_0 : i32, i32
  }
  func.func @transform_9(%arg0: i32) -> (i32, i32) {
    %c0_i32 = arith.constant 0 : i32
    %c0_i32_0 = arith.constant 0 : i32
    %c0_i32_1 = arith.constant 0 : i32
    return %c0_i32, %c0_i32_0 : i32, i32
  }
}

</mosaic_0001>

<sc_bundles>
// kernel: kernel.12.cloned.1.call-start
scs
__scs_entry_jumppad:
0x0: {  	(pc) =	sbr.rel $0x88, $3  }
0x1: {  	(tag) =	ssettag $0x0;
	lr =	simm.s32 $0x1  }
0x2: {  	[smem:$0x3F8E] =	sst lr;
	_ =	strace $0xD0000000  }
0x3: {  	_ = 	snop  }
0x4: {  	_ = 	snop  }
0x5: {  	_ = 	snop  }
0x6: {  	_ = 	snop  }
0x7: {  	_ = 	snop  }
__scs_overlays_trampoline_lowered:
0x8: {  	[smem:$0x3F9D] =	sst s0  }
0x9: {  	[smem:$0x3F9E] =	sst s1  }
0xa: {  	[smem:$0x3F9F] =	sst s2  }
0xb: {  	[smem:$0x3FA0] =	sst s3  }
0xc: {  	[smem:$0x3FA1] =	sst s4  }
0xd: {  	[smem:$0x3FA2] =	sst s5  }
0xe: {  	[smem:$0x3FA3] =	sst s6  }
0xf: {  	[smem:$0x3FA4] =	sst s7  }
0x10: {  	[smem:$0x3FA5] =	sst s8  }
0x11: {  	[smem:$0x3FA6] =	sst s9;
	s0 =	simm.s32 @!p0 $0x0  }
0x12: {  	s1 =	sld [smem:$0x3F8C];
	s0 =	simm.s32 @p0 $0x1  }
0x13: {  	[smem:$0x3FA7] =	sst s0;
	s0 =	simm.s32 @!p1 $0x0  }
0x14: {  	s2 =	sld [smem:$0x3F8B];
	s0 =	simm.s32 @p1 $0x1  }
0x15: {  	[smem:$0x3FA8] =	sst s0;
	s0 =	simm.s32 @!p2 $0x0  }
0x16: {  	s3 =	sld [smem:$0x3FDB];
	s0 =	simm.s32 @p2 $0x1  }
0x17: {  	s4 =	simm.s32 $0x1BF5;
	[smem:$0x3FAA] =	sst s0  }
0x18: {  	s0 =	sld [smem:$0x3F8D];
	_ =	swait.ge [sflag:s4], $0x0  }
0x19: {  	s7 =	sld [smem:$0x3F8E]  }
0x1a: {  	s8 =	sadd.s32 $0xFFFFE003, lr  }
0x1b: {  	s9 =	sadd.s32 $0xFFFFFEF7, lr;
	s5 =	simm.s32 $0xFFFFFFFF;
	p2 =	slt.u32 s8, $0xFFFFF086  }
0x1c: {  	p1 =	slt.u32 s9, $0xF7A;
	s5 =	simm.s32 @!p2 $0x0  }
0x1d: {  	s5 =	simm.s32 @p1 $0x1;
	p0 =	seq.s32 s7, s2  }
0x1e: {  	s7 =	smul.u32 @!p0 $0xF7A, s2;
	p2 =	seq.s32 @!p0 s5, $0x0  }
0x1f: {  	s9 =	smul.u32 $0xF7A, s1;
	s8 =	simm.s32 @!p0 $0x1BF5;
	p2 =	por !p2, p0  }
0x20: {  	[sflag:s8] =	ssyncset.s32 @!p0 $0xFFFFF086;
	s6 =	sadd.s32 @!p0 s3, s7;
	s7 =	simm.s32 @!p0 $0x108  }
0x21: {  	s3 =	sadd.s32 s3, s9;
	s6 =	sadd.s32 @!p0 $0x88, s6;
	s7 =	simm.s32 @p2 $0x1082  }
0x22: {  	[simem:s7], [sflag:s8] =	dma.local @!p0 [hbm:s6], $0xF7A  }
0x23: {  	s9 =	sor.u32 $0xD0000000, s2;
	s6 =	simm.s32 $0x108;
	_ =	swait.ge @!p0 [sflag:s8], $0x0  }
0x24: {  	s3 =	sadd.s32 $0x88, s3;
	s6 =	simm.s32 @!p1 $0x1082;
	[sflag:s4] =	ssyncset.s32 $0xFFFFF086  }
0x25: {  	[simem:s6], [sflag:s4] =	dma.local [hbm:s3], $0xF7A  }
0x26: {  	[smem:$0x3F8E] =	sst s1;
	(tag) =	ssettag s2;
	_ =	strace s9  }
0x27: {  	s1 =	sld [smem:$0x3F9E]  }
0x28: {  	s2 =	sld [smem:$0x3F9F]  }
0x29: {  	s4 =	sld [smem:$0x3FA1]  }
0x2a: {  	p0 =	seq.s32 s5, $0x0;
	s5 =	sld [smem:$0x3FA2]  }
0x2b: {  	s6 =	sld [smem:$0x3FA3]  }
0x2c: {  	s7 =	sld [smem:$0x3FA4]  }
0x2d: {  	s3 =	simm.s32 $0x108;
	s8 =	sld [smem:$0x3FA5]  }
0x2e: {  	s3 =	simm.s32 @!p0 $0x1082;
	s9 =	sld [smem:$0x3FA6]  }
0x2f: {  	lr =	sadd.s32 s0, s3;
	s0 =	sld [smem:$0x3F9D]  }
0x30: {  	s3 =	sld [smem:$0x3FA0]  }
0x31: {  	[smem:$0x3FA9] =	sst s10  }
0x32: {  	s10 =	sld [smem:$0x3FA7];
	_ =	sdelay $0x3  }
0x33: {  	p0 =	seq.s32 s10, $0x1;
	s10 =	sld [smem:$0x3FA9];
	_ =	sdelay $0x3  }
0x34: {  	[smem:$0x3FA9] =	sst s10  }
0x35: {  	s10 =	sld [smem:$0x3FA8];
	_ =	sdelay $0x3  }
0x36: {  	p1 =	seq.s32 s10, $0x1;
	s10 =	sld [smem:$0x3FA9];
	_ =	sdelay $0x3  }
0x37: {  	[smem:$0x3FA9] =	sst s10  }
0x38: {  	s10 =	sld [smem:$0x3FAA]  }
0x39: {  	_ = 	snop;
	(pc) =	sbr.ind lr, $3  }
0x3a: {  	_ = 	snop  }
0x3b: {  	_ = 	snop  }
0x3c: {  	p2 =	seq.s32 s10, $0x1;
	s10 =	sld [smem:$0x3FA9]  }
0x3d: {  	_ =	shalt  }
0x3e: {  	_ =	shalt  }
0x3f: {  	_ =	shalt  }
0x40: {  	_ =	shalt  }
0x41: {  	_ =	shalt  }
0x42: {  	_ =	shalt  }
0x43: {  	_ =	shalt  }
0x44: {  	_ =	shalt  }
0x45: {  	_ =	shalt  }
0x46: {  	_ =	shalt  }
0x47: {  	_ =	shalt  }
0x48: {  	_ =	shalt  }
0x49: {  	_ =	shalt  }
0x4a: {  	_ =	shalt  }
0x4b: {  	_ =	shalt  }
0x4c: {  	_ =	shalt  }
0x4d: {  	_ =	shalt  }
0x4e: {  	_ =	shalt  }
0x4f: {  	_ =	shalt  }
0x50: {  	_ =	shalt  }
0x51: {  	_ =	shalt  }
0x52: {  	_ =	shalt  }
0x53: {  	_ =	shalt  }
0x54: {  	_ =	shalt  }
0x55: {  	_ =	shalt  }
0x56: {  	_ =	shalt  }
0x57: {  	_ =	shalt  }
0x58: {  	_ =	shalt  }
0x59: {  	_ =	shalt  }
0x5a: {  	_ =	shalt  }
0x5b: {  	_ =	shalt  }
0x5c: {  	_ =	shalt  }
0x5d: {  	_ =	shalt  }
0x5e: {  	_ =	shalt  }
0x5f: {  	_ =	shalt  }
0x60: {  	_ =	shalt  }
0x61: {  	_ =	shalt  }
0x62: {  	_ =	shalt  }
0x63: {  	_ =	shalt  }
0x64: {  	_ =	shalt  }
0x65: {  	_ =	shalt  }
0x66: {  	_ =	shalt  }
0x67: {  	_ =	shalt  }
0x68: {  	_ =	shalt  }
0x69: {  	_ =	shalt  }
0x6a: {  	_ =	shalt  }
0x6b: {  	_ =	shalt  }
0x6c: {  	_ =	shalt  }
0x6d: {  	_ =	shalt  }
0x6e: {  	_ =	shalt  }
0x6f: {  	_ =	shalt  }
0x70: {  	_ =	shalt  }
0x71: {  	_ =	shalt  }
0x72: {  	_ =	shalt  }
0x73: {  	_ =	shalt  }
0x74: {  	_ =	shalt  }
0x75: {  	_ =	shalt  }
0x76: {  	_ =	shalt  }
0x77: {  	_ =	shalt  }
0x78: {  	_ =	shalt  }
0x79: {  	_ =	shalt  }
0x7a: {  	_ =	shalt  }
0x7b: {  	_ =	shalt  }
0x7c: {  	_ =	shalt  }
0x7d: {  	_ =	shalt  }
0x7e: {  	_ =	shalt  }
0x7f: {  	_ =	shalt  }
0x80: {  	_ =	shalt  }
0x81: {  	_ =	shalt  }
0x82: {  	_ =	shalt  }
0x83: {  	_ =	shalt  }
0x84: {  	_ =	shalt  }
0x85: {  	_ =	shalt  }
0x86: {  	_ =	shalt  }
0x87: {  	_ =	shalt  }
.Lfunc_end0:
.L_simem_size_0:
called_computation.1_lowered:
.L_overlay_start_0:
0x88: {  	s2 =	sld [smem:$0x3FD9]  }
0x89: {  	s3 =	sld [smem:$0x3FFE];
	_ =	sdelay $0x1  }
0x8a: {  	s1 =	srdreg.scid  }
0x8b: {  	s0 =	sand.u32 $0x1, s1  }
0x8c: {  	s16 =	sshll.u32 s0, $0xA;
	s2 =	sadd.s32 s3, s2  }
0x8d: {  	s2 =	sadd.s32 s2, s16  }
0x8e: {  	[smem:$0x3FB5] =	sst s2  }
0x8f: {  	_ = 	snop  }
0x90: {  	(tm) =	ssettm $0x1  }
0x91: {  	s17 =	sld [smem:$0x3FFB];
	_ =	sdelay $0x3  }
0x92: {  	_ =	strace s17  }
0x93: {  	s2 =	sld [smem:$0x3FFC];
	_ =	sdelay $0x3  }
0x94: {  	_ =	strace s2  }
0x95: {  	s2 =	sld [smem:$0x3FFD];
	_ =	sdelay $0x3  }
0x96: {  	_ =	strace s2  }
0x97: {  	_ =	strace $0x8FFFFFFF  }
0x98: {  	s18 =	sld [smem:$0x3FDB];
	_ =	sdelay $0x1  }
0x99: {  	s19 =	simm.s32 $_scs_section_size  }
0x9a: {  	s4 =	simm.s32 $_size__tile_overlayer_lowered;
	s5 =	simm.s32 $_tile_overlayer_lowered  }
0x9b: {  	s22 =	simm.s32 $0x1BFF;
	s21 =	sshll.u32 s5, $0x1;
	s2 =	sadd.s32 s19, s18  }
0x9c: {  	s6 =	simm.s32 $0x0;
	s20 =	sshll.u32 s4, $0x1;
	s4 =	sadd.s32 s21, s2  }
0x9d: {  	[timem:s6], [sflag:s22] =	dma.local [hbm:s4], s20  }
0x9e: {  	_ =	swait.ge [sflag:s22], s20  }
0x9f: {  	s3 =	ssub.s32 $0x0, s20;
	[sflag:s22] =	ssyncset.done $0x0  }
0xa0: {  	[sflag:s22] =	ssyncadd.s32 s3;
	_ =	sdelay $0x1  }
0xa1: {  	s23 =	simm.s32 $0x1B8B  }
0xa2: {  	_ =	swait.ge [sflag:s23], $0x1  }
0xa3: {  	[sflag:s23] =	ssyncset.done $0x0  }
0xa4: {  	s25 =	simm.s32 $0x1B8E;
	s24 =	sld [smem:$0x3FFE];
	[sflag:s23] =	ssyncadd.s32 $0xFFFFFFFF  }
0xa5: {  	s26 =	simm.s32 $execute0_lowered;
	[smem:$0x3FD2] =	sst s25  }
0xa6: {  	s4 =	sshll.u32 s26, $0x1;
	_ =	strace $0x80000049;
	[dreg:$0x1] =	wrdreg $0xFFFFFFFF  }
0xa7: {  	s28 =	simm.s32 $_size_execute0_lowered;
	s2 =	sadd.s32 s2, s4;
	[dreg:$0x0] =	wrdreg $0x0  }
0xa8: {  	s4 =	sshll.u32 s28, $0x1;
	[dreg:$0x2] =	wrdreg s2  }
0xa9: {  	[dreg:$0x3] =	wrdreg s4  }
0xaa: {  	[dreg:$0x4] =	wrdreg $0xC0  }
0xab: {  	_ =	task [dreg:s6], $0x5FFFF  }
0xac: {  	[dreg:$0x1] =	wrdreg $0xFFFFFFFF  }
0xad: {  	[dreg:$0x0] =	wrdreg $0x60  }
0xae: {  	[dreg:$0x2] =	wrdreg s24  }
0xaf: {  	[dreg:$0x3] =	wrdreg $0xCD000  }
0xb0: {  	[dreg:$0x4] =	wrdreg $0x9  }
0xb1: {  	_ =	task.clear_ibuf [dreg:s6], $0x5FFFF;
	_ =	strace $0x90000049  }
0xb2: {  	s29 =	simm.s32 $0x9;
	_ =	strace $0x8000004B  }
0xb3: {  	_ =	swait.ge [sflag:s29], $0x1  }
0xb4: {  	[sflag:s29] =	ssyncadd.s32 $0xFFFFFFFF  }
0xb5: {  	_ =	strace $0x9000004B  }
0xb6: {  	_ =	sfence  }
0xb7: {  	s30 =	sld [smem:$0x0];
	_ =	sdelay $0x2  }
0xb8: {  	s31 =	sshll.u32 s1, $0xD;
	s1 =	sshrl.u32 s1, $0x2  }
0xb9: {  	s3 =	sand.u32 $0x4000, s31;
	s1 =	sadd.s32 s1, s30  }
0xba: {  	s0 =	sor.u32 s3, s0;
	s1 =	sshll.u32 s1, $0x11  }
0xbb: {  	s0 =	sor.u32 s1, s0  }
0xbc: {  	s0 =	sadd.s32 $0x8F2B, s0  }
0xbd: {  	[sflag:s0] =	ssyncadd.remote.s32 $0x1  }
0xbe: {  	_ =	sfence.sel $0xFFFF  }
0xbf: {  	[dreg:$0x0] =	wrdreg $0xFFFFFFFF;
	(pc) =	sbr.abs _section_cstart, $3  }
0xc0: {  	[dreg:$0x1] =	wrdreg $0xFFFFFFFF  }
0xc1: {  	_ =	task.clear_ibuf [dreg:s6], $0x2FFFF;
	_ =	strace $0x9FFFFFFF  }
0xc2: {  	(tm) =	ssettm $0x7FFFFFFF  }
0xc3: {  	_ =	shalt  }
tec
execute0_lowered:
.L_overlay_start_1:
0x0: {  	(tag) =	ssettag $0x1  }
0x1: {  	s0 =	srdreg.scid;
	s5 =	rddreg [dreg:$0x0]  }
0x2: {  	s10 =	stileid.u32;
	s2 =	rddreg [dreg:$0x1]  }
0x3: {  	s3 =	simm.s32 $0x0;
	s12 =	simm.s32 $0x9;
	s14 =	simm.s32 $0x7D  }
0x4: {  	s15 =	simm.s32 $0x5000;
	s17 =	simm.s32 $0x5FA0;
	s19 =	simm.s32 $0x6F40  }
0x5: {  	s21 =	simm.s32 $0x7EE0;
	s23 =	simm.s32 $0x8E80;
	s28 =	simm.s32 $0xADC0  }
0x6: {  	s30 =	simm.s32 $0xBD60;
	s31 =	simm.s32 $0x1;
	s13 =	simm.s32 $0x4  }
0x7: {  	s16 =	simm.s32 $0x5;
	s18 =	simm.s32 $0x6;
	s20 =	simm.s32 $0x7  }
0x8: {  	s22 =	simm.s32 $0x8;
	s29 =	simm.s32 $0x0;
	s0 =	sand.u32 $0x1, s0  }
0x9: {  	s1 =	sshll.u32 s10, $0x1;
	s6 =	smul.u32 $0x5000, s10;
	[smem:$0x7FF] =	sst s3  }
0xa: {  	s4 =	sadd.s32 $0x18000, s5;
	s25 =	sshll.u32 s10, $0x6;
	s1 =	sor.u32 s0, s1  }
0xb: {  	s7 =	smul.u32 $0x50000, s0;
	_ =	strace $0x8000004A;
	s0 =	ssub.s32 $0x2, s0  }
0xc: {  	s1 =	smul.u32 $0x500, s1;
	s8 =	sshrl.u32 s6, $0x3;
	s24 =	sshrl.u32 s0, $0x1  }
0xd: {  	s11 =	sadd.s32 s6, s2;
	s7 =	sadd.s32 s6, s7;
	s8 =	sadd.s32 s8, s5  }
0xe: {  	s0 =	ssub.s32 s0, s24;
	s6 =	sor.u32 $0x1C09, s25;
	s11 =	sshrl.u32 s11, $0x3  }
0xf: {  	s25 =	simm.s32 $0x9E20;
	s1 =	sadd.s32 s1, s5;
	s7 =	sshrl.u32 s7, $0x3  }
0x10: {  	s26 =	sadd.s32 $0x4A000, s8;
	s10 =	smax.u32 s0, $0x1;
	s0 =	simm.s32 $0x3  }
0x11: {  	s9 =	sadd.s32 s7, s5;
	[dreg:$0x3] =	wrdreg s26;
	s7 =	sadd.s32 $0x4000, s1  }
0x12: {  	s8 =	sadd.s32 $0xE000, s1;
	s1 =	simm.s32 $0x2;
	s9 =	sadd.s32 $0x54000, s9  }
.LBB2_1:
0x13: {  	s5 =	rddreg [dreg:$0x3]  }
0x14: {  	[spmem:s11], [sflag:s6] =	dma.local [hbm:s5], $0xA00  }
0x15: {  	_ =	swait.ge [sflag:s12], $0xA00  }
0x16: {  	[sflag:s12] =	ssyncset.done $0x0  }
0x17: {  	[sflag:s12] =	ssyncadd.s32 $0xFFFFF600  }
0x18: {  	[tilespmem:s3], [sflag:$0x9] =	stream.linear.gather [hbm4b:s7+s3], $0x2800, $0x38;
	[tilespmem:$0x11D00] =	vst v63  }
0x19: {  	_ =	swait.ge [sflag:s12], $0x2800  }
0x1a: {  	[sflag:s12] =	ssyncset.done $0x0  }
0x1b: {  	s24 =	simm.s32 $0x2800;
	[sflag:s12] =	ssyncadd.s32 $0xFFFFD800  }
0x1c: {  	[tilespmem:s24], [sflag:$0x9] =	stream.linear.gather [hbm4b:s8+s3], $0x2800, $0x38;
	[tilespmem:$0x11D00] =	vst v63  }
0x1d: {  	_ =	swait.ge [sflag:s12], $0x2800  }
0x1e: {  	[sflag:s12] =	ssyncset.done $0x0  }
0x1f: {  	[sflag:s12] =	ssyncadd.s32 $0xFFFFD800  }
0x20: {  	[bflag:$0x0] =	sbarrier.arrive $0xFFFF  }
0x21: {  	[tilespmem:s15], [sflag:$0x1] =	stream.indirect.gather [hbm4b:s4+s14], $0x20, s3, s14, $0xb8;
	[tilespmem:$0x11D00] =	vst v63  }
0x22: {  	s26 =	simm.s32 $0x80  }
0x23: {  	[tilespmem:s17], [sflag:$0x2] =	stream.indirect.gather [hbm4b:s4+s14], $0x20, s26, s14, $0xb8;
	[tilespmem:$0x11D00] =	vst v63  }
0x24: {  	s24 =	simm.s32 $0x100  }
0x25: {  	[tilespmem:s19], [sflag:$0x3] =	stream.indirect.gather [hbm4b:s4+s14], $0x20, s24, s14, $0xb8;
	[tilespmem:$0x11D00] =	vst v63  }
0x26: {  	s26 =	simm.s32 $0x180  }
0x27: {  	[tilespmem:s21], [sflag:$0x4] =	stream.indirect.gather [hbm4b:s4+s14], $0x20, s26, s14, $0xb8;
	[tilespmem:$0x11D00] =	vst v63  }
0x28: {  	s24 =	simm.s32 $0x200  }
0x29: {  	[tilespmem:s23], [sflag:$0x5] =	stream.indirect.gather [hbm4b:s4+s14], $0x20, s24, s14, $0xb8;
	[tilespmem:$0x11D00] =	vst v63  }
0x2a: {  	s26 =	simm.s32 $0x280  }
0x2b: {  	[tilespmem:s25], [sflag:$0x6] =	stream.indirect.gather [hbm4b:s4+s14], $0x20, s26, s14, $0xb8;
	[tilespmem:$0x11D00] =	vst v63  }
0x2c: {  	s24 =	simm.s32 $0x300  }
0x2d: {  	[tilespmem:s28], [sflag:$0x7] =	stream.indirect.gather [hbm4b:s4+s14], $0x20, s24, s14, $0xb8;
	[tilespmem:$0x11D00] =	vst v63  }
0x2e: {  	s26 =	simm.s32 $0x380  }
0x2f: {  	[tilespmem:s30], [sflag:$0x8] =	stream.indirect.gather [hbm4b:s4+s14], $0x20, s26, s14, $0xb8;
	[tilespmem:$0x11D00] =	vst v63  }
0x30: {  	_ =	swait.ge [sflag:s31], $0xFA0  }
0x31: {  	[sflag:s31] =	ssyncset.done $0x0  }
0x32: {  	s24 =	simm.s32 $0x2800;
	[sflag:s31] =	ssyncadd.s32 $0xFFFFF060  }
0x33: {  	[spmem:s2] =	stream.indirect.scatter.add.f32 [tilespmem:s15], [sflag:$0x9], $0x20, s24, s14, $0xb8;
	[tilespmem:$0x11D00] =	vst v63  }
0x34: {  	_ =	swait.ge [sflag:s12], $0xFA0  }
0x35: {  	[sflag:s12] =	ssyncset.done $0x0  }
0x36: {  	s5 =	simm.s32 $0x400;
	[sflag:s12] =	ssyncadd.s32 $0xFFFFF060  }
0x37: {  	[tilespmem:s15], [sflag:$0x1] =	stream.indirect.gather [hbm4b:s4+s14], $0x20, s5, s14, $0xb8;
	[tilespmem:$0x11D00] =	vst v63  }
0x38: {  	_ =	swait.ge [sflag:s1], $0xFA0  }
0x39: {  	[sflag:s1] =	ssyncset.done $0x0  }
0x3a: {  	s26 =	simm.s32 $0x2880;
	[sflag:s1] =	ssyncadd.s32 $0xFFFFF060  }
0x3b: {  	[spmem:s2] =	stream.indirect.scatter.add.f32 [tilespmem:s17], [sflag:$0x9], $0x20, s26, s14, $0xb8;
	[tilespmem:$0x11D00] =	vst v63  }
0x3c: {  	_ =	swait.ge [sflag:s12], $0xFA0  }
0x3d: {  	[sflag:s12] =	ssyncset.done $0x0  }
0x3e: {  	s5 =	simm.s32 $0x480;
	[sflag:s12] =	ssyncadd.s32 $0xFFFFF060  }
0x3f: {  	[tilespmem:s17], [sflag:$0x2] =	stream.indirect.gather [hbm4b:s4+s14], $0x20, s5, s14, $0xb8;
	[tilespmem:$0x11D00] =	vst v63  }
0x40: {  	_ =	swait.ge [sflag:s0], $0xFA0  }
0x41: {  	[sflag:s0] =	ssyncset.done $0x0  }
0x42: {  	s26 =	simm.s32 $0x2900;
	[sflag:s0] =	ssyncadd.s32 $0xFFFFF060  }
0x43: {  	[spmem:s2] =	stream.indirect.scatter.add.f32 [tilespmem:s19], [sflag:$0x9], $0x20, s26, s14, $0xb8;
	[tilespmem:$0x11D00] =	vst v63  }
0x44: {  	_ =	swait.ge [sflag:s12], $0xFA0  }
0x45: {  	[sflag:s12] =	ssyncset.done $0x0  }
0x46: {  	s5 =	simm.s32 $0x500;
	[sflag:s12] =	ssyncadd.s32 $0xFFFFF060  }
0x47: {  	[tilespmem:s19], [sflag:$0x3] =	stream.indirect.gather [hbm4b:s4+s14], $0x20, s5, s14, $0xb8;
	[tilespmem:$0x11D00] =	vst v63  }
0x48: {  	_ =	swait.ge [sflag:s13], $0xFA0  }
0x49: {  	[sflag:s13] =	ssyncset.done $0x0  }
0x4a: {  	s26 =	simm.s32 $0x2980;
	[sflag:s13] =	ssyncadd.s32 $0xFFFFF060  }
0x4b: {  	[spmem:s2] =	stream.indirect.scatter.add.f32 [tilespmem:s21], [sflag:$0x9], $0x20, s26, s14, $0xb8;
	[tilespmem:$0x11D00] =	vst v63  }
0x4c: {  	_ =	swait.ge [sflag:s12], $0xFA0  }
0x4d: {  	[sflag:s12] =	ssyncset.done $0x0  }
0x4e: {  	s5 =	simm.s32 $0x580;
	[sflag:s12] =	ssyncadd.s32 $0xFFFFF060  }
0x4f: {  	[tilespmem:s21], [sflag:$0x4] =	stream.indirect.gather [hbm4b:s4+s14], $0x20, s5, s14, $0xb8;
	[tilespmem:$0x11D00] =	vst v63  }
0x50: {  	_ =	swait.ge [sflag:s16], $0xFA0  }
0x51: {  	[sflag:s16] =	ssyncset.done $0x0  }
0x52: {  	s26 =	simm.s32 $0x2A00;
	[sflag:s16] =	ssyncadd.s32 $0xFFFFF060  }
0x53: {  	[spmem:s2] =	stream.indirect.scatter.add.f32 [tilespmem:s23], [sflag:$0x9], $0x20, s26, s14, $0xb8;
	[tilespmem:$0x11D00] =	vst v63  }
0x54: {  	_ =	swait.ge [sflag:s12], $0xFA0  }
0x55: {  	[sflag:s12] =	ssyncset.done $0x0  }
0x56: {  	s5 =	simm.s32 $0x600;
	[sflag:s12] =	ssyncadd.s32 $0xFFFFF060  }
0x57: {  	[tilespmem:s23], [sflag:$0x5] =	stream.indirect.gather [hbm4b:s4+s14], $0x20, s5, s14, $0xb8;
	[tilespmem:$0x11D00] =	vst v63  }
0x58: {  	_ =	swait.ge [sflag:s18], $0xFA0  }
0x59: {  	[sflag:s18] =	ssyncset.done $0x0  }
0x5a: {  	s26 =	simm.s32 $0x2A80;
	[sflag:s18] =	ssyncadd.s32 $0xFFFFF060  }
0x5b: {  	[spmem:s2] =	stream.indirect.scatter.add.f32 [tilespmem:s25], [sflag:$0x9], $0x20, s26, s14, $0xb8;
	[tilespmem:$0x11D00] =	vst v63  }
0x5c: {  	_ =	swait.ge [sflag:s12], $0xFA0  }
0x5d: {  	[sflag:s12] =	ssyncset.done $0x0  }
0x5e: {  	s5 =	simm.s32 $0x680;
	[sflag:s12] =	ssyncadd.s32 $0xFFFFF060  }
0x5f: {  	[tilespmem:s25], [sflag:$0x6] =	stream.indirect.gather [hbm4b:s4+s14], $0x20, s5, s14, $0xb8;
	[tilespmem:$0x11D00] =	vst v63  }
0x60: {  	_ =	swait.ge [sflag:s20], $0xFA0  }
0x61: {  	[sflag:s20] =	ssyncset.done $0x0  }
0x62: {  	s26 =	simm.s32 $0x2B00;
	[sflag:s20] =	ssyncadd.s32 $0xFFFFF060  }
0x63: {  	[spmem:s2] =	stream.indirect.scatter.add.f32 [tilespmem:s28], [sflag:$0x9], $0x20, s26, s14, $0xb8;
	[tilespmem:$0x11D00] =	vst v63  }
0x64: {  	_ =	swait.ge [sflag:s12], $0xFA0  }
0x65: {  	[sflag:s12] =	ssyncset.done $0x0  }
0x66: {  	s5 =	simm.s32 $0x700;
	[sflag:s12] =	ssyncadd.s32 $0xFFFFF060  }
0x67: {  	[tilespmem:s28], [sflag:$0x7] =	stream.indirect.gather [hbm4b:s4+s14], $0x20, s5, s14, $0xb8;
	[tilespmem:$0x11D00] =	vst v63  }
0x68: {  	_ =	swait.ge [sflag:s22], $0xFA0  }
0x69: {  	[sflag:s22] =	ssyncset.done $0x0  }
0x6a: {  	s26 =	simm.s32 $0x2B80;
	[sflag:s22] =	ssyncadd.s32 $0xFFFFF060  }
0x6b: {  	[spmem:s2] =	stream.indirect.scatter.add.f32 [tilespmem:s30], [sflag:$0x9], $0x20, s26, s14, $0xb8;
	[tilespmem:$0x11D00] =	vst v63  }
0x6c: {  	_ =	swait.ge [sflag:s12], $0xFA0  }
0x6d: {  	[sflag:s12] =	ssyncset.done $0x0  }
0x6e: {  	s24 =	simm.s32 $0x1000;
	s26 =	simm.s32 $0x780;
	[sflag:s12] =	ssyncadd.s32 $0xFFFFF060  }
.LBB2_2:
0x6f: {  	[tilespmem:s30], [sflag:$0x8] =	stream.indirect.gather [hbm4b:s4+s14], $0x20, s26, s14, $0xb8;
	[tilespmem:$0x11D00] =	vst v63  }
0x70: {  	s26 =	smov.u32 s24  }
0x71: {  	p0 =	sne.s32 s24, $0x8000;
	s24 =	sadd.s32 $0x1000, s24;
	_ =	swait.ge [sflag:s31], $0xFA0  }
0x72: {  	s26 =	sshra.s32 s26, $0x2;
	[sflag:s31] =	ssyncset.done $0x0  }
0x73: {  	s5 =	sadd.s32 $0x2800, s26;
	[sflag:s31] =	ssyncadd.s32 $0xFFFFF060  }
0x74: {  	[spmem:s2] =	stream.indirect.scatter.add.f32 [tilespmem:s15], [sflag:$0x9], $0x20, s5, s14, $0xb8;
	[tilespmem:$0x11D00] =	vst v63  }
0x75: {  	_ =	swait.ge [sflag:s12], $0xFA0  }
0x76: {  	[sflag:s12] =	ssyncset.done $0x0  }
0x77: {  	s5 =	sadd.s32 $0x400, s26;
	[sflag:s12] =	ssyncadd.s32 $0xFFFFF060  }
0x78: {  	[tilespmem:s15], [sflag:$0x1] =	stream.indirect.gather [hbm4b:s4+s14], $0x20, s5, s14, $0xb8;
	[tilespmem:$0x11D00] =	vst v63  }
0x79: {  	_ =	swait.ge [sflag:s1], $0xFA0  }
0x7a: {  	[sflag:s1] =	ssyncset.done $0x0  }
0x7b: {  	s5 =	sadd.s32 $0x2880, s26;
	[sflag:s1] =	ssyncadd.s32 $0xFFFFF060  }
0x7c: {  	[spmem:s2] =	stream.indirect.scatter.add.f32 [tilespmem:s17], [sflag:$0x9], $0x20, s5, s14, $0xb8;
	[tilespmem:$0x11D00] =	vst v63  }
0x7d: {  	_ =	swait.ge [sflag:s12], $0xFA0  }
0x7e: {  	[sflag:s12] =	ssyncset.done $0x0  }
0x7f: {  	s5 =	sadd.s32 $0x480, s26;
	[sflag:s12] =	ssyncadd.s32 $0xFFFFF060  }
0x80: {  	[tilespmem:s17], [sflag:$0x2] =	stream.indirect.gather [hbm4b:s4+s14], $0x20, s5, s14, $0xb8;
	[tilespmem:$0x11D00] =	vst v63  }
0x81: {  	_ =	swait.ge [sflag:s0], $0xFA0  }
0x82: {  	[sflag:s0] =	ssyncset.done $0x0  }
0x83: {  	s5 =	sadd.s32 $0x2900, s26;
	[sflag:s0] =	ssyncadd.s32 $0xFFFFF060  }
0x84: {  	[spmem:s2] =	stream.indirect.scatter.add.f32 [tilespmem:s19], [sflag:$0x9], $0x20, s5, s14, $0xb8;
	[tilespmem:$0x11D00] =	vst v63  }
0x85: {  	_ =	swait.ge [sflag:s12], $0xFA0  }
0x86: {  	[sflag:s12] =	ssyncset.done $0x0  }
0x87: {  	s5 =	sadd.s32 $0x500, s26;
	[sflag:s12] =	ssyncadd.s32 $0xFFFFF060  }
0x88: {  	[tilespmem:s19], [sflag:$0x3] =	stream.indirect.gather [hbm4b:s4+s14], $0x20, s5, s14, $0xb8;
	[tilespmem:$0x11D00] =	vst v63  }
0x89: {  	_ =	swait.ge [sflag:s13], $0xFA0  }
0x8a: {  	[sflag:s13] =	ssyncset.done $0x0  }
0x8b: {  	s5 =	sadd.s32 $0x2980, s26;
	[sflag:s13] =	ssyncadd.s32 $0xFFFFF060  }
0x8c: {  	[spmem:s2] =	stream.indirect.scatter.add.f32 [tilespmem:s21], [sflag:$0x9], $0x20, s5, s14, $0xb8;
	[tilespmem:$0x11D00] =	vst v63  }
0x8d: {  	_ =	swait.ge [sflag:s12], $0xFA0  }
0x8e: {  	[sflag:s12] =	ssyncset.done $0x0  }
0x8f: {  	s5 =	sadd.s32 $0x580, s26;
	[sflag:s12] =	ssyncadd.s32 $0xFFFFF060  }
0x90: {  	[tilespmem:s21], [sflag:$0x4] =	stream.indirect.gather [hbm4b:s4+s14], $0x20, s5, s14, $0xb8;
	[tilespmem:$0x11D00] =	vst v63  }
0x91: {  	_ =	swait.ge [sflag:s16], $0xFA0  }
0x92: {  	[sflag:s16] =	ssyncset.done $0x0  }
0x93: {  	s5 =	sadd.s32 $0x2A00, s26;
	[sflag:s16] =	ssyncadd.s32 $0xFFFFF060  }
0x94: {  	[spmem:s2] =	stream.indirect.scatter.add.f32 [tilespmem:s23], [sflag:$0x9], $0x20, s5, s14, $0xb8;
	[tilespmem:$0x11D00] =	vst v63  }
0x95: {  	_ =	swait.ge [sflag:s12], $0xFA0  }
0x96: {  	[sflag:s12] =	ssyncset.done $0x0  }
0x97: {  	s5 =	sadd.s32 $0x600, s26;
	[sflag:s12] =	ssyncadd.s32 $0xFFFFF060  }
0x98: {  	[tilespmem:s23], [sflag:$0x5] =	stream.indirect.gather [hbm4b:s4+s14], $0x20, s5, s14, $0xb8;
	[tilespmem:$0x11D00] =	vst v63  }
0x99: {  	_ =	swait.ge [sflag:s18], $0xFA0  }
0x9a: {  	[sflag:s18] =	ssyncset.done $0x0  }
0x9b: {  	s5 =	sadd.s32 $0x2A80, s26;
	[sflag:s18] =	ssyncadd.s32 $0xFFFFF060  }
0x9c: {  	[spmem:s2] =	stream.indirect.scatter.add.f32 [tilespmem:s25], [sflag:$0x9], $0x20, s5, s14, $0xb8;
	[tilespmem:$0x11D00] =	vst v63  }
0x9d: {  	_ =	swait.ge [sflag:s12], $0xFA0  }
0x9e: {  	[sflag:s12] =	ssyncset.done $0x0  }
0x9f: {  	s5 =	sadd.s32 $0x680, s26;
	[sflag:s12] =	ssyncadd.s32 $0xFFFFF060  }
0xa0: {  	[tilespmem:s25], [sflag:$0x6] =	stream.indirect.gather [hbm4b:s4+s14], $0x20, s5, s14, $0xb8;
	[tilespmem:$0x11D00] =	vst v63  }
0xa1: {  	_ =	swait.ge [sflag:s20], $0xFA0  }
0xa2: {  	[sflag:s20] =	ssyncset.done $0x0  }
0xa3: {  	s5 =	sadd.s32 $0x2B00, s26;
	[sflag:s20] =	ssyncadd.s32 $0xFFFFF060  }
0xa4: {  	[spmem:s2] =	stream.indirect.scatter.add.f32 [tilespmem:s28], [sflag:$0x9], $0x20, s5, s14, $0xb8;
	[tilespmem:$0x11D00] =	vst v63  }
0xa5: {  	_ =	swait.ge [sflag:s12], $0xFA0  }
0xa6: {  	[sflag:s12] =	ssyncset.done $0x0  }
0xa7: {  	s5 =	sadd.s32 $0x700, s26;
	[sflag:s12] =	ssyncadd.s32 $0xFFFFF060  }
0xa8: {  	[tilespmem:s28], [sflag:$0x7] =	stream.indirect.gather [hbm4b:s4+s14], $0x20, s5, s14, $0xb8;
	[tilespmem:$0x11D00] =	vst v63  }
0xa9: {  	_ =	swait.ge [sflag:s22], $0xFA0  }
0xaa: {  	[sflag:s22] =	ssyncset.done $0x0  }
.Ltmp0:
0xab: {  	s5 =	sadd.s32 $0x2B80, s26;
	[sflag:s22] =	ssyncadd.s32 $0xFFFFF060;
	(pc) =	sbr.rel @p0 .LBB2_2-.Ltmp0, $4  }
0xac: {  	[spmem:s2] =	stream.indirect.scatter.add.f32 [tilespmem:s30], [sflag:$0x9], $0x20, s5, s14, $0xb8;
	[tilespmem:$0x11D00] =	vst v63  }
0xad: {  	_ =	swait.ge [sflag:s12], $0xFA0  }
0xae: {  	[sflag:s12] =	ssyncset.done $0x0  }
0xaf: {  	s26 =	sadd.s32 $0x780, s26;
	[sflag:s12] =	ssyncadd.s32 $0xFFFFF060  }
0xb0: {  	[tilespmem:s30], [sflag:$0x8] =	stream.indirect.gather [hbm4b:s4+s14], $0x20, s26, s14, $0xb8;
	[tilespmem:$0x11D00] =	vst v63  }
0xb1: {  	_ =	swait.ge [sflag:s31], $0xFA0  }
0xb2: {  	[sflag:s31] =	ssyncset.done $0x0  }
0xb3: {  	s5 =	simm.s32 $0x4C00;
	[sflag:s31] =	ssyncadd.s32 $0xFFFFF060  }
0xb4: {  	[spmem:s2] =	stream.indirect.scatter.add.f32 [tilespmem:s15], [sflag:$0x9], $0x20, s5, s14, $0xb8;
	[tilespmem:$0x11D00] =	vst v63  }
0xb5: {  	_ =	swait.ge [sflag:s12], $0xFA0  }
0xb6: {  	[sflag:s12] =	ssyncset.done $0x0  }
0xb7: {  	[sflag:s12] =	ssyncadd.s32 $0xFFFFF060  }
0xb8: {  	_ =	swait.ge [sflag:s1], $0xFA0  }
0xb9: {  	[sflag:s1] =	ssyncset.done $0x0  }
0xba: {  	s26 =	simm.s32 $0x4C80;
	[sflag:s1] =	ssyncadd.s32 $0xFFFFF060  }
0xbb: {  	[spmem:s2] =	stream.indirect.scatter.add.f32 [tilespmem:s17], [sflag:$0x9], $0x20, s26, s14, $0xb8;
	[tilespmem:$0x11D00] =	vst v63  }
0xbc: {  	_ =	swait.ge [sflag:s12], $0xFA0  }
0xbd: {  	[sflag:s12] =	ssyncset.done $0x0  }
0xbe: {  	[sflag:s12] =	ssyncadd.s32 $0xFFFFF060  }
0xbf: {  	_ =	swait.ge [sflag:s0], $0xFA0  }
0xc0: {  	[sflag:s0] =	ssyncset.done $0x0  }
0xc1: {  	s24 =	simm.s32 $0x4D00;
	[sflag:s0] =	ssyncadd.s32 $0xFFFFF060  }
0xc2: {  	[spmem:s2] =	stream.indirect.scatter.add.f32 [tilespmem:s19], [sflag:$0x9], $0x20, s24, s14, $0xb8;
	[tilespmem:$0x11D00] =	vst v63  }
0xc3: {  	_ =	swait.ge [sflag:s12], $0xFA0  }
0xc4: {  	[sflag:s12] =	ssyncset.done $0x0  }
0xc5: {  	[sflag:s12] =	ssyncadd.s32 $0xFFFFF060  }
0xc6: {  	_ =	swait.ge [sflag:s13], $0xFA0  }
0xc7: {  	[sflag:s13] =	ssyncset.done $0x0  }
0xc8: {  	s26 =	simm.s32 $0x4D80;
	[sflag:s13] =	ssyncadd.s32 $0xFFFFF060  }
0xc9: {  	[spmem:s2] =	stream.indirect.scatter.add.f32 [tilespmem:s21], [sflag:$0x9], $0x20, s26, s14, $0xb8;
	[tilespmem:$0x11D00] =	vst v63  }
0xca: {  	_ =	swait.ge [sflag:s12], $0xFA0  }
0xcb: {  	[sflag:s12] =	ssyncset.done $0x0  }
0xcc: {  	[sflag:s12] =	ssyncadd.s32 $0xFFFFF060  }
0xcd: {  	_ =	swait.ge [sflag:s16], $0xFA0  }
0xce: {  	[sflag:s16] =	ssyncset.done $0x0  }
0xcf: {  	s24 =	simm.s32 $0x4E00;
	[sflag:s16] =	ssyncadd.s32 $0xFFFFF060  }
0xd0: {  	[spmem:s2] =	stream.indirect.scatter.add.f32 [tilespmem:s23], [sflag:$0x9], $0x20, s24, s14, $0xb8;
	[tilespmem:$0x11D00] =	vst v63  }
0xd1: {  	_ =	swait.ge [sflag:s12], $0xFA0  }
0xd2: {  	[sflag:s12] =	ssyncset.done $0x0  }
0xd3: {  	[sflag:s12] =	ssyncadd.s32 $0xFFFFF060  }
0xd4: {  	_ =	swait.ge [sflag:s18], $0xFA0  }
0xd5: {  	[sflag:s18] =	ssyncset.done $0x0  }
0xd6: {  	s26 =	simm.s32 $0x4E80;
	[sflag:s18] =	ssyncadd.s32 $0xFFFFF060  }
0xd7: {  	[spmem:s2] =	stream.indirect.scatter.add.f32 [tilespmem:s25], [sflag:$0x9], $0x20, s26, s14, $0xb8;
	[tilespmem:$0x11D00] =	vst v63  }
0xd8: {  	_ =	swait.ge [sflag:s12], $0xFA0  }
0xd9: {  	[sflag:s12] =	ssyncset.done $0x0  }
0xda: {  	[sflag:s12] =	ssyncadd.s32 $0xFFFFF060  }
0xdb: {  	_ =	swait.ge [sflag:s20], $0xFA0  }
0xdc: {  	[sflag:s20] =	ssyncset.done $0x0  }
0xdd: {  	s24 =	simm.s32 $0x4F00;
	[sflag:s20] =	ssyncadd.s32 $0xFFFFF060  }
0xde: {  	[spmem:s2] =	stream.indirect.scatter.add.f32 [tilespmem:s28], [sflag:$0x9], $0x20, s24, s14, $0xb8;
	[tilespmem:$0x11D00] =	vst v63  }
0xdf: {  	_ =	swait.ge [sflag:s12], $0xFA0  }
0xe0: {  	[sflag:s12] =	ssyncset.done $0x0  }
0xe1: {  	[sflag:s12] =	ssyncadd.s32 $0xFFFFF060  }
0xe2: {  	_ =	swait.ge [sflag:s22], $0xFA0  }
0xe3: {  	[sflag:s22] =	ssyncset.done $0x0  }
0xe4: {  	s26 =	simm.s32 $0x4F80;
	[sflag:s22] =	ssyncadd.s32 $0xFFFFF060  }
0xe5: {  	[spmem:s2] =	stream.indirect.scatter.add.f32 [tilespmem:s30], [sflag:$0x9], $0x20, s26, s14, $0xb8;
	[tilespmem:$0x11D00] =	vst v63  }
0xe6: {  	_ =	swait.ge [sflag:s12], $0xFA0  }
0xe7: {  	s29 =	sadd.s32 $0x1, s29;
	[sflag:s12] =	ssyncset.done $0x0  }
0xe8: {  	p0 =	sne.s32 s29, s10;
	[sflag:s12] =	ssyncadd.s32 $0xFFFFF060  }
.Ltmp1:
0xe9: {  	[bflag:$0x0] =	sbarrier.arrive $0xFFFF;
	(pc) =	sbr.rel @p0 .LBB2_1-.Ltmp1, $4  }
0xea: {  	[hbm:s9], [sflag:s6] =	dma.local [spmem:s11], $0xA00  }
0xeb: {  	_ =	swait.ge [sflag:s12], $0xA00  }
0xec: {  	[sflag:s12] =	ssyncset.done $0x0  }
0xed: {  	[sflag:s12] =	ssyncadd.s32 $0xFFFFF600  }
0xee: {  	_ =	sfence.sel $0x180000  }
0xef: {  	[bflag:$0x0] =	sbarrier.arrive $0xFFFF  }
0xf0: {  	_ =	strace $0x9000004A  }
0xf1: {  	s0 =	stileid.u32;
	[bflag:$0x2] =	sbarrier.arrive $0xFFFF  }
0xf2: {  	p0 =	sne.s32 s0, $0x0;
	s0 =	rddreg [dreg:$0x2]  }
0xf3: {  	s0 =	sadd.s32 @!p0 $0x100000, s0  }
0xf4: {  	[sflag:s0] =	ssyncadd.tile.s32 @!p0 $0x1;
	_ =	shalt  }
.Lfunc_end2:
_tile_overlayer_lowered:
.L_overlay_start_2:
0xf5: {  	(tag) =	ssettag $0x2  }
0xf6: {  	s0 =	rddreg [dreg:$0x0];
	s2 =	stileid.u32  }
0xf7: {  	s1 =	rddreg [dreg:$0x1];
	p0 =	sne.s32 s2, $0x0  }
0xf8: {  	s3 =	rddreg [dreg:$0x2];
	[bflag:$0x3] =	sbarrier.arrive $0xFFFF;
	s2 =	simm.s32 @!p0 $0x1C09  }
0xf9: {  	[timem:s3], [sflag:s2] =	dma.local @!p0 [hbm:s0], s1  }
0xfa: {  	s0 =	simm.s32 @!p0 $0x9  }
0xfb: {  	_ =	swait.ge @!p0 [sflag:s0], s1  }
0xfc: {  	s1 =	ssub.s32 @!p0 $0x0, s1;
	[sflag:s0] =	ssyncset.done @!p0 $0x0  }
0xfd: {  	[sflag:s0] =	ssyncadd.s32 @!p0 s1  }
0xfe: {  	[bflag:$0x3] =	sbarrier.arrive $0xFFFF  }
0xff: {  	_ =	shalt  }

// kernel: kernel.15.cloned.1.call-start
scs
__scs_entry_jumppad:
0x0: {  	(pc) =	sbr.rel $0x88, $3  }
0x1: {  	(tag) =	ssettag $0x0;
	lr =	simm.s32 $0x1  }
0x2: {  	[smem:$0x3F8E] =	sst lr;
	_ =	strace $0xD0000000  }
0x3: {  	_ = 	snop  }
0x4: {  	_ = 	snop  }
0x5: {  	_ = 	snop  }
0x6: {  	_ = 	snop  }
0x7: {  	_ = 	snop  }
__scs_overlays_trampoline_lowered:
0x8: {  	[smem:$0x3F9D] =	sst s0  }
0x9: {  	[smem:$0x3F9E] =	sst s1  }
0xa: {  	[smem:$0x3F9F] =	sst s2  }
0xb: {  	[smem:$0x3FA0] =	sst s3  }
0xc: {  	[smem:$0x3FA1] =	sst s4  }
0xd: {  	[smem:$0x3FA2] =	sst s5  }
0xe: {  	[smem:$0x3FA3] =	sst s6  }
0xf: {  	[smem:$0x3FA4] =	sst s7  }
0x10: {  	[smem:$0x3FA5] =	sst s8  }
0x11: {  	[smem:$0x3FA6] =	sst s9;
	s0 =	simm.s32 @!p0 $0x0  }
0x12: {  	s1 =	sld [smem:$0x3F8C];
	s0 =	simm.s32 @p0 $0x1  }
0x13: {  	[smem:$0x3FA7] =	sst s0;
	s0 =	simm.s32 @!p1 $0x0  }
0x14: {  	s2 =	sld [smem:$0x3F8B];
	s0 =	simm.s32 @p1 $0x1  }
0x15: {  	[smem:$0x3FA8] =	sst s0;
	s0 =	simm.s32 @!p2 $0x0  }
0x16: {  	s3 =	sld [smem:$0x3FDB];
	s0 =	simm.s32 @p2 $0x1  }
0x17: {  	s4 =	simm.s32 $0x1BF5;
	[smem:$0x3FAA] =	sst s0  }
0x18: {  	s0 =	sld [smem:$0x3F8D];
	_ =	swait.ge [sflag:s4], $0x0  }
0x19: {  	s7 =	sld [smem:$0x3F8E]  }
0x1a: {  	s8 =	sadd.s32 $0xFFFFE003, lr  }
0x1b: {  	s9 =	sadd.s32 $0xFFFFFEF7, lr;
	s5 =	simm.s32 $0xFFFFFFFF;
	p2 =	slt.u32 s8, $0xFFFFF086  }
0x1c: {  	p1 =	slt.u32 s9, $0xF7A;
	s5 =	simm.s32 @!p2 $0x0  }
0x1d: {  	s5 =	simm.s32 @p1 $0x1;
	p0 =	seq.s32 s7, s2  }
0x1e: {  	s7 =	smul.u32 @!p0 $0xF7A, s2;
	p2 =	seq.s32 @!p0 s5, $0x0  }
0x1f: {  	s9 =	smul.u32 $0xF7A, s1;
	s8 =	simm.s32 @!p0 $0x1BF5;
	p2 =	por !p2, p0  }
0x20: {  	[sflag:s8] =	ssyncset.s32 @!p0 $0xFFFFF086;
	s6 =	sadd.s32 @!p0 s3, s7;
	s7 =	simm.s32 @!p0 $0x108  }
0x21: {  	s3 =	sadd.s32 s3, s9;
	s6 =	sadd.s32 @!p0 $0x88, s6;
	s7 =	simm.s32 @p2 $0x1082  }
0x22: {  	[simem:s7], [sflag:s8] =	dma.local @!p0 [hbm:s6], $0xF7A  }
0x23: {  	s9 =	sor.u32 $0xD0000000, s2;
	s6 =	simm.s32 $0x108;
	_ =	swait.ge @!p0 [sflag:s8], $0x0  }
0x24: {  	s3 =	sadd.s32 $0x88, s3;
	s6 =	simm.s32 @!p1 $0x1082;
	[sflag:s4] =	ssyncset.s32 $0xFFFFF086  }
0x25: {  	[simem:s6], [sflag:s4] =	dma.local [hbm:s3], $0xF7A  }
0x26: {  	[smem:$0x3F8E] =	sst s1;
	(tag) =	ssettag s2;
	_ =	strace s9  }
0x27: {  	s1 =	sld [smem:$0x3F9E]  }
0x28: {  	s2 =	sld [smem:$0x3F9F]  }
0x29: {  	s4 =	sld [smem:$0x3FA1]  }
0x2a: {  	p0 =	seq.s32 s5, $0x0;
	s5 =	sld [smem:$0x3FA2]  }
0x2b: {  	s6 =	sld [smem:$0x3FA3]  }
0x2c: {  	s7 =	sld [smem:$0x3FA4]  }
0x2d: {  	s3 =	simm.s32 $0x108;
	s8 =	sld [smem:$0x3FA5]  }
0x2e: {  	s3 =	simm.s32 @!p0 $0x1082;
	s9 =	sld [smem:$0x3FA6]  }
0x2f: {  	lr =	sadd.s32 s0, s3;
	s0 =	sld [smem:$0x3F9D]  }
0x30: {  	s3 =	sld [smem:$0x3FA0]  }
0x31: {  	[smem:$0x3FA9] =	sst s10  }
0x32: {  	s10 =	sld [smem:$0x3FA7];
	_ =	sdelay $0x3  }
0x33: {  	p0 =	seq.s32 s10, $0x1;
	s10 =	sld [smem:$0x3FA9];
	_ =	sdelay $0x3  }
0x34: {  	[smem:$0x3FA9] =	sst s10  }
0x35: {  	s10 =	sld [smem:$0x3FA8];
	_ =	sdelay $0x3  }
0x36: {  	p1 =	seq.s32 s10, $0x1;
	s10 =	sld [smem:$0x3FA9];
	_ =	sdelay $0x3  }
0x37: {  	[smem:$0x3FA9] =	sst s10  }
0x38: {  	s10 =	sld [smem:$0x3FAA]  }
0x39: {  	_ = 	snop;
	(pc) =	sbr.ind lr, $3  }
0x3a: {  	_ = 	snop  }
0x3b: {  	_ = 	snop  }
0x3c: {  	p2 =	seq.s32 s10, $0x1;
	s10 =	sld [smem:$0x3FA9]  }
0x3d: {  	_ =	shalt  }
0x3e: {  	_ =	shalt  }
0x3f: {  	_ =	shalt  }
0x40: {  	_ =	shalt  }
0x41: {  	_ =	shalt  }
0x42: {  	_ =	shalt  }
0x43: {  	_ =	shalt  }
0x44: {  	_ =	shalt  }
0x45: {  	_ =	shalt  }
0x46: {  	_ =	shalt  }
0x47: {  	_ =	shalt  }
0x48: {  	_ =	shalt  }
0x49: {  	_ =	shalt  }
0x4a: {  	_ =	shalt  }
0x4b: {  	_ =	shalt  }
0x4c: {  	_ =	shalt  }
0x4d: {  	_ =	shalt  }
0x4e: {  	_ =	shalt  }
0x4f: {  	_ =	shalt  }
0x50: {  	_ =	shalt  }
0x51: {  	_ =	shalt  }
0x52: {  	_ =	shalt  }
0x53: {  	_ =	shalt  }
0x54: {  	_ =	shalt  }
0x55: {  	_ =	shalt  }
0x56: {  	_ =	shalt  }
0x57: {  	_ =	shalt  }
0x58: {  	_ =	shalt  }
0x59: {  	_ =	shalt  }
0x5a: {  	_ =	shalt  }
0x5b: {  	_ =	shalt  }
0x5c: {  	_ =	shalt  }
0x5d: {  	_ =	shalt  }
0x5e: {  	_ =	shalt  }
0x5f: {  	_ =	shalt  }
0x60: {  	_ =	shalt  }
0x61: {  	_ =	shalt  }
0x62: {  	_ =	shalt  }
0x63: {  	_ =	shalt  }
0x64: {  	_ =	shalt  }
0x65: {  	_ =	shalt  }
0x66: {  	_ =	shalt  }
0x67: {  	_ =	shalt  }
0x68: {  	_ =	shalt  }
0x69: {  	_ =	shalt  }
0x6a: {  	_ =	shalt  }
0x6b: {  	_ =	shalt  }
0x6c: {  	_ =	shalt  }
0x6d: {  	_ =	shalt  }
0x6e: {  	_ =	shalt  }
0x6f: {  	_ =	shalt  }
0x70: {  	_ =	shalt  }
0x71: {  	_ =	shalt  }
0x72: {  	_ =	shalt  }
0x73: {  	_ =	shalt  }
0x74: {  	_ =	shalt  }
0x75: {  	_ =	shalt  }
0x76: {  	_ =	shalt  }
0x77: {  	_ =	shalt  }
0x78: {  	_ =	shalt  }
0x79: {  	_ =	shalt  }
0x7a: {  	_ =	shalt  }
0x7b: {  	_ =	shalt  }
0x7c: {  	_ =	shalt  }
0x7d: {  	_ =	shalt  }
0x7e: {  	_ =	shalt  }
0x7f: {  	_ =	shalt  }
0x80: {  	_ =	shalt  }
0x81: {  	_ =	shalt  }
0x82: {  	_ =	shalt  }
0x83: {  	_ =	shalt  }
0x84: {  	_ =	shalt  }
0x85: {  	_ =	shalt  }
0x86: {  	_ =	shalt  }
0x87: {  	_ =	shalt  }
.Lfunc_end0:
.L_simem_size_0:
called_computation.2_lowered:
.L_overlay_start_0:
0x88: {  	s2 =	sld [smem:$0x3FD9]  }
0x89: {  	s3 =	sld [smem:$0x3FFE];
	_ =	sdelay $0x1  }
0x8a: {  	s1 =	srdreg.scid  }
0x8b: {  	s0 =	sand.u32 $0x1, s1  }
0x8c: {  	s16 =	sshll.u32 s0, $0xA;
	s2 =	sadd.s32 s3, s2  }
0x8d: {  	s2 =	sadd.s32 s2, s16  }
0x8e: {  	[smem:$0x3FB5] =	sst s2  }
0x8f: {  	_ = 	snop  }
0x90: {  	(tm) =	ssettm $0x1  }
0x91: {  	s17 =	sld [smem:$0x3FFB];
	_ =	sdelay $0x3  }
0x92: {  	_ =	strace s17  }
0x93: {  	s2 =	sld [smem:$0x3FFC];
	_ =	sdelay $0x3  }
0x94: {  	_ =	strace s2  }
0x95: {  	s2 =	sld [smem:$0x3FFD];
	_ =	sdelay $0x3  }
0x96: {  	_ =	strace s2  }
0x97: {  	_ =	strace $0x8FFFFFFF  }
0x98: {  	s18 =	sld [smem:$0x3FDB];
	_ =	sdelay $0x1  }
0x99: {  	s19 =	simm.s32 $_scs_section_size  }
0x9a: {  	s4 =	simm.s32 $_size__tile_overlayer_lowered;
	s5 =	simm.s32 $_tile_overlayer_lowered  }
0x9b: {  	s22 =	simm.s32 $0x1BFF;
	s21 =	sshll.u32 s5, $0x1;
	s2 =	sadd.s32 s19, s18  }
0x9c: {  	s6 =	simm.s32 $0x0;
	s20 =	sshll.u32 s4, $0x1;
	s4 =	sadd.s32 s21, s2  }
0x9d: {  	[timem:s6], [sflag:s22] =	dma.local [hbm:s4], s20  }
0x9e: {  	_ =	swait.ge [sflag:s22], s20  }
0x9f: {  	s3 =	ssub.s32 $0x0, s20;
	[sflag:s22] =	ssyncset.done $0x0  }
0xa0: {  	[sflag:s22] =	ssyncadd.s32 s3;
	_ =	sdelay $0x1  }
0xa1: {  	s23 =	simm.s32 $0x1B8B  }
0xa2: {  	_ =	swait.ge [sflag:s23], $0x1  }
0xa3: {  	[sflag:s23] =	ssyncset.done $0x0  }
0xa4: {  	s25 =	simm.s32 $0x1B8E;
	s24 =	sld [smem:$0x3FFE];
	[sflag:s23] =	ssyncadd.s32 $0xFFFFFFFF  }
0xa5: {  	s26 =	simm.s32 $execute0_lowered;
	[smem:$0x3FD2] =	sst s25  }
0xa6: {  	s4 =	sshll.u32 s26, $0x1;
	_ =	strace $0x8000004C;
	[dreg:$0x1] =	wrdreg $0xFFFFFFFF  }
0xa7: {  	s28 =	simm.s32 $_size_execute0_lowered;
	s2 =	sadd.s32 s2, s4;
	[dreg:$0x0] =	wrdreg $0x0  }
0xa8: {  	s4 =	sshll.u32 s28, $0x1;
	[dreg:$0x2] =	wrdreg s2  }
0xa9: {  	[dreg:$0x3] =	wrdreg s4  }
0xaa: {  	[dreg:$0x4] =	wrdreg $0xC0  }
0xab: {  	_ =	task [dreg:s6], $0x5FFFF  }
0xac: {  	[dreg:$0x1] =	wrdreg $0xFFFFFFFF  }
0xad: {  	[dreg:$0x0] =	wrdreg $0x60  }
0xae: {  	[dreg:$0x2] =	wrdreg s24  }
0xaf: {  	[dreg:$0x3] =	wrdreg $0xCD000  }
0xb0: {  	[dreg:$0x4] =	wrdreg $0x9  }
0xb1: {  	_ =	task.clear_ibuf [dreg:s6], $0x5FFFF;
	_ =	strace $0x9000004C  }
0xb2: {  	s29 =	simm.s32 $0x9;
	_ =	strace $0x8000004E  }
0xb3: {  	_ =	swait.ge [sflag:s29], $0x1  }
0xb4: {  	[sflag:s29] =	ssyncadd.s32 $0xFFFFFFFF  }
0xb5: {  	_ =	strace $0x9000004E  }
0xb6: {  	_ =	sfence  }
0xb7: {  	s30 =	sld [smem:$0x0];
	_ =	sdelay $0x2  }
0xb8: {  	s31 =	sshll.u32 s1, $0xD;
	s1 =	sshrl.u32 s1, $0x2  }
0xb9: {  	s3 =	sand.u32 $0x4000, s31;
	s1 =	sadd.s32 s1, s30  }
0xba: {  	s0 =	sor.u32 s3, s0;
	s1 =	sshll.u32 s1, $0x11  }
0xbb: {  	s0 =	sor.u32 s1, s0  }
0xbc: {  	s0 =	sadd.s32 $0x8F2B, s0  }
0xbd: {  	[sflag:s0] =	ssyncadd.remote.s32 $0x1  }
0xbe: {  	_ =	sfence.sel $0xFFFF  }
0xbf: {  	[dreg:$0x0] =	wrdreg $0xFFFFFFFF;
	(pc) =	sbr.abs _section_cstart, $3  }
0xc0: {  	[dreg:$0x1] =	wrdreg $0xFFFFFFFF  }
0xc1: {  	_ =	task.clear_ibuf [dreg:s6], $0x2FFFF;
	_ =	strace $0x9FFFFFFF  }
0xc2: {  	(tm) =	ssettm $0x7FFFFFFF  }
0xc3: {  	_ =	shalt  }
tec
execute0_lowered:
.L_overlay_start_1:
0x0: {  	(tag) =	ssettag $0x1  }
0x1: {  	s0 =	srdreg.scid;
	s5 =	rddreg [dreg:$0x0]  }
0x2: {  	s10 =	stileid.u32;
	s2 =	rddreg [dreg:$0x1]  }
0x3: {  	s3 =	simm.s32 $0x0;
	s12 =	simm.s32 $0x9;
	s14 =	simm.s32 $0x7D  }
0x4: {  	s15 =	simm.s32 $0x5000;
	s17 =	simm.s32 $0x5FA0;
	s19 =	simm.s32 $0x6F40  }
0x5: {  	s21 =	simm.s32 $0x7EE0;
	s23 =	simm.s32 $0x8E80;
	s28 =	simm.s32 $0xADC0  }
0x6: {  	s30 =	simm.s32 $0xBD60;
	s31 =	simm.s32 $0x1;
	s13 =	simm.s32 $0x4  }
0x7: {  	s16 =	simm.s32 $0x5;
	s18 =	simm.s32 $0x6;
	s20 =	simm.s32 $0x7  }
0x8: {  	s22 =	simm.s32 $0x8;
	s29 =	simm.s32 $0x0;
	s0 =	sand.u32 $0x1, s0  }
0x9: {  	s1 =	sshll.u32 s10, $0x1;
	s6 =	smul.u32 $0x5000, s10;
	[smem:$0x7FF] =	sst s3  }
0xa: {  	s4 =	sadd.s32 $0x18000, s5;
	s25 =	sshll.u32 s10, $0x6;
	s1 =	sor.u32 s0, s1  }
0xb: {  	s7 =	smul.u32 $0x50000, s0;
	_ =	strace $0x8000004D;
	s0 =	ssub.s32 $0x2, s0  }
0xc: {  	s1 =	smul.u32 $0x500, s1;
	s8 =	sshrl.u32 s6, $0x3;
	s24 =	sshrl.u32 s0, $0x1  }
0xd: {  	s11 =	sadd.s32 s6, s2;
	s7 =	sadd.s32 s6, s7;
	s8 =	sadd.s32 s8, s5  }
0xe: {  	s0 =	ssub.s32 s0, s24;
	s6 =	sor.u32 $0x1C09, s25;
	s11 =	sshrl.u32 s11, $0x3  }
0xf: {  	s25 =	simm.s32 $0x9E20;
	s1 =	sadd.s32 s1, s5;
	s7 =	sshrl.u32 s7, $0x3  }
0x10: {  	s26 =	sadd.s32 $0x4A000, s8;
	s10 =	smax.u32 s0, $0x1;
	s0 =	simm.s32 $0x3  }
0x11: {  	s9 =	sadd.s32 s7, s5;
	[dreg:$0x3] =	wrdreg s26;
	s7 =	sadd.s32 $0x4000, s1  }
0x12: {  	s8 =	sadd.s32 $0xE000, s1;
	s1 =	simm.s32 $0x2;
	s9 =	sadd.s32 $0x54000, s9  }
.LBB2_1:
0x13: {  	s5 =	rddreg [dreg:$0x3]  }
0x14: {  	[spmem:s11], [sflag:s6] =	dma.local [hbm:s5], $0xA00  }
0x15: {  	_ =	swait.ge [sflag:s12], $0xA00  }
0x16: {  	[sflag:s12] =	ssyncset.done $0x0  }
0x17: {  	[sflag:s12] =	ssyncadd.s32 $0xFFFFF600  }
0x18: {  	[tilespmem:s3], [sflag:$0x9] =	stream.linear.gather [hbm4b:s7+s3], $0x2800, $0x38;
	[tilespmem:$0x11D00] =	vst v63  }
0x19: {  	_ =	swait.ge [sflag:s12], $0x2800  }
0x1a: {  	[sflag:s12] =	ssyncset.done $0x0  }
0x1b: {  	s24 =	simm.s32 $0x2800;
	[sflag:s12] =	ssyncadd.s32 $0xFFFFD800  }
0x1c: {  	[tilespmem:s24], [sflag:$0x9] =	stream.linear.gather [hbm4b:s8+s3], $0x2800, $0x38;
	[tilespmem:$0x11D00] =	vst v63  }
0x1d: {  	_ =	swait.ge [sflag:s12], $0x2800  }
0x1e: {  	[sflag:s12] =	ssyncset.done $0x0  }
0x1f: {  	[sflag:s12] =	ssyncadd.s32 $0xFFFFD800  }
0x20: {  	[bflag:$0x0] =	sbarrier.arrive $0xFFFF  }
0x21: {  	[tilespmem:s15], [sflag:$0x1] =	stream.indirect.gather [hbm4b:s4+s14], $0x20, s3, s14, $0xb8;
	[tilespmem:$0x11D00] =	vst v63  }
0x22: {  	s26 =	simm.s32 $0x80  }
0x23: {  	[tilespmem:s17], [sflag:$0x2] =	stream.indirect.gather [hbm4b:s4+s14], $0x20, s26, s14, $0xb8;
	[tilespmem:$0x11D00] =	vst v63  }
0x24: {  	s24 =	simm.s32 $0x100  }
0x25: {  	[tilespmem:s19], [sflag:$0x3] =	stream.indirect.gather [hbm4b:s4+s14], $0x20, s24, s14, $0xb8;
	[tilespmem:$0x11D00] =	vst v63  }
0x26: {  	s26 =	simm.s32 $0x180  }
0x27: {  	[tilespmem:s21], [sflag:$0x4] =	stream.indirect.gather [hbm4b:s4+s14], $0x20, s26, s14, $0xb8;
	[tilespmem:$0x11D00] =	vst v63  }
0x28: {  	s24 =	simm.s32 $0x200  }
0x29: {  	[tilespmem:s23], [sflag:$0x5] =	stream.indirect.gather [hbm4b:s4+s14], $0x20, s24, s14, $0xb8;
	[tilespmem:$0x11D00] =	vst v63  }
0x2a: {  	s26 =	simm.s32 $0x280  }
0x2b: {  	[tilespmem:s25], [sflag:$0x6] =	stream.indirect.gather [hbm4b:s4+s14], $0x20, s26, s14, $0xb8;
	[tilespmem:$0x11D00] =	vst v63  }
0x2c: {  	s24 =	simm.s32 $0x300  }
0x2d: {  	[tilespmem:s28], [sflag:$0x7] =	stream.indirect.gather [hbm4b:s4+s14], $0x20, s24, s14, $0xb8;
	[tilespmem:$0x11D00] =	vst v63  }
0x2e: {  	s26 =	simm.s32 $0x380  }
0x2f: {  	[tilespmem:s30], [sflag:$0x8] =	stream.indirect.gather [hbm4b:s4+s14], $0x20, s26, s14, $0xb8;
	[tilespmem:$0x11D00] =	vst v63  }
0x30: {  	_ =	swait.ge [sflag:s31], $0xFA0  }
0x31: {  	[sflag:s31] =	ssyncset.done $0x0  }
0x32: {  	s24 =	simm.s32 $0x2800;
	[sflag:s31] =	ssyncadd.s32 $0xFFFFF060  }
0x33: {  	[spmem:s2] =	stream.indirect.scatter.add.f32 [tilespmem:s15], [sflag:$0x9], $0x20, s24, s14, $0xb8;
	[tilespmem:$0x11D00] =	vst v63  }
0x34: {  	_ =	swait.ge [sflag:s12], $0xFA0  }
0x35: {  	[sflag:s12] =	ssyncset.done $0x0  }
0x36: {  	s5 =	simm.s32 $0x400;
	[sflag:s12] =	ssyncadd.s32 $0xFFFFF060  }
0x37: {  	[tilespmem:s15], [sflag:$0x1] =	stream.indirect.gather [hbm4b:s4+s14], $0x20, s5, s14, $0xb8;
	[tilespmem:$0x11D00] =	vst v63  }
0x38: {  	_ =	swait.ge [sflag:s1], $0xFA0  }
0x39: {  	[sflag:s1] =	ssyncset.done $0x0  }
0x3a: {  	s26 =	simm.s32 $0x2880;
	[sflag:s1] =	ssyncadd.s32 $0xFFFFF060  }
0x3b: {  	[spmem:s2] =	stream.indirect.scatter.add.f32 [tilespmem:s17], [sflag:$0x9], $0x20, s26, s14, $0xb8;
	[tilespmem:$0x11D00] =	vst v63  }
0x3c: {  	_ =	swait.ge [sflag:s12], $0xFA0  }
0x3d: {  	[sflag:s12] =	ssyncset.done $0x0  }
0x3e: {  	s5 =	simm.s32 $0x480;
	[sflag:s12] =	ssyncadd.s32 $0xFFFFF060  }
0x3f: {  	[tilespmem:s17], [sflag:$0x2] =	stream.indirect.gather [hbm4b:s4+s14], $0x20, s5, s14, $0xb8;
	[tilespmem:$0x11D00] =	vst v63  }
0x40: {  	_ =	swait.ge [sflag:s0], $0xFA0  }
0x41: {  	[sflag:s0] =	ssyncset.done $0x0  }
0x42: {  	s26 =	simm.s32 $0x2900;
	[sflag:s0] =	ssyncadd.s32 $0xFFFFF060  }
0x43: {  	[spmem:s2] =	stream.indirect.scatter.add.f32 [tilespmem:s19], [sflag:$0x9], $0x20, s26, s14, $0xb8;
	[tilespmem:$0x11D00] =	vst v63  }
0x44: {  	_ =	swait.ge [sflag:s12], $0xFA0  }
0x45: {  	[sflag:s12] =	ssyncset.done $0x0  }
0x46: {  	s5 =	simm.s32 $0x500;
	[sflag:s12] =	ssyncadd.s32 $0xFFFFF060  }
0x47: {  	[tilespmem:s19], [sflag:$0x3] =	stream.indirect.gather [hbm4b:s4+s14], $0x20, s5, s14, $0xb8;
	[tilespmem:$0x11D00] =	vst v63  }
0x48: {  	_ =	swait.ge [sflag:s13], $0xFA0  }
0x49: {  	[sflag:s13] =	ssyncset.done $0x0  }
0x4a: {  	s26 =	simm.s32 $0x2980;
	[sflag:s13] =	ssyncadd.s32 $0xFFFFF060  }
0x4b: {  	[spmem:s2] =	stream.indirect.scatter.add.f32 [tilespmem:s21], [sflag:$0x9], $0x20, s26, s14, $0xb8;
	[tilespmem:$0x11D00] =	vst v63  }
0x4c: {  	_ =	swait.ge [sflag:s12], $0xFA0  }
0x4d: {  	[sflag:s12] =	ssyncset.done $0x0  }
0x4e: {  	s5 =	simm.s32 $0x580;
	[sflag:s12] =	ssyncadd.s32 $0xFFFFF060  }
0x4f: {  	[tilespmem:s21], [sflag:$0x4] =	stream.indirect.gather [hbm4b:s4+s14], $0x20, s5, s14, $0xb8;
	[tilespmem:$0x11D00] =	vst v63  }
0x50: {  	_ =	swait.ge [sflag:s16], $0xFA0  }
0x51: {  	[sflag:s16] =	ssyncset.done $0x0  }
0x52: {  	s26 =	simm.s32 $0x2A00;
	[sflag:s16] =	ssyncadd.s32 $0xFFFFF060  }
0x53: {  	[spmem:s2] =	stream.indirect.scatter.add.f32 [tilespmem:s23], [sflag:$0x9], $0x20, s26, s14, $0xb8;
	[tilespmem:$0x11D00] =	vst v63  }
0x54: {  	_ =	swait.ge [sflag:s12], $0xFA0  }
0x55: {  	[sflag:s12] =	ssyncset.done $0x0  }
0x56: {  	s5 =	simm.s32 $0x600;
	[sflag:s12] =	ssyncadd.s32 $0xFFFFF060  }
0x57: {  	[tilespmem:s23], [sflag:$0x5] =	stream.indirect.gather [hbm4b:s4+s14], $0x20, s5, s14, $0xb8;
	[tilespmem:$0x11D00] =	vst v63  }
0x58: {  	_ =	swait.ge [sflag:s18], $0xFA0  }
0x59: {  	[sflag:s18] =	ssyncset.done $0x0  }
0x5a: {  	s26 =	simm.s32 $0x2A80;
	[sflag:s18] =	ssyncadd.s32 $0xFFFFF060  }
0x5b: {  	[spmem:s2] =	stream.indirect.scatter.add.f32 [tilespmem:s25], [sflag:$0x9], $0x20, s26, s14, $0xb8;
	[tilespmem:$0x11D00] =	vst v63  }
0x5c: {  	_ =	swait.ge [sflag:s12], $0xFA0  }
0x5d: {  	[sflag:s12] =	ssyncset.done $0x0  }
0x5e: {  	s5 =	simm.s32 $0x680;
	[sflag:s12] =	ssyncadd.s32 $0xFFFFF060  }
0x5f: {  	[tilespmem:s25], [sflag:$0x6] =	stream.indirect.gather [hbm4b:s4+s14], $0x20, s5, s14, $0xb8;
	[tilespmem:$0x11D00] =	vst v63  }
0x60: {  	_ =	swait.ge [sflag:s20], $0xFA0  }
0x61: {  	[sflag:s20] =	ssyncset.done $0x0  }
0x62: {  	s26 =	simm.s32 $0x2B00;
	[sflag:s20] =	ssyncadd.s32 $0xFFFFF060  }
0x63: {  	[spmem:s2] =	stream.indirect.scatter.add.f32 [tilespmem:s28], [sflag:$0x9], $0x20, s26, s14, $0xb8;
	[tilespmem:$0x11D00] =	vst v63  }
0x64: {  	_ =	swait.ge [sflag:s12], $0xFA0  }
0x65: {  	[sflag:s12] =	ssyncset.done $0x0  }
0x66: {  	s5 =	simm.s32 $0x700;
	[sflag:s12] =	ssyncadd.s32 $0xFFFFF060  }
0x67: {  	[tilespmem:s28], [sflag:$0x7] =	stream.indirect.gather [hbm4b:s4+s14], $0x20, s5, s14, $0xb8;
	[tilespmem:$0x11D00] =	vst v63  }
0x68: {  	_ =	swait.ge [sflag:s22], $0xFA0  }
0x69: {  	[sflag:s22] =	ssyncset.done $0x0  }
0x6a: {  	s26 =	simm.s32 $0x2B80;
	[sflag:s22] =	ssyncadd.s32 $0xFFFFF060  }
0x6b: {  	[spmem:s2] =	stream.indirect.scatter.add.f32 [tilespmem:s30], [sflag:$0x9], $0x20, s26, s14, $0xb8;
	[tilespmem:$0x11D00] =	vst v63  }
0x6c: {  	_ =	swait.ge [sflag:s12], $0xFA0  }
0x6d: {  	[sflag:s12] =	ssyncset.done $0x0  }
0x6e: {  	s24 =	simm.s32 $0x1000;
	s26 =	simm.s32 $0x780;
	[sflag:s12] =	ssyncadd.s32 $0xFFFFF060  }
.LBB2_2:
0x6f: {  	[tilespmem:s30], [sflag:$0x8] =	stream.indirect.gather [hbm4b:s4+s14], $0x20, s26, s14, $0xb8;
	[tilespmem:$0x11D00] =	vst v63  }
0x70: {  	s26 =	smov.u32 s24  }
0x71: {  	p0 =	sne.s32 s24, $0x8000;
	s24 =	sadd.s32 $0x1000, s24;
	_ =	swait.ge [sflag:s31], $0xFA0  }
0x72: {  	s26 =	sshra.s32 s26, $0x2;
	[sflag:s31] =	ssyncset.done $0x0  }
0x73: {  	s5 =	sadd.s32 $0x2800, s26;
	[sflag:s31] =	ssyncadd.s32 $0xFFFFF060  }
0x74: {  	[spmem:s2] =	stream.indirect.scatter.add.f32 [tilespmem:s15], [sflag:$0x9], $0x20, s5, s14, $0xb8;
	[tilespmem:$0x11D00] =	vst v63  }
0x75: {  	_ =	swait.ge [sflag:s12], $0xFA0  }
0x76: {  	[sflag:s12] =	ssyncset.done $0x0  }
0x77: {  	s5 =	sadd.s32 $0x400, s26;
	[sflag:s12] =	ssyncadd.s32 $0xFFFFF060  }
0x78: {  	[tilespmem:s15], [sflag:$0x1] =	stream.indirect.gather [hbm4b:s4+s14], $0x20, s5, s14, $0xb8;
	[tilespmem:$0x11D00] =	vst v63  }
0x79: {  	_ =	swait.ge [sflag:s1], $0xFA0  }
0x7a: {  	[sflag:s1] =	ssyncset.done $0x0  }
0x7b: {  	s5 =	sadd.s32 $0x2880, s26;
	[sflag:s1] =	ssyncadd.s32 $0xFFFFF060  }
0x7c: {  	[spmem:s2] =	stream.indirect.scatter.add.f32 [tilespmem:s17], [sflag:$0x9], $0x20, s5, s14, $0xb8;
	[tilespmem:$0x11D00] =	vst v63  }
0x7d: {  	_ =	swait.ge [sflag:s12], $0xFA0  }
0x7e: {  	[sflag:s12] =	ssyncset.done $0x0  }
0x7f: {  	s5 =	sadd.s32 $0x480, s26;
	[sflag:s12] =	ssyncadd.s32 $0xFFFFF060  }
0x80: {  	[tilespmem:s17], [sflag:$0x2] =	stream.indirect.gather [hbm4b:s4+s14], $0x20, s5, s14, $0xb8;
	[tilespmem:$0x11D00] =	vst v63  }
0x81: {  	_ =	swait.ge [sflag:s0], $0xFA0  }
0x82: {  	[sflag:s0] =	ssyncset.done $0x0  }
0x83: {  	s5 =	sadd.s32 $0x2900, s26;
	[sflag:s0] =	ssyncadd.s32 $0xFFFFF060  }
0x84: {  	[spmem:s2] =	stream.indirect.scatter.add.f32 [tilespmem:s19], [sflag:$0x9], $0x20, s5, s14, $0xb8;
	[tilespmem:$0x11D00] =	vst v63  }
0x85: {  	_ =	swait.ge [sflag:s12], $0xFA0  }
0x86: {  	[sflag:s12] =	ssyncset.done $0x0  }
0x87: {  	s5 =	sadd.s32 $0x500, s26;
	[sflag:s12] =	ssyncadd.s32 $0xFFFFF060  }
0x88: {  	[tilespmem:s19], [sflag:$0x3] =	stream.indirect.gather [hbm4b:s4+s14], $0x20, s5, s14, $0xb8;
	[tilespmem:$0x11D00] =	vst v63  }
0x89: {  	_ =	swait.ge [sflag:s13], $0xFA0  }
0x8a: {  	[sflag:s13] =	ssyncset.done $0x0  }
0x8b: {  	s5 =	sadd.s32 $0x2980, s26;
	[sflag:s13] =	ssyncadd.s32 $0xFFFFF060  }
0x8c: {  	[spmem:s2] =	stream.indirect.scatter.add.f32 [tilespmem:s21], [sflag:$0x9], $0x20, s5, s14, $0xb8;
	[tilespmem:$0x11D00] =	vst v63  }
0x8d: {  	_ =	swait.ge [sflag:s12], $0xFA0  }
0x8e: {  	[sflag:s12] =	ssyncset.done $0x0  }
0x8f: {  	s5 =	sadd.s32 $0x580, s26;
	[sflag:s12] =	ssyncadd.s32 $0xFFFFF060  }
0x90: {  	[tilespmem:s21], [sflag:$0x4] =	stream.indirect.gather [hbm4b:s4+s14], $0x20, s5, s14, $0xb8;
	[tilespmem:$0x11D00] =	vst v63  }
0x91: {  	_ =	swait.ge [sflag:s16], $0xFA0  }
0x92: {  	[sflag:s16] =	ssyncset.done $0x0  }
0x93: {  	s5 =	sadd.s32 $0x2A00, s26;
	[sflag:s16] =	ssyncadd.s32 $0xFFFFF060  }
0x94: {  	[spmem:s2] =	stream.indirect.scatter.add.f32 [tilespmem:s23], [sflag:$0x9], $0x20, s5, s14, $0xb8;
	[tilespmem:$0x11D00] =	vst v63  }
0x95: {  	_ =	swait.ge [sflag:s12], $0xFA0  }
0x96: {  	[sflag:s12] =	ssyncset.done $0x0  }
0x97: {  	s5 =	sadd.s32 $0x600, s26;
	[sflag:s12] =	ssyncadd.s32 $0xFFFFF060  }
0x98: {  	[tilespmem:s23], [sflag:$0x5] =	stream.indirect.gather [hbm4b:s4+s14], $0x20, s5, s14, $0xb8;
	[tilespmem:$0x11D00] =	vst v63  }
0x99: {  	_ =	swait.ge [sflag:s18], $0xFA0  }
0x9a: {  	[sflag:s18] =	ssyncset.done $0x0  }
0x9b: {  	s5 =	sadd.s32 $0x2A80, s26;
	[sflag:s18] =	ssyncadd.s32 $0xFFFFF060  }
0x9c: {  	[spmem:s2] =	stream.indirect.scatter.add.f32 [tilespmem:s25], [sflag:$0x9], $0x20, s5, s14, $0xb8;
	[tilespmem:$0x11D00] =	vst v63  }
0x9d: {  	_ =	swait.ge [sflag:s12], $0xFA0  }
0x9e: {  	[sflag:s12] =	ssyncset.done $0x0  }
0x9f: {  	s5 =	sadd.s32 $0x680, s26;
	[sflag:s12] =	ssyncadd.s32 $0xFFFFF060  }
0xa0: {  	[tilespmem:s25], [sflag:$0x6] =	stream.indirect.gather [hbm4b:s4+s14], $0x20, s5, s14, $0xb8;
	[tilespmem:$0x11D00] =	vst v63  }
0xa1: {  	_ =	swait.ge [sflag:s20], $0xFA0  }
0xa2: {  	[sflag:s20] =	ssyncset.done $0x0  }
0xa3: {  	s5 =	sadd.s32 $0x2B00, s26;
	[sflag:s20] =	ssyncadd.s32 $0xFFFFF060  }
0xa4: {  	[spmem:s2] =	stream.indirect.scatter.add.f32 [tilespmem:s28], [sflag:$0x9], $0x20, s5, s14, $0xb8;
	[tilespmem:$0x11D00] =	vst v63  }
0xa5: {  	_ =	swait.ge [sflag:s12], $0xFA0  }
0xa6: {  	[sflag:s12] =	ssyncset.done $0x0  }
0xa7: {  	s5 =	sadd.s32 $0x700, s26;
	[sflag:s12] =	ssyncadd.s32 $0xFFFFF060  }
0xa8: {  	[tilespmem:s28], [sflag:$0x7] =	stream.indirect.gather [hbm4b:s4+s14], $0x20, s5, s14, $0xb8;
	[tilespmem:$0x11D00] =	vst v63  }
0xa9: {  	_ =	swait.ge [sflag:s22], $0xFA0  }
0xaa: {  	[sflag:s22] =	ssyncset.done $0x0  }
.Ltmp0:
0xab: {  	s5 =	sadd.s32 $0x2B80, s26;
	[sflag:s22] =	ssyncadd.s32 $0xFFFFF060;
	(pc) =	sbr.rel @p0 .LBB2_2-.Ltmp0, $4  }
0xac: {  	[spmem:s2] =	stream.indirect.scatter.add.f32 [tilespmem:s30], [sflag:$0x9], $0x20, s5, s14, $0xb8;
	[tilespmem:$0x11D00] =	vst v63  }
0xad: {  	_ =	swait.ge [sflag:s12], $0xFA0  }
0xae: {  	[sflag:s12] =	ssyncset.done $0x0  }
0xaf: {  	s26 =	sadd.s32 $0x780, s26;
	[sflag:s12] =	ssyncadd.s32 $0xFFFFF060  }
0xb0: {  	[tilespmem:s30], [sflag:$0x8] =	stream.indirect.gather [hbm4b:s4+s14], $0x20, s26, s14, $0xb8;
	[tilespmem:$0x11D00] =	vst v63  }
0xb1: {  	_ =	swait.ge [sflag:s31], $0xFA0  }
0xb2: {  	[sflag:s31] =	ssyncset.done $0x0  }
0xb3: {  	s5 =	simm.s32 $0x4C00;
	[sflag:s31] =	ssyncadd.s32 $0xFFFFF060  }
0xb4: {  	[spmem:s2] =	stream.indirect.scatter.add.f32 [tilespmem:s15], [sflag:$0x9], $0x20, s5, s14, $0xb8;
	[tilespmem:$0x11D00] =	vst v63  }
0xb5: {  	_ =	swait.ge [sflag:s12], $0xFA0  }
0xb6: {  	[sflag:s12] =	ssyncset.done $0x0  }
0xb7: {  	[sflag:s12] =	ssyncadd.s32 $0xFFFFF060  }
0xb8: {  	_ =	swait.ge [sflag:s1], $0xFA0  }
0xb9: {  	[sflag:s1] =	ssyncset.done $0x0  }
0xba: {  	s26 =	simm.s32 $0x4C80;
	[sflag:s1] =	ssyncadd.s32 $0xFFFFF060  }
0xbb: {  	[spmem:s2] =	stream.indirect.scatter.add.f32 [tilespmem:s17], [sflag:$0x9], $0x20, s26, s14, $0xb8;
	[tilespmem:$0x11D00] =	vst v63  }
0xbc: {  	_ =	swait.ge [sflag:s12], $0xFA0  }
0xbd: {  	[sflag:s12] =	ssyncset.done $0x0  }
0xbe: {  	[sflag:s12] =	ssyncadd.s32 $0xFFFFF060  }
0xbf: {  	_ =	swait.ge [sflag:s0], $0xFA0  }
0xc0: {  	[sflag:s0] =	ssyncset.done $0x0  }
0xc1: {  	s24 =	simm.s32 $0x4D00;
	[sflag:s0] =	ssyncadd.s32 $0xFFFFF060  }
0xc2: {  	[spmem:s2] =	stream.indirect.scatter.add.f32 [tilespmem:s19], [sflag:$0x9], $0x20, s24, s14, $0xb8;
	[tilespmem:$0x11D00] =	vst v63  }
0xc3: {  	_ =	swait.ge [sflag:s12], $0xFA0  }
0xc4: {  	[sflag:s12] =	ssyncset.done $0x0  }
0xc5: {  	[sflag:s12] =	ssyncadd.s32 $0xFFFFF060  }
0xc6: {  	_ =	swait.ge [sflag:s13], $0xFA0  }
0xc7: {  	[sflag:s13] =	ssyncset.done $0x0  }
0xc8: {  	s26 =	simm.s32 $0x4D80;
	[sflag:s13] =	ssyncadd.s32 $0xFFFFF060  }
0xc9: {  	[spmem:s2] =	stream.indirect.scatter.add.f32 [tilespmem:s21], [sflag:$0x9], $0x20, s26, s14, $0xb8;
	[tilespmem:$0x11D00] =	vst v63  }
0xca: {  	_ =	swait.ge [sflag:s12], $0xFA0  }
0xcb: {  	[sflag:s12] =	ssyncset.done $0x0  }
0xcc: {  	[sflag:s12] =	ssyncadd.s32 $0xFFFFF060  }
0xcd: {  	_ =	swait.ge [sflag:s16], $0xFA0  }
0xce: {  	[sflag:s16] =	ssyncset.done $0x0  }
0xcf: {  	s24 =	simm.s32 $0x4E00;
	[sflag:s16] =	ssyncadd.s32 $0xFFFFF060  }
0xd0: {  	[spmem:s2] =	stream.indirect.scatter.add.f32 [tilespmem:s23], [sflag:$0x9], $0x20, s24, s14, $0xb8;
	[tilespmem:$0x11D00] =	vst v63  }
0xd1: {  	_ =	swait.ge [sflag:s12], $0xFA0  }
0xd2: {  	[sflag:s12] =	ssyncset.done $0x0  }
0xd3: {  	[sflag:s12] =	ssyncadd.s32 $0xFFFFF060  }
0xd4: {  	_ =	swait.ge [sflag:s18], $0xFA0  }
0xd5: {  	[sflag:s18] =	ssyncset.done $0x0  }
0xd6: {  	s26 =	simm.s32 $0x4E80;
	[sflag:s18] =	ssyncadd.s32 $0xFFFFF060  }
0xd7: {  	[spmem:s2] =	stream.indirect.scatter.add.f32 [tilespmem:s25], [sflag:$0x9], $0x20, s26, s14, $0xb8;
	[tilespmem:$0x11D00] =	vst v63  }
0xd8: {  	_ =	swait.ge [sflag:s12], $0xFA0  }
0xd9: {  	[sflag:s12] =	ssyncset.done $0x0  }
0xda: {  	[sflag:s12] =	ssyncadd.s32 $0xFFFFF060  }
0xdb: {  	_ =	swait.ge [sflag:s20], $0xFA0  }
0xdc: {  	[sflag:s20] =	ssyncset.done $0x0  }
0xdd: {  	s24 =	simm.s32 $0x4F00;
	[sflag:s20] =	ssyncadd.s32 $0xFFFFF060  }
0xde: {  	[spmem:s2] =	stream.indirect.scatter.add.f32 [tilespmem:s28], [sflag:$0x9], $0x20, s24, s14, $0xb8;
	[tilespmem:$0x11D00] =	vst v63  }
0xdf: {  	_ =	swait.ge [sflag:s12], $0xFA0  }
0xe0: {  	[sflag:s12] =	ssyncset.done $0x0  }
0xe1: {  	[sflag:s12] =	ssyncadd.s32 $0xFFFFF060  }
0xe2: {  	_ =	swait.ge [sflag:s22], $0xFA0  }
0xe3: {  	[sflag:s22] =	ssyncset.done $0x0  }
0xe4: {  	s26 =	simm.s32 $0x4F80;
	[sflag:s22] =	ssyncadd.s32 $0xFFFFF060  }
0xe5: {  	[spmem:s2] =	stream.indirect.scatter.add.f32 [tilespmem:s30], [sflag:$0x9], $0x20, s26, s14, $0xb8;
	[tilespmem:$0x11D00] =	vst v63  }
0xe6: {  	_ =	swait.ge [sflag:s12], $0xFA0  }
0xe7: {  	s29 =	sadd.s32 $0x1, s29;
	[sflag:s12] =	ssyncset.done $0x0  }
0xe8: {  	p0 =	sne.s32 s29, s10;
	[sflag:s12] =	ssyncadd.s32 $0xFFFFF060  }
.Ltmp1:
0xe9: {  	[bflag:$0x0] =	sbarrier.arrive $0xFFFF;
	(pc) =	sbr.rel @p0 .LBB2_1-.Ltmp1, $4  }
0xea: {  	[hbm:s9], [sflag:s6] =	dma.local [spmem:s11], $0xA00  }
0xeb: {  	_ =	swait.ge [sflag:s12], $0xA00  }
0xec: {  	[sflag:s12] =	ssyncset.done $0x0  }
0xed: {  	[sflag:s12] =	ssyncadd.s32 $0xFFFFF600  }
0xee: {  	_ =	sfence.sel $0x180000  }
0xef: {  	[bflag:$0x0] =	sbarrier.arrive $0xFFFF  }
0xf0: {  	_ =	strace $0x9000004D  }
0xf1: {  	s0 =	stileid.u32;
	[bflag:$0x2] =	sbarrier.arrive $0xFFFF  }
0xf2: {  	p0 =	sne.s32 s0, $0x0;
	s0 =	rddreg [dreg:$0x2]  }
0xf3: {  	s0 =	sadd.s32 @!p0 $0x100000, s0  }
0xf4: {  	[sflag:s0] =	ssyncadd.tile.s32 @!p0 $0x1;
	_ =	shalt  }
.Lfunc_end2:
_tile_overlayer_lowered:
.L_overlay_start_2:
0xf5: {  	(tag) =	ssettag $0x2  }
0xf6: {  	s0 =	rddreg [dreg:$0x0];
	s2 =	stileid.u32  }
0xf7: {  	s1 =	rddreg [dreg:$0x1];
	p0 =	sne.s32 s2, $0x0  }
0xf8: {  	s3 =	rddreg [dreg:$0x2];
	[bflag:$0x3] =	sbarrier.arrive $0xFFFF;
	s2 =	simm.s32 @!p0 $0x1C09  }
0xf9: {  	[timem:s3], [sflag:s2] =	dma.local @!p0 [hbm:s0], s1  }
0xfa: {  	s0 =	simm.s32 @!p0 $0x9  }
0xfb: {  	_ =	swait.ge @!p0 [sflag:s0], s1  }
0xfc: {  	s1 =	ssub.s32 @!p0 $0x0, s1;
	[sflag:s0] =	ssyncset.done @!p0 $0x0  }
0xfd: {  	[sflag:s0] =	ssyncadd.s32 @!p0 s1  }
0xfe: {  	[bflag:$0x3] =	sbarrier.arrive $0xFFFF  }
0xff: {  	_ =	shalt  }

// kernel: kernel.9.cloned.1.call-start
scs
__scs_entry_jumppad:
0x0: {  	(pc) =	sbr.rel $0x88, $3  }
0x1: {  	(tag) =	ssettag $0x0;
	lr =	simm.s32 $0x1  }
0x2: {  	[smem:$0x3F8E] =	sst lr;
	_ =	strace $0xD0000000  }
0x3: {  	_ = 	snop  }
0x4: {  	_ = 	snop  }
0x5: {  	_ = 	snop  }
0x6: {  	_ = 	snop  }
0x7: {  	_ = 	snop  }
__scs_overlays_trampoline_lowered:
0x8: {  	[smem:$0x3F9D] =	sst s0  }
0x9: {  	[smem:$0x3F9E] =	sst s1  }
0xa: {  	[smem:$0x3F9F] =	sst s2  }
0xb: {  	[smem:$0x3FA0] =	sst s3  }
0xc: {  	[smem:$0x3FA1] =	sst s4  }
0xd: {  	[smem:$0x3FA2] =	sst s5  }
0xe: {  	[smem:$0x3FA3] =	sst s6  }
0xf: {  	[smem:$0x3FA4] =	sst s7  }
0x10: {  	[smem:$0x3FA5] =	sst s8  }
0x11: {  	[smem:$0x3FA6] =	sst s9;
	s0 =	simm.s32 @!p0 $0x0  }
0x12: {  	s1 =	sld [smem:$0x3F8C];
	s0 =	simm.s32 @p0 $0x1  }
0x13: {  	[smem:$0x3FA7] =	sst s0;
	s0 =	simm.s32 @!p1 $0x0  }
0x14: {  	s2 =	sld [smem:$0x3F8B];
	s0 =	simm.s32 @p1 $0x1  }
0x15: {  	[smem:$0x3FA8] =	sst s0;
	s0 =	simm.s32 @!p2 $0x0  }
0x16: {  	s3 =	sld [smem:$0x3FDB];
	s0 =	simm.s32 @p2 $0x1  }
0x17: {  	s4 =	simm.s32 $0x1BF5;
	[smem:$0x3FAA] =	sst s0  }
0x18: {  	s0 =	sld [smem:$0x3F8D];
	_ =	swait.ge [sflag:s4], $0x0  }
0x19: {  	s7 =	sld [smem:$0x3F8E]  }
0x1a: {  	s8 =	sadd.s32 $0xFFFFE003, lr  }
0x1b: {  	s9 =	sadd.s32 $0xFFFFFEF7, lr;
	s5 =	simm.s32 $0xFFFFFFFF;
	p2 =	slt.u32 s8, $0xFFFFF086  }
0x1c: {  	p1 =	slt.u32 s9, $0xF7A;
	s5 =	simm.s32 @!p2 $0x0  }
0x1d: {  	s5 =	simm.s32 @p1 $0x1;
	p0 =	seq.s32 s7, s2  }
0x1e: {  	s7 =	smul.u32 @!p0 $0xF7A, s2;
	p2 =	seq.s32 @!p0 s5, $0x0  }
0x1f: {  	s9 =	smul.u32 $0xF7A, s1;
	s8 =	simm.s32 @!p0 $0x1BF5;
	p2 =	por !p2, p0  }
0x20: {  	[sflag:s8] =	ssyncset.s32 @!p0 $0xFFFFF086;
	s6 =	sadd.s32 @!p0 s3, s7;
	s7 =	simm.s32 @!p0 $0x108  }
0x21: {  	s3 =	sadd.s32 s3, s9;
	s6 =	sadd.s32 @!p0 $0x88, s6;
	s7 =	simm.s32 @p2 $0x1082  }
0x22: {  	[simem:s7], [sflag:s8] =	dma.local @!p0 [hbm:s6], $0xF7A  }
0x23: {  	s9 =	sor.u32 $0xD0000000, s2;
	s6 =	simm.s32 $0x108;
	_ =	swait.ge @!p0 [sflag:s8], $0x0  }
0x24: {  	s3 =	sadd.s32 $0x88, s3;
	s6 =	simm.s32 @!p1 $0x1082;
	[sflag:s4] =	ssyncset.s32 $0xFFFFF086  }
0x25: {  	[simem:s6], [sflag:s4] =	dma.local [hbm:s3], $0xF7A  }
0x26: {  	[smem:$0x3F8E] =	sst s1;
	(tag) =	ssettag s2;
	_ =	strace s9  }
0x27: {  	s1 =	sld [smem:$0x3F9E]  }
0x28: {  	s2 =	sld [smem:$0x3F9F]  }
0x29: {  	s4 =	sld [smem:$0x3FA1]  }
0x2a: {  	p0 =	seq.s32 s5, $0x0;
	s5 =	sld [smem:$0x3FA2]  }
0x2b: {  	s6 =	sld [smem:$0x3FA3]  }
0x2c: {  	s7 =	sld [smem:$0x3FA4]  }
0x2d: {  	s3 =	simm.s32 $0x108;
	s8 =	sld [smem:$0x3FA5]  }
0x2e: {  	s3 =	simm.s32 @!p0 $0x1082;
	s9 =	sld [smem:$0x3FA6]  }
0x2f: {  	lr =	sadd.s32 s0, s3;
	s0 =	sld [smem:$0x3F9D]  }
0x30: {  	s3 =	sld [smem:$0x3FA0]  }
0x31: {  	[smem:$0x3FA9] =	sst s10  }
0x32: {  	s10 =	sld [smem:$0x3FA7];
	_ =	sdelay $0x3  }
0x33: {  	p0 =	seq.s32 s10, $0x1;
	s10 =	sld [smem:$0x3FA9];
	_ =	sdelay $0x3  }
0x34: {  	[smem:$0x3FA9] =	sst s10  }
0x35: {  	s10 =	sld [smem:$0x3FA8];
	_ =	sdelay $0x3  }
0x36: {  	p1 =	seq.s32 s10, $0x1;
	s10 =	sld [smem:$0x3FA9];
	_ =	sdelay $0x3  }
0x37: {  	[smem:$0x3FA9] =	sst s10  }
0x38: {  	s10 =	sld [smem:$0x3FAA]  }
0x39: {  	_ = 	snop;
	(pc) =	sbr.ind lr, $3  }
0x3a: {  	_ = 	snop  }
0x3b: {  	_ = 	snop  }
0x3c: {  	p2 =	seq.s32 s10, $0x1;
	s10 =	sld [smem:$0x3FA9]  }
0x3d: {  	_ =	shalt  }
0x3e: {  	_ =	shalt  }
0x3f: {  	_ =	shalt  }
0x40: {  	_ =	shalt  }
0x41: {  	_ =	shalt  }
0x42: {  	_ =	shalt  }
0x43: {  	_ =	shalt  }
0x44: {  	_ =	shalt  }
0x45: {  	_ =	shalt  }
0x46: {  	_ =	shalt  }
0x47: {  	_ =	shalt  }
0x48: {  	_ =	shalt  }
0x49: {  	_ =	shalt  }
0x4a: {  	_ =	shalt  }
0x4b: {  	_ =	shalt  }
0x4c: {  	_ =	shalt  }
0x4d: {  	_ =	shalt  }
0x4e: {  	_ =	shalt  }
0x4f: {  	_ =	shalt  }
0x50: {  	_ =	shalt  }
0x51: {  	_ =	shalt  }
0x52: {  	_ =	shalt  }
0x53: {  	_ =	shalt  }
0x54: {  	_ =	shalt  }
0x55: {  	_ =	shalt  }
0x56: {  	_ =	shalt  }
0x57: {  	_ =	shalt  }
0x58: {  	_ =	shalt  }
0x59: {  	_ =	shalt  }
0x5a: {  	_ =	shalt  }
0x5b: {  	_ =	shalt  }
0x5c: {  	_ =	shalt  }
0x5d: {  	_ =	shalt  }
0x5e: {  	_ =	shalt  }
0x5f: {  	_ =	shalt  }
0x60: {  	_ =	shalt  }
0x61: {  	_ =	shalt  }
0x62: {  	_ =	shalt  }
0x63: {  	_ =	shalt  }
0x64: {  	_ =	shalt  }
0x65: {  	_ =	shalt  }
0x66: {  	_ =	shalt  }
0x67: {  	_ =	shalt  }
0x68: {  	_ =	shalt  }
0x69: {  	_ =	shalt  }
0x6a: {  	_ =	shalt  }
0x6b: {  	_ =	shalt  }
0x6c: {  	_ =	shalt  }
0x6d: {  	_ =	shalt  }
0x6e: {  	_ =	shalt  }
0x6f: {  	_ =	shalt  }
0x70: {  	_ =	shalt  }
0x71: {  	_ =	shalt  }
0x72: {  	_ =	shalt  }
0x73: {  	_ =	shalt  }
0x74: {  	_ =	shalt  }
0x75: {  	_ =	shalt  }
0x76: {  	_ =	shalt  }
0x77: {  	_ =	shalt  }
0x78: {  	_ =	shalt  }
0x79: {  	_ =	shalt  }
0x7a: {  	_ =	shalt  }
0x7b: {  	_ =	shalt  }
0x7c: {  	_ =	shalt  }
0x7d: {  	_ =	shalt  }
0x7e: {  	_ =	shalt  }
0x7f: {  	_ =	shalt  }
0x80: {  	_ =	shalt  }
0x81: {  	_ =	shalt  }
0x82: {  	_ =	shalt  }
0x83: {  	_ =	shalt  }
0x84: {  	_ =	shalt  }
0x85: {  	_ =	shalt  }
0x86: {  	_ =	shalt  }
0x87: {  	_ =	shalt  }
.Lfunc_end0:
.L_simem_size_0:
called_computation_lowered:
.L_overlay_start_0:
0x88: {  	s2 =	sld [smem:$0x3FD9]  }
0x89: {  	s3 =	sld [smem:$0x3FFE];
	_ =	sdelay $0x1  }
0x8a: {  	s1 =	srdreg.scid  }
0x8b: {  	s0 =	sand.u32 $0x1, s1  }
0x8c: {  	s16 =	sshll.u32 s0, $0xA;
	s2 =	sadd.s32 s3, s2  }
0x8d: {  	s2 =	sadd.s32 s2, s16  }
0x8e: {  	[smem:$0x3FB5] =	sst s2  }
0x8f: {  	_ = 	snop  }
0x90: {  	(tm) =	ssettm $0x1  }
0x91: {  	s17 =	sld [smem:$0x3FFB];
	_ =	sdelay $0x3  }
0x92: {  	_ =	strace s17  }
0x93: {  	s2 =	sld [smem:$0x3FFC];
	_ =	sdelay $0x3  }
0x94: {  	_ =	strace s2  }
0x95: {  	s2 =	sld [smem:$0x3FFD];
	_ =	sdelay $0x3  }
0x96: {  	_ =	strace s2  }
0x97: {  	_ =	strace $0x8FFFFFFF  }
0x98: {  	s18 =	sld [smem:$0x3FDB];
	_ =	sdelay $0x1  }
0x99: {  	s19 =	simm.s32 $_scs_section_size  }
0x9a: {  	s4 =	simm.s32 $_size__tile_overlayer_lowered;
	s5 =	simm.s32 $_tile_overlayer_lowered  }
0x9b: {  	s22 =	simm.s32 $0x1BFF;
	s21 =	sshll.u32 s5, $0x1;
	s2 =	sadd.s32 s19, s18  }
0x9c: {  	s6 =	simm.s32 $0x0;
	s20 =	sshll.u32 s4, $0x1;
	s4 =	sadd.s32 s21, s2  }
0x9d: {  	[timem:s6], [sflag:s22] =	dma.local [hbm:s4], s20  }
0x9e: {  	_ =	swait.ge [sflag:s22], s20  }
0x9f: {  	s3 =	ssub.s32 $0x0, s20;
	[sflag:s22] =	ssyncset.done $0x0  }
0xa0: {  	[sflag:s22] =	ssyncadd.s32 s3;
	_ =	sdelay $0x1  }
0xa1: {  	s23 =	simm.s32 $0x1B8B  }
0xa2: {  	_ =	swait.ge [sflag:s23], $0x1  }
0xa3: {  	[sflag:s23] =	ssyncset.done $0x0  }
0xa4: {  	s25 =	simm.s32 $0x1B8E;
	s24 =	sld [smem:$0x3FFE];
	[sflag:s23] =	ssyncadd.s32 $0xFFFFFFFF  }
0xa5: {  	s26 =	simm.s32 $execute0_lowered;
	[smem:$0x3FD2] =	sst s25  }
0xa6: {  	s4 =	sshll.u32 s26, $0x1;
	_ =	strace $0x80000046;
	[dreg:$0x1] =	wrdreg $0xFFFFFFFF  }
0xa7: {  	s28 =	simm.s32 $_size_execute0_lowered;
	s2 =	sadd.s32 s2, s4;
	[dreg:$0x0] =	wrdreg $0x0  }
0xa8: {  	s4 =	sshll.u32 s28, $0x1;
	[dreg:$0x2] =	wrdreg s2  }
0xa9: {  	[dreg:$0x3] =	wrdreg s4  }
0xaa: {  	[dreg:$0x4] =	wrdreg $0xC0  }
0xab: {  	_ =	task [dreg:s6], $0x5FFFF  }
0xac: {  	[dreg:$0x1] =	wrdreg $0xFFFFFFFF  }
0xad: {  	[dreg:$0x0] =	wrdreg $0x60  }
0xae: {  	[dreg:$0x2] =	wrdreg s24  }
0xaf: {  	[dreg:$0x3] =	wrdreg $0xCD000  }
0xb0: {  	[dreg:$0x4] =	wrdreg $0x9  }
0xb1: {  	_ =	task.clear_ibuf [dreg:s6], $0x5FFFF;
	_ =	strace $0x90000046  }
0xb2: {  	s29 =	simm.s32 $0x9;
	_ =	strace $0x80000048  }
0xb3: {  	_ =	swait.ge [sflag:s29], $0x1  }
0xb4: {  	[sflag:s29] =	ssyncadd.s32 $0xFFFFFFFF  }
0xb5: {  	_ =	strace $0x90000048  }
0xb6: {  	_ =	sfence  }
0xb7: {  	s30 =	sld [smem:$0x0];
	_ =	sdelay $0x2  }
0xb8: {  	s31 =	sshll.u32 s1, $0xD;
	s1 =	sshrl.u32 s1, $0x2  }
0xb9: {  	s3 =	sand.u32 $0x4000, s31;
	s1 =	sadd.s32 s1, s30  }
0xba: {  	s0 =	sor.u32 s3, s0;
	s1 =	sshll.u32 s1, $0x11  }
0xbb: {  	s0 =	sor.u32 s1, s0  }
0xbc: {  	s0 =	sadd.s32 $0x8F2B, s0  }
0xbd: {  	[sflag:s0] =	ssyncadd.remote.s32 $0x1  }
0xbe: {  	_ =	sfence.sel $0xFFFF  }
0xbf: {  	[dreg:$0x0] =	wrdreg $0xFFFFFFFF;
	(pc) =	sbr.abs _section_cstart, $3  }
0xc0: {  	[dreg:$0x1] =	wrdreg $0xFFFFFFFF  }
0xc1: {  	_ =	task.clear_ibuf [dreg:s6], $0x2FFFF;
	_ =	strace $0x9FFFFFFF  }
0xc2: {  	(tm) =	ssettm $0x7FFFFFFF  }
0xc3: {  	_ =	shalt  }
tec
execute0_lowered:
.L_overlay_start_1:
0x0: {  	(tag) =	ssettag $0x1  }
0x1: {  	s0 =	srdreg.scid;
	s5 =	rddreg [dreg:$0x0]  }
0x2: {  	s10 =	stileid.u32;
	s2 =	rddreg [dreg:$0x1]  }
0x3: {  	s3 =	simm.s32 $0x0;
	s12 =	simm.s32 $0x9;
	s14 =	simm.s32 $0x7D  }
0x4: {  	s15 =	simm.s32 $0x5000;
	s17 =	simm.s32 $0x5FA0;
	s19 =	simm.s32 $0x6F40  }
0x5: {  	s21 =	simm.s32 $0x7EE0;
	s23 =	simm.s32 $0x8E80;
	s28 =	simm.s32 $0xADC0  }
0x6: {  	s30 =	simm.s32 $0xBD60;
	s31 =	simm.s32 $0x1;
	s13 =	simm.s32 $0x4  }
0x7: {  	s16 =	simm.s32 $0x5;
	s18 =	simm.s32 $0x6;
	s20 =	simm.s32 $0x7  }
0x8: {  	s22 =	simm.s32 $0x8;
	s29 =	simm.s32 $0x0;
	s0 =	sand.u32 $0x1, s0  }
0x9: {  	s1 =	sshll.u32 s10, $0x1;
	s6 =	smul.u32 $0x5000, s10;
	[smem:$0x7FF] =	sst s3  }
0xa: {  	s4 =	sadd.s32 $0x18000, s5;
	s25 =	sshll.u32 s10, $0x6;
	s1 =	sor.u32 s0, s1  }
0xb: {  	s7 =	smul.u32 $0x50000, s0;
	_ =	strace $0x80000047;
	s0 =	ssub.s32 $0x2, s0  }
0xc: {  	s1 =	smul.u32 $0x500, s1;
	s8 =	sshrl.u32 s6, $0x3;
	s24 =	sshrl.u32 s0, $0x1  }
0xd: {  	s11 =	sadd.s32 s6, s2;
	s7 =	sadd.s32 s6, s7;
	s8 =	sadd.s32 s8, s5  }
0xe: {  	s0 =	ssub.s32 s0, s24;
	s6 =	sor.u32 $0x1C09, s25;
	s11 =	sshrl.u32 s11, $0x3  }
0xf: {  	s25 =	simm.s32 $0x9E20;
	s1 =	sadd.s32 s1, s5;
	s7 =	sshrl.u32 s7, $0x3  }
0x10: {  	s26 =	sadd.s32 $0x4A000, s8;
	s10 =	smax.u32 s0, $0x1;
	s0 =	simm.s32 $0x3  }
0x11: {  	s9 =	sadd.s32 s7, s5;
	[dreg:$0x3] =	wrdreg s26;
	s7 =	sadd.s32 $0x4000, s1  }
0x12: {  	s8 =	sadd.s32 $0xE000, s1;
	s1 =	simm.s32 $0x2;
	s9 =	sadd.s32 $0x54000, s9  }
.LBB2_1:
0x13: {  	s5 =	rddreg [dreg:$0x3]  }
0x14: {  	[spmem:s11], [sflag:s6] =	dma.local [hbm:s5], $0xA00  }
0x15: {  	_ =	swait.ge [sflag:s12], $0xA00  }
0x16: {  	[sflag:s12] =	ssyncset.done $0x0  }
0x17: {  	[sflag:s12] =	ssyncadd.s32 $0xFFFFF600  }
0x18: {  	[tilespmem:s3], [sflag:$0x9] =	stream.linear.gather [hbm4b:s7+s3], $0x2800, $0x38;
	[tilespmem:$0x11D00] =	vst v63  }
0x19: {  	_ =	swait.ge [sflag:s12], $0x2800  }
0x1a: {  	[sflag:s12] =	ssyncset.done $0x0  }
0x1b: {  	s24 =	simm.s32 $0x2800;
	[sflag:s12] =	ssyncadd.s32 $0xFFFFD800  }
0x1c: {  	[tilespmem:s24], [sflag:$0x9] =	stream.linear.gather [hbm4b:s8+s3], $0x2800, $0x38;
	[tilespmem:$0x11D00] =	vst v63  }
0x1d: {  	_ =	swait.ge [sflag:s12], $0x2800  }
0x1e: {  	[sflag:s12] =	ssyncset.done $0x0  }
0x1f: {  	[sflag:s12] =	ssyncadd.s32 $0xFFFFD800  }
0x20: {  	[bflag:$0x0] =	sbarrier.arrive $0xFFFF  }
0x21: {  	[tilespmem:s15], [sflag:$0x1] =	stream.indirect.gather [hbm4b:s4+s14], $0x20, s3, s14, $0xb8;
	[tilespmem:$0x11D00] =	vst v63  }
0x22: {  	s26 =	simm.s32 $0x80  }
0x23: {  	[tilespmem:s17], [sflag:$0x2] =	stream.indirect.gather [hbm4b:s4+s14], $0x20, s26, s14, $0xb8;
	[tilespmem:$0x11D00] =	vst v63  }
0x24: {  	s24 =	simm.s32 $0x100  }
0x25: {  	[tilespmem:s19], [sflag:$0x3] =	stream.indirect.gather [hbm4b:s4+s14], $0x20, s24, s14, $0xb8;
	[tilespmem:$0x11D00] =	vst v63  }
0x26: {  	s26 =	simm.s32 $0x180  }
0x27: {  	[tilespmem:s21], [sflag:$0x4] =	stream.indirect.gather [hbm4b:s4+s14], $0x20, s26, s14, $0xb8;
	[tilespmem:$0x11D00] =	vst v63  }
0x28: {  	s24 =	simm.s32 $0x200  }
0x29: {  	[tilespmem:s23], [sflag:$0x5] =	stream.indirect.gather [hbm4b:s4+s14], $0x20, s24, s14, $0xb8;
	[tilespmem:$0x11D00] =	vst v63  }
0x2a: {  	s26 =	simm.s32 $0x280  }
0x2b: {  	[tilespmem:s25], [sflag:$0x6] =	stream.indirect.gather [hbm4b:s4+s14], $0x20, s26, s14, $0xb8;
	[tilespmem:$0x11D00] =	vst v63  }
0x2c: {  	s24 =	simm.s32 $0x300  }
0x2d: {  	[tilespmem:s28], [sflag:$0x7] =	stream.indirect.gather [hbm4b:s4+s14], $0x20, s24, s14, $0xb8;
	[tilespmem:$0x11D00] =	vst v63  }
0x2e: {  	s26 =	simm.s32 $0x380  }
0x2f: {  	[tilespmem:s30], [sflag:$0x8] =	stream.indirect.gather [hbm4b:s4+s14], $0x20, s26, s14, $0xb8;
	[tilespmem:$0x11D00] =	vst v63  }
0x30: {  	_ =	swait.ge [sflag:s31], $0xFA0  }
0x31: {  	[sflag:s31] =	ssyncset.done $0x0  }
0x32: {  	s24 =	simm.s32 $0x2800;
	[sflag:s31] =	ssyncadd.s32 $0xFFFFF060  }
0x33: {  	[spmem:s2] =	stream.indirect.scatter.add.f32 [tilespmem:s15], [sflag:$0x9], $0x20, s24, s14, $0xb8;
	[tilespmem:$0x11D00] =	vst v63  }
0x34: {  	_ =	swait.ge [sflag:s12], $0xFA0  }
0x35: {  	[sflag:s12] =	ssyncset.done $0x0  }
0x36: {  	s5 =	simm.s32 $0x400;
	[sflag:s12] =	ssyncadd.s32 $0xFFFFF060  }
0x37: {  	[tilespmem:s15], [sflag:$0x1] =	stream.indirect.gather [hbm4b:s4+s14], $0x20, s5, s14, $0xb8;
	[tilespmem:$0x11D00] =	vst v63  }
0x38: {  	_ =	swait.ge [sflag:s1], $0xFA0  }
0x39: {  	[sflag:s1] =	ssyncset.done $0x0  }
0x3a: {  	s26 =	simm.s32 $0x2880;
	[sflag:s1] =	ssyncadd.s32 $0xFFFFF060  }
0x3b: {  	[spmem:s2] =	stream.indirect.scatter.add.f32 [tilespmem:s17], [sflag:$0x9], $0x20, s26, s14, $0xb8;
	[tilespmem:$0x11D00] =	vst v63  }
0x3c: {  	_ =	swait.ge [sflag:s12], $0xFA0  }
0x3d: {  	[sflag:s12] =	ssyncset.done $0x0  }
0x3e: {  	s5 =	simm.s32 $0x480;
	[sflag:s12] =	ssyncadd.s32 $0xFFFFF060  }
0x3f: {  	[tilespmem:s17], [sflag:$0x2] =	stream.indirect.gather [hbm4b:s4+s14], $0x20, s5, s14, $0xb8;
	[tilespmem:$0x11D00] =	vst v63  }
0x40: {  	_ =	swait.ge [sflag:s0], $0xFA0  }
0x41: {  	[sflag:s0] =	ssyncset.done $0x0  }
0x42: {  	s26 =	simm.s32 $0x2900;
	[sflag:s0] =	ssyncadd.s32 $0xFFFFF060  }
0x43: {  	[spmem:s2] =	stream.indirect.scatter.add.f32 [tilespmem:s19], [sflag:$0x9], $0x20, s26, s14, $0xb8;
	[tilespmem:$0x11D00] =	vst v63  }
0x44: {  	_ =	swait.ge [sflag:s12], $0xFA0  }
0x45: {  	[sflag:s12] =	ssyncset.done $0x0  }
0x46: {  	s5 =	simm.s32 $0x500;
	[sflag:s12] =	ssyncadd.s32 $0xFFFFF060  }
0x47: {  	[tilespmem:s19], [sflag:$0x3] =	stream.indirect.gather [hbm4b:s4+s14], $0x20, s5, s14, $0xb8;
	[tilespmem:$0x11D00] =	vst v63  }
0x48: {  	_ =	swait.ge [sflag:s13], $0xFA0  }
0x49: {  	[sflag:s13] =	ssyncset.done $0x0  }
0x4a: {  	s26 =	simm.s32 $0x2980;
	[sflag:s13] =	ssyncadd.s32 $0xFFFFF060  }
0x4b: {  	[spmem:s2] =	stream.indirect.scatter.add.f32 [tilespmem:s21], [sflag:$0x9], $0x20, s26, s14, $0xb8;
	[tilespmem:$0x11D00] =	vst v63  }
0x4c: {  	_ =	swait.ge [sflag:s12], $0xFA0  }
0x4d: {  	[sflag:s12] =	ssyncset.done $0x0  }
0x4e: {  	s5 =	simm.s32 $0x580;
	[sflag:s12] =	ssyncadd.s32 $0xFFFFF060  }
0x4f: {  	[tilespmem:s21], [sflag:$0x4] =	stream.indirect.gather [hbm4b:s4+s14], $0x20, s5, s14, $0xb8;
	[tilespmem:$0x11D00] =	vst v63  }
0x50: {  	_ =	swait.ge [sflag:s16], $0xFA0  }
0x51: {  	[sflag:s16] =	ssyncset.done $0x0  }
0x52: {  	s26 =	simm.s32 $0x2A00;
	[sflag:s16] =	ssyncadd.s32 $0xFFFFF060  }
0x53: {  	[spmem:s2] =	stream.indirect.scatter.add.f32 [tilespmem:s23], [sflag:$0x9], $0x20, s26, s14, $0xb8;
	[tilespmem:$0x11D00] =	vst v63  }
0x54: {  	_ =	swait.ge [sflag:s12], $0xFA0  }
0x55: {  	[sflag:s12] =	ssyncset.done $0x0  }
0x56: {  	s5 =	simm.s32 $0x600;
	[sflag:s12] =	ssyncadd.s32 $0xFFFFF060  }
0x57: {  	[tilespmem:s23], [sflag:$0x5] =	stream.indirect.gather [hbm4b:s4+s14], $0x20, s5, s14, $0xb8;
	[tilespmem:$0x11D00] =	vst v63  }
0x58: {  	_ =	swait.ge [sflag:s18], $0xFA0  }
0x59: {  	[sflag:s18] =	ssyncset.done $0x0  }
0x5a: {  	s26 =	simm.s32 $0x2A80;
	[sflag:s18] =	ssyncadd.s32 $0xFFFFF060  }
0x5b: {  	[spmem:s2] =	stream.indirect.scatter.add.f32 [tilespmem:s25], [sflag:$0x9], $0x20, s26, s14, $0xb8;
	[tilespmem:$0x11D00] =	vst v63  }
0x5c: {  	_ =	swait.ge [sflag:s12], $0xFA0  }
0x5d: {  	[sflag:s12] =	ssyncset.done $0x0  }
0x5e: {  	s5 =	simm.s32 $0x680;
	[sflag:s12] =	ssyncadd.s32 $0xFFFFF060  }
0x5f: {  	[tilespmem:s25], [sflag:$0x6] =	stream.indirect.gather [hbm4b:s4+s14], $0x20, s5, s14, $0xb8;
	[tilespmem:$0x11D00] =	vst v63  }
0x60: {  	_ =	swait.ge [sflag:s20], $0xFA0  }
0x61: {  	[sflag:s20] =	ssyncset.done $0x0  }
0x62: {  	s26 =	simm.s32 $0x2B00;
	[sflag:s20] =	ssyncadd.s32 $0xFFFFF060  }
0x63: {  	[spmem:s2] =	stream.indirect.scatter.add.f32 [tilespmem:s28], [sflag:$0x9], $0x20, s26, s14, $0xb8;
	[tilespmem:$0x11D00] =	vst v63  }
0x64: {  	_ =	swait.ge [sflag:s12], $0xFA0  }
0x65: {  	[sflag:s12] =	ssyncset.done $0x0  }
0x66: {  	s5 =	simm.s32 $0x700;
	[sflag:s12] =	ssyncadd.s32 $0xFFFFF060  }
0x67: {  	[tilespmem:s28], [sflag:$0x7] =	stream.indirect.gather [hbm4b:s4+s14], $0x20, s5, s14, $0xb8;
	[tilespmem:$0x11D00] =	vst v63  }
0x68: {  	_ =	swait.ge [sflag:s22], $0xFA0  }
0x69: {  	[sflag:s22] =	ssyncset.done $0x0  }
0x6a: {  	s26 =	simm.s32 $0x2B80;
	[sflag:s22] =	ssyncadd.s32 $0xFFFFF060  }
0x6b: {  	[spmem:s2] =	stream.indirect.scatter.add.f32 [tilespmem:s30], [sflag:$0x9], $0x20, s26, s14, $0xb8;
	[tilespmem:$0x11D00] =	vst v63  }
0x6c: {  	_ =	swait.ge [sflag:s12], $0xFA0  }
0x6d: {  	[sflag:s12] =	ssyncset.done $0x0  }
0x6e: {  	s24 =	simm.s32 $0x1000;
	s26 =	simm.s32 $0x780;
	[sflag:s12] =	ssyncadd.s32 $0xFFFFF060  }
.LBB2_2:
0x6f: {  	[tilespmem:s30], [sflag:$0x8] =	stream.indirect.gather [hbm4b:s4+s14], $0x20, s26, s14, $0xb8;
	[tilespmem:$0x11D00] =	vst v63  }
0x70: {  	s26 =	smov.u32 s24  }
0x71: {  	p0 =	sne.s32 s24, $0x8000;
	s24 =	sadd.s32 $0x1000, s24;
	_ =	swait.ge [sflag:s31], $0xFA0  }
0x72: {  	s26 =	sshra.s32 s26, $0x2;
	[sflag:s31] =	ssyncset.done $0x0  }
0x73: {  	s5 =	sadd.s32 $0x2800, s26;
	[sflag:s31] =	ssyncadd.s32 $0xFFFFF060  }
0x74: {  	[spmem:s2] =	stream.indirect.scatter.add.f32 [tilespmem:s15], [sflag:$0x9], $0x20, s5, s14, $0xb8;
	[tilespmem:$0x11D00] =	vst v63  }
0x75: {  	_ =	swait.ge [sflag:s12], $0xFA0  }
0x76: {  	[sflag:s12] =	ssyncset.done $0x0  }
0x77: {  	s5 =	sadd.s32 $0x400, s26;
	[sflag:s12] =	ssyncadd.s32 $0xFFFFF060  }
0x78: {  	[tilespmem:s15], [sflag:$0x1] =	stream.indirect.gather [hbm4b:s4+s14], $0x20, s5, s14, $0xb8;
	[tilespmem:$0x11D00] =	vst v63  }
0x79: {  	_ =	swait.ge [sflag:s1], $0xFA0  }
0x7a: {  	[sflag:s1] =	ssyncset.done $0x0  }
0x7b: {  	s5 =	sadd.s32 $0x2880, s26;
	[sflag:s1] =	ssyncadd.s32 $0xFFFFF060  }
0x7c: {  	[spmem:s2] =	stream.indirect.scatter.add.f32 [tilespmem:s17], [sflag:$0x9], $0x20, s5, s14, $0xb8;
	[tilespmem:$0x11D00] =	vst v63  }
0x7d: {  	_ =	swait.ge [sflag:s12], $0xFA0  }
0x7e: {  	[sflag:s12] =	ssyncset.done $0x0  }
0x7f: {  	s5 =	sadd.s32 $0x480, s26;
	[sflag:s12] =	ssyncadd.s32 $0xFFFFF060  }
0x80: {  	[tilespmem:s17], [sflag:$0x2] =	stream.indirect.gather [hbm4b:s4+s14], $0x20, s5, s14, $0xb8;
	[tilespmem:$0x11D00] =	vst v63  }
0x81: {  	_ =	swait.ge [sflag:s0], $0xFA0  }
0x82: {  	[sflag:s0] =	ssyncset.done $0x0  }
0x83: {  	s5 =	sadd.s32 $0x2900, s26;
	[sflag:s0] =	ssyncadd.s32 $0xFFFFF060  }
0x84: {  	[spmem:s2] =	stream.indirect.scatter.add.f32 [tilespmem:s19], [sflag:$0x9], $0x20, s5, s14, $0xb8;
	[tilespmem:$0x11D00] =	vst v63  }
0x85: {  	_ =	swait.ge [sflag:s12], $0xFA0  }
0x86: {  	[sflag:s12] =	ssyncset.done $0x0  }
0x87: {  	s5 =	sadd.s32 $0x500, s26;
	[sflag:s12] =	ssyncadd.s32 $0xFFFFF060  }
0x88: {  	[tilespmem:s19], [sflag:$0x3] =	stream.indirect.gather [hbm4b:s4+s14], $0x20, s5, s14, $0xb8;
	[tilespmem:$0x11D00] =	vst v63  }
0x89: {  	_ =	swait.ge [sflag:s13], $0xFA0  }
0x8a: {  	[sflag:s13] =	ssyncset.done $0x0  }
0x8b: {  	s5 =	sadd.s32 $0x2980, s26;
	[sflag:s13] =	ssyncadd.s32 $0xFFFFF060  }
0x8c: {  	[spmem:s2] =	stream.indirect.scatter.add.f32 [tilespmem:s21], [sflag:$0x9], $0x20, s5, s14, $0xb8;
	[tilespmem:$0x11D00] =	vst v63  }
0x8d: {  	_ =	swait.ge [sflag:s12], $0xFA0  }
0x8e: {  	[sflag:s12] =	ssyncset.done $0x0  }
0x8f: {  	s5 =	sadd.s32 $0x580, s26;
	[sflag:s12] =	ssyncadd.s32 $0xFFFFF060  }
0x90: {  	[tilespmem:s21], [sflag:$0x4] =	stream.indirect.gather [hbm4b:s4+s14], $0x20, s5, s14, $0xb8;
	[tilespmem:$0x11D00] =	vst v63  }
0x91: {  	_ =	swait.ge [sflag:s16], $0xFA0  }
0x92: {  	[sflag:s16] =	ssyncset.done $0x0  }
0x93: {  	s5 =	sadd.s32 $0x2A00, s26;
	[sflag:s16] =	ssyncadd.s32 $0xFFFFF060  }
0x94: {  	[spmem:s2] =	stream.indirect.scatter.add.f32 [tilespmem:s23], [sflag:$0x9], $0x20, s5, s14, $0xb8;
	[tilespmem:$0x11D00] =	vst v63  }
0x95: {  	_ =	swait.ge [sflag:s12], $0xFA0  }
0x96: {  	[sflag:s12] =	ssyncset.done $0x0  }
0x97: {  	s5 =	sadd.s32 $0x600, s26;
	[sflag:s12] =	ssyncadd.s32 $0xFFFFF060  }
0x98: {  	[tilespmem:s23], [sflag:$0x5] =	stream.indirect.gather [hbm4b:s4+s14], $0x20, s5, s14, $0xb8;
	[tilespmem:$0x11D00] =	vst v63  }
0x99: {  	_ =	swait.ge [sflag:s18], $0xFA0  }
0x9a: {  	[sflag:s18] =	ssyncset.done $0x0  }
0x9b: {  	s5 =	sadd.s32 $0x2A80, s26;
	[sflag:s18] =	ssyncadd.s32 $0xFFFFF060  }
0x9c: {  	[spmem:s2] =	stream.indirect.scatter.add.f32 [tilespmem:s25], [sflag:$0x9], $0x20, s5, s14, $0xb8;
	[tilespmem:$0x11D00] =	vst v63  }
0x9d: {  	_ =	swait.ge [sflag:s12], $0xFA0  }
0x9e: {  	[sflag:s12] =	ssyncset.done $0x0  }
0x9f: {  	s5 =	sadd.s32 $0x680, s26;
	[sflag:s12] =	ssyncadd.s32 $0xFFFFF060  }
0xa0: {  	[tilespmem:s25], [sflag:$0x6] =	stream.indirect.gather [hbm4b:s4+s14], $0x20, s5, s14, $0xb8;
	[tilespmem:$0x11D00] =	vst v63  }
0xa1: {  	_ =	swait.ge [sflag:s20], $0xFA0  }
0xa2: {  	[sflag:s20] =	ssyncset.done $0x0  }
0xa3: {  	s5 =	sadd.s32 $0x2B00, s26;
	[sflag:s20] =	ssyncadd.s32 $0xFFFFF060  }
0xa4: {  	[spmem:s2] =	stream.indirect.scatter.add.f32 [tilespmem:s28], [sflag:$0x9], $0x20, s5, s14, $0xb8;
	[tilespmem:$0x11D00] =	vst v63  }
0xa5: {  	_ =	swait.ge [sflag:s12], $0xFA0  }
0xa6: {  	[sflag:s12] =	ssyncset.done $0x0  }
0xa7: {  	s5 =	sadd.s32 $0x700, s26;
	[sflag:s12] =	ssyncadd.s32 $0xFFFFF060  }
0xa8: {  	[tilespmem:s28], [sflag:$0x7] =	stream.indirect.gather [hbm4b:s4+s14], $0x20, s5, s14, $0xb8;
	[tilespmem:$0x11D00] =	vst v63  }
0xa9: {  	_ =	swait.ge [sflag:s22], $0xFA0  }
0xaa: {  	[sflag:s22] =	ssyncset.done $0x0  }
.Ltmp0:
0xab: {  	s5 =	sadd.s32 $0x2B80, s26;
	[sflag:s22] =	ssyncadd.s32 $0xFFFFF060;
	(pc) =	sbr.rel @p0 .LBB2_2-.Ltmp0, $4  }
0xac: {  	[spmem:s2] =	stream.indirect.scatter.add.f32 [tilespmem:s30], [sflag:$0x9], $0x20, s5, s14, $0xb8;
	[tilespmem:$0x11D00] =	vst v63  }
0xad: {  	_ =	swait.ge [sflag:s12], $0xFA0  }
0xae: {  	[sflag:s12] =	ssyncset.done $0x0  }
0xaf: {  	s26 =	sadd.s32 $0x780, s26;
	[sflag:s12] =	ssyncadd.s32 $0xFFFFF060  }
0xb0: {  	[tilespmem:s30], [sflag:$0x8] =	stream.indirect.gather [hbm4b:s4+s14], $0x20, s26, s14, $0xb8;
	[tilespmem:$0x11D00] =	vst v63  }
0xb1: {  	_ =	swait.ge [sflag:s31], $0xFA0  }
0xb2: {  	[sflag:s31] =	ssyncset.done $0x0  }
0xb3: {  	s5 =	simm.s32 $0x4C00;
	[sflag:s31] =	ssyncadd.s32 $0xFFFFF060  }
0xb4: {  	[spmem:s2] =	stream.indirect.scatter.add.f32 [tilespmem:s15], [sflag:$0x9], $0x20, s5, s14, $0xb8;
	[tilespmem:$0x11D00] =	vst v63  }
0xb5: {  	_ =	swait.ge [sflag:s12], $0xFA0  }
0xb6: {  	[sflag:s12] =	ssyncset.done $0x0  }
0xb7: {  	[sflag:s12] =	ssyncadd.s32 $0xFFFFF060  }
0xb8: {  	_ =	swait.ge [sflag:s1], $0xFA0  }
0xb9: {  	[sflag:s1] =	ssyncset.done $0x0  }
0xba: {  	s26 =	simm.s32 $0x4C80;
	[sflag:s1] =	ssyncadd.s32 $0xFFFFF060  }
0xbb: {  	[spmem:s2] =	stream.indirect.scatter.add.f32 [tilespmem:s17], [sflag:$0x9], $0x20, s26, s14, $0xb8;
	[tilespmem:$0x11D00] =	vst v63  }
0xbc: {  	_ =	swait.ge [sflag:s12], $0xFA0  }
0xbd: {  	[sflag:s12] =	ssyncset.done $0x0  }
0xbe: {  	[sflag:s12] =	ssyncadd.s32 $0xFFFFF060  }
0xbf: {  	_ =	swait.ge [sflag:s0], $0xFA0  }
0xc0: {  	[sflag:s0] =	ssyncset.done $0x0  }
0xc1: {  	s24 =	simm.s32 $0x4D00;
	[sflag:s0] =	ssyncadd.s32 $0xFFFFF060  }
0xc2: {  	[spmem:s2] =	stream.indirect.scatter.add.f32 [tilespmem:s19], [sflag:$0x9], $0x20, s24, s14, $0xb8;
	[tilespmem:$0x11D00] =	vst v63  }
0xc3: {  	_ =	swait.ge [sflag:s12], $0xFA0  }
0xc4: {  	[sflag:s12] =	ssyncset.done $0x0  }
0xc5: {  	[sflag:s12] =	ssyncadd.s32 $0xFFFFF060  }
0xc6: {  	_ =	swait.ge [sflag:s13], $0xFA0  }
0xc7: {  	[sflag:s13] =	ssyncset.done $0x0  }
0xc8: {  	s26 =	simm.s32 $0x4D80;
	[sflag:s13] =	ssyncadd.s32 $0xFFFFF060  }
0xc9: {  	[spmem:s2] =	stream.indirect.scatter.add.f32 [tilespmem:s21], [sflag:$0x9], $0x20, s26, s14, $0xb8;
	[tilespmem:$0x11D00] =	vst v63  }
0xca: {  	_ =	swait.ge [sflag:s12], $0xFA0  }
0xcb: {  	[sflag:s12] =	ssyncset.done $0x0  }
0xcc: {  	[sflag:s12] =	ssyncadd.s32 $0xFFFFF060  }
0xcd: {  	_ =	swait.ge [sflag:s16], $0xFA0  }
0xce: {  	[sflag:s16] =	ssyncset.done $0x0  }
0xcf: {  	s24 =	simm.s32 $0x4E00;
	[sflag:s16] =	ssyncadd.s32 $0xFFFFF060  }
0xd0: {  	[spmem:s2] =	stream.indirect.scatter.add.f32 [tilespmem:s23], [sflag:$0x9], $0x20, s24, s14, $0xb8;
	[tilespmem:$0x11D00] =	vst v63  }
0xd1: {  	_ =	swait.ge [sflag:s12], $0xFA0  }
0xd2: {  	[sflag:s12] =	ssyncset.done $0x0  }
0xd3: {  	[sflag:s12] =	ssyncadd.s32 $0xFFFFF060  }
0xd4: {  	_ =	swait.ge [sflag:s18], $0xFA0  }
0xd5: {  	[sflag:s18] =	ssyncset.done $0x0  }
0xd6: {  	s26 =	simm.s32 $0x4E80;
	[sflag:s18] =	ssyncadd.s32 $0xFFFFF060  }
0xd7: {  	[spmem:s2] =	stream.indirect.scatter.add.f32 [tilespmem:s25], [sflag:$0x9], $0x20, s26, s14, $0xb8;
	[tilespmem:$0x11D00] =	vst v63  }
0xd8: {  	_ =	swait.ge [sflag:s12], $0xFA0  }
0xd9: {  	[sflag:s12] =	ssyncset.done $0x0  }
0xda: {  	[sflag:s12] =	ssyncadd.s32 $0xFFFFF060  }
0xdb: {  	_ =	swait.ge [sflag:s20], $0xFA0  }
0xdc: {  	[sflag:s20] =	ssyncset.done $0x0  }
0xdd: {  	s24 =	simm.s32 $0x4F00;
	[sflag:s20] =	ssyncadd.s32 $0xFFFFF060  }
0xde: {  	[spmem:s2] =	stream.indirect.scatter.add.f32 [tilespmem:s28], [sflag:$0x9], $0x20, s24, s14, $0xb8;
	[tilespmem:$0x11D00] =	vst v63  }
0xdf: {  	_ =	swait.ge [sflag:s12], $0xFA0  }
0xe0: {  	[sflag:s12] =	ssyncset.done $0x0  }
0xe1: {  	[sflag:s12] =	ssyncadd.s32 $0xFFFFF060  }
0xe2: {  	_ =	swait.ge [sflag:s22], $0xFA0  }
0xe3: {  	[sflag:s22] =	ssyncset.done $0x0  }
0xe4: {  	s26 =	simm.s32 $0x4F80;
	[sflag:s22] =	ssyncadd.s32 $0xFFFFF060  }
0xe5: {  	[spmem:s2] =	stream.indirect.scatter.add.f32 [tilespmem:s30], [sflag:$0x9], $0x20, s26, s14, $0xb8;
	[tilespmem:$0x11D00] =	vst v63  }
0xe6: {  	_ =	swait.ge [sflag:s12], $0xFA0  }
0xe7: {  	s29 =	sadd.s32 $0x1, s29;
	[sflag:s12] =	ssyncset.done $0x0  }
0xe8: {  	p0 =	sne.s32 s29, s10;
	[sflag:s12] =	ssyncadd.s32 $0xFFFFF060  }
.Ltmp1:
0xe9: {  	[bflag:$0x0] =	sbarrier.arrive $0xFFFF;
	(pc) =	sbr.rel @p0 .LBB2_1-.Ltmp1, $4  }
0xea: {  	[hbm:s9], [sflag:s6] =	dma.local [spmem:s11], $0xA00  }
0xeb: {  	_ =	swait.ge [sflag:s12], $0xA00  }
0xec: {  	[sflag:s12] =	ssyncset.done $0x0  }
0xed: {  	[sflag:s12] =	ssyncadd.s32 $0xFFFFF600  }
0xee: {  	_ =	sfence.sel $0x180000  }
0xef: {  	[bflag:$0x0] =	sbarrier.arrive $0xFFFF  }
0xf0: {  	_ =	strace $0x90000047  }
0xf1: {  	s0 =	stileid.u32;
	[bflag:$0x2] =	sbarrier.arrive $0xFFFF  }
0xf2: {  	p0 =	sne.s32 s0, $0x0;
	s0 =	rddreg [dreg:$0x2]  }
0xf3: {  	s0 =	sadd.s32 @!p0 $0x100000, s0  }
0xf4: {  	[sflag:s0] =	ssyncadd.tile.s32 @!p0 $0x1;
	_ =	shalt  }
.Lfunc_end2:
_tile_overlayer_lowered:
.L_overlay_start_2:
0xf5: {  	(tag) =	ssettag $0x2  }
0xf6: {  	s0 =	rddreg [dreg:$0x0];
	s2 =	stileid.u32  }
0xf7: {  	s1 =	rddreg [dreg:$0x1];
	p0 =	sne.s32 s2, $0x0  }
0xf8: {  	s3 =	rddreg [dreg:$0x2];
	[bflag:$0x3] =	sbarrier.arrive $0xFFFF;
	s2 =	simm.s32 @!p0 $0x1C09  }
0xf9: {  	[timem:s3], [sflag:s2] =	dma.local @!p0 [hbm:s0], s1  }
0xfa: {  	s0 =	simm.s32 @!p0 $0x9  }
0xfb: {  	_ =	swait.ge @!p0 [sflag:s0], s1  }
0xfc: {  	s1 =	ssub.s32 @!p0 $0x0, s1;
	[sflag:s0] =	ssyncset.done @!p0 $0x0  }
0xfd: {  	[sflag:s0] =	ssyncadd.s32 @!p0 s1  }
0xfe: {  	[bflag:$0x3] =	sbarrier.arrive $0xFFFF  }
0xff: {  	_ =	shalt  }

</sc_bundles>
